<compile_context>
chip_gen: v7x
topology: tpu7x:2x2x1
jax: 0.10.2.dev20260603
libtpu: 0.0.44.dev20260713+nightly
codegen_flags: <defaults>
</compile_context>

<pallas_src>
import functools

import jax
import jax.numpy as jnp
from jax import lax
from jax.experimental import pallas as pl
from jax.experimental.pallas import tpu as pltpu
from jax.experimental.pallas import tpu_sc as plsc

N = 10000
E = 160000
HEADS = 4
HID = 64
FD = HEADS * HID
NEG = 0.2

NC = 2
NS = 16
NW = NC * NS
NHALF = N // NC
RPT = 320
NPC = NS * RPT
NP = NC * NPC
PAD = NPC - NHALF
SINK = NPC - 1
EP = 163840
EPW = EP // NW
EPT = EP // NS
KA = 80
KB = 128
NCA = EPW // KA
NCB = EPT // KB
FIN = 64
DW = NPC * HEADS
RH = RPT * HEADS
BE = 2048
MX = FD + 8
NB = 2048
EC = 4096


def _mm_body(h_ref, w_ref, o_ref):
    o_ref[...] = jnp.dot(h_ref[...], w_ref[...], preferred_element_type=jnp.float32)


def _mm(h, w):
    BN = 1280
    return pl.pallas_call(
        _mm_body,
        grid=(NP // BN,),
        in_specs=[
            pl.BlockSpec((BN, FD), lambda i: (i, 0)),
            pl.BlockSpec((FD, FD), lambda i: (0, 0)),
        ],
        out_specs=pl.BlockSpec((BN, FD), lambda i: (i, 0)),
        out_shape=jax.ShapeDtypeStruct((NP, FD), jnp.float32),
    )(h, w)


def _gather_body(feat, src_h, dst_h, el_o, es_o,
                 sstage, dstage, sidx0, didx0, sidx1, didx1,
                 rs0, rd0, rs1, rd1, sem0, sem1):
    c = lax.axis_index("c")
    s = lax.axis_index("s")
    w = s * NC + c
    ebase = w * EPW

    sidxs = (sidx0, sidx1)
    didxs = (didx0, didx1)
    rss = (rs0, rs1)
    rds = (rd0, rd1)
    sems = (sem0, sem1)

    def fire(ci, b):
        cb = ebase + ci * KA
        pltpu.sync_copy(src_h.at[pl.ds(cb, KA)], sstage)
        pltpu.sync_copy(dst_h.at[pl.ds(cb, KA)], dstage)
        for g in range(KA // 16):
            sv = sstage[pl.ds(g * 16, 16)]
            dv = dstage[pl.ds(g * 16, 16)]
            sidxs[b][pl.ds(g * 16, 16)] = sv + jnp.where(sv >= NHALF, PAD, 0)
            didxs[b][pl.ds(g * 16, 16)] = jnp.where(
                dv >= 0, dv + jnp.where(dv >= NHALF, PAD, 0), 0)
        pltpu.async_copy(feat.at[sidxs[b]], rss[b], sems[b])
        pltpu.async_copy(feat.at[didxs[b]], rds[b], sems[b])

    def drain(ci, b):
        cb = ebase + ci * KA
        pltpu.make_async_copy(feat.at[sidxs[b]], rss[b], sems[b]).wait()
        pltpu.make_async_copy(feat.at[didxs[b]], rds[b], sems[b]).wait()
        pltpu.sync_copy(rss[b], el_o.at[pl.ds(cb, KA)])

        def add(e, _):
            for j in range(FD // 16):
                rss[b][e, pl.ds(j * 16, 16)] = (
                    rss[b][e, pl.ds(j * 16, 16)] + rds[b][e, pl.ds(j * 16, 16)])
            return 0
        lax.fori_loop(0, KA, add, 0)
        pltpu.sync_copy(rss[b], es_o.at[pl.ds(cb, KA)])

    fire(0, 0)

    def pair(pi, _):
        ci = pi * 2
        fire(ci + 1, 1)
        drain(ci, 0)

        @pl.when(ci + 2 < NCA)
        def _():
            fire(ci + 2, 0)
        drain(ci + 1, 1)
        return 0
    lax.fori_loop(0, NCA // 2, pair, 0)


def _gat_gather(feat_p, src, dst):
    mesh = plsc.VectorSubcoreMesh(core_axis_name="c", subcore_axis_name="s")
    scratch = [
        pltpu.VMEM((KA,), jnp.int32),
        pltpu.VMEM((KA,), jnp.int32),
        pltpu.VMEM((KA,), jnp.int32),
        pltpu.VMEM((KA,), jnp.int32),
        pltpu.VMEM((KA,), jnp.int32),
        pltpu.VMEM((KA,), jnp.int32),
        pltpu.VMEM((KA, FD), jnp.float32),
        pltpu.VMEM((KA, FD), jnp.float32),
        pltpu.VMEM((KA, FD), jnp.float32),
        pltpu.VMEM((KA, FD), jnp.float32),
        pltpu.SemaphoreType.DMA,
        pltpu.SemaphoreType.DMA,
    ]
    return pl.kernel(
        _gather_body,
        out_type=(jax.ShapeDtypeStruct((EP, FD), jnp.float32),
                  jax.ShapeDtypeStruct((EP, FD), jnp.float32)),
        mesh=mesh,
        scratch_types=scratch,
    )(feat_p, src, dst)


def _att_body(el_ref, es_ref, a_ref, mx_ref):
    t = es_ref[...]
    t = jnp.maximum(t, NEG * t)
    a = a_ref[...]
    el = el_ref[...]
    for h in range(HEADS):
        s = jnp.sum(t[:, h * HID:(h + 1) * HID] * a[0, h * HID:(h + 1) * HID],
                    axis=1)
        ex = jnp.exp(s)
        mx_ref[:, h * HID:(h + 1) * HID] = (
            el[:, h * HID:(h + 1) * HID] * ex[:, None]).astype(jnp.bfloat16)
        mx_ref[:, FD + h] = ex.astype(jnp.bfloat16)
    for h in range(HEADS, 8):
        mx_ref[:, FD + h] = jnp.zeros((BE,), jnp.bfloat16)


def _att(el, esum, a_flat):
    return pl.pallas_call(
        _att_body,
        grid=(EP // BE,),
        in_specs=[
            pl.BlockSpec((BE, FD), lambda i: (i, 0)),
            pl.BlockSpec((BE, FD), lambda i: (i, 0)),
            pl.BlockSpec((1, FD), lambda i: (0, 0)),
        ],
        out_specs=pl.BlockSpec((BE, MX), lambda i: (i, 0)),
        out_shape=jax.ShapeDtypeStruct((EP, MX), jnp.bfloat16),
    )(el, esum, a_flat.reshape(1, FD))


def _seg_body(dst_ref, mx_ref, o_ref):
    i = pl.program_id(0)
    j = pl.program_id(1)
    dv = dst_ref[0, :]
    dvr = dv + jnp.where(dv >= NHALF, PAD, 0)
    ids = jax.lax.broadcasted_iota(jnp.int32, (NB, EC), 0) + i * NB
    mask = (ids == dvr[None, :]).astype(jnp.bfloat16)
    part = jnp.dot(mask, mx_ref[...], preferred_element_type=jnp.float32)

    @pl.when(j == 0)
    def _():
        o_ref[...] = part

    @pl.when(j > 0)
    def _():
        o_ref[...] = o_ref[...] + part


def _seg(dst_p, msgsx):
    return pl.pallas_call(
        _seg_body,
        grid=(NP // NB, EP // EC),
        in_specs=[
            pl.BlockSpec((1, EC), lambda i, j: (0, j)),
            pl.BlockSpec((EC, MX), lambda i, j: (j, 0)),
        ],
        out_specs=pl.BlockSpec((NB, MX), lambda i, j: (i, 0)),
        out_shape=jax.ShapeDtypeStruct((NP, MX), jnp.float32),
    )(dst_p.reshape(1, EP), msgsx)


def _norm_body(residual, *refs):
    if residual:
        acc_ref, res_ref, o_ref = refs
    else:
        acc_ref, o_ref = refs
        res_ref = None
    a = acc_ref[...]
    out = []
    for h in range(HEADS):
        d = a[:, FD + h]
        inv = jnp.where(d > 0.0, 1.0 / jnp.where(d > 0.0, d, 1.0), 0.0)
        v = a[:, h * HID:(h + 1) * HID] * inv[:, None]
        out.append(v)
    v = jnp.concatenate(out, axis=1)
    if residual:
        v = v + res_ref[...]
    o_ref[...] = jnp.maximum(v, 0.0)


def _norm(acc, hprev_p=None):
    residual = hprev_p is not None
    BN = 1280
    in_specs = [pl.BlockSpec((BN, MX), lambda i: (i, 0))]
    args = [acc]
    if residual:
        in_specs.append(pl.BlockSpec((BN, FD), lambda i: (i, 0)))
        args.append(hprev_p)
    return pl.pallas_call(
        functools.partial(_norm_body, residual),
        grid=(NP // BN,),
        in_specs=in_specs,
        out_specs=pl.BlockSpec((BN, FD), lambda i: (i, 0)),
        out_shape=jax.ShapeDtypeStruct((NP, FD), jnp.float32),
    )(*args)


def _gat_layer(feat_p, src, dst, a_flat, hprev_p=None):
    el, esum = _gat_gather(feat_p, src, dst)
    msgsx = _att(el, esum, a_flat)
    acc = _seg(dst, msgsx)
    return _norm(acc, hprev_p)


def kernel(x, edge_index, W1, a1, W2, a2):
    src = edge_index[0]
    dst = edge_index[1]
    epad = EP - E
    src_p = jnp.concatenate([src, jnp.zeros((epad,), jnp.int32)])
    dst_p = jnp.concatenate([dst, jnp.full((epad,), -1, jnp.int32)])
    rpad = jnp.zeros((PAD, FD), jnp.float32)
    x_p = jnp.concatenate([x[:NHALF], rpad, x[NHALF:], rpad], axis=0)
    feat1 = _mm(x_p, W1)
    h1_p = _gat_layer(feat1, src_p, dst_p, a1.reshape(-1))
    feat2 = _mm(h1_p, W2)
    out_p = _gat_layer(feat2, src_p, dst_p, a2.reshape(-1), h1_p)
    return jnp.concatenate([out_p[:NHALF], out_p[NPC:NPC + NHALF]], axis=0)

# --- scband reference (transcript-rebuilt; emitter-appended) ---
"""Pipeline reference for scband-gatv2-73426760892527 (READ-ONLY COPY).

The authoritative reference and input builder live on the scoring server;
editing this copy changes nothing except your own understanding.
"""

import jax, jax.numpy as jnp
import numpy as np

N = 10000
E = 160000
IN_DIM = 256
HEADS = 4
HID = 64
NEG_SLOPE = 0.2


def setup_inputs(seed: int = 0) -> dict:
    key = jax.random.key(seed)
    k1, k2, k3, k4, k5, k6 = jax.random.split(key, 6)
    x = jax.random.normal(k1, (N, IN_DIM), dtype=jnp.float32)
    edge_index = jax.random.randint(k2, (2, E), 0, N, dtype=jnp.int32)
    scale = 0.1
    # layer 1: share_weights=True -> single W; attn vector per head; bias=False
    W1 = jax.random.normal(k3, (IN_DIM, HEADS * HID), dtype=jnp.float32) * scale
    a1 = jax.random.normal(k4, (HEADS, HID), dtype=jnp.float32) * scale
    # layer 2: input dim = num_hidden*heads = 256
    W2 = jax.random.normal(k5, (HEADS * HID, HEADS * HID), dtype=jnp.float32) * scale
    a2 = jax.random.normal(k6, (HEADS, HID), dtype=jnp.float32) * scale
    return {"x": x, "edge_index": edge_index, "W1": W1, "a1": a1, "W2": W2, "a2": a2}


def _gatv2_layer(h, src, dst, W, a, residual):
    # GATv2 (DGL GATv2Conv, share_weights=True, bias=False):
    # feat = W h; e_ij = a^T LeakyReLU(W h_i + W h_j); alpha = softmax_j over incoming edges of dst
    feat = (h @ W).reshape(-1, HEADS, HID)            # [N, H, D]
    el = feat[src]                                    # [E, H, D]
    er = feat[dst]                                    # [E, H, D]
    e = jax.nn.leaky_relu(el + er, NEG_SLOPE)         # [E, H, D]
    logits = jnp.einsum('ehd,hd->eh', e, a)           # [E, H]
    m = jax.ops.segment_max(logits, dst, num_segments=N)   # [N, H]
    m = jnp.where(jnp.isfinite(m), m, 0.0)
    ex = jnp.exp(logits - m[dst])                     # [E, H]
    denom = jax.ops.segment_sum(ex, dst, num_segments=N)   # [N, H]
    alpha = ex / denom[dst]                           # [E, H]
    msg = feat[src] * alpha[:, :, None]               # [E, H, D]
    out = jax.ops.segment_sum(msg, dst, num_segments=N)    # [N, H, D]
    if residual:
        # in_feats == heads*out_feats -> identity residual, viewed as [N, H, D]
        out = out + h.reshape(-1, HEADS, HID)
    out = jax.nn.relu(out)
    return out.reshape(-1, HEADS * HID)               # flatten(1)


def reference(x, edge_index, W1, a1, W2, a2):
    src = edge_index[0]
    dst = edge_index[1]
    h = _gatv2_layer(x, src, dst, W1, a1, residual=False)
    h = _gatv2_layer(h, src, dst, W2, a2, residual=True)
    return h

if __name__ == "__main__":
    import jax
    _d = setup_inputs()
    print(jax.jit(kernel)(*tuple(_d.values())))

</pallas_src>

<mosaic_0001>
#map = affine_map<(d0, d1) -> (0, 0)>
#map1 = affine_map<(d0, d1) -> (0)>
module attributes {stable_mosaic.version = 14 : i64} {
  func.func @_gather_body(%arg0: i32, %arg1: i32, %arg2: memref<10240x256xf32, #tpu.memory_space<hbm>>, %arg3: memref<163840xi32, #tpu.memory_space<hbm>>, %arg4: memref<163840xi32, #tpu.memory_space<hbm>>, %arg5: memref<163840x256xf32, #tpu.memory_space<hbm>>, %arg6: memref<163840x256xf32, #tpu.memory_space<hbm>>, %arg7: memref<80xi32, #tpu.memory_space<vmem>>, %arg8: memref<80xi32, #tpu.memory_space<vmem>>, %arg9: memref<80xi32, #tpu.memory_space<vmem>>, %arg10: memref<80xi32, #tpu.memory_space<vmem>>, %arg11: memref<80xi32, #tpu.memory_space<vmem>>, %arg12: memref<80xi32, #tpu.memory_space<vmem>>, %arg13: memref<80x256xf32, #tpu.memory_space<vmem>>, %arg14: memref<80x256xf32, #tpu.memory_space<vmem>>, %arg15: memref<80x256xf32, #tpu.memory_space<vmem>>, %arg16: memref<80x256xf32, #tpu.memory_space<vmem>>, %arg17: memref<!tpu.dma_semaphore, #tpu.memory_space<semaphore_mem>>, %arg18: memref<!tpu.dma_semaphore, #tpu.memory_space<semaphore_mem>>) attributes {dimension_semantics = [#tpu.dimension_semantics<core_parallel>, #tpu.dimension_semantics<subcore_parallel>], iteration_bounds = array<i64: 2, 16>, scalar_prefetch = 0 : i64, scratch_operands = 12 : i64, tpu.core_type = #tpu.core_type<sc_vector_subcore>, window_params = [{transform_indices = #map}, {transform_indices = #map1}, {transform_indices = #map1}, {transform_indices = #map}, {transform_indices = #map}]} {
    %mul3A = arith.constant 2 : i32
    %mul3A_0 = arith.muli %arg1, %mul3A : i32
    %add3A = arith.addi %mul3A_0, %arg0 : i32
    %mul3A_1 = arith.constant 5120 : i32
    %mul3A_2 = arith.muli %add3A, %mul3A_1 : i32
    %add3A_3 = arith.constant 0 : i32
    %add3A_4 = arith.addi %mul3A_2, %add3A_3 : i32
    "tpu.region"() ({
      %run_scoped3A = tpu.sem_alloc : memref<!tpu.dma_semaphore, #tpu.memory_space<semaphore_mem>>
      %dma_start3A_200 = tpu.memref_slice %arg3[%add3A_4] : memref<163840xi32, #tpu.memory_space<hbm>> -> memref<80xi32, #tpu.memory_space<hbm>>
      %dma_start3A_201 = tpu.memref_slice %arg3[%add3A_4] : memref<163840xi32, #tpu.memory_space<hbm>> -> memref<80xi32, #tpu.memory_space<hbm>>
      tpu.enqueue_dma source(%dma_start3A_201 : memref<80xi32, #tpu.memory_space<hbm>>) target(%arg7 : memref<80xi32, #tpu.memory_space<vmem>>) target_semaphore(%run_scoped3A : memref<!tpu.dma_semaphore, #tpu.memory_space<semaphore_mem>>)
      %dma_wait3A = tpu.memref_slice %arg3[%add3A_4] : memref<163840xi32, #tpu.memory_space<hbm>> -> memref<80xi32, #tpu.memory_space<hbm>>
      %dma_wait3A_202 = tpu.memref_slice %arg3[%add3A_4] : memref<163840xi32, #tpu.memory_space<hbm>> -> memref<80xi32, #tpu.memory_space<hbm>>
      tpu.wait_dma2 semaphore(%run_scoped3A : memref<!tpu.dma_semaphore, #tpu.memory_space<semaphore_mem>>) src(%dma_wait3A_202 : memref<80xi32, #tpu.memory_space<hbm>>) dst(%arg7 : memref<80xi32, #tpu.memory_space<vmem>>)
      tpu.yield
    }) : () -> ()
    "tpu.region"() ({
      %run_scoped3A = tpu.sem_alloc : memref<!tpu.dma_semaphore, #tpu.memory_space<semaphore_mem>>
      %dma_start3A_200 = tpu.memref_slice %arg4[%add3A_4] : memref<163840xi32, #tpu.memory_space<hbm>> -> memref<80xi32, #tpu.memory_space<hbm>>
      %dma_start3A_201 = tpu.memref_slice %arg4[%add3A_4] : memref<163840xi32, #tpu.memory_space<hbm>> -> memref<80xi32, #tpu.memory_space<hbm>>
      tpu.enqueue_dma source(%dma_start3A_201 : memref<80xi32, #tpu.memory_space<hbm>>) target(%arg8 : memref<80xi32, #tpu.memory_space<vmem>>) target_semaphore(%run_scoped3A : memref<!tpu.dma_semaphore, #tpu.memory_space<semaphore_mem>>)
      %dma_wait3A = tpu.memref_slice %arg4[%add3A_4] : memref<163840xi32, #tpu.memory_space<hbm>> -> memref<80xi32, #tpu.memory_space<hbm>>
      %dma_wait3A_202 = tpu.memref_slice %arg4[%add3A_4] : memref<163840xi32, #tpu.memory_space<hbm>> -> memref<80xi32, #tpu.memory_space<hbm>>
      tpu.wait_dma2 semaphore(%run_scoped3A : memref<!tpu.dma_semaphore, #tpu.memory_space<semaphore_mem>>) src(%dma_wait3A_202 : memref<80xi32, #tpu.memory_space<hbm>>) dst(%arg8 : memref<80xi32, #tpu.memory_space<vmem>>)
      tpu.yield
    }) : () -> ()
    %get3A = arith.constant 0 : index
    %get3A_5 = tpu.vector_load %arg7[%get3A] {strides = array<i32>} : memref<80xi32, #tpu.memory_space<vmem>>, vector<16xi32>,
    %get3A_6 = vector.shape_cast %get3A_5 : vector<16xi32> to vector<16xi32>
    %get3A_7 = arith.constant 0 : index
    %get3A_8 = tpu.vector_load %arg8[%get3A_7] {strides = array<i32>} : memref<80xi32, #tpu.memory_space<vmem>>, vector<16xi32>,
    %get3A_9 = vector.shape_cast %get3A_8 : vector<16xi32> to vector<16xi32>
    %ge3A = arith.constant 5000 : i32
    %ge3A_10 = vector.broadcast %ge3A : i32 to vector<16xi32>
    %ge3A_11 = arith.cmpi sge, %get3A_6, %ge3A_10 : vector<16xi32>
    %jit3A = arith.constant 120 : i32
    %jit3A_12 = arith.constant 0 : i32
    %broadcast_in_dim3A = vector.broadcast %jit3A : i32 to vector<16xi32>
    %broadcast_in_dim3A_13 = vector.broadcast %jit3A_12 : i32 to vector<16xi32>
    %select_n3A = arith.select %ge3A_11, %broadcast_in_dim3A, %broadcast_in_dim3A_13 : vector<16xi1>, vector<16xi32>
    %add3A_14 = arith.addi %get3A_6, %select_n3A : vector<16xi32>
    %swap3A = arith.constant 0 : index
    %swap3A_15 = tpu.vector_load %arg9[%swap3A] {strides = array<i32>} : memref<80xi32, #tpu.memory_space<vmem>>, vector<16xi32>,
    %swap3A_16 = vector.shape_cast %swap3A_15 : vector<16xi32> to vector<16xi32>
    %swap3A_17 = vector.shape_cast %add3A_14 : vector<16xi32> to vector<16xi32>
    tpu.vector_store %arg9[%swap3A], %swap3A_17 {strides = array<i32>} : memref<80xi32, #tpu.memory_space<vmem>>, vector<16xi32>,
    %ge3A_18 = arith.constant 0 : i32
    %ge3A_19 = vector.broadcast %ge3A_18 : i32 to vector<16xi32>
    %ge3A_20 = arith.cmpi sge, %get3A_9, %ge3A_19 : vector<16xi32>
    %ge3A_21 = arith.constant 5000 : i32
    %ge3A_22 = vector.broadcast %ge3A_21 : i32 to vector<16xi32>
    %ge3A_23 = arith.cmpi sge, %get3A_9, %ge3A_22 : vector<16xi32>
    %jit3A_24 = arith.constant 120 : i32
    %jit3A_25 = arith.constant 0 : i32
    %broadcast_in_dim3A_26 = vector.broadcast %jit3A_24 : i32 to vector<16xi32>
    %broadcast_in_dim3A_27 = vector.broadcast %jit3A_25 : i32 to vector<16xi32>
    %select_n3A_28 = arith.select %ge3A_23, %broadcast_in_dim3A_26, %broadcast_in_dim3A_27 : vector<16xi1>, vector<16xi32>
    %add3A_29 = arith.addi %get3A_9, %select_n3A_28 : vector<16xi32>
    %jit3A_30 = arith.constant 0 : i32
    %broadcast_in_dim3A_31 = vector.broadcast %jit3A_30 : i32 to vector<16xi32>
    %select_n3A_32 = arith.select %ge3A_20, %add3A_29, %broadcast_in_dim3A_31 : vector<16xi1>, vector<16xi32>
    %swap3A_33 = arith.constant 0 : index
    %swap3A_34 = tpu.vector_load %arg10[%swap3A_33] {strides = array<i32>} : memref<80xi32, #tpu.memory_space<vmem>>, vector<16xi32>,
    %swap3A_35 = vector.shape_cast %swap3A_34 : vector<16xi32> to vector<16xi32>
    %swap3A_36 = vector.shape_cast %select_n3A_32 : vector<16xi32> to vector<16xi32>
    tpu.vector_store %arg10[%swap3A_33], %swap3A_36 {strides = array<i32>} : memref<80xi32, #tpu.memory_space<vmem>>, vector<16xi32>,
    %get3A_37 = arith.constant 16 : index
    %get3A_38 = tpu.vector_load %arg7[%get3A_37] {strides = array<i32>} : memref<80xi32, #tpu.memory_space<vmem>>, vector<16xi32>,
    %get3A_39 = vector.shape_cast %get3A_38 : vector<16xi32> to vector<16xi32>
    %get3A_40 = arith.constant 16 : index
    %get3A_41 = tpu.vector_load %arg8[%get3A_40] {strides = array<i32>} : memref<80xi32, #tpu.memory_space<vmem>>, vector<16xi32>,
    %get3A_42 = vector.shape_cast %get3A_41 : vector<16xi32> to vector<16xi32>
    %ge3A_43 = arith.constant 5000 : i32
    %ge3A_44 = vector.broadcast %ge3A_43 : i32 to vector<16xi32>
    %ge3A_45 = arith.cmpi sge, %get3A_39, %ge3A_44 : vector<16xi32>
    %jit3A_46 = arith.constant 120 : i32
    %jit3A_47 = arith.constant 0 : i32
    %broadcast_in_dim3A_48 = vector.broadcast %jit3A_46 : i32 to vector<16xi32>
    %broadcast_in_dim3A_49 = vector.broadcast %jit3A_47 : i32 to vector<16xi32>
    %select_n3A_50 = arith.select %ge3A_45, %broadcast_in_dim3A_48, %broadcast_in_dim3A_49 : vector<16xi1>, vector<16xi32>
    %add3A_51 = arith.addi %get3A_39, %select_n3A_50 : vector<16xi32>
    %swap3A_52 = arith.constant 16 : index
    %swap3A_53 = tpu.vector_load %arg9[%swap3A_52] {strides = array<i32>} : memref<80xi32, #tpu.memory_space<vmem>>, vector<16xi32>,
    %swap3A_54 = vector.shape_cast %swap3A_53 : vector<16xi32> to vector<16xi32>
    %swap3A_55 = vector.shape_cast %add3A_51 : vector<16xi32> to vector<16xi32>
    tpu.vector_store %arg9[%swap3A_52], %swap3A_55 {strides = array<i32>} : memref<80xi32, #tpu.memory_space<vmem>>, vector<16xi32>,
    %ge3A_56 = arith.constant 0 : i32
    %ge3A_57 = vector.broadcast %ge3A_56 : i32 to vector<16xi32>
    %ge3A_58 = arith.cmpi sge, %get3A_42, %ge3A_57 : vector<16xi32>
    %ge3A_59 = arith.constant 5000 : i32
    %ge3A_60 = vector.broadcast %ge3A_59 : i32 to vector<16xi32>
    %ge3A_61 = arith.cmpi sge, %get3A_42, %ge3A_60 : vector<16xi32>
    %jit3A_62 = arith.constant 120 : i32
    %jit3A_63 = arith.constant 0 : i32
    %broadcast_in_dim3A_64 = vector.broadcast %jit3A_62 : i32 to vector<16xi32>
    %broadcast_in_dim3A_65 = vector.broadcast %jit3A_63 : i32 to vector<16xi32>
    %select_n3A_66 = arith.select %ge3A_61, %broadcast_in_dim3A_64, %broadcast_in_dim3A_65 : vector<16xi1>, vector<16xi32>
    %add3A_67 = arith.addi %get3A_42, %select_n3A_66 : vector<16xi32>
    %jit3A_68 = arith.constant 0 : i32
    %broadcast_in_dim3A_69 = vector.broadcast %jit3A_68 : i32 to vector<16xi32>
    %select_n3A_70 = arith.select %ge3A_58, %add3A_67, %broadcast_in_dim3A_69 : vector<16xi1>, vector<16xi32>
    %swap3A_71 = arith.constant 16 : index
    %swap3A_72 = tpu.vector_load %arg10[%swap3A_71] {strides = array<i32>} : memref<80xi32, #tpu.memory_space<vmem>>, vector<16xi32>,
    %swap3A_73 = vector.shape_cast %swap3A_72 : vector<16xi32> to vector<16xi32>
    %swap3A_74 = vector.shape_cast %select_n3A_70 : vector<16xi32> to vector<16xi32>
    tpu.vector_store %arg10[%swap3A_71], %swap3A_74 {strides = array<i32>} : memref<80xi32, #tpu.memory_space<vmem>>, vector<16xi32>,
    %get3A_75 = arith.constant 32 : index
    %get3A_76 = tpu.vector_load %arg7[%get3A_75] {strides = array<i32>} : memref<80xi32, #tpu.memory_space<vmem>>, vector<16xi32>,
    %get3A_77 = vector.shape_cast %get3A_76 : vector<16xi32> to vector<16xi32>
    %get3A_78 = arith.constant 32 : index
    %get3A_79 = tpu.vector_load %arg8[%get3A_78] {strides = array<i32>} : memref<80xi32, #tpu.memory_space<vmem>>, vector<16xi32>,
    %get3A_80 = vector.shape_cast %get3A_79 : vector<16xi32> to vector<16xi32>
    %ge3A_81 = arith.constant 5000 : i32
    %ge3A_82 = vector.broadcast %ge3A_81 : i32 to vector<16xi32>
    %ge3A_83 = arith.cmpi sge, %get3A_77, %ge3A_82 : vector<16xi32>
    %jit3A_84 = arith.constant 120 : i32
    %jit3A_85 = arith.constant 0 : i32
    %broadcast_in_dim3A_86 = vector.broadcast %jit3A_84 : i32 to vector<16xi32>
    %broadcast_in_dim3A_87 = vector.broadcast %jit3A_85 : i32 to vector<16xi32>
    %select_n3A_88 = arith.select %ge3A_83, %broadcast_in_dim3A_86, %broadcast_in_dim3A_87 : vector<16xi1>, vector<16xi32>
    %add3A_89 = arith.addi %get3A_77, %select_n3A_88 : vector<16xi32>
    %swap3A_90 = arith.constant 32 : index
    %swap3A_91 = tpu.vector_load %arg9[%swap3A_90] {strides = array<i32>} : memref<80xi32, #tpu.memory_space<vmem>>, vector<16xi32>,
    %swap3A_92 = vector.shape_cast %swap3A_91 : vector<16xi32> to vector<16xi32>
    %swap3A_93 = vector.shape_cast %add3A_89 : vector<16xi32> to vector<16xi32>
    tpu.vector_store %arg9[%swap3A_90], %swap3A_93 {strides = array<i32>} : memref<80xi32, #tpu.memory_space<vmem>>, vector<16xi32>,
    %ge3A_94 = arith.constant 0 : i32
    %ge3A_95 = vector.broadcast %ge3A_94 : i32 to vector<16xi32>
    %ge3A_96 = arith.cmpi sge, %get3A_80, %ge3A_95 : vector<16xi32>
    %ge3A_97 = arith.constant 5000 : i32
    %ge3A_98 = vector.broadcast %ge3A_97 : i32 to vector<16xi32>
    %ge3A_99 = arith.cmpi sge, %get3A_80, %ge3A_98 : vector<16xi32>
    %jit3A_100 = arith.constant 120 : i32
    %jit3A_101 = arith.constant 0 : i32
    %broadcast_in_dim3A_102 = vector.broadcast %jit3A_100 : i32 to vector<16xi32>
    %broadcast_in_dim3A_103 = vector.broadcast %jit3A_101 : i32 to vector<16xi32>
    %select_n3A_104 = arith.select %ge3A_99, %broadcast_in_dim3A_102, %broadcast_in_dim3A_103 : vector<16xi1>, vector<16xi32>
    %add3A_105 = arith.addi %get3A_80, %select_n3A_104 : vector<16xi32>
    %jit3A_106 = arith.constant 0 : i32
    %broadcast_in_dim3A_107 = vector.broadcast %jit3A_106 : i32 to vector<16xi32>
    %select_n3A_108 = arith.select %ge3A_96, %add3A_105, %broadcast_in_dim3A_107 : vector<16xi1>, vector<16xi32>
    %swap3A_109 = arith.constant 32 : index
    %swap3A_110 = tpu.vector_load %arg10[%swap3A_109] {strides = array<i32>} : memref<80xi32, #tpu.memory_space<vmem>>, vector<16xi32>,
    %swap3A_111 = vector.shape_cast %swap3A_110 : vector<16xi32> to vector<16xi32>
    %swap3A_112 = vector.shape_cast %select_n3A_108 : vector<16xi32> to vector<16xi32>
    tpu.vector_store %arg10[%swap3A_109], %swap3A_112 {strides = array<i32>} : memref<80xi32, #tpu.memory_space<vmem>>, vector<16xi32>,
    %get3A_113 = arith.constant 48 : index
    %get3A_114 = tpu.vector_load %arg7[%get3A_113] {strides = array<i32>} : memref<80xi32, #tpu.memory_space<vmem>>, vector<16xi32>,
    %get3A_115 = vector.shape_cast %get3A_114 : vector<16xi32> to vector<16xi32>
    %get3A_116 = arith.constant 48 : index
    %get3A_117 = tpu.vector_load %arg8[%get3A_116] {strides = array<i32>} : memref<80xi32, #tpu.memory_space<vmem>>, vector<16xi32>,
    %get3A_118 = vector.shape_cast %get3A_117 : vector<16xi32> to vector<16xi32>
    %ge3A_119 = arith.constant 5000 : i32
    %ge3A_120 = vector.broadcast %ge3A_119 : i32 to vector<16xi32>
    %ge3A_121 = arith.cmpi sge, %get3A_115, %ge3A_120 : vector<16xi32>
    %jit3A_122 = arith.constant 120 : i32
    %jit3A_123 = arith.constant 0 : i32
    %broadcast_in_dim3A_124 = vector.broadcast %jit3A_122 : i32 to vector<16xi32>
    %broadcast_in_dim3A_125 = vector.broadcast %jit3A_123 : i32 to vector<16xi32>
    %select_n3A_126 = arith.select %ge3A_121, %broadcast_in_dim3A_124, %broadcast_in_dim3A_125 : vector<16xi1>, vector<16xi32>
    %add3A_127 = arith.addi %get3A_115, %select_n3A_126 : vector<16xi32>
    %swap3A_128 = arith.constant 48 : index
    %swap3A_129 = tpu.vector_load %arg9[%swap3A_128] {strides = array<i32>} : memref<80xi32, #tpu.memory_space<vmem>>, vector<16xi32>,
    %swap3A_130 = vector.shape_cast %swap3A_129 : vector<16xi32> to vector<16xi32>
    %swap3A_131 = vector.shape_cast %add3A_127 : vector<16xi32> to vector<16xi32>
    tpu.vector_store %arg9[%swap3A_128], %swap3A_131 {strides = array<i32>} : memref<80xi32, #tpu.memory_space<vmem>>, vector<16xi32>,
    %ge3A_132 = arith.constant 0 : i32
    %ge3A_133 = vector.broadcast %ge3A_132 : i32 to vector<16xi32>
    %ge3A_134 = arith.cmpi sge, %get3A_118, %ge3A_133 : vector<16xi32>
    %ge3A_135 = arith.constant 5000 : i32
    %ge3A_136 = vector.broadcast %ge3A_135 : i32 to vector<16xi32>
    %ge3A_137 = arith.cmpi sge, %get3A_118, %ge3A_136 : vector<16xi32>
    %jit3A_138 = arith.constant 120 : i32
    %jit3A_139 = arith.constant 0 : i32
    %broadcast_in_dim3A_140 = vector.broadcast %jit3A_138 : i32 to vector<16xi32>
    %broadcast_in_dim3A_141 = vector.broadcast %jit3A_139 : i32 to vector<16xi32>
    %select_n3A_142 = arith.select %ge3A_137, %broadcast_in_dim3A_140, %broadcast_in_dim3A_141 : vector<16xi1>, vector<16xi32>
    %add3A_143 = arith.addi %get3A_118, %select_n3A_142 : vector<16xi32>
    %jit3A_144 = arith.constant 0 : i32
    %broadcast_in_dim3A_145 = vector.broadcast %jit3A_144 : i32 to vector<16xi32>
    %select_n3A_146 = arith.select %ge3A_134, %add3A_143, %broadcast_in_dim3A_145 : vector<16xi1>, vector<16xi32>
    %swap3A_147 = arith.constant 48 : index
    %swap3A_148 = tpu.vector_load %arg10[%swap3A_147] {strides = array<i32>} : memref<80xi32, #tpu.memory_space<vmem>>, vector<16xi32>,
    %swap3A_149 = vector.shape_cast %swap3A_148 : vector<16xi32> to vector<16xi32>
    %swap3A_150 = vector.shape_cast %select_n3A_146 : vector<16xi32> to vector<16xi32>
    tpu.vector_store %arg10[%swap3A_147], %swap3A_150 {strides = array<i32>} : memref<80xi32, #tpu.memory_space<vmem>>, vector<16xi32>,
    %get3A_151 = arith.constant 64 : index
    %get3A_152 = tpu.vector_load %arg7[%get3A_151] {strides = array<i32>} : memref<80xi32, #tpu.memory_space<vmem>>, vector<16xi32>,
    %get3A_153 = vector.shape_cast %get3A_152 : vector<16xi32> to vector<16xi32>
    %get3A_154 = arith.constant 64 : index
    %get3A_155 = tpu.vector_load %arg8[%get3A_154] {strides = array<i32>} : memref<80xi32, #tpu.memory_space<vmem>>, vector<16xi32>,
    %get3A_156 = vector.shape_cast %get3A_155 : vector<16xi32> to vector<16xi32>
    %ge3A_157 = arith.constant 5000 : i32
    %ge3A_158 = vector.broadcast %ge3A_157 : i32 to vector<16xi32>
    %ge3A_159 = arith.cmpi sge, %get3A_153, %ge3A_158 : vector<16xi32>
    %jit3A_160 = arith.constant 120 : i32
    %jit3A_161 = arith.constant 0 : i32
    %broadcast_in_dim3A_162 = vector.broadcast %jit3A_160 : i32 to vector<16xi32>
    %broadcast_in_dim3A_163 = vector.broadcast %jit3A_161 : i32 to vector<16xi32>
    %select_n3A_164 = arith.select %ge3A_159, %broadcast_in_dim3A_162, %broadcast_in_dim3A_163 : vector<16xi1>, vector<16xi32>
    %add3A_165 = arith.addi %get3A_153, %select_n3A_164 : vector<16xi32>
    %swap3A_166 = arith.constant 64 : index
    %swap3A_167 = tpu.vector_load %arg9[%swap3A_166] {strides = array<i32>} : memref<80xi32, #tpu.memory_space<vmem>>, vector<16xi32>,
    %swap3A_168 = vector.shape_cast %swap3A_167 : vector<16xi32> to vector<16xi32>
    %swap3A_169 = vector.shape_cast %add3A_165 : vector<16xi32> to vector<16xi32>
    tpu.vector_store %arg9[%swap3A_166], %swap3A_169 {strides = array<i32>} : memref<80xi32, #tpu.memory_space<vmem>>, vector<16xi32>,
    %ge3A_170 = arith.constant 0 : i32
    %ge3A_171 = vector.broadcast %ge3A_170 : i32 to vector<16xi32>
    %ge3A_172 = arith.cmpi sge, %get3A_156, %ge3A_171 : vector<16xi32>
    %ge3A_173 = arith.constant 5000 : i32
    %ge3A_174 = vector.broadcast %ge3A_173 : i32 to vector<16xi32>
    %ge3A_175 = arith.cmpi sge, %get3A_156, %ge3A_174 : vector<16xi32>
    %jit3A_176 = arith.constant 120 : i32
    %jit3A_177 = arith.constant 0 : i32
    %broadcast_in_dim3A_178 = vector.broadcast %jit3A_176 : i32 to vector<16xi32>
    %broadcast_in_dim3A_179 = vector.broadcast %jit3A_177 : i32 to vector<16xi32>
    %select_n3A_180 = arith.select %ge3A_175, %broadcast_in_dim3A_178, %broadcast_in_dim3A_179 : vector<16xi1>, vector<16xi32>
    %add3A_181 = arith.addi %get3A_156, %select_n3A_180 : vector<16xi32>
    %jit3A_182 = arith.constant 0 : i32
    %broadcast_in_dim3A_183 = vector.broadcast %jit3A_182 : i32 to vector<16xi32>
    %select_n3A_184 = arith.select %ge3A_172, %add3A_181, %broadcast_in_dim3A_183 : vector<16xi1>, vector<16xi32>
    %swap3A_185 = arith.constant 64 : index
    %swap3A_186 = tpu.vector_load %arg10[%swap3A_185] {strides = array<i32>} : memref<80xi32, #tpu.memory_space<vmem>>, vector<16xi32>,
    %swap3A_187 = vector.shape_cast %swap3A_186 : vector<16xi32> to vector<16xi32>
    %swap3A_188 = vector.shape_cast %select_n3A_184 : vector<16xi32> to vector<16xi32>
    tpu.vector_store %arg10[%swap3A_185], %swap3A_188 {strides = array<i32>} : memref<80xi32, #tpu.memory_space<vmem>>, vector<16xi32>,
    %dma_start3A = arith.constant 0 : i32
    %dma_start3A_189 = arith.constant 0 : i32
    %dma_start3A_190 = tpu.memref_slice %arg2[%dma_start3A, %dma_start3A_189] : memref<10240x256xf32, #tpu.memory_space<hbm>> -> memref<10240x256xf32, #tpu.memory_space<hbm>>
    tpu.enqueue_indirect_dma source(%dma_start3A_190 : memref<10240x256xf32, #tpu.memory_space<hbm>>) target(%arg13 : memref<80x256xf32, #tpu.memory_space<vmem>>) offsets(%arg9 : memref<80xi32, #tpu.memory_space<vmem>>) semaphore(%arg17 : memref<!tpu.dma_semaphore, #tpu.memory_space<semaphore_mem>>)
    %dma_start3A_191 = arith.constant 0 : i32
    %dma_start3A_192 = arith.constant 0 : i32
    %dma_start3A_193 = tpu.memref_slice %arg2[%dma_start3A_191, %dma_start3A_192] : memref<10240x256xf32, #tpu.memory_space<hbm>> -> memref<10240x256xf32, #tpu.memory_space<hbm>>
    tpu.enqueue_indirect_dma source(%dma_start3A_193 : memref<10240x256xf32, #tpu.memory_space<hbm>>) target(%arg14 : memref<80x256xf32, #tpu.memory_space<vmem>>) offsets(%arg10 : memref<80xi32, #tpu.memory_space<vmem>>) semaphore(%arg17 : memref<!tpu.dma_semaphore, #tpu.memory_space<semaphore_mem>>)
    %scan3A = arith.constant 0 : i32
    %scan3A_194 = arith.constant 0 : i32
    %scan3A_195 = arith.constant 32 : i32
    %scan3A_196 = arith.addi %scan3A_194, %scan3A_195 : i32
    %scan3A_197 = arith.constant 1 : i32
    %scan3A_198 = scf.for %scan3A_200 = %scan3A_194 to %scan3A_196 step %scan3A_197 iter_args(%scan3A_201 = %scan3A) -> (i32)  : i32 {
      %mul3A_202 = arith.constant 2 : i32
      %mul3A_203 = arith.muli %scan3A_200, %mul3A_202 : i32
      %add3A_204 = arith.constant 1 : i32
      %add3A_205 = arith.addi %mul3A_203, %add3A_204 : i32
      %mul3A_206 = arith.constant 80 : i32
      %mul3A_207 = arith.muli %add3A_205, %mul3A_206 : i32
      %add3A_208 = arith.addi %mul3A_2, %mul3A_207 : i32
      "tpu.region"() ({
        %run_scoped3A = tpu.sem_alloc : memref<!tpu.dma_semaphore, #tpu.memory_space<semaphore_mem>>
        %dma_start3A_443 = tpu.memref_slice %arg3[%add3A_208] : memref<163840xi32, #tpu.memory_space<hbm>> -> memref<80xi32, #tpu.memory_space<hbm>>
        %dma_start3A_444 = tpu.memref_slice %arg3[%add3A_208] : memref<163840xi32, #tpu.memory_space<hbm>> -> memref<80xi32, #tpu.memory_space<hbm>>
        tpu.enqueue_dma source(%dma_start3A_444 : memref<80xi32, #tpu.memory_space<hbm>>) target(%arg7 : memref<80xi32, #tpu.memory_space<vmem>>) target_semaphore(%run_scoped3A : memref<!tpu.dma_semaphore, #tpu.memory_space<semaphore_mem>>)
        %dma_wait3A_445 = tpu.memref_slice %arg3[%add3A_208] : memref<163840xi32, #tpu.memory_space<hbm>> -> memref<80xi32, #tpu.memory_space<hbm>>
        %dma_wait3A_446 = tpu.memref_slice %arg3[%add3A_208] : memref<163840xi32, #tpu.memory_space<hbm>> -> memref<80xi32, #tpu.memory_space<hbm>>
        tpu.wait_dma2 semaphore(%run_scoped3A : memref<!tpu.dma_semaphore, #tpu.memory_space<semaphore_mem>>) src(%dma_wait3A_446 : memref<80xi32, #tpu.memory_space<hbm>>) dst(%arg7 : memref<80xi32, #tpu.memory_space<vmem>>)
        tpu.yield
      }) : () -> ()
      "tpu.region"() ({
        %run_scoped3A = tpu.sem_alloc : memref<!tpu.dma_semaphore, #tpu.memory_space<semaphore_mem>>
        %dma_start3A_443 = tpu.memref_slice %arg4[%add3A_208] : memref<163840xi32, #tpu.memory_space<hbm>> -> memref<80xi32, #tpu.memory_space<hbm>>
        %dma_start3A_444 = tpu.memref_slice %arg4[%add3A_208] : memref<163840xi32, #tpu.memory_space<hbm>> -> memref<80xi32, #tpu.memory_space<hbm>>
        tpu.enqueue_dma source(%dma_start3A_444 : memref<80xi32, #tpu.memory_space<hbm>>) target(%arg8 : memref<80xi32, #tpu.memory_space<vmem>>) target_semaphore(%run_scoped3A : memref<!tpu.dma_semaphore, #tpu.memory_space<semaphore_mem>>)
        %dma_wait3A_445 = tpu.memref_slice %arg4[%add3A_208] : memref<163840xi32, #tpu.memory_space<hbm>> -> memref<80xi32, #tpu.memory_space<hbm>>
        %dma_wait3A_446 = tpu.memref_slice %arg4[%add3A_208] : memref<163840xi32, #tpu.memory_space<hbm>> -> memref<80xi32, #tpu.memory_space<hbm>>
        tpu.wait_dma2 semaphore(%run_scoped3A : memref<!tpu.dma_semaphore, #tpu.memory_space<semaphore_mem>>) src(%dma_wait3A_446 : memref<80xi32, #tpu.memory_space<hbm>>) dst(%arg8 : memref<80xi32, #tpu.memory_space<vmem>>)
        tpu.yield
      }) : () -> ()
      %get3A_209 = arith.constant 0 : index
      %get3A_210 = tpu.vector_load %arg7[%get3A_209] {strides = array<i32>} : memref<80xi32, #tpu.memory_space<vmem>>, vector<16xi32>,
      %get3A_211 = vector.shape_cast %get3A_210 : vector<16xi32> to vector<16xi32>
      %get3A_212 = arith.constant 0 : index
      %get3A_213 = tpu.vector_load %arg8[%get3A_212] {strides = array<i32>} : memref<80xi32, #tpu.memory_space<vmem>>, vector<16xi32>,
      %get3A_214 = vector.shape_cast %get3A_213 : vector<16xi32> to vector<16xi32>
      %ge3A_215 = arith.constant 5000 : i32
      %ge3A_216 = vector.broadcast %ge3A_215 : i32 to vector<16xi32>
      %ge3A_217 = arith.cmpi sge, %get3A_211, %ge3A_216 : vector<16xi32>
      %jit3A_218 = arith.constant 120 : i32
      %jit3A_219 = arith.constant 0 : i32
      %broadcast_in_dim3A_220 = vector.broadcast %jit3A_218 : i32 to vector<16xi32>
      %broadcast_in_dim3A_221 = vector.broadcast %jit3A_219 : i32 to vector<16xi32>
      %select_n3A_222 = arith.select %ge3A_217, %broadcast_in_dim3A_220, %broadcast_in_dim3A_221 : vector<16xi1>, vector<16xi32>
      %add3A_223 = arith.addi %get3A_211, %select_n3A_222 : vector<16xi32>
      %swap3A_224 = arith.constant 0 : index
      %swap3A_225 = tpu.vector_load %arg11[%swap3A_224] {strides = array<i32>} : memref<80xi32, #tpu.memory_space<vmem>>, vector<16xi32>,
      %swap3A_226 = vector.shape_cast %swap3A_225 : vector<16xi32> to vector<16xi32>
      %swap3A_227 = vector.shape_cast %add3A_223 : vector<16xi32> to vector<16xi32>
      tpu.vector_store %arg11[%swap3A_224], %swap3A_227 {strides = array<i32>} : memref<80xi32, #tpu.memory_space<vmem>>, vector<16xi32>,
      %ge3A_228 = arith.constant 0 : i32
      %ge3A_229 = vector.broadcast %ge3A_228 : i32 to vector<16xi32>
      %ge3A_230 = arith.cmpi sge, %get3A_214, %ge3A_229 : vector<16xi32>
      %ge3A_231 = arith.constant 5000 : i32
      %ge3A_232 = vector.broadcast %ge3A_231 : i32 to vector<16xi32>
      %ge3A_233 = arith.cmpi sge, %get3A_214, %ge3A_232 : vector<16xi32>
      %jit3A_234 = arith.constant 120 : i32
      %jit3A_235 = arith.constant 0 : i32
      %broadcast_in_dim3A_236 = vector.broadcast %jit3A_234 : i32 to vector<16xi32>
      %broadcast_in_dim3A_237 = vector.broadcast %jit3A_235 : i32 to vector<16xi32>
      %select_n3A_238 = arith.select %ge3A_233, %broadcast_in_dim3A_236, %broadcast_in_dim3A_237 : vector<16xi1>, vector<16xi32>
      %add3A_239 = arith.addi %get3A_214, %select_n3A_238 : vector<16xi32>
      %jit3A_240 = arith.constant 0 : i32
      %broadcast_in_dim3A_241 = vector.broadcast %jit3A_240 : i32 to vector<16xi32>
      %select_n3A_242 = arith.select %ge3A_230, %add3A_239, %broadcast_in_dim3A_241 : vector<16xi1>, vector<16xi32>
      %swap3A_243 = arith.constant 0 : index
      %swap3A_244 = tpu.vector_load %arg12[%swap3A_243] {strides = array<i32>} : memref<80xi32, #tpu.memory_space<vmem>>, vector<16xi32>,
      %swap3A_245 = vector.shape_cast %swap3A_244 : vector<16xi32> to vector<16xi32>
      %swap3A_246 = vector.shape_cast %select_n3A_242 : vector<16xi32> to vector<16xi32>
      tpu.vector_store %arg12[%swap3A_243], %swap3A_246 {strides = array<i32>} : memref<80xi32, #tpu.memory_space<vmem>>, vector<16xi32>,
      %get3A_247 = arith.constant 16 : index
      %get3A_248 = tpu.vector_load %arg7[%get3A_247] {strides = array<i32>} : memref<80xi32, #tpu.memory_space<vmem>>, vector<16xi32>,
      %get3A_249 = vector.shape_cast %get3A_248 : vector<16xi32> to vector<16xi32>
      %get3A_250 = arith.constant 16 : index
      %get3A_251 = tpu.vector_load %arg8[%get3A_250] {strides = array<i32>} : memref<80xi32, #tpu.memory_space<vmem>>, vector<16xi32>,
      %get3A_252 = vector.shape_cast %get3A_251 : vector<16xi32> to vector<16xi32>
      %ge3A_253 = arith.constant 5000 : i32
      %ge3A_254 = vector.broadcast %ge3A_253 : i32 to vector<16xi32>
      %ge3A_255 = arith.cmpi sge, %get3A_249, %ge3A_254 : vector<16xi32>
      %jit3A_256 = arith.constant 120 : i32
      %jit3A_257 = arith.constant 0 : i32
      %broadcast_in_dim3A_258 = vector.broadcast %jit3A_256 : i32 to vector<16xi32>
      %broadcast_in_dim3A_259 = vector.broadcast %jit3A_257 : i32 to vector<16xi32>
      %select_n3A_260 = arith.select %ge3A_255, %broadcast_in_dim3A_258, %broadcast_in_dim3A_259 : vector<16xi1>, vector<16xi32>
      %add3A_261 = arith.addi %get3A_249, %select_n3A_260 : vector<16xi32>
      %swap3A_262 = arith.constant 16 : index
      %swap3A_263 = tpu.vector_load %arg11[%swap3A_262] {strides = array<i32>} : memref<80xi32, #tpu.memory_space<vmem>>, vector<16xi32>,
      %swap3A_264 = vector.shape_cast %swap3A_263 : vector<16xi32> to vector<16xi32>
      %swap3A_265 = vector.shape_cast %add3A_261 : vector<16xi32> to vector<16xi32>
      tpu.vector_store %arg11[%swap3A_262], %swap3A_265 {strides = array<i32>} : memref<80xi32, #tpu.memory_space<vmem>>, vector<16xi32>,
      %ge3A_266 = arith.constant 0 : i32
      %ge3A_267 = vector.broadcast %ge3A_266 : i32 to vector<16xi32>
      %ge3A_268 = arith.cmpi sge, %get3A_252, %ge3A_267 : vector<16xi32>
      %ge3A_269 = arith.constant 5000 : i32
      %ge3A_270 = vector.broadcast %ge3A_269 : i32 to vector<16xi32>
      %ge3A_271 = arith.cmpi sge, %get3A_252, %ge3A_270 : vector<16xi32>
      %jit3A_272 = arith.constant 120 : i32
      %jit3A_273 = arith.constant 0 : i32
      %broadcast_in_dim3A_274 = vector.broadcast %jit3A_272 : i32 to vector<16xi32>
      %broadcast_in_dim3A_275 = vector.broadcast %jit3A_273 : i32 to vector<16xi32>
      %select_n3A_276 = arith.select %ge3A_271, %broadcast_in_dim3A_274, %broadcast_in_dim3A_275 : vector<16xi1>, vector<16xi32>
      %add3A_277 = arith.addi %get3A_252, %select_n3A_276 : vector<16xi32>
      %jit3A_278 = arith.constant 0 : i32
      %broadcast_in_dim3A_279 = vector.broadcast %jit3A_278 : i32 to vector<16xi32>
      %select_n3A_280 = arith.select %ge3A_268, %add3A_277, %broadcast_in_dim3A_279 : vector<16xi1>, vector<16xi32>
      %swap3A_281 = arith.constant 16 : index
      %swap3A_282 = tpu.vector_load %arg12[%swap3A_281] {strides = array<i32>} : memref<80xi32, #tpu.memory_space<vmem>>, vector<16xi32>,
      %swap3A_283 = vector.shape_cast %swap3A_282 : vector<16xi32> to vector<16xi32>
      %swap3A_284 = vector.shape_cast %select_n3A_280 : vector<16xi32> to vector<16xi32>
      tpu.vector_store %arg12[%swap3A_281], %swap3A_284 {strides = array<i32>} : memref<80xi32, #tpu.memory_space<vmem>>, vector<16xi32>,
      %get3A_285 = arith.constant 32 : index
      %get3A_286 = tpu.vector_load %arg7[%get3A_285] {strides = array<i32>} : memref<80xi32, #tpu.memory_space<vmem>>, vector<16xi32>,
      %get3A_287 = vector.shape_cast %get3A_286 : vector<16xi32> to vector<16xi32>
      %get3A_288 = arith.constant 32 : index
      %get3A_289 = tpu.vector_load %arg8[%get3A_288] {strides = array<i32>} : memref<80xi32, #tpu.memory_space<vmem>>, vector<16xi32>,
      %get3A_290 = vector.shape_cast %get3A_289 : vector<16xi32> to vector<16xi32>
      %ge3A_291 = arith.constant 5000 : i32
      %ge3A_292 = vector.broadcast %ge3A_291 : i32 to vector<16xi32>
      %ge3A_293 = arith.cmpi sge, %get3A_287, %ge3A_292 : vector<16xi32>
      %jit3A_294 = arith.constant 120 : i32
      %jit3A_295 = arith.constant 0 : i32
      %broadcast_in_dim3A_296 = vector.broadcast %jit3A_294 : i32 to vector<16xi32>
      %broadcast_in_dim3A_297 = vector.broadcast %jit3A_295 : i32 to vector<16xi32>
      %select_n3A_298 = arith.select %ge3A_293, %broadcast_in_dim3A_296, %broadcast_in_dim3A_297 : vector<16xi1>, vector<16xi32>
      %add3A_299 = arith.addi %get3A_287, %select_n3A_298 : vector<16xi32>
      %swap3A_300 = arith.constant 32 : index
      %swap3A_301 = tpu.vector_load %arg11[%swap3A_300] {strides = array<i32>} : memref<80xi32, #tpu.memory_space<vmem>>, vector<16xi32>,
      %swap3A_302 = vector.shape_cast %swap3A_301 : vector<16xi32> to vector<16xi32>
      %swap3A_303 = vector.shape_cast %add3A_299 : vector<16xi32> to vector<16xi32>
      tpu.vector_store %arg11[%swap3A_300], %swap3A_303 {strides = array<i32>} : memref<80xi32, #tpu.memory_space<vmem>>, vector<16xi32>,
      %ge3A_304 = arith.constant 0 : i32
      %ge3A_305 = vector.broadcast %ge3A_304 : i32 to vector<16xi32>
      %ge3A_306 = arith.cmpi sge, %get3A_290, %ge3A_305 : vector<16xi32>
      %ge3A_307 = arith.constant 5000 : i32
      %ge3A_308 = vector.broadcast %ge3A_307 : i32 to vector<16xi32>
      %ge3A_309 = arith.cmpi sge, %get3A_290, %ge3A_308 : vector<16xi32>
      %jit3A_310 = arith.constant 120 : i32
      %jit3A_311 = arith.constant 0 : i32
      %broadcast_in_dim3A_312 = vector.broadcast %jit3A_310 : i32 to vector<16xi32>
      %broadcast_in_dim3A_313 = vector.broadcast %jit3A_311 : i32 to vector<16xi32>
      %select_n3A_314 = arith.select %ge3A_309, %broadcast_in_dim3A_312, %broadcast_in_dim3A_313 : vector<16xi1>, vector<16xi32>
      %add3A_315 = arith.addi %get3A_290, %select_n3A_314 : vector<16xi32>
      %jit3A_316 = arith.constant 0 : i32
      %broadcast_in_dim3A_317 = vector.broadcast %jit3A_316 : i32 to vector<16xi32>
      %select_n3A_318 = arith.select %ge3A_306, %add3A_315, %broadcast_in_dim3A_317 : vector<16xi1>, vector<16xi32>
      %swap3A_319 = arith.constant 32 : index
      %swap3A_320 = tpu.vector_load %arg12[%swap3A_319] {strides = array<i32>} : memref<80xi32, #tpu.memory_space<vmem>>, vector<16xi32>,
      %swap3A_321 = vector.shape_cast %swap3A_320 : vector<16xi32> to vector<16xi32>
      %swap3A_322 = vector.shape_cast %select_n3A_318 : vector<16xi32> to vector<16xi32>
      tpu.vector_store %arg12[%swap3A_319], %swap3A_322 {strides = array<i32>} : memref<80xi32, #tpu.memory_space<vmem>>, vector<16xi32>,
      %get3A_323 = arith.constant 48 : index
      %get3A_324 = tpu.vector_load %arg7[%get3A_323] {strides = array<i32>} : memref<80xi32, #tpu.memory_space<vmem>>, vector<16xi32>,
      %get3A_325 = vector.shape_cast %get3A_324 : vector<16xi32> to vector<16xi32>
      %get3A_326 = arith.constant 48 : index
      %get3A_327 = tpu.vector_load %arg8[%get3A_326] {strides = array<i32>} : memref<80xi32, #tpu.memory_space<vmem>>, vector<16xi32>,
      %get3A_328 = vector.shape_cast %get3A_327 : vector<16xi32> to vector<16xi32>
      %ge3A_329 = arith.constant 5000 : i32
      %ge3A_330 = vector.broadcast %ge3A_329 : i32 to vector<16xi32>
      %ge3A_331 = arith.cmpi sge, %get3A_325, %ge3A_330 : vector<16xi32>
      %jit3A_332 = arith.constant 120 : i32
      %jit3A_333 = arith.constant 0 : i32
      %broadcast_in_dim3A_334 = vector.broadcast %jit3A_332 : i32 to vector<16xi32>
      %broadcast_in_dim3A_335 = vector.broadcast %jit3A_333 : i32 to vector<16xi32>
      %select_n3A_336 = arith.select %ge3A_331, %broadcast_in_dim3A_334, %broadcast_in_dim3A_335 : vector<16xi1>, vector<16xi32>
      %add3A_337 = arith.addi %get3A_325, %select_n3A_336 : vector<16xi32>
      %swap3A_338 = arith.constant 48 : index
      %swap3A_339 = tpu.vector_load %arg11[%swap3A_338] {strides = array<i32>} : memref<80xi32, #tpu.memory_space<vmem>>, vector<16xi32>,
      %swap3A_340 = vector.shape_cast %swap3A_339 : vector<16xi32> to vector<16xi32>
      %swap3A_341 = vector.shape_cast %add3A_337 : vector<16xi32> to vector<16xi32>
      tpu.vector_store %arg11[%swap3A_338], %swap3A_341 {strides = array<i32>} : memref<80xi32, #tpu.memory_space<vmem>>, vector<16xi32>,
      %ge3A_342 = arith.constant 0 : i32
      %ge3A_343 = vector.broadcast %ge3A_342 : i32 to vector<16xi32>
      %ge3A_344 = arith.cmpi sge, %get3A_328, %ge3A_343 : vector<16xi32>
      %ge3A_345 = arith.constant 5000 : i32
      %ge3A_346 = vector.broadcast %ge3A_345 : i32 to vector<16xi32>
      %ge3A_347 = arith.cmpi sge, %get3A_328, %ge3A_346 : vector<16xi32>
      %jit3A_348 = arith.constant 120 : i32
      %jit3A_349 = arith.constant 0 : i32
      %broadcast_in_dim3A_350 = vector.broadcast %jit3A_348 : i32 to vector<16xi32>
      %broadcast_in_dim3A_351 = vector.broadcast %jit3A_349 : i32 to vector<16xi32>
      %select_n3A_352 = arith.select %ge3A_347, %broadcast_in_dim3A_350, %broadcast_in_dim3A_351 : vector<16xi1>, vector<16xi32>
      %add3A_353 = arith.addi %get3A_328, %select_n3A_352 : vector<16xi32>
      %jit3A_354 = arith.constant 0 : i32
      %broadcast_in_dim3A_355 = vector.broadcast %jit3A_354 : i32 to vector<16xi32>
      %select_n3A_356 = arith.select %ge3A_344, %add3A_353, %broadcast_in_dim3A_355 : vector<16xi1>, vector<16xi32>
      %swap3A_357 = arith.constant 48 : index
      %swap3A_358 = tpu.vector_load %arg12[%swap3A_357] {strides = array<i32>} : memref<80xi32, #tpu.memory_space<vmem>>, vector<16xi32>,
      %swap3A_359 = vector.shape_cast %swap3A_358 : vector<16xi32> to vector<16xi32>
      %swap3A_360 = vector.shape_cast %select_n3A_356 : vector<16xi32> to vector<16xi32>
      tpu.vector_store %arg12[%swap3A_357], %swap3A_360 {strides = array<i32>} : memref<80xi32, #tpu.memory_space<vmem>>, vector<16xi32>,
      %get3A_361 = arith.constant 64 : index
      %get3A_362 = tpu.vector_load %arg7[%get3A_361] {strides = array<i32>} : memref<80xi32, #tpu.memory_space<vmem>>, vector<16xi32>,
      %get3A_363 = vector.shape_cast %get3A_362 : vector<16xi32> to vector<16xi32>
      %get3A_364 = arith.constant 64 : index
      %get3A_365 = tpu.vector_load %arg8[%get3A_364] {strides = array<i32>} : memref<80xi32, #tpu.memory_space<vmem>>, vector<16xi32>,
      %get3A_366 = vector.shape_cast %get3A_365 : vector<16xi32> to vector<16xi32>
      %ge3A_367 = arith.constant 5000 : i32
      %ge3A_368 = vector.broadcast %ge3A_367 : i32 to vector<16xi32>
      %ge3A_369 = arith.cmpi sge, %get3A_363, %ge3A_368 : vector<16xi32>
      %jit3A_370 = arith.constant 120 : i32
      %jit3A_371 = arith.constant 0 : i32
      %broadcast_in_dim3A_372 = vector.broadcast %jit3A_370 : i32 to vector<16xi32>
      %broadcast_in_dim3A_373 = vector.broadcast %jit3A_371 : i32 to vector<16xi32>
      %select_n3A_374 = arith.select %ge3A_369, %broadcast_in_dim3A_372, %broadcast_in_dim3A_373 : vector<16xi1>, vector<16xi32>
      %add3A_375 = arith.addi %get3A_363, %select_n3A_374 : vector<16xi32>
      %swap3A_376 = arith.constant 64 : index
      %swap3A_377 = tpu.vector_load %arg11[%swap3A_376] {strides = array<i32>} : memref<80xi32, #tpu.memory_space<vmem>>, vector<16xi32>,
      %swap3A_378 = vector.shape_cast %swap3A_377 : vector<16xi32> to vector<16xi32>
      %swap3A_379 = vector.shape_cast %add3A_375 : vector<16xi32> to vector<16xi32>
      tpu.vector_store %arg11[%swap3A_376], %swap3A_379 {strides = array<i32>} : memref<80xi32, #tpu.memory_space<vmem>>, vector<16xi32>,
      %ge3A_380 = arith.constant 0 : i32
      %ge3A_381 = vector.broadcast %ge3A_380 : i32 to vector<16xi32>
      %ge3A_382 = arith.cmpi sge, %get3A_366, %ge3A_381 : vector<16xi32>
      %ge3A_383 = arith.constant 5000 : i32
      %ge3A_384 = vector.broadcast %ge3A_383 : i32 to vector<16xi32>
      %ge3A_385 = arith.cmpi sge, %get3A_366, %ge3A_384 : vector<16xi32>
      %jit3A_386 = arith.constant 120 : i32
      %jit3A_387 = arith.constant 0 : i32
      %broadcast_in_dim3A_388 = vector.broadcast %jit3A_386 : i32 to vector<16xi32>
      %broadcast_in_dim3A_389 = vector.broadcast %jit3A_387 : i32 to vector<16xi32>
      %select_n3A_390 = arith.select %ge3A_385, %broadcast_in_dim3A_388, %broadcast_in_dim3A_389 : vector<16xi1>, vector<16xi32>
      %add3A_391 = arith.addi %get3A_366, %select_n3A_390 : vector<16xi32>
      %jit3A_392 = arith.constant 0 : i32
      %broadcast_in_dim3A_393 = vector.broadcast %jit3A_392 : i32 to vector<16xi32>
      %select_n3A_394 = arith.select %ge3A_382, %add3A_391, %broadcast_in_dim3A_393 : vector<16xi1>, vector<16xi32>
      %swap3A_395 = arith.constant 64 : index
      %swap3A_396 = tpu.vector_load %arg12[%swap3A_395] {strides = array<i32>} : memref<80xi32, #tpu.memory_space<vmem>>, vector<16xi32>,
      %swap3A_397 = vector.shape_cast %swap3A_396 : vector<16xi32> to vector<16xi32>
      %swap3A_398 = vector.shape_cast %select_n3A_394 : vector<16xi32> to vector<16xi32>
      tpu.vector_store %arg12[%swap3A_395], %swap3A_398 {strides = array<i32>} : memref<80xi32, #tpu.memory_space<vmem>>, vector<16xi32>,
      %dma_start3A_399 = arith.constant 0 : i32
      %dma_start3A_400 = arith.constant 0 : i32
      %dma_start3A_401 = tpu.memref_slice %arg2[%dma_start3A_399, %dma_start3A_400] : memref<10240x256xf32, #tpu.memory_space<hbm>> -> memref<10240x256xf32, #tpu.memory_space<hbm>>
      tpu.enqueue_indirect_dma source(%dma_start3A_401 : memref<10240x256xf32, #tpu.memory_space<hbm>>) target(%arg15 : memref<80x256xf32, #tpu.memory_space<vmem>>) offsets(%arg11 : memref<80xi32, #tpu.memory_space<vmem>>) semaphore(%arg18 : memref<!tpu.dma_semaphore, #tpu.memory_space<semaphore_mem>>)
      %dma_start3A_402 = arith.constant 0 : i32
      %dma_start3A_403 = arith.constant 0 : i32
      %dma_start3A_404 = tpu.memref_slice %arg2[%dma_start3A_402, %dma_start3A_403] : memref<10240x256xf32, #tpu.memory_space<hbm>> -> memref<10240x256xf32, #tpu.memory_space<hbm>>
      tpu.enqueue_indirect_dma source(%dma_start3A_404 : memref<10240x256xf32, #tpu.memory_space<hbm>>) target(%arg16 : memref<80x256xf32, #tpu.memory_space<vmem>>) offsets(%arg12 : memref<80xi32, #tpu.memory_space<vmem>>) semaphore(%arg18 : memref<!tpu.dma_semaphore, #tpu.memory_space<semaphore_mem>>)
      %mul3A_405 = arith.constant 80 : i32
      %mul3A_406 = arith.muli %mul3A_203, %mul3A_405 : i32
      %add3A_407 = arith.addi %mul3A_2, %mul3A_406 : i32
      %dma_wait3A = arith.constant 0 : i32
      %dma_wait3A_408 = arith.constant 0 : i32
      %dma_wait3A_409 = tpu.memref_slice %arg2[%dma_wait3A, %dma_wait3A_408] : memref<10240x256xf32, #tpu.memory_space<hbm>> -> memref<10240x256xf32, #tpu.memory_space<hbm>>
      tpu.wait_indirect_dma semaphore(%arg17 : memref<!tpu.dma_semaphore, #tpu.memory_space<semaphore_mem>>) src(%dma_wait3A_409 : memref<10240x256xf32, #tpu.memory_space<hbm>>) dst(%arg13 : memref<80x256xf32, #tpu.memory_space<vmem>>)
      %dma_wait3A_410 = arith.constant 0 : i32
      %dma_wait3A_411 = arith.constant 0 : i32
      %dma_wait3A_412 = tpu.memref_slice %arg2[%dma_wait3A_410, %dma_wait3A_411] : memref<10240x256xf32, #tpu.memory_space<hbm>> -> memref<10240x256xf32, #tpu.memory_space<hbm>>
      tpu.wait_indirect_dma semaphore(%arg17 : memref<!tpu.dma_semaphore, #tpu.memory_space<semaphore_mem>>) src(%dma_wait3A_412 : memref<10240x256xf32, #tpu.memory_space<hbm>>) dst(%arg14 : memref<80x256xf32, #tpu.memory_space<vmem>>)
      "tpu.region"() ({
        %run_scoped3A = tpu.sem_alloc : memref<!tpu.dma_semaphore, #tpu.memory_space<semaphore_mem>>
        %dma_start3A_443 = arith.constant 0 : i32
        %dma_start3A_444 = tpu.memref_slice %arg5[%add3A_407, %dma_start3A_443] : memref<163840x256xf32, #tpu.memory_space<hbm>> -> memref<80x256xf32, #tpu.memory_space<hbm>>
        %dma_start3A_445 = arith.constant 0 : i32
        %dma_start3A_446 = tpu.memref_slice %arg5[%add3A_407, %dma_start3A_445] : memref<163840x256xf32, #tpu.memory_space<hbm>> -> memref<80x256xf32, #tpu.memory_space<hbm>>
        tpu.enqueue_dma source(%arg13 : memref<80x256xf32, #tpu.memory_space<vmem>>) target(%dma_start3A_446 : memref<80x256xf32, #tpu.memory_space<hbm>>) target_semaphore(%run_scoped3A : memref<!tpu.dma_semaphore, #tpu.memory_space<semaphore_mem>>)
        %dma_wait3A_447 = arith.constant 0 : i32
        %dma_wait3A_448 = tpu.memref_slice %arg5[%add3A_407, %dma_wait3A_447] : memref<163840x256xf32, #tpu.memory_space<hbm>> -> memref<80x256xf32, #tpu.memory_space<hbm>>
        %dma_wait3A_449 = arith.constant 0 : i32
        %dma_wait3A_450 = tpu.memref_slice %arg5[%add3A_407, %dma_wait3A_449] : memref<163840x256xf32, #tpu.memory_space<hbm>> -> memref<80x256xf32, #tpu.memory_space<hbm>>
        tpu.wait_dma2 semaphore(%run_scoped3A : memref<!tpu.dma_semaphore, #tpu.memory_space<semaphore_mem>>) src(%arg13 : memref<80x256xf32, #tpu.memory_space<vmem>>) dst(%dma_wait3A_450 : memref<80x256xf32, #tpu.memory_space<hbm>>)
        tpu.yield
      }) : () -> ()
      %scan3A_413 = arith.constant 0 : i32
      %scan3A_414 = arith.constant 0 : i32
      %scan3A_415 = arith.constant 80 : i32
      %scan3A_416 = arith.addi %scan3A_414, %scan3A_415 : i32
      %scan3A_417 = arith.constant 1 : i32
      %scan3A_418 = scf.for %scan3A_443 = %scan3A_414 to %scan3A_416 step %scan3A_417 iter_args(%scan3A_444 = %scan3A_413) -> (i32)  : i32 {
        %get3A_445 = arith.index_cast %scan3A_443 : i32 to index
        %get3A_446 = arith.constant 0 : index
        %get3A_447 = tpu.vector_load %arg13[%get3A_445, %get3A_446] {strides = array<i32>} : memref<80x256xf32, #tpu.memory_space<vmem>>, vector<1x16xf32>,
        %get3A_448 = vector.shape_cast %get3A_447 : vector<1x16xf32> to vector<16xf32>
        %get3A_449 = arith.index_cast %scan3A_443 : i32 to index
        %get3A_450 = arith.constant 0 : index
        %get3A_451 = tpu.vector_load %arg14[%get3A_449, %get3A_450] {strides = array<i32>} : memref<80x256xf32, #tpu.memory_space<vmem>>, vector<1x16xf32>,
        %get3A_452 = vector.shape_cast %get3A_451 : vector<1x16xf32> to vector<16xf32>
        %add3A_453 = arith.addf %get3A_448, %get3A_452 : vector<16xf32>
        %swap3A_454 = arith.index_cast %scan3A_443 : i32 to index
        %swap3A_455 = arith.constant 0 : index
        %swap3A_456 = tpu.vector_load %arg13[%swap3A_454, %swap3A_455] {strides = array<i32>} : memref<80x256xf32, #tpu.memory_space<vmem>>, vector<1x16xf32>,
        %swap3A_457 = vector.shape_cast %swap3A_456 : vector<1x16xf32> to vector<16xf32>
        %swap3A_458 = vector.shape_cast %add3A_453 : vector<16xf32> to vector<1x16xf32>
        tpu.vector_store %arg13[%swap3A_454, %swap3A_455], %swap3A_458 {strides = array<i32>} : memref<80x256xf32, #tpu.memory_space<vmem>>, vector<1x16xf32>,
        %get3A_459 = arith.index_cast %scan3A_443 : i32 to index
        %get3A_460 = arith.constant 16 : index
        %get3A_461 = tpu.vector_load %arg13[%get3A_459, %get3A_460] {strides = array<i32>} : memref<80x256xf32, #tpu.memory_space<vmem>>, vector<1x16xf32>,
        %get3A_462 = vector.shape_cast %get3A_461 : vector<1x16xf32> to vector<16xf32>
        %get3A_463 = arith.index_cast %scan3A_443 : i32 to index
        %get3A_464 = arith.constant 16 : index
        %get3A_465 = tpu.vector_load %arg14[%get3A_463, %get3A_464] {strides = array<i32>} : memref<80x256xf32, #tpu.memory_space<vmem>>, vector<1x16xf32>,
        %get3A_466 = vector.shape_cast %get3A_465 : vector<1x16xf32> to vector<16xf32>
        %add3A_467 = arith.addf %get3A_462, %get3A_466 : vector<16xf32>
        %swap3A_468 = arith.index_cast %scan3A_443 : i32 to index
        %swap3A_469 = arith.constant 16 : index
        %swap3A_470 = tpu.vector_load %arg13[%swap3A_468, %swap3A_469] {strides = array<i32>} : memref<80x256xf32, #tpu.memory_space<vmem>>, vector<1x16xf32>,
        %swap3A_471 = vector.shape_cast %swap3A_470 : vector<1x16xf32> to vector<16xf32>
        %swap3A_472 = vector.shape_cast %add3A_467 : vector<16xf32> to vector<1x16xf32>
        tpu.vector_store %arg13[%swap3A_468, %swap3A_469], %swap3A_472 {strides = array<i32>} : memref<80x256xf32, #tpu.memory_space<vmem>>, vector<1x16xf32>,
        %get3A_473 = arith.index_cast %scan3A_443 : i32 to index
        %get3A_474 = arith.constant 32 : index
        %get3A_475 = tpu.vector_load %arg13[%get3A_473, %get3A_474] {strides = array<i32>} : memref<80x256xf32, #tpu.memory_space<vmem>>, vector<1x16xf32>,
        %get3A_476 = vector.shape_cast %get3A_475 : vector<1x16xf32> to vector<16xf32>
        %get3A_477 = arith.index_cast %scan3A_443 : i32 to index
        %get3A_478 = arith.constant 32 : index
        %get3A_479 = tpu.vector_load %arg14[%get3A_477, %get3A_478] {strides = array<i32>} : memref<80x256xf32, #tpu.memory_space<vmem>>, vector<1x16xf32>,
        %get3A_480 = vector.shape_cast %get3A_479 : vector<1x16xf32> to vector<16xf32>
        %add3A_481 = arith.addf %get3A_476, %get3A_480 : vector<16xf32>
        %swap3A_482 = arith.index_cast %scan3A_443 : i32 to index
        %swap3A_483 = arith.constant 32 : index
        %swap3A_484 = tpu.vector_load %arg13[%swap3A_482, %swap3A_483] {strides = array<i32>} : memref<80x256xf32, #tpu.memory_space<vmem>>, vector<1x16xf32>,
        %swap3A_485 = vector.shape_cast %swap3A_484 : vector<1x16xf32> to vector<16xf32>
        %swap3A_486 = vector.shape_cast %add3A_481 : vector<16xf32> to vector<1x16xf32>
        tpu.vector_store %arg13[%swap3A_482, %swap3A_483], %swap3A_486 {strides = array<i32>} : memref<80x256xf32, #tpu.memory_space<vmem>>, vector<1x16xf32>,
        %get3A_487 = arith.index_cast %scan3A_443 : i32 to index
        %get3A_488 = arith.constant 48 : index
        %get3A_489 = tpu.vector_load %arg13[%get3A_487, %get3A_488] {strides = array<i32>} : memref<80x256xf32, #tpu.memory_space<vmem>>, vector<1x16xf32>,
        %get3A_490 = vector.shape_cast %get3A_489 : vector<1x16xf32> to vector<16xf32>
        %get3A_491 = arith.index_cast %scan3A_443 : i32 to index
        %get3A_492 = arith.constant 48 : index
        %get3A_493 = tpu.vector_load %arg14[%get3A_491, %get3A_492] {strides = array<i32>} : memref<80x256xf32, #tpu.memory_space<vmem>>, vector<1x16xf32>,
        %get3A_494 = vector.shape_cast %get3A_493 : vector<1x16xf32> to vector<16xf32>
        %add3A_495 = arith.addf %get3A_490, %get3A_494 : vector<16xf32>
        %swap3A_496 = arith.index_cast %scan3A_443 : i32 to index
        %swap3A_497 = arith.constant 48 : index
        %swap3A_498 = tpu.vector_load %arg13[%swap3A_496, %swap3A_497] {strides = array<i32>} : memref<80x256xf32, #tpu.memory_space<vmem>>, vector<1x16xf32>,
        %swap3A_499 = vector.shape_cast %swap3A_498 : vector<1x16xf32> to vector<16xf32>
        %swap3A_500 = vector.shape_cast %add3A_495 : vector<16xf32> to vector<1x16xf32>
        tpu.vector_store %arg13[%swap3A_496, %swap3A_497], %swap3A_500 {strides = array<i32>} : memref<80x256xf32, #tpu.memory_space<vmem>>, vector<1x16xf32>,
        %get3A_501 = arith.index_cast %scan3A_443 : i32 to index
        %get3A_502 = arith.constant 64 : index
        %get3A_503 = tpu.vector_load %arg13[%get3A_501, %get3A_502] {strides = array<i32>} : memref<80x256xf32, #tpu.memory_space<vmem>>, vector<1x16xf32>,
        %get3A_504 = vector.shape_cast %get3A_503 : vector<1x16xf32> to vector<16xf32>
        %get3A_505 = arith.index_cast %scan3A_443 : i32 to index
        %get3A_506 = arith.constant 64 : index
        %get3A_507 = tpu.vector_load %arg14[%get3A_505, %get3A_506] {strides = array<i32>} : memref<80x256xf32, #tpu.memory_space<vmem>>, vector<1x16xf32>,
        %get3A_508 = vector.shape_cast %get3A_507 : vector<1x16xf32> to vector<16xf32>
        %add3A_509 = arith.addf %get3A_504, %get3A_508 : vector<16xf32>
        %swap3A_510 = arith.index_cast %scan3A_443 : i32 to index
        %swap3A_511 = arith.constant 64 : index
        %swap3A_512 = tpu.vector_load %arg13[%swap3A_510, %swap3A_511] {strides = array<i32>} : memref<80x256xf32, #tpu.memory_space<vmem>>, vector<1x16xf32>,
        %swap3A_513 = vector.shape_cast %swap3A_512 : vector<1x16xf32> to vector<16xf32>
        %swap3A_514 = vector.shape_cast %add3A_509 : vector<16xf32> to vector<1x16xf32>
        tpu.vector_store %arg13[%swap3A_510, %swap3A_511], %swap3A_514 {strides = array<i32>} : memref<80x256xf32, #tpu.memory_space<vmem>>, vector<1x16xf32>,
        %get3A_515 = arith.index_cast %scan3A_443 : i32 to index
        %get3A_516 = arith.constant 80 : index
        %get3A_517 = tpu.vector_load %arg13[%get3A_515, %get3A_516] {strides = array<i32>} : memref<80x256xf32, #tpu.memory_space<vmem>>, vector<1x16xf32>,
        %get3A_518 = vector.shape_cast %get3A_517 : vector<1x16xf32> to vector<16xf32>
        %get3A_519 = arith.index_cast %scan3A_443 : i32 to index
        %get3A_520 = arith.constant 80 : index
        %get3A_521 = tpu.vector_load %arg14[%get3A_519, %get3A_520] {strides = array<i32>} : memref<80x256xf32, #tpu.memory_space<vmem>>, vector<1x16xf32>,
        %get3A_522 = vector.shape_cast %get3A_521 : vector<1x16xf32> to vector<16xf32>
        %add3A_523 = arith.addf %get3A_518, %get3A_522 : vector<16xf32>
        %swap3A_524 = arith.index_cast %scan3A_443 : i32 to index
        %swap3A_525 = arith.constant 80 : index
        %swap3A_526 = tpu.vector_load %arg13[%swap3A_524, %swap3A_525] {strides = array<i32>} : memref<80x256xf32, #tpu.memory_space<vmem>>, vector<1x16xf32>,
        %swap3A_527 = vector.shape_cast %swap3A_526 : vector<1x16xf32> to vector<16xf32>
        %swap3A_528 = vector.shape_cast %add3A_523 : vector<16xf32> to vector<1x16xf32>
        tpu.vector_store %arg13[%swap3A_524, %swap3A_525], %swap3A_528 {strides = array<i32>} : memref<80x256xf32, #tpu.memory_space<vmem>>, vector<1x16xf32>,
        %get3A_529 = arith.index_cast %scan3A_443 : i32 to index
        %get3A_530 = arith.constant 96 : index
        %get3A_531 = tpu.vector_load %arg13[%get3A_529, %get3A_530] {strides = array<i32>} : memref<80x256xf32, #tpu.memory_space<vmem>>, vector<1x16xf32>,
        %get3A_532 = vector.shape_cast %get3A_531 : vector<1x16xf32> to vector<16xf32>
        %get3A_533 = arith.index_cast %scan3A_443 : i32 to index
        %get3A_534 = arith.constant 96 : index
        %get3A_535 = tpu.vector_load %arg14[%get3A_533, %get3A_534] {strides = array<i32>} : memref<80x256xf32, #tpu.memory_space<vmem>>, vector<1x16xf32>,
        %get3A_536 = vector.shape_cast %get3A_535 : vector<1x16xf32> to vector<16xf32>
        %add3A_537 = arith.addf %get3A_532, %get3A_536 : vector<16xf32>
        %swap3A_538 = arith.index_cast %scan3A_443 : i32 to index
        %swap3A_539 = arith.constant 96 : index
        %swap3A_540 = tpu.vector_load %arg13[%swap3A_538, %swap3A_539] {strides = array<i32>} : memref<80x256xf32, #tpu.memory_space<vmem>>, vector<1x16xf32>,
        %swap3A_541 = vector.shape_cast %swap3A_540 : vector<1x16xf32> to vector<16xf32>
        %swap3A_542 = vector.shape_cast %add3A_537 : vector<16xf32> to vector<1x16xf32>
        tpu.vector_store %arg13[%swap3A_538, %swap3A_539], %swap3A_542 {strides = array<i32>} : memref<80x256xf32, #tpu.memory_space<vmem>>, vector<1x16xf32>,
        %get3A_543 = arith.index_cast %scan3A_443 : i32 to index
        %get3A_544 = arith.constant 112 : index
        %get3A_545 = tpu.vector_load %arg13[%get3A_543, %get3A_544] {strides = array<i32>} : memref<80x256xf32, #tpu.memory_space<vmem>>, vector<1x16xf32>,
        %get3A_546 = vector.shape_cast %get3A_545 : vector<1x16xf32> to vector<16xf32>
        %get3A_547 = arith.index_cast %scan3A_443 : i32 to index
        %get3A_548 = arith.constant 112 : index
        %get3A_549 = tpu.vector_load %arg14[%get3A_547, %get3A_548] {strides = array<i32>} : memref<80x256xf32, #tpu.memory_space<vmem>>, vector<1x16xf32>,
        %get3A_550 = vector.shape_cast %get3A_549 : vector<1x16xf32> to vector<16xf32>
        %add3A_551 = arith.addf %get3A_546, %get3A_550 : vector<16xf32>
        %swap3A_552 = arith.index_cast %scan3A_443 : i32 to index
        %swap3A_553 = arith.constant 112 : index
        %swap3A_554 = tpu.vector_load %arg13[%swap3A_552, %swap3A_553] {strides = array<i32>} : memref<80x256xf32, #tpu.memory_space<vmem>>, vector<1x16xf32>,
        %swap3A_555 = vector.shape_cast %swap3A_554 : vector<1x16xf32> to vector<16xf32>
        %swap3A_556 = vector.shape_cast %add3A_551 : vector<16xf32> to vector<1x16xf32>
        tpu.vector_store %arg13[%swap3A_552, %swap3A_553], %swap3A_556 {strides = array<i32>} : memref<80x256xf32, #tpu.memory_space<vmem>>, vector<1x16xf32>,
        %get3A_557 = arith.index_cast %scan3A_443 : i32 to index
        %get3A_558 = arith.constant 128 : index
        %get3A_559 = tpu.vector_load %arg13[%get3A_557, %get3A_558] {strides = array<i32>} : memref<80x256xf32, #tpu.memory_space<vmem>>, vector<1x16xf32>,
        %get3A_560 = vector.shape_cast %get3A_559 : vector<1x16xf32> to vector<16xf32>
        %get3A_561 = arith.index_cast %scan3A_443 : i32 to index
        %get3A_562 = arith.constant 128 : index
        %get3A_563 = tpu.vector_load %arg14[%get3A_561, %get3A_562] {strides = array<i32>} : memref<80x256xf32, #tpu.memory_space<vmem>>, vector<1x16xf32>,
        %get3A_564 = vector.shape_cast %get3A_563 : vector<1x16xf32> to vector<16xf32>
        %add3A_565 = arith.addf %get3A_560, %get3A_564 : vector<16xf32>
        %swap3A_566 = arith.index_cast %scan3A_443 : i32 to index
        %swap3A_567 = arith.constant 128 : index
        %swap3A_568 = tpu.vector_load %arg13[%swap3A_566, %swap3A_567] {strides = array<i32>} : memref<80x256xf32, #tpu.memory_space<vmem>>, vector<1x16xf32>,
        %swap3A_569 = vector.shape_cast %swap3A_568 : vector<1x16xf32> to vector<16xf32>
        %swap3A_570 = vector.shape_cast %add3A_565 : vector<16xf32> to vector<1x16xf32>
        tpu.vector_store %arg13[%swap3A_566, %swap3A_567], %swap3A_570 {strides = array<i32>} : memref<80x256xf32, #tpu.memory_space<vmem>>, vector<1x16xf32>,
        %get3A_571 = arith.index_cast %scan3A_443 : i32 to index
        %get3A_572 = arith.constant 144 : index
        %get3A_573 = tpu.vector_load %arg13[%get3A_571, %get3A_572] {strides = array<i32>} : memref<80x256xf32, #tpu.memory_space<vmem>>, vector<1x16xf32>,
        %get3A_574 = vector.shape_cast %get3A_573 : vector<1x16xf32> to vector<16xf32>
        %get3A_575 = arith.index_cast %scan3A_443 : i32 to index
        %get3A_576 = arith.constant 144 : index
        %get3A_577 = tpu.vector_load %arg14[%get3A_575, %get3A_576] {strides = array<i32>} : memref<80x256xf32, #tpu.memory_space<vmem>>, vector<1x16xf32>,
        %get3A_578 = vector.shape_cast %get3A_577 : vector<1x16xf32> to vector<16xf32>
        %add3A_579 = arith.addf %get3A_574, %get3A_578 : vector<16xf32>
        %swap3A_580 = arith.index_cast %scan3A_443 : i32 to index
        %swap3A_581 = arith.constant 144 : index
        %swap3A_582 = tpu.vector_load %arg13[%swap3A_580, %swap3A_581] {strides = array<i32>} : memref<80x256xf32, #tpu.memory_space<vmem>>, vector<1x16xf32>,
        %swap3A_583 = vector.shape_cast %swap3A_582 : vector<1x16xf32> to vector<16xf32>
        %swap3A_584 = vector.shape_cast %add3A_579 : vector<16xf32> to vector<1x16xf32>
        tpu.vector_store %arg13[%swap3A_580, %swap3A_581], %swap3A_584 {strides = array<i32>} : memref<80x256xf32, #tpu.memory_space<vmem>>, vector<1x16xf32>,
        %get3A_585 = arith.index_cast %scan3A_443 : i32 to index
        %get3A_586 = arith.constant 160 : index
        %get3A_587 = tpu.vector_load %arg13[%get3A_585, %get3A_586] {strides = array<i32>} : memref<80x256xf32, #tpu.memory_space<vmem>>, vector<1x16xf32>,
        %get3A_588 = vector.shape_cast %get3A_587 : vector<1x16xf32> to vector<16xf32>
        %get3A_589 = arith.index_cast %scan3A_443 : i32 to index
        %get3A_590 = arith.constant 160 : index
        %get3A_591 = tpu.vector_load %arg14[%get3A_589, %get3A_590] {strides = array<i32>} : memref<80x256xf32, #tpu.memory_space<vmem>>, vector<1x16xf32>,
        %get3A_592 = vector.shape_cast %get3A_591 : vector<1x16xf32> to vector<16xf32>
        %add3A_593 = arith.addf %get3A_588, %get3A_592 : vector<16xf32>
        %swap3A_594 = arith.index_cast %scan3A_443 : i32 to index
        %swap3A_595 = arith.constant 160 : index
        %swap3A_596 = tpu.vector_load %arg13[%swap3A_594, %swap3A_595] {strides = array<i32>} : memref<80x256xf32, #tpu.memory_space<vmem>>, vector<1x16xf32>,
        %swap3A_597 = vector.shape_cast %swap3A_596 : vector<1x16xf32> to vector<16xf32>
        %swap3A_598 = vector.shape_cast %add3A_593 : vector<16xf32> to vector<1x16xf32>
        tpu.vector_store %arg13[%swap3A_594, %swap3A_595], %swap3A_598 {strides = array<i32>} : memref<80x256xf32, #tpu.memory_space<vmem>>, vector<1x16xf32>,
        %get3A_599 = arith.index_cast %scan3A_443 : i32 to index
        %get3A_600 = arith.constant 176 : index
        %get3A_601 = tpu.vector_load %arg13[%get3A_599, %get3A_600] {strides = array<i32>} : memref<80x256xf32, #tpu.memory_space<vmem>>, vector<1x16xf32>,
        %get3A_602 = vector.shape_cast %get3A_601 : vector<1x16xf32> to vector<16xf32>
        %get3A_603 = arith.index_cast %scan3A_443 : i32 to index
        %get3A_604 = arith.constant 176 : index
        %get3A_605 = tpu.vector_load %arg14[%get3A_603, %get3A_604] {strides = array<i32>} : memref<80x256xf32, #tpu.memory_space<vmem>>, vector<1x16xf32>,
        %get3A_606 = vector.shape_cast %get3A_605 : vector<1x16xf32> to vector<16xf32>
        %add3A_607 = arith.addf %get3A_602, %get3A_606 : vector<16xf32>
        %swap3A_608 = arith.index_cast %scan3A_443 : i32 to index
        %swap3A_609 = arith.constant 176 : index
        %swap3A_610 = tpu.vector_load %arg13[%swap3A_608, %swap3A_609] {strides = array<i32>} : memref<80x256xf32, #tpu.memory_space<vmem>>, vector<1x16xf32>,
        %swap3A_611 = vector.shape_cast %swap3A_610 : vector<1x16xf32> to vector<16xf32>
        %swap3A_612 = vector.shape_cast %add3A_607 : vector<16xf32> to vector<1x16xf32>
        tpu.vector_store %arg13[%swap3A_608, %swap3A_609], %swap3A_612 {strides = array<i32>} : memref<80x256xf32, #tpu.memory_space<vmem>>, vector<1x16xf32>,
        %get3A_613 = arith.index_cast %scan3A_443 : i32 to index
        %get3A_614 = arith.constant 192 : index
        %get3A_615 = tpu.vector_load %arg13[%get3A_613, %get3A_614] {strides = array<i32>} : memref<80x256xf32, #tpu.memory_space<vmem>>, vector<1x16xf32>,
        %get3A_616 = vector.shape_cast %get3A_615 : vector<1x16xf32> to vector<16xf32>
        %get3A_617 = arith.index_cast %scan3A_443 : i32 to index
        %get3A_618 = arith.constant 192 : index
        %get3A_619 = tpu.vector_load %arg14[%get3A_617, %get3A_618] {strides = array<i32>} : memref<80x256xf32, #tpu.memory_space<vmem>>, vector<1x16xf32>,
        %get3A_620 = vector.shape_cast %get3A_619 : vector<1x16xf32> to vector<16xf32>
        %add3A_621 = arith.addf %get3A_616, %get3A_620 : vector<16xf32>
        %swap3A_622 = arith.index_cast %scan3A_443 : i32 to index
        %swap3A_623 = arith.constant 192 : index
        %swap3A_624 = tpu.vector_load %arg13[%swap3A_622, %swap3A_623] {strides = array<i32>} : memref<80x256xf32, #tpu.memory_space<vmem>>, vector<1x16xf32>,
        %swap3A_625 = vector.shape_cast %swap3A_624 : vector<1x16xf32> to vector<16xf32>
        %swap3A_626 = vector.shape_cast %add3A_621 : vector<16xf32> to vector<1x16xf32>
        tpu.vector_store %arg13[%swap3A_622, %swap3A_623], %swap3A_626 {strides = array<i32>} : memref<80x256xf32, #tpu.memory_space<vmem>>, vector<1x16xf32>,
        %get3A_627 = arith.index_cast %scan3A_443 : i32 to index
        %get3A_628 = arith.constant 208 : index
        %get3A_629 = tpu.vector_load %arg13[%get3A_627, %get3A_628] {strides = array<i32>} : memref<80x256xf32, #tpu.memory_space<vmem>>, vector<1x16xf32>,
        %get3A_630 = vector.shape_cast %get3A_629 : vector<1x16xf32> to vector<16xf32>
        %get3A_631 = arith.index_cast %scan3A_443 : i32 to index
        %get3A_632 = arith.constant 208 : index
        %get3A_633 = tpu.vector_load %arg14[%get3A_631, %get3A_632] {strides = array<i32>} : memref<80x256xf32, #tpu.memory_space<vmem>>, vector<1x16xf32>,
        %get3A_634 = vector.shape_cast %get3A_633 : vector<1x16xf32> to vector<16xf32>
        %add3A_635 = arith.addf %get3A_630, %get3A_634 : vector<16xf32>
        %swap3A_636 = arith.index_cast %scan3A_443 : i32 to index
        %swap3A_637 = arith.constant 208 : index
        %swap3A_638 = tpu.vector_load %arg13[%swap3A_636, %swap3A_637] {strides = array<i32>} : memref<80x256xf32, #tpu.memory_space<vmem>>, vector<1x16xf32>,
        %swap3A_639 = vector.shape_cast %swap3A_638 : vector<1x16xf32> to vector<16xf32>
        %swap3A_640 = vector.shape_cast %add3A_635 : vector<16xf32> to vector<1x16xf32>
        tpu.vector_store %arg13[%swap3A_636, %swap3A_637], %swap3A_640 {strides = array<i32>} : memref<80x256xf32, #tpu.memory_space<vmem>>, vector<1x16xf32>,
        %get3A_641 = arith.index_cast %scan3A_443 : i32 to index
        %get3A_642 = arith.constant 224 : index
        %get3A_643 = tpu.vector_load %arg13[%get3A_641, %get3A_642] {strides = array<i32>} : memref<80x256xf32, #tpu.memory_space<vmem>>, vector<1x16xf32>,
        %get3A_644 = vector.shape_cast %get3A_643 : vector<1x16xf32> to vector<16xf32>
        %get3A_645 = arith.index_cast %scan3A_443 : i32 to index
        %get3A_646 = arith.constant 224 : index
        %get3A_647 = tpu.vector_load %arg14[%get3A_645, %get3A_646] {strides = array<i32>} : memref<80x256xf32, #tpu.memory_space<vmem>>, vector<1x16xf32>,
        %get3A_648 = vector.shape_cast %get3A_647 : vector<1x16xf32> to vector<16xf32>
        %add3A_649 = arith.addf %get3A_644, %get3A_648 : vector<16xf32>
        %swap3A_650 = arith.index_cast %scan3A_443 : i32 to index
        %swap3A_651 = arith.constant 224 : index
        %swap3A_652 = tpu.vector_load %arg13[%swap3A_650, %swap3A_651] {strides = array<i32>} : memref<80x256xf32, #tpu.memory_space<vmem>>, vector<1x16xf32>,
        %swap3A_653 = vector.shape_cast %swap3A_652 : vector<1x16xf32> to vector<16xf32>
        %swap3A_654 = vector.shape_cast %add3A_649 : vector<16xf32> to vector<1x16xf32>
        tpu.vector_store %arg13[%swap3A_650, %swap3A_651], %swap3A_654 {strides = array<i32>} : memref<80x256xf32, #tpu.memory_space<vmem>>, vector<1x16xf32>,
        %get3A_655 = arith.index_cast %scan3A_443 : i32 to index
        %get3A_656 = arith.constant 240 : index
        %get3A_657 = tpu.vector_load %arg13[%get3A_655, %get3A_656] {strides = array<i32>} : memref<80x256xf32, #tpu.memory_space<vmem>>, vector<1x16xf32>,
        %get3A_658 = vector.shape_cast %get3A_657 : vector<1x16xf32> to vector<16xf32>
        %get3A_659 = arith.index_cast %scan3A_443 : i32 to index
        %get3A_660 = arith.constant 240 : index
        %get3A_661 = tpu.vector_load %arg14[%get3A_659, %get3A_660] {strides = array<i32>} : memref<80x256xf32, #tpu.memory_space<vmem>>, vector<1x16xf32>,
        %get3A_662 = vector.shape_cast %get3A_661 : vector<1x16xf32> to vector<16xf32>
        %add3A_663 = arith.addf %get3A_658, %get3A_662 : vector<16xf32>
        %swap3A_664 = arith.index_cast %scan3A_443 : i32 to index
        %swap3A_665 = arith.constant 240 : index
        %swap3A_666 = tpu.vector_load %arg13[%swap3A_664, %swap3A_665] {strides = array<i32>} : memref<80x256xf32, #tpu.memory_space<vmem>>, vector<1x16xf32>,
        %swap3A_667 = vector.shape_cast %swap3A_666 : vector<1x16xf32> to vector<16xf32>
        %swap3A_668 = vector.shape_cast %add3A_663 : vector<16xf32> to vector<1x16xf32>
        tpu.vector_store %arg13[%swap3A_664, %swap3A_665], %swap3A_668 {strides = array<i32>} : memref<80x256xf32, #tpu.memory_space<vmem>>, vector<1x16xf32>,
        %scan3A_669 = arith.constant 0 : i32
        scf.yield %scan3A_669 : i32
      }
      %scan3A_419 = arith.constant 80 : i32
      "tpu.region"() ({
        %run_scoped3A = tpu.sem_alloc : memref<!tpu.dma_semaphore, #tpu.memory_space<semaphore_mem>>
        %dma_start3A_443 = arith.constant 0 : i32
        %dma_start3A_444 = tpu.memref_slice %arg6[%add3A_407, %dma_start3A_443] : memref<163840x256xf32, #tpu.memory_space<hbm>> -> memref<80x256xf32, #tpu.memory_space<hbm>>
        %dma_start3A_445 = arith.constant 0 : i32
        %dma_start3A_446 = tpu.memref_slice %arg6[%add3A_407, %dma_start3A_445] : memref<163840x256xf32, #tpu.memory_space<hbm>> -> memref<80x256xf32, #tpu.memory_space<hbm>>
        tpu.enqueue_dma source(%arg13 : memref<80x256xf32, #tpu.memory_space<vmem>>) target(%dma_start3A_446 : memref<80x256xf32, #tpu.memory_space<hbm>>) target_semaphore(%run_scoped3A : memref<!tpu.dma_semaphore, #tpu.memory_space<semaphore_mem>>)
        %dma_wait3A_447 = arith.constant 0 : i32
        %dma_wait3A_448 = tpu.memref_slice %arg6[%add3A_407, %dma_wait3A_447] : memref<163840x256xf32, #tpu.memory_space<hbm>> -> memref<80x256xf32, #tpu.memory_space<hbm>>
        %dma_wait3A_449 = arith.constant 0 : i32
        %dma_wait3A_450 = tpu.memref_slice %arg6[%add3A_407, %dma_wait3A_449] : memref<163840x256xf32, #tpu.memory_space<hbm>> -> memref<80x256xf32, #tpu.memory_space<hbm>>
        tpu.wait_dma2 semaphore(%run_scoped3A : memref<!tpu.dma_semaphore, #tpu.memory_space<semaphore_mem>>) src(%arg13 : memref<80x256xf32, #tpu.memory_space<vmem>>) dst(%dma_wait3A_450 : memref<80x256xf32, #tpu.memory_space<hbm>>)
        tpu.yield
      }) : () -> ()
      %add3A_420 = arith.constant 2 : i32
      %add3A_421 = arith.addi %mul3A_203, %add3A_420 : i32
      %lt3A = arith.constant 64 : i32
      %lt3A_422 = arith.cmpi slt, %add3A_421, %lt3A : i32
      %convert_element_type3A = arith.extui %lt3A_422 : i1 to i32
      %cond3A = arith.constant 0 : i32
      %cond3A_423 = arith.cmpi ne, %convert_element_type3A, %cond3A : i32
      scf.if %cond3A_423 {
        %add3A_443 = arith.constant 2 : i32
        %add3A_444 = arith.addi %mul3A_203, %add3A_443 : i32
        %mul3A_445 = arith.constant 80 : i32
        %mul3A_446 = arith.muli %add3A_444, %mul3A_445 : i32
        %add3A_447 = arith.addi %mul3A_2, %mul3A_446 : i32
        "tpu.region"() ({
          %run_scoped3A = tpu.sem_alloc : memref<!tpu.dma_semaphore, #tpu.memory_space<semaphore_mem>>
          %dma_start3A_644 = tpu.memref_slice %arg3[%add3A_447] : memref<163840xi32, #tpu.memory_space<hbm>> -> memref<80xi32, #tpu.memory_space<hbm>>
          %dma_start3A_645 = tpu.memref_slice %arg3[%add3A_447] : memref<163840xi32, #tpu.memory_space<hbm>> -> memref<80xi32, #tpu.memory_space<hbm>>
          tpu.enqueue_dma source(%dma_start3A_645 : memref<80xi32, #tpu.memory_space<hbm>>) target(%arg7 : memref<80xi32, #tpu.memory_space<vmem>>) target_semaphore(%run_scoped3A : memref<!tpu.dma_semaphore, #tpu.memory_space<semaphore_mem>>)
          %dma_wait3A_646 = tpu.memref_slice %arg3[%add3A_447] : memref<163840xi32, #tpu.memory_space<hbm>> -> memref<80xi32, #tpu.memory_space<hbm>>
          %dma_wait3A_647 = tpu.memref_slice %arg3[%add3A_447] : memref<163840xi32, #tpu.memory_space<hbm>> -> memref<80xi32, #tpu.memory_space<hbm>>
          tpu.wait_dma2 semaphore(%run_scoped3A : memref<!tpu.dma_semaphore, #tpu.memory_space<semaphore_mem>>) src(%dma_wait3A_647 : memref<80xi32, #tpu.memory_space<hbm>>) dst(%arg7 : memref<80xi32, #tpu.memory_space<vmem>>)
          tpu.yield
        }) : () -> ()
        "tpu.region"() ({
          %run_scoped3A = tpu.sem_alloc : memref<!tpu.dma_semaphore, #tpu.memory_space<semaphore_mem>>
          %dma_start3A_644 = tpu.memref_slice %arg4[%add3A_447] : memref<163840xi32, #tpu.memory_space<hbm>> -> memref<80xi32, #tpu.memory_space<hbm>>
          %dma_start3A_645 = tpu.memref_slice %arg4[%add3A_447] : memref<163840xi32, #tpu.memory_space<hbm>> -> memref<80xi32, #tpu.memory_space<hbm>>
          tpu.enqueue_dma source(%dma_start3A_645 : memref<80xi32, #tpu.memory_space<hbm>>) target(%arg8 : memref<80xi32, #tpu.memory_space<vmem>>) target_semaphore(%run_scoped3A : memref<!tpu.dma_semaphore, #tpu.memory_space<semaphore_mem>>)
          %dma_wait3A_646 = tpu.memref_slice %arg4[%add3A_447] : memref<163840xi32, #tpu.memory_space<hbm>> -> memref<80xi32, #tpu.memory_space<hbm>>
          %dma_wait3A_647 = tpu.memref_slice %arg4[%add3A_447] : memref<163840xi32, #tpu.memory_space<hbm>> -> memref<80xi32, #tpu.memory_space<hbm>>
          tpu.wait_dma2 semaphore(%run_scoped3A : memref<!tpu.dma_semaphore, #tpu.memory_space<semaphore_mem>>) src(%dma_wait3A_647 : memref<80xi32, #tpu.memory_space<hbm>>) dst(%arg8 : memref<80xi32, #tpu.memory_space<vmem>>)
          tpu.yield
        }) : () -> ()
        %get3A_448 = arith.constant 0 : index
        %get3A_449 = tpu.vector_load %arg7[%get3A_448] {strides = array<i32>} : memref<80xi32, #tpu.memory_space<vmem>>, vector<16xi32>,
        %get3A_450 = vector.shape_cast %get3A_449 : vector<16xi32> to vector<16xi32>
        %get3A_451 = arith.constant 0 : index
        %get3A_452 = tpu.vector_load %arg8[%get3A_451] {strides = array<i32>} : memref<80xi32, #tpu.memory_space<vmem>>, vector<16xi32>,
        %get3A_453 = vector.shape_cast %get3A_452 : vector<16xi32> to vector<16xi32>
        %ge3A_454 = arith.constant 5000 : i32
        %ge3A_455 = vector.broadcast %ge3A_454 : i32 to vector<16xi32>
        %ge3A_456 = arith.cmpi sge, %get3A_450, %ge3A_455 : vector<16xi32>
        %jit3A_457 = arith.constant 120 : i32
        %jit3A_458 = arith.constant 0 : i32
        %broadcast_in_dim3A_459 = vector.broadcast %jit3A_457 : i32 to vector<16xi32>
        %broadcast_in_dim3A_460 = vector.broadcast %jit3A_458 : i32 to vector<16xi32>
        %select_n3A_461 = arith.select %ge3A_456, %broadcast_in_dim3A_459, %broadcast_in_dim3A_460 : vector<16xi1>, vector<16xi32>
        %add3A_462 = arith.addi %get3A_450, %select_n3A_461 : vector<16xi32>
        %swap3A_463 = arith.constant 0 : index
        %swap3A_464 = tpu.vector_load %arg9[%swap3A_463] {strides = array<i32>} : memref<80xi32, #tpu.memory_space<vmem>>, vector<16xi32>,
        %swap3A_465 = vector.shape_cast %swap3A_464 : vector<16xi32> to vector<16xi32>
        %swap3A_466 = vector.shape_cast %add3A_462 : vector<16xi32> to vector<16xi32>
        tpu.vector_store %arg9[%swap3A_463], %swap3A_466 {strides = array<i32>} : memref<80xi32, #tpu.memory_space<vmem>>, vector<16xi32>,
        %ge3A_467 = arith.constant 0 : i32
        %ge3A_468 = vector.broadcast %ge3A_467 : i32 to vector<16xi32>
        %ge3A_469 = arith.cmpi sge, %get3A_453, %ge3A_468 : vector<16xi32>
        %ge3A_470 = arith.constant 5000 : i32
        %ge3A_471 = vector.broadcast %ge3A_470 : i32 to vector<16xi32>
        %ge3A_472 = arith.cmpi sge, %get3A_453, %ge3A_471 : vector<16xi32>
        %jit3A_473 = arith.constant 120 : i32
        %jit3A_474 = arith.constant 0 : i32
        %broadcast_in_dim3A_475 = vector.broadcast %jit3A_473 : i32 to vector<16xi32>
        %broadcast_in_dim3A_476 = vector.broadcast %jit3A_474 : i32 to vector<16xi32>
        %select_n3A_477 = arith.select %ge3A_472, %broadcast_in_dim3A_475, %broadcast_in_dim3A_476 : vector<16xi1>, vector<16xi32>
        %add3A_478 = arith.addi %get3A_453, %select_n3A_477 : vector<16xi32>
        %jit3A_479 = arith.constant 0 : i32
        %broadcast_in_dim3A_480 = vector.broadcast %jit3A_479 : i32 to vector<16xi32>
        %select_n3A_481 = arith.select %ge3A_469, %add3A_478, %broadcast_in_dim3A_480 : vector<16xi1>, vector<16xi32>
        %swap3A_482 = arith.constant 0 : index
        %swap3A_483 = tpu.vector_load %arg10[%swap3A_482] {strides = array<i32>} : memref<80xi32, #tpu.memory_space<vmem>>, vector<16xi32>,
        %swap3A_484 = vector.shape_cast %swap3A_483 : vector<16xi32> to vector<16xi32>
        %swap3A_485 = vector.shape_cast %select_n3A_481 : vector<16xi32> to vector<16xi32>
        tpu.vector_store %arg10[%swap3A_482], %swap3A_485 {strides = array<i32>} : memref<80xi32, #tpu.memory_space<vmem>>, vector<16xi32>,
        %get3A_486 = arith.constant 16 : index
        %get3A_487 = tpu.vector_load %arg7[%get3A_486] {strides = array<i32>} : memref<80xi32, #tpu.memory_space<vmem>>, vector<16xi32>,
        %get3A_488 = vector.shape_cast %get3A_487 : vector<16xi32> to vector<16xi32>
        %get3A_489 = arith.constant 16 : index
        %get3A_490 = tpu.vector_load %arg8[%get3A_489] {strides = array<i32>} : memref<80xi32, #tpu.memory_space<vmem>>, vector<16xi32>,
        %get3A_491 = vector.shape_cast %get3A_490 : vector<16xi32> to vector<16xi32>
        %ge3A_492 = arith.constant 5000 : i32
        %ge3A_493 = vector.broadcast %ge3A_492 : i32 to vector<16xi32>
        %ge3A_494 = arith.cmpi sge, %get3A_488, %ge3A_493 : vector<16xi32>
        %jit3A_495 = arith.constant 120 : i32
        %jit3A_496 = arith.constant 0 : i32
        %broadcast_in_dim3A_497 = vector.broadcast %jit3A_495 : i32 to vector<16xi32>
        %broadcast_in_dim3A_498 = vector.broadcast %jit3A_496 : i32 to vector<16xi32>
        %select_n3A_499 = arith.select %ge3A_494, %broadcast_in_dim3A_497, %broadcast_in_dim3A_498 : vector<16xi1>, vector<16xi32>
        %add3A_500 = arith.addi %get3A_488, %select_n3A_499 : vector<16xi32>
        %swap3A_501 = arith.constant 16 : index
        %swap3A_502 = tpu.vector_load %arg9[%swap3A_501] {strides = array<i32>} : memref<80xi32, #tpu.memory_space<vmem>>, vector<16xi32>,
        %swap3A_503 = vector.shape_cast %swap3A_502 : vector<16xi32> to vector<16xi32>
        %swap3A_504 = vector.shape_cast %add3A_500 : vector<16xi32> to vector<16xi32>
        tpu.vector_store %arg9[%swap3A_501], %swap3A_504 {strides = array<i32>} : memref<80xi32, #tpu.memory_space<vmem>>, vector<16xi32>,
        %ge3A_505 = arith.constant 0 : i32
        %ge3A_506 = vector.broadcast %ge3A_505 : i32 to vector<16xi32>
        %ge3A_507 = arith.cmpi sge, %get3A_491, %ge3A_506 : vector<16xi32>
        %ge3A_508 = arith.constant 5000 : i32
        %ge3A_509 = vector.broadcast %ge3A_508 : i32 to vector<16xi32>
        %ge3A_510 = arith.cmpi sge, %get3A_491, %ge3A_509 : vector<16xi32>
        %jit3A_511 = arith.constant 120 : i32
        %jit3A_512 = arith.constant 0 : i32
        %broadcast_in_dim3A_513 = vector.broadcast %jit3A_511 : i32 to vector<16xi32>
        %broadcast_in_dim3A_514 = vector.broadcast %jit3A_512 : i32 to vector<16xi32>
        %select_n3A_515 = arith.select %ge3A_510, %broadcast_in_dim3A_513, %broadcast_in_dim3A_514 : vector<16xi1>, vector<16xi32>
        %add3A_516 = arith.addi %get3A_491, %select_n3A_515 : vector<16xi32>
        %jit3A_517 = arith.constant 0 : i32
        %broadcast_in_dim3A_518 = vector.broadcast %jit3A_517 : i32 to vector<16xi32>
        %select_n3A_519 = arith.select %ge3A_507, %add3A_516, %broadcast_in_dim3A_518 : vector<16xi1>, vector<16xi32>
        %swap3A_520 = arith.constant 16 : index
        %swap3A_521 = tpu.vector_load %arg10[%swap3A_520] {strides = array<i32>} : memref<80xi32, #tpu.memory_space<vmem>>, vector<16xi32>,
        %swap3A_522 = vector.shape_cast %swap3A_521 : vector<16xi32> to vector<16xi32>
        %swap3A_523 = vector.shape_cast %select_n3A_519 : vector<16xi32> to vector<16xi32>
        tpu.vector_store %arg10[%swap3A_520], %swap3A_523 {strides = array<i32>} : memref<80xi32, #tpu.memory_space<vmem>>, vector<16xi32>,
        %get3A_524 = arith.constant 32 : index
        %get3A_525 = tpu.vector_load %arg7[%get3A_524] {strides = array<i32>} : memref<80xi32, #tpu.memory_space<vmem>>, vector<16xi32>,
        %get3A_526 = vector.shape_cast %get3A_525 : vector<16xi32> to vector<16xi32>
        %get3A_527 = arith.constant 32 : index
        %get3A_528 = tpu.vector_load %arg8[%get3A_527] {strides = array<i32>} : memref<80xi32, #tpu.memory_space<vmem>>, vector<16xi32>,
        %get3A_529 = vector.shape_cast %get3A_528 : vector<16xi32> to vector<16xi32>
        %ge3A_530 = arith.constant 5000 : i32
        %ge3A_531 = vector.broadcast %ge3A_530 : i32 to vector<16xi32>
        %ge3A_532 = arith.cmpi sge, %get3A_526, %ge3A_531 : vector<16xi32>
        %jit3A_533 = arith.constant 120 : i32
        %jit3A_534 = arith.constant 0 : i32
        %broadcast_in_dim3A_535 = vector.broadcast %jit3A_533 : i32 to vector<16xi32>
        %broadcast_in_dim3A_536 = vector.broadcast %jit3A_534 : i32 to vector<16xi32>
        %select_n3A_537 = arith.select %ge3A_532, %broadcast_in_dim3A_535, %broadcast_in_dim3A_536 : vector<16xi1>, vector<16xi32>
        %add3A_538 = arith.addi %get3A_526, %select_n3A_537 : vector<16xi32>
        %swap3A_539 = arith.constant 32 : index
        %swap3A_540 = tpu.vector_load %arg9[%swap3A_539] {strides = array<i32>} : memref<80xi32, #tpu.memory_space<vmem>>, vector<16xi32>,
        %swap3A_541 = vector.shape_cast %swap3A_540 : vector<16xi32> to vector<16xi32>
        %swap3A_542 = vector.shape_cast %add3A_538 : vector<16xi32> to vector<16xi32>
        tpu.vector_store %arg9[%swap3A_539], %swap3A_542 {strides = array<i32>} : memref<80xi32, #tpu.memory_space<vmem>>, vector<16xi32>,
        %ge3A_543 = arith.constant 0 : i32
        %ge3A_544 = vector.broadcast %ge3A_543 : i32 to vector<16xi32>
        %ge3A_545 = arith.cmpi sge, %get3A_529, %ge3A_544 : vector<16xi32>
        %ge3A_546 = arith.constant 5000 : i32
        %ge3A_547 = vector.broadcast %ge3A_546 : i32 to vector<16xi32>
        %ge3A_548 = arith.cmpi sge, %get3A_529, %ge3A_547 : vector<16xi32>
        %jit3A_549 = arith.constant 120 : i32
        %jit3A_550 = arith.constant 0 : i32
        %broadcast_in_dim3A_551 = vector.broadcast %jit3A_549 : i32 to vector<16xi32>
        %broadcast_in_dim3A_552 = vector.broadcast %jit3A_550 : i32 to vector<16xi32>
        %select_n3A_553 = arith.select %ge3A_548, %broadcast_in_dim3A_551, %broadcast_in_dim3A_552 : vector<16xi1>, vector<16xi32>
        %add3A_554 = arith.addi %get3A_529, %select_n3A_553 : vector<16xi32>
        %jit3A_555 = arith.constant 0 : i32
        %broadcast_in_dim3A_556 = vector.broadcast %jit3A_555 : i32 to vector<16xi32>
        %select_n3A_557 = arith.select %ge3A_545, %add3A_554, %broadcast_in_dim3A_556 : vector<16xi1>, vector<16xi32>
        %swap3A_558 = arith.constant 32 : index
        %swap3A_559 = tpu.vector_load %arg10[%swap3A_558] {strides = array<i32>} : memref<80xi32, #tpu.memory_space<vmem>>, vector<16xi32>,
        %swap3A_560 = vector.shape_cast %swap3A_559 : vector<16xi32> to vector<16xi32>
        %swap3A_561 = vector.shape_cast %select_n3A_557 : vector<16xi32> to vector<16xi32>
        tpu.vector_store %arg10[%swap3A_558], %swap3A_561 {strides = array<i32>} : memref<80xi32, #tpu.memory_space<vmem>>, vector<16xi32>,
        %get3A_562 = arith.constant 48 : index
        %get3A_563 = tpu.vector_load %arg7[%get3A_562] {strides = array<i32>} : memref<80xi32, #tpu.memory_space<vmem>>, vector<16xi32>,
        %get3A_564 = vector.shape_cast %get3A_563 : vector<16xi32> to vector<16xi32>
        %get3A_565 = arith.constant 48 : index
        %get3A_566 = tpu.vector_load %arg8[%get3A_565] {strides = array<i32>} : memref<80xi32, #tpu.memory_space<vmem>>, vector<16xi32>,
        %get3A_567 = vector.shape_cast %get3A_566 : vector<16xi32> to vector<16xi32>
        %ge3A_568 = arith.constant 5000 : i32
        %ge3A_569 = vector.broadcast %ge3A_568 : i32 to vector<16xi32>
        %ge3A_570 = arith.cmpi sge, %get3A_564, %ge3A_569 : vector<16xi32>
        %jit3A_571 = arith.constant 120 : i32
        %jit3A_572 = arith.constant 0 : i32
        %broadcast_in_dim3A_573 = vector.broadcast %jit3A_571 : i32 to vector<16xi32>
        %broadcast_in_dim3A_574 = vector.broadcast %jit3A_572 : i32 to vector<16xi32>
        %select_n3A_575 = arith.select %ge3A_570, %broadcast_in_dim3A_573, %broadcast_in_dim3A_574 : vector<16xi1>, vector<16xi32>
        %add3A_576 = arith.addi %get3A_564, %select_n3A_575 : vector<16xi32>
        %swap3A_577 = arith.constant 48 : index
        %swap3A_578 = tpu.vector_load %arg9[%swap3A_577] {strides = array<i32>} : memref<80xi32, #tpu.memory_space<vmem>>, vector<16xi32>,
        %swap3A_579 = vector.shape_cast %swap3A_578 : vector<16xi32> to vector<16xi32>
        %swap3A_580 = vector.shape_cast %add3A_576 : vector<16xi32> to vector<16xi32>
        tpu.vector_store %arg9[%swap3A_577], %swap3A_580 {strides = array<i32>} : memref<80xi32, #tpu.memory_space<vmem>>, vector<16xi32>,
        %ge3A_581 = arith.constant 0 : i32
        %ge3A_582 = vector.broadcast %ge3A_581 : i32 to vector<16xi32>
        %ge3A_583 = arith.cmpi sge, %get3A_567, %ge3A_582 : vector<16xi32>
        %ge3A_584 = arith.constant 5000 : i32
        %ge3A_585 = vector.broadcast %ge3A_584 : i32 to vector<16xi32>
        %ge3A_586 = arith.cmpi sge, %get3A_567, %ge3A_585 : vector<16xi32>
        %jit3A_587 = arith.constant 120 : i32
        %jit3A_588 = arith.constant 0 : i32
        %broadcast_in_dim3A_589 = vector.broadcast %jit3A_587 : i32 to vector<16xi32>
        %broadcast_in_dim3A_590 = vector.broadcast %jit3A_588 : i32 to vector<16xi32>
        %select_n3A_591 = arith.select %ge3A_586, %broadcast_in_dim3A_589, %broadcast_in_dim3A_590 : vector<16xi1>, vector<16xi32>
        %add3A_592 = arith.addi %get3A_567, %select_n3A_591 : vector<16xi32>
        %jit3A_593 = arith.constant 0 : i32
        %broadcast_in_dim3A_594 = vector.broadcast %jit3A_593 : i32 to vector<16xi32>
        %select_n3A_595 = arith.select %ge3A_583, %add3A_592, %broadcast_in_dim3A_594 : vector<16xi1>, vector<16xi32>
        %swap3A_596 = arith.constant 48 : index
        %swap3A_597 = tpu.vector_load %arg10[%swap3A_596] {strides = array<i32>} : memref<80xi32, #tpu.memory_space<vmem>>, vector<16xi32>,
        %swap3A_598 = vector.shape_cast %swap3A_597 : vector<16xi32> to vector<16xi32>
        %swap3A_599 = vector.shape_cast %select_n3A_595 : vector<16xi32> to vector<16xi32>
        tpu.vector_store %arg10[%swap3A_596], %swap3A_599 {strides = array<i32>} : memref<80xi32, #tpu.memory_space<vmem>>, vector<16xi32>,
        %get3A_600 = arith.constant 64 : index
        %get3A_601 = tpu.vector_load %arg7[%get3A_600] {strides = array<i32>} : memref<80xi32, #tpu.memory_space<vmem>>, vector<16xi32>,
        %get3A_602 = vector.shape_cast %get3A_601 : vector<16xi32> to vector<16xi32>
        %get3A_603 = arith.constant 64 : index
        %get3A_604 = tpu.vector_load %arg8[%get3A_603] {strides = array<i32>} : memref<80xi32, #tpu.memory_space<vmem>>, vector<16xi32>,
        %get3A_605 = vector.shape_cast %get3A_604 : vector<16xi32> to vector<16xi32>
        %ge3A_606 = arith.constant 5000 : i32
        %ge3A_607 = vector.broadcast %ge3A_606 : i32 to vector<16xi32>
        %ge3A_608 = arith.cmpi sge, %get3A_602, %ge3A_607 : vector<16xi32>
        %jit3A_609 = arith.constant 120 : i32
        %jit3A_610 = arith.constant 0 : i32
        %broadcast_in_dim3A_611 = vector.broadcast %jit3A_609 : i32 to vector<16xi32>
        %broadcast_in_dim3A_612 = vector.broadcast %jit3A_610 : i32 to vector<16xi32>
        %select_n3A_613 = arith.select %ge3A_608, %broadcast_in_dim3A_611, %broadcast_in_dim3A_612 : vector<16xi1>, vector<16xi32>
        %add3A_614 = arith.addi %get3A_602, %select_n3A_613 : vector<16xi32>
        %swap3A_615 = arith.constant 64 : index
        %swap3A_616 = tpu.vector_load %arg9[%swap3A_615] {strides = array<i32>} : memref<80xi32, #tpu.memory_space<vmem>>, vector<16xi32>,
        %swap3A_617 = vector.shape_cast %swap3A_616 : vector<16xi32> to vector<16xi32>
        %swap3A_618 = vector.shape_cast %add3A_614 : vector<16xi32> to vector<16xi32>
        tpu.vector_store %arg9[%swap3A_615], %swap3A_618 {strides = array<i32>} : memref<80xi32, #tpu.memory_space<vmem>>, vector<16xi32>,
        %ge3A_619 = arith.constant 0 : i32
        %ge3A_620 = vector.broadcast %ge3A_619 : i32 to vector<16xi32>
        %ge3A_621 = arith.cmpi sge, %get3A_605, %ge3A_620 : vector<16xi32>
        %ge3A_622 = arith.constant 5000 : i32
        %ge3A_623 = vector.broadcast %ge3A_622 : i32 to vector<16xi32>
        %ge3A_624 = arith.cmpi sge, %get3A_605, %ge3A_623 : vector<16xi32>
        %jit3A_625 = arith.constant 120 : i32
        %jit3A_626 = arith.constant 0 : i32
        %broadcast_in_dim3A_627 = vector.broadcast %jit3A_625 : i32 to vector<16xi32>
        %broadcast_in_dim3A_628 = vector.broadcast %jit3A_626 : i32 to vector<16xi32>
        %select_n3A_629 = arith.select %ge3A_624, %broadcast_in_dim3A_627, %broadcast_in_dim3A_628 : vector<16xi1>, vector<16xi32>
        %add3A_630 = arith.addi %get3A_605, %select_n3A_629 : vector<16xi32>
        %jit3A_631 = arith.constant 0 : i32
        %broadcast_in_dim3A_632 = vector.broadcast %jit3A_631 : i32 to vector<16xi32>
        %select_n3A_633 = arith.select %ge3A_621, %add3A_630, %broadcast_in_dim3A_632 : vector<16xi1>, vector<16xi32>
        %swap3A_634 = arith.constant 64 : index
        %swap3A_635 = tpu.vector_load %arg10[%swap3A_634] {strides = array<i32>} : memref<80xi32, #tpu.memory_space<vmem>>, vector<16xi32>,
        %swap3A_636 = vector.shape_cast %swap3A_635 : vector<16xi32> to vector<16xi32>
        %swap3A_637 = vector.shape_cast %select_n3A_633 : vector<16xi32> to vector<16xi32>
        tpu.vector_store %arg10[%swap3A_634], %swap3A_637 {strides = array<i32>} : memref<80xi32, #tpu.memory_space<vmem>>, vector<16xi32>,
        %dma_start3A_638 = arith.constant 0 : i32
        %dma_start3A_639 = arith.constant 0 : i32
        %dma_start3A_640 = tpu.memref_slice %arg2[%dma_start3A_638, %dma_start3A_639] : memref<10240x256xf32, #tpu.memory_space<hbm>> -> memref<10240x256xf32, #tpu.memory_space<hbm>>
        tpu.enqueue_indirect_dma source(%dma_start3A_640 : memref<10240x256xf32, #tpu.memory_space<hbm>>) target(%arg13 : memref<80x256xf32, #tpu.memory_space<vmem>>) offsets(%arg9 : memref<80xi32, #tpu.memory_space<vmem>>) semaphore(%arg17 : memref<!tpu.dma_semaphore, #tpu.memory_space<semaphore_mem>>)
        %dma_start3A_641 = arith.constant 0 : i32
        %dma_start3A_642 = arith.constant 0 : i32
        %dma_start3A_643 = tpu.memref_slice %arg2[%dma_start3A_641, %dma_start3A_642] : memref<10240x256xf32, #tpu.memory_space<hbm>> -> memref<10240x256xf32, #tpu.memory_space<hbm>>
        tpu.enqueue_indirect_dma source(%dma_start3A_643 : memref<10240x256xf32, #tpu.memory_space<hbm>>) target(%arg14 : memref<80x256xf32, #tpu.memory_space<vmem>>) offsets(%arg10 : memref<80xi32, #tpu.memory_space<vmem>>) semaphore(%arg17 : memref<!tpu.dma_semaphore, #tpu.memory_space<semaphore_mem>>)
      } else {
      }
      %add3A_424 = arith.constant 1 : i32
      %add3A_425 = arith.addi %mul3A_203, %add3A_424 : i32
      %mul3A_426 = arith.constant 80 : i32
      %mul3A_427 = arith.muli %add3A_425, %mul3A_426 : i32
      %add3A_428 = arith.addi %mul3A_2, %mul3A_427 : i32
      %dma_wait3A_429 = arith.constant 0 : i32
      %dma_wait3A_430 = arith.constant 0 : i32
      %dma_wait3A_431 = tpu.memref_slice %arg2[%dma_wait3A_429, %dma_wait3A_430] : memref<10240x256xf32, #tpu.memory_space<hbm>> -> memref<10240x256xf32, #tpu.memory_space<hbm>>
      tpu.wait_indirect_dma semaphore(%arg18 : memref<!tpu.dma_semaphore, #tpu.memory_space<semaphore_mem>>) src(%dma_wait3A_431 : memref<10240x256xf32, #tpu.memory_space<hbm>>) dst(%arg15 : memref<80x256xf32, #tpu.memory_space<vmem>>)
      %dma_wait3A_432 = arith.constant 0 : i32
      %dma_wait3A_433 = arith.constant 0 : i32
      %dma_wait3A_434 = tpu.memref_slice %arg2[%dma_wait3A_432, %dma_wait3A_433] : memref<10240x256xf32, #tpu.memory_space<hbm>> -> memref<10240x256xf32, #tpu.memory_space<hbm>>
      tpu.wait_indirect_dma semaphore(%arg18 : memref<!tpu.dma_semaphore, #tpu.memory_space<semaphore_mem>>) src(%dma_wait3A_434 : memref<10240x256xf32, #tpu.memory_space<hbm>>) dst(%arg16 : memref<80x256xf32, #tpu.memory_space<vmem>>)
      "tpu.region"() ({
        %run_scoped3A = tpu.sem_alloc : memref<!tpu.dma_semaphore, #tpu.memory_space<semaphore_mem>>
        %dma_start3A_443 = arith.constant 0 : i32
        %dma_start3A_444 = tpu.memref_slice %arg5[%add3A_428, %dma_start3A_443] : memref<163840x256xf32, #tpu.memory_space<hbm>> -> memref<80x256xf32, #tpu.memory_space<hbm>>
        %dma_start3A_445 = arith.constant 0 : i32
        %dma_start3A_446 = tpu.memref_slice %arg5[%add3A_428, %dma_start3A_445] : memref<163840x256xf32, #tpu.memory_space<hbm>> -> memref<80x256xf32, #tpu.memory_space<hbm>>
        tpu.enqueue_dma source(%arg15 : memref<80x256xf32, #tpu.memory_space<vmem>>) target(%dma_start3A_446 : memref<80x256xf32, #tpu.memory_space<hbm>>) target_semaphore(%run_scoped3A : memref<!tpu.dma_semaphore, #tpu.memory_space<semaphore_mem>>)
        %dma_wait3A_447 = arith.constant 0 : i32
        %dma_wait3A_448 = tpu.memref_slice %arg5[%add3A_428, %dma_wait3A_447] : memref<163840x256xf32, #tpu.memory_space<hbm>> -> memref<80x256xf32, #tpu.memory_space<hbm>>
        %dma_wait3A_449 = arith.constant 0 : i32
        %dma_wait3A_450 = tpu.memref_slice %arg5[%add3A_428, %dma_wait3A_449] : memref<163840x256xf32, #tpu.memory_space<hbm>> -> memref<80x256xf32, #tpu.memory_space<hbm>>
        tpu.wait_dma2 semaphore(%run_scoped3A : memref<!tpu.dma_semaphore, #tpu.memory_space<semaphore_mem>>) src(%arg15 : memref<80x256xf32, #tpu.memory_space<vmem>>) dst(%dma_wait3A_450 : memref<80x256xf32, #tpu.memory_space<hbm>>)
        tpu.yield
      }) : () -> ()
      %scan3A_435 = arith.constant 0 : i32
      %scan3A_436 = arith.constant 0 : i32
      %scan3A_437 = arith.constant 80 : i32
      %scan3A_438 = arith.addi %scan3A_436, %scan3A_437 : i32
      %scan3A_439 = arith.constant 1 : i32
      %scan3A_440 = scf.for %scan3A_443 = %scan3A_436 to %scan3A_438 step %scan3A_439 iter_args(%scan3A_444 = %scan3A_435) -> (i32)  : i32 {
        %get3A_445 = arith.index_cast %scan3A_443 : i32 to index
        %get3A_446 = arith.constant 0 : index
        %get3A_447 = tpu.vector_load %arg15[%get3A_445, %get3A_446] {strides = array<i32>} : memref<80x256xf32, #tpu.memory_space<vmem>>, vector<1x16xf32>,
        %get3A_448 = vector.shape_cast %get3A_447 : vector<1x16xf32> to vector<16xf32>
        %get3A_449 = arith.index_cast %scan3A_443 : i32 to index
        %get3A_450 = arith.constant 0 : index
        %get3A_451 = tpu.vector_load %arg16[%get3A_449, %get3A_450] {strides = array<i32>} : memref<80x256xf32, #tpu.memory_space<vmem>>, vector<1x16xf32>,
        %get3A_452 = vector.shape_cast %get3A_451 : vector<1x16xf32> to vector<16xf32>
        %add3A_453 = arith.addf %get3A_448, %get3A_452 : vector<16xf32>
        %swap3A_454 = arith.index_cast %scan3A_443 : i32 to index
        %swap3A_455 = arith.constant 0 : index
        %swap3A_456 = tpu.vector_load %arg15[%swap3A_454, %swap3A_455] {strides = array<i32>} : memref<80x256xf32, #tpu.memory_space<vmem>>, vector<1x16xf32>,
        %swap3A_457 = vector.shape_cast %swap3A_456 : vector<1x16xf32> to vector<16xf32>
        %swap3A_458 = vector.shape_cast %add3A_453 : vector<16xf32> to vector<1x16xf32>
        tpu.vector_store %arg15[%swap3A_454, %swap3A_455], %swap3A_458 {strides = array<i32>} : memref<80x256xf32, #tpu.memory_space<vmem>>, vector<1x16xf32>,
        %get3A_459 = arith.index_cast %scan3A_443 : i32 to index
        %get3A_460 = arith.constant 16 : index
        %get3A_461 = tpu.vector_load %arg15[%get3A_459, %get3A_460] {strides = array<i32>} : memref<80x256xf32, #tpu.memory_space<vmem>>, vector<1x16xf32>,
        %get3A_462 = vector.shape_cast %get3A_461 : vector<1x16xf32> to vector<16xf32>
        %get3A_463 = arith.index_cast %scan3A_443 : i32 to index
        %get3A_464 = arith.constant 16 : index
        %get3A_465 = tpu.vector_load %arg16[%get3A_463, %get3A_464] {strides = array<i32>} : memref<80x256xf32, #tpu.memory_space<vmem>>, vector<1x16xf32>,
        %get3A_466 = vector.shape_cast %get3A_465 : vector<1x16xf32> to vector<16xf32>
        %add3A_467 = arith.addf %get3A_462, %get3A_466 : vector<16xf32>
        %swap3A_468 = arith.index_cast %scan3A_443 : i32 to index
        %swap3A_469 = arith.constant 16 : index
        %swap3A_470 = tpu.vector_load %arg15[%swap3A_468, %swap3A_469] {strides = array<i32>} : memref<80x256xf32, #tpu.memory_space<vmem>>, vector<1x16xf32>,
        %swap3A_471 = vector.shape_cast %swap3A_470 : vector<1x16xf32> to vector<16xf32>
        %swap3A_472 = vector.shape_cast %add3A_467 : vector<16xf32> to vector<1x16xf32>
        tpu.vector_store %arg15[%swap3A_468, %swap3A_469], %swap3A_472 {strides = array<i32>} : memref<80x256xf32, #tpu.memory_space<vmem>>, vector<1x16xf32>,
        %get3A_473 = arith.index_cast %scan3A_443 : i32 to index
        %get3A_474 = arith.constant 32 : index
        %get3A_475 = tpu.vector_load %arg15[%get3A_473, %get3A_474] {strides = array<i32>} : memref<80x256xf32, #tpu.memory_space<vmem>>, vector<1x16xf32>,
        %get3A_476 = vector.shape_cast %get3A_475 : vector<1x16xf32> to vector<16xf32>
        %get3A_477 = arith.index_cast %scan3A_443 : i32 to index
        %get3A_478 = arith.constant 32 : index
        %get3A_479 = tpu.vector_load %arg16[%get3A_477, %get3A_478] {strides = array<i32>} : memref<80x256xf32, #tpu.memory_space<vmem>>, vector<1x16xf32>,
        %get3A_480 = vector.shape_cast %get3A_479 : vector<1x16xf32> to vector<16xf32>
        %add3A_481 = arith.addf %get3A_476, %get3A_480 : vector<16xf32>
        %swap3A_482 = arith.index_cast %scan3A_443 : i32 to index
        %swap3A_483 = arith.constant 32 : index
        %swap3A_484 = tpu.vector_load %arg15[%swap3A_482, %swap3A_483] {strides = array<i32>} : memref<80x256xf32, #tpu.memory_space<vmem>>, vector<1x16xf32>,
        %swap3A_485 = vector.shape_cast %swap3A_484 : vector<1x16xf32> to vector<16xf32>
        %swap3A_486 = vector.shape_cast %add3A_481 : vector<16xf32> to vector<1x16xf32>
        tpu.vector_store %arg15[%swap3A_482, %swap3A_483], %swap3A_486 {strides = array<i32>} : memref<80x256xf32, #tpu.memory_space<vmem>>, vector<1x16xf32>,
        %get3A_487 = arith.index_cast %scan3A_443 : i32 to index
        %get3A_488 = arith.constant 48 : index
        %get3A_489 = tpu.vector_load %arg15[%get3A_487, %get3A_488] {strides = array<i32>} : memref<80x256xf32, #tpu.memory_space<vmem>>, vector<1x16xf32>,
        %get3A_490 = vector.shape_cast %get3A_489 : vector<1x16xf32> to vector<16xf32>
        %get3A_491 = arith.index_cast %scan3A_443 : i32 to index
        %get3A_492 = arith.constant 48 : index
        %get3A_493 = tpu.vector_load %arg16[%get3A_491, %get3A_492] {strides = array<i32>} : memref<80x256xf32, #tpu.memory_space<vmem>>, vector<1x16xf32>,
        %get3A_494 = vector.shape_cast %get3A_493 : vector<1x16xf32> to vector<16xf32>
        %add3A_495 = arith.addf %get3A_490, %get3A_494 : vector<16xf32>
        %swap3A_496 = arith.index_cast %scan3A_443 : i32 to index
        %swap3A_497 = arith.constant 48 : index
        %swap3A_498 = tpu.vector_load %arg15[%swap3A_496, %swap3A_497] {strides = array<i32>} : memref<80x256xf32, #tpu.memory_space<vmem>>, vector<1x16xf32>,
        %swap3A_499 = vector.shape_cast %swap3A_498 : vector<1x16xf32> to vector<16xf32>
        %swap3A_500 = vector.shape_cast %add3A_495 : vector<16xf32> to vector<1x16xf32>
        tpu.vector_store %arg15[%swap3A_496, %swap3A_497], %swap3A_500 {strides = array<i32>} : memref<80x256xf32, #tpu.memory_space<vmem>>, vector<1x16xf32>,
        %get3A_501 = arith.index_cast %scan3A_443 : i32 to index
        %get3A_502 = arith.constant 64 : index
        %get3A_503 = tpu.vector_load %arg15[%get3A_501, %get3A_502] {strides = array<i32>} : memref<80x256xf32, #tpu.memory_space<vmem>>, vector<1x16xf32>,
        %get3A_504 = vector.shape_cast %get3A_503 : vector<1x16xf32> to vector<16xf32>
        %get3A_505 = arith.index_cast %scan3A_443 : i32 to index
        %get3A_506 = arith.constant 64 : index
        %get3A_507 = tpu.vector_load %arg16[%get3A_505, %get3A_506] {strides = array<i32>} : memref<80x256xf32, #tpu.memory_space<vmem>>, vector<1x16xf32>,
        %get3A_508 = vector.shape_cast %get3A_507 : vector<1x16xf32> to vector<16xf32>
        %add3A_509 = arith.addf %get3A_504, %get3A_508 : vector<16xf32>
        %swap3A_510 = arith.index_cast %scan3A_443 : i32 to index
        %swap3A_511 = arith.constant 64 : index
        %swap3A_512 = tpu.vector_load %arg15[%swap3A_510, %swap3A_511] {strides = array<i32>} : memref<80x256xf32, #tpu.memory_space<vmem>>, vector<1x16xf32>,
        %swap3A_513 = vector.shape_cast %swap3A_512 : vector<1x16xf32> to vector<16xf32>
        %swap3A_514 = vector.shape_cast %add3A_509 : vector<16xf32> to vector<1x16xf32>
        tpu.vector_store %arg15[%swap3A_510, %swap3A_511], %swap3A_514 {strides = array<i32>} : memref<80x256xf32, #tpu.memory_space<vmem>>, vector<1x16xf32>,
        %get3A_515 = arith.index_cast %scan3A_443 : i32 to index
        %get3A_516 = arith.constant 80 : index
        %get3A_517 = tpu.vector_load %arg15[%get3A_515, %get3A_516] {strides = array<i32>} : memref<80x256xf32, #tpu.memory_space<vmem>>, vector<1x16xf32>,
        %get3A_518 = vector.shape_cast %get3A_517 : vector<1x16xf32> to vector<16xf32>
        %get3A_519 = arith.index_cast %scan3A_443 : i32 to index
        %get3A_520 = arith.constant 80 : index
        %get3A_521 = tpu.vector_load %arg16[%get3A_519, %get3A_520] {strides = array<i32>} : memref<80x256xf32, #tpu.memory_space<vmem>>, vector<1x16xf32>,
        %get3A_522 = vector.shape_cast %get3A_521 : vector<1x16xf32> to vector<16xf32>
        %add3A_523 = arith.addf %get3A_518, %get3A_522 : vector<16xf32>
        %swap3A_524 = arith.index_cast %scan3A_443 : i32 to index
        %swap3A_525 = arith.constant 80 : index
        %swap3A_526 = tpu.vector_load %arg15[%swap3A_524, %swap3A_525] {strides = array<i32>} : memref<80x256xf32, #tpu.memory_space<vmem>>, vector<1x16xf32>,
        %swap3A_527 = vector.shape_cast %swap3A_526 : vector<1x16xf32> to vector<16xf32>
        %swap3A_528 = vector.shape_cast %add3A_523 : vector<16xf32> to vector<1x16xf32>
        tpu.vector_store %arg15[%swap3A_524, %swap3A_525], %swap3A_528 {strides = array<i32>} : memref<80x256xf32, #tpu.memory_space<vmem>>, vector<1x16xf32>,
        %get3A_529 = arith.index_cast %scan3A_443 : i32 to index
        %get3A_530 = arith.constant 96 : index
        %get3A_531 = tpu.vector_load %arg15[%get3A_529, %get3A_530] {strides = array<i32>} : memref<80x256xf32, #tpu.memory_space<vmem>>, vector<1x16xf32>,
        %get3A_532 = vector.shape_cast %get3A_531 : vector<1x16xf32> to vector<16xf32>
        %get3A_533 = arith.index_cast %scan3A_443 : i32 to index
        %get3A_534 = arith.constant 96 : index
        %get3A_535 = tpu.vector_load %arg16[%get3A_533, %get3A_534] {strides = array<i32>} : memref<80x256xf32, #tpu.memory_space<vmem>>, vector<1x16xf32>,
        %get3A_536 = vector.shape_cast %get3A_535 : vector<1x16xf32> to vector<16xf32>
        %add3A_537 = arith.addf %get3A_532, %get3A_536 : vector<16xf32>
        %swap3A_538 = arith.index_cast %scan3A_443 : i32 to index
        %swap3A_539 = arith.constant 96 : index
        %swap3A_540 = tpu.vector_load %arg15[%swap3A_538, %swap3A_539] {strides = array<i32>} : memref<80x256xf32, #tpu.memory_space<vmem>>, vector<1x16xf32>,
        %swap3A_541 = vector.shape_cast %swap3A_540 : vector<1x16xf32> to vector<16xf32>
        %swap3A_542 = vector.shape_cast %add3A_537 : vector<16xf32> to vector<1x16xf32>
        tpu.vector_store %arg15[%swap3A_538, %swap3A_539], %swap3A_542 {strides = array<i32>} : memref<80x256xf32, #tpu.memory_space<vmem>>, vector<1x16xf32>,
        %get3A_543 = arith.index_cast %scan3A_443 : i32 to index
        %get3A_544 = arith.constant 112 : index
        %get3A_545 = tpu.vector_load %arg15[%get3A_543, %get3A_544] {strides = array<i32>} : memref<80x256xf32, #tpu.memory_space<vmem>>, vector<1x16xf32>,
        %get3A_546 = vector.shape_cast %get3A_545 : vector<1x16xf32> to vector<16xf32>
        %get3A_547 = arith.index_cast %scan3A_443 : i32 to index
        %get3A_548 = arith.constant 112 : index
        %get3A_549 = tpu.vector_load %arg16[%get3A_547, %get3A_548] {strides = array<i32>} : memref<80x256xf32, #tpu.memory_space<vmem>>, vector<1x16xf32>,
        %get3A_550 = vector.shape_cast %get3A_549 : vector<1x16xf32> to vector<16xf32>
        %add3A_551 = arith.addf %get3A_546, %get3A_550 : vector<16xf32>
        %swap3A_552 = arith.index_cast %scan3A_443 : i32 to index
        %swap3A_553 = arith.constant 112 : index
        %swap3A_554 = tpu.vector_load %arg15[%swap3A_552, %swap3A_553] {strides = array<i32>} : memref<80x256xf32, #tpu.memory_space<vmem>>, vector<1x16xf32>,
        %swap3A_555 = vector.shape_cast %swap3A_554 : vector<1x16xf32> to vector<16xf32>
        %swap3A_556 = vector.shape_cast %add3A_551 : vector<16xf32> to vector<1x16xf32>
        tpu.vector_store %arg15[%swap3A_552, %swap3A_553], %swap3A_556 {strides = array<i32>} : memref<80x256xf32, #tpu.memory_space<vmem>>, vector<1x16xf32>,
        %get3A_557 = arith.index_cast %scan3A_443 : i32 to index
        %get3A_558 = arith.constant 128 : index
        %get3A_559 = tpu.vector_load %arg15[%get3A_557, %get3A_558] {strides = array<i32>} : memref<80x256xf32, #tpu.memory_space<vmem>>, vector<1x16xf32>,
        %get3A_560 = vector.shape_cast %get3A_559 : vector<1x16xf32> to vector<16xf32>
        %get3A_561 = arith.index_cast %scan3A_443 : i32 to index
        %get3A_562 = arith.constant 128 : index
        %get3A_563 = tpu.vector_load %arg16[%get3A_561, %get3A_562] {strides = array<i32>} : memref<80x256xf32, #tpu.memory_space<vmem>>, vector<1x16xf32>,
        %get3A_564 = vector.shape_cast %get3A_563 : vector<1x16xf32> to vector<16xf32>
        %add3A_565 = arith.addf %get3A_560, %get3A_564 : vector<16xf32>
        %swap3A_566 = arith.index_cast %scan3A_443 : i32 to index
        %swap3A_567 = arith.constant 128 : index
        %swap3A_568 = tpu.vector_load %arg15[%swap3A_566, %swap3A_567] {strides = array<i32>} : memref<80x256xf32, #tpu.memory_space<vmem>>, vector<1x16xf32>,
        %swap3A_569 = vector.shape_cast %swap3A_568 : vector<1x16xf32> to vector<16xf32>
        %swap3A_570 = vector.shape_cast %add3A_565 : vector<16xf32> to vector<1x16xf32>
        tpu.vector_store %arg15[%swap3A_566, %swap3A_567], %swap3A_570 {strides = array<i32>} : memref<80x256xf32, #tpu.memory_space<vmem>>, vector<1x16xf32>,
        %get3A_571 = arith.index_cast %scan3A_443 : i32 to index
        %get3A_572 = arith.constant 144 : index
        %get3A_573 = tpu.vector_load %arg15[%get3A_571, %get3A_572] {strides = array<i32>} : memref<80x256xf32, #tpu.memory_space<vmem>>, vector<1x16xf32>,
        %get3A_574 = vector.shape_cast %get3A_573 : vector<1x16xf32> to vector<16xf32>
        %get3A_575 = arith.index_cast %scan3A_443 : i32 to index
        %get3A_576 = arith.constant 144 : index
        %get3A_577 = tpu.vector_load %arg16[%get3A_575, %get3A_576] {strides = array<i32>} : memref<80x256xf32, #tpu.memory_space<vmem>>, vector<1x16xf32>,
        %get3A_578 = vector.shape_cast %get3A_577 : vector<1x16xf32> to vector<16xf32>
        %add3A_579 = arith.addf %get3A_574, %get3A_578 : vector<16xf32>
        %swap3A_580 = arith.index_cast %scan3A_443 : i32 to index
        %swap3A_581 = arith.constant 144 : index
        %swap3A_582 = tpu.vector_load %arg15[%swap3A_580, %swap3A_581] {strides = array<i32>} : memref<80x256xf32, #tpu.memory_space<vmem>>, vector<1x16xf32>,
        %swap3A_583 = vector.shape_cast %swap3A_582 : vector<1x16xf32> to vector<16xf32>
        %swap3A_584 = vector.shape_cast %add3A_579 : vector<16xf32> to vector<1x16xf32>
        tpu.vector_store %arg15[%swap3A_580, %swap3A_581], %swap3A_584 {strides = array<i32>} : memref<80x256xf32, #tpu.memory_space<vmem>>, vector<1x16xf32>,
        %get3A_585 = arith.index_cast %scan3A_443 : i32 to index
        %get3A_586 = arith.constant 160 : index
        %get3A_587 = tpu.vector_load %arg15[%get3A_585, %get3A_586] {strides = array<i32>} : memref<80x256xf32, #tpu.memory_space<vmem>>, vector<1x16xf32>,
        %get3A_588 = vector.shape_cast %get3A_587 : vector<1x16xf32> to vector<16xf32>
        %get3A_589 = arith.index_cast %scan3A_443 : i32 to index
        %get3A_590 = arith.constant 160 : index
        %get3A_591 = tpu.vector_load %arg16[%get3A_589, %get3A_590] {strides = array<i32>} : memref<80x256xf32, #tpu.memory_space<vmem>>, vector<1x16xf32>,
        %get3A_592 = vector.shape_cast %get3A_591 : vector<1x16xf32> to vector<16xf32>
        %add3A_593 = arith.addf %get3A_588, %get3A_592 : vector<16xf32>
        %swap3A_594 = arith.index_cast %scan3A_443 : i32 to index
        %swap3A_595 = arith.constant 160 : index
        %swap3A_596 = tpu.vector_load %arg15[%swap3A_594, %swap3A_595] {strides = array<i32>} : memref<80x256xf32, #tpu.memory_space<vmem>>, vector<1x16xf32>,
        %swap3A_597 = vector.shape_cast %swap3A_596 : vector<1x16xf32> to vector<16xf32>
        %swap3A_598 = vector.shape_cast %add3A_593 : vector<16xf32> to vector<1x16xf32>
        tpu.vector_store %arg15[%swap3A_594, %swap3A_595], %swap3A_598 {strides = array<i32>} : memref<80x256xf32, #tpu.memory_space<vmem>>, vector<1x16xf32>,
        %get3A_599 = arith.index_cast %scan3A_443 : i32 to index
        %get3A_600 = arith.constant 176 : index
        %get3A_601 = tpu.vector_load %arg15[%get3A_599, %get3A_600] {strides = array<i32>} : memref<80x256xf32, #tpu.memory_space<vmem>>, vector<1x16xf32>,
        %get3A_602 = vector.shape_cast %get3A_601 : vector<1x16xf32> to vector<16xf32>
        %get3A_603 = arith.index_cast %scan3A_443 : i32 to index
        %get3A_604 = arith.constant 176 : index
        %get3A_605 = tpu.vector_load %arg16[%get3A_603, %get3A_604] {strides = array<i32>} : memref<80x256xf32, #tpu.memory_space<vmem>>, vector<1x16xf32>,
        %get3A_606 = vector.shape_cast %get3A_605 : vector<1x16xf32> to vector<16xf32>
        %add3A_607 = arith.addf %get3A_602, %get3A_606 : vector<16xf32>
        %swap3A_608 = arith.index_cast %scan3A_443 : i32 to index
        %swap3A_609 = arith.constant 176 : index
        %swap3A_610 = tpu.vector_load %arg15[%swap3A_608, %swap3A_609] {strides = array<i32>} : memref<80x256xf32, #tpu.memory_space<vmem>>, vector<1x16xf32>,
        %swap3A_611 = vector.shape_cast %swap3A_610 : vector<1x16xf32> to vector<16xf32>
        %swap3A_612 = vector.shape_cast %add3A_607 : vector<16xf32> to vector<1x16xf32>
        tpu.vector_store %arg15[%swap3A_608, %swap3A_609], %swap3A_612 {strides = array<i32>} : memref<80x256xf32, #tpu.memory_space<vmem>>, vector<1x16xf32>,
        %get3A_613 = arith.index_cast %scan3A_443 : i32 to index
        %get3A_614 = arith.constant 192 : index
        %get3A_615 = tpu.vector_load %arg15[%get3A_613, %get3A_614] {strides = array<i32>} : memref<80x256xf32, #tpu.memory_space<vmem>>, vector<1x16xf32>,
        %get3A_616 = vector.shape_cast %get3A_615 : vector<1x16xf32> to vector<16xf32>
        %get3A_617 = arith.index_cast %scan3A_443 : i32 to index
        %get3A_618 = arith.constant 192 : index
        %get3A_619 = tpu.vector_load %arg16[%get3A_617, %get3A_618] {strides = array<i32>} : memref<80x256xf32, #tpu.memory_space<vmem>>, vector<1x16xf32>,
        %get3A_620 = vector.shape_cast %get3A_619 : vector<1x16xf32> to vector<16xf32>
        %add3A_621 = arith.addf %get3A_616, %get3A_620 : vector<16xf32>
        %swap3A_622 = arith.index_cast %scan3A_443 : i32 to index
        %swap3A_623 = arith.constant 192 : index
        %swap3A_624 = tpu.vector_load %arg15[%swap3A_622, %swap3A_623] {strides = array<i32>} : memref<80x256xf32, #tpu.memory_space<vmem>>, vector<1x16xf32>,
        %swap3A_625 = vector.shape_cast %swap3A_624 : vector<1x16xf32> to vector<16xf32>
        %swap3A_626 = vector.shape_cast %add3A_621 : vector<16xf32> to vector<1x16xf32>
        tpu.vector_store %arg15[%swap3A_622, %swap3A_623], %swap3A_626 {strides = array<i32>} : memref<80x256xf32, #tpu.memory_space<vmem>>, vector<1x16xf32>,
        %get3A_627 = arith.index_cast %scan3A_443 : i32 to index
        %get3A_628 = arith.constant 208 : index
        %get3A_629 = tpu.vector_load %arg15[%get3A_627, %get3A_628] {strides = array<i32>} : memref<80x256xf32, #tpu.memory_space<vmem>>, vector<1x16xf32>,
        %get3A_630 = vector.shape_cast %get3A_629 : vector<1x16xf32> to vector<16xf32>
        %get3A_631 = arith.index_cast %scan3A_443 : i32 to index
        %get3A_632 = arith.constant 208 : index
        %get3A_633 = tpu.vector_load %arg16[%get3A_631, %get3A_632] {strides = array<i32>} : memref<80x256xf32, #tpu.memory_space<vmem>>, vector<1x16xf32>,
        %get3A_634 = vector.shape_cast %get3A_633 : vector<1x16xf32> to vector<16xf32>
        %add3A_635 = arith.addf %get3A_630, %get3A_634 : vector<16xf32>
        %swap3A_636 = arith.index_cast %scan3A_443 : i32 to index
        %swap3A_637 = arith.constant 208 : index
        %swap3A_638 = tpu.vector_load %arg15[%swap3A_636, %swap3A_637] {strides = array<i32>} : memref<80x256xf32, #tpu.memory_space<vmem>>, vector<1x16xf32>,
        %swap3A_639 = vector.shape_cast %swap3A_638 : vector<1x16xf32> to vector<16xf32>
        %swap3A_640 = vector.shape_cast %add3A_635 : vector<16xf32> to vector<1x16xf32>
        tpu.vector_store %arg15[%swap3A_636, %swap3A_637], %swap3A_640 {strides = array<i32>} : memref<80x256xf32, #tpu.memory_space<vmem>>, vector<1x16xf32>,
        %get3A_641 = arith.index_cast %scan3A_443 : i32 to index
        %get3A_642 = arith.constant 224 : index
        %get3A_643 = tpu.vector_load %arg15[%get3A_641, %get3A_642] {strides = array<i32>} : memref<80x256xf32, #tpu.memory_space<vmem>>, vector<1x16xf32>,
        %get3A_644 = vector.shape_cast %get3A_643 : vector<1x16xf32> to vector<16xf32>
        %get3A_645 = arith.index_cast %scan3A_443 : i32 to index
        %get3A_646 = arith.constant 224 : index
        %get3A_647 = tpu.vector_load %arg16[%get3A_645, %get3A_646] {strides = array<i32>} : memref<80x256xf32, #tpu.memory_space<vmem>>, vector<1x16xf32>,
        %get3A_648 = vector.shape_cast %get3A_647 : vector<1x16xf32> to vector<16xf32>
        %add3A_649 = arith.addf %get3A_644, %get3A_648 : vector<16xf32>
        %swap3A_650 = arith.index_cast %scan3A_443 : i32 to index
        %swap3A_651 = arith.constant 224 : index
        %swap3A_652 = tpu.vector_load %arg15[%swap3A_650, %swap3A_651] {strides = array<i32>} : memref<80x256xf32, #tpu.memory_space<vmem>>, vector<1x16xf32>,
        %swap3A_653 = vector.shape_cast %swap3A_652 : vector<1x16xf32> to vector<16xf32>
        %swap3A_654 = vector.shape_cast %add3A_649 : vector<16xf32> to vector<1x16xf32>
        tpu.vector_store %arg15[%swap3A_650, %swap3A_651], %swap3A_654 {strides = array<i32>} : memref<80x256xf32, #tpu.memory_space<vmem>>, vector<1x16xf32>,
        %get3A_655 = arith.index_cast %scan3A_443 : i32 to index
        %get3A_656 = arith.constant 240 : index
        %get3A_657 = tpu.vector_load %arg15[%get3A_655, %get3A_656] {strides = array<i32>} : memref<80x256xf32, #tpu.memory_space<vmem>>, vector<1x16xf32>,
        %get3A_658 = vector.shape_cast %get3A_657 : vector<1x16xf32> to vector<16xf32>
        %get3A_659 = arith.index_cast %scan3A_443 : i32 to index
        %get3A_660 = arith.constant 240 : index
        %get3A_661 = tpu.vector_load %arg16[%get3A_659, %get3A_660] {strides = array<i32>} : memref<80x256xf32, #tpu.memory_space<vmem>>, vector<1x16xf32>,
        %get3A_662 = vector.shape_cast %get3A_661 : vector<1x16xf32> to vector<16xf32>
        %add3A_663 = arith.addf %get3A_658, %get3A_662 : vector<16xf32>
        %swap3A_664 = arith.index_cast %scan3A_443 : i32 to index
        %swap3A_665 = arith.constant 240 : index
        %swap3A_666 = tpu.vector_load %arg15[%swap3A_664, %swap3A_665] {strides = array<i32>} : memref<80x256xf32, #tpu.memory_space<vmem>>, vector<1x16xf32>,
        %swap3A_667 = vector.shape_cast %swap3A_666 : vector<1x16xf32> to vector<16xf32>
        %swap3A_668 = vector.shape_cast %add3A_663 : vector<16xf32> to vector<1x16xf32>
        tpu.vector_store %arg15[%swap3A_664, %swap3A_665], %swap3A_668 {strides = array<i32>} : memref<80x256xf32, #tpu.memory_space<vmem>>, vector<1x16xf32>,
        %scan3A_669 = arith.constant 0 : i32
        scf.yield %scan3A_669 : i32
      }
      %scan3A_441 = arith.constant 80 : i32
      "tpu.region"() ({
        %run_scoped3A = tpu.sem_alloc : memref<!tpu.dma_semaphore, #tpu.memory_space<semaphore_mem>>
        %dma_start3A_443 = arith.constant 0 : i32
        %dma_start3A_444 = tpu.memref_slice %arg6[%add3A_428, %dma_start3A_443] : memref<163840x256xf32, #tpu.memory_space<hbm>> -> memref<80x256xf32, #tpu.memory_space<hbm>>
        %dma_start3A_445 = arith.constant 0 : i32
        %dma_start3A_446 = tpu.memref_slice %arg6[%add3A_428, %dma_start3A_445] : memref<163840x256xf32, #tpu.memory_space<hbm>> -> memref<80x256xf32, #tpu.memory_space<hbm>>
        tpu.enqueue_dma source(%arg15 : memref<80x256xf32, #tpu.memory_space<vmem>>) target(%dma_start3A_446 : memref<80x256xf32, #tpu.memory_space<hbm>>) target_semaphore(%run_scoped3A : memref<!tpu.dma_semaphore, #tpu.memory_space<semaphore_mem>>)
        %dma_wait3A_447 = arith.constant 0 : i32
        %dma_wait3A_448 = tpu.memref_slice %arg6[%add3A_428, %dma_wait3A_447] : memref<163840x256xf32, #tpu.memory_space<hbm>> -> memref<80x256xf32, #tpu.memory_space<hbm>>
        %dma_wait3A_449 = arith.constant 0 : i32
        %dma_wait3A_450 = tpu.memref_slice %arg6[%add3A_428, %dma_wait3A_449] : memref<163840x256xf32, #tpu.memory_space<hbm>> -> memref<80x256xf32, #tpu.memory_space<hbm>>
        tpu.wait_dma2 semaphore(%run_scoped3A : memref<!tpu.dma_semaphore, #tpu.memory_space<semaphore_mem>>) src(%arg15 : memref<80x256xf32, #tpu.memory_space<vmem>>) dst(%dma_wait3A_450 : memref<80x256xf32, #tpu.memory_space<hbm>>)
        tpu.yield
      }) : () -> ()
      %scan3A_442 = arith.constant 0 : i32
      scf.yield %scan3A_442 : i32
    }
    %scan3A_199 = arith.constant 32 : i32
    return
  }
}

#map = affine_map<(d0, d1) -> (0, 0)>
#map1 = affine_map<(d0, d1) -> (0)>
module attributes {stable_mosaic.version = 14 : i64} {
  func.func @_gather_body(%arg0: i32, %arg1: i32, %arg2: memref<10240x256xf32, #tpu.memory_space<hbm>>, %arg3: memref<163840xi32, #tpu.memory_space<hbm>>, %arg4: memref<163840xi32, #tpu.memory_space<hbm>>, %arg5: memref<163840x256xf32, #tpu.memory_space<hbm>>, %arg6: memref<163840x256xf32, #tpu.memory_space<hbm>>, %arg7: memref<80xi32, #tpu.memory_space<vmem>>, %arg8: memref<80xi32, #tpu.memory_space<vmem>>, %arg9: memref<80xi32, #tpu.memory_space<vmem>>, %arg10: memref<80xi32, #tpu.memory_space<vmem>>, %arg11: memref<80xi32, #tpu.memory_space<vmem>>, %arg12: memref<80xi32, #tpu.memory_space<vmem>>, %arg13: memref<80x256xf32, #tpu.memory_space<vmem>>, %arg14: memref<80x256xf32, #tpu.memory_space<vmem>>, %arg15: memref<80x256xf32, #tpu.memory_space<vmem>>, %arg16: memref<80x256xf32, #tpu.memory_space<vmem>>, %arg17: memref<!tpu.dma_semaphore, #tpu.memory_space<semaphore_mem>>, %arg18: memref<!tpu.dma_semaphore, #tpu.memory_space<semaphore_mem>>) attributes {dimension_semantics = [#tpu.dimension_semantics<core_parallel>, #tpu.dimension_semantics<subcore_parallel>], iteration_bounds = array<i64: 2, 16>, scalar_prefetch = 0 : i64, scratch_operands = 12 : i64, tpu.core_type = #tpu.core_type<sc_vector_subcore>, window_params = [{transform_indices = #map}, {transform_indices = #map1}, {transform_indices = #map1}, {transform_indices = #map}, {transform_indices = #map}]} {
    %mul3A = arith.constant 2 : i32
    %mul3A_0 = arith.muli %arg1, %mul3A : i32
    %add3A = arith.addi %mul3A_0, %arg0 : i32
    %mul3A_1 = arith.constant 5120 : i32
    %mul3A_2 = arith.muli %add3A, %mul3A_1 : i32
    %add3A_3 = arith.constant 0 : i32
    %add3A_4 = arith.addi %mul3A_2, %add3A_3 : i32
    "tpu.region"() ({
      %run_scoped3A = tpu.sem_alloc : memref<!tpu.dma_semaphore, #tpu.memory_space<semaphore_mem>>
      %dma_start3A_200 = tpu.memref_slice %arg3[%add3A_4] : memref<163840xi32, #tpu.memory_space<hbm>> -> memref<80xi32, #tpu.memory_space<hbm>>
      %dma_start3A_201 = tpu.memref_slice %arg3[%add3A_4] : memref<163840xi32, #tpu.memory_space<hbm>> -> memref<80xi32, #tpu.memory_space<hbm>>
      tpu.enqueue_dma source(%dma_start3A_201 : memref<80xi32, #tpu.memory_space<hbm>>) target(%arg7 : memref<80xi32, #tpu.memory_space<vmem>>) target_semaphore(%run_scoped3A : memref<!tpu.dma_semaphore, #tpu.memory_space<semaphore_mem>>)
      %dma_wait3A = tpu.memref_slice %arg3[%add3A_4] : memref<163840xi32, #tpu.memory_space<hbm>> -> memref<80xi32, #tpu.memory_space<hbm>>
      %dma_wait3A_202 = tpu.memref_slice %arg3[%add3A_4] : memref<163840xi32, #tpu.memory_space<hbm>> -> memref<80xi32, #tpu.memory_space<hbm>>
      tpu.wait_dma2 semaphore(%run_scoped3A : memref<!tpu.dma_semaphore, #tpu.memory_space<semaphore_mem>>) src(%dma_wait3A_202 : memref<80xi32, #tpu.memory_space<hbm>>) dst(%arg7 : memref<80xi32, #tpu.memory_space<vmem>>)
      tpu.yield
    }) : () -> ()
    "tpu.region"() ({
      %run_scoped3A = tpu.sem_alloc : memref<!tpu.dma_semaphore, #tpu.memory_space<semaphore_mem>>
      %dma_start3A_200 = tpu.memref_slice %arg4[%add3A_4] : memref<163840xi32, #tpu.memory_space<hbm>> -> memref<80xi32, #tpu.memory_space<hbm>>
      %dma_start3A_201 = tpu.memref_slice %arg4[%add3A_4] : memref<163840xi32, #tpu.memory_space<hbm>> -> memref<80xi32, #tpu.memory_space<hbm>>
      tpu.enqueue_dma source(%dma_start3A_201 : memref<80xi32, #tpu.memory_space<hbm>>) target(%arg8 : memref<80xi32, #tpu.memory_space<vmem>>) target_semaphore(%run_scoped3A : memref<!tpu.dma_semaphore, #tpu.memory_space<semaphore_mem>>)
      %dma_wait3A = tpu.memref_slice %arg4[%add3A_4] : memref<163840xi32, #tpu.memory_space<hbm>> -> memref<80xi32, #tpu.memory_space<hbm>>
      %dma_wait3A_202 = tpu.memref_slice %arg4[%add3A_4] : memref<163840xi32, #tpu.memory_space<hbm>> -> memref<80xi32, #tpu.memory_space<hbm>>
      tpu.wait_dma2 semaphore(%run_scoped3A : memref<!tpu.dma_semaphore, #tpu.memory_space<semaphore_mem>>) src(%dma_wait3A_202 : memref<80xi32, #tpu.memory_space<hbm>>) dst(%arg8 : memref<80xi32, #tpu.memory_space<vmem>>)
      tpu.yield
    }) : () -> ()
    %get3A = arith.constant 0 : index
    %get3A_5 = tpu.vector_load %arg7[%get3A] {strides = array<i32>} : memref<80xi32, #tpu.memory_space<vmem>>, vector<16xi32>,
    %get3A_6 = vector.shape_cast %get3A_5 : vector<16xi32> to vector<16xi32>
    %get3A_7 = arith.constant 0 : index
    %get3A_8 = tpu.vector_load %arg8[%get3A_7] {strides = array<i32>} : memref<80xi32, #tpu.memory_space<vmem>>, vector<16xi32>,
    %get3A_9 = vector.shape_cast %get3A_8 : vector<16xi32> to vector<16xi32>
    %ge3A = arith.constant 5000 : i32
    %ge3A_10 = vector.broadcast %ge3A : i32 to vector<16xi32>
    %ge3A_11 = arith.cmpi sge, %get3A_6, %ge3A_10 : vector<16xi32>
    %jit3A = arith.constant 120 : i32
    %jit3A_12 = arith.constant 0 : i32
    %broadcast_in_dim3A = vector.broadcast %jit3A : i32 to vector<16xi32>
    %broadcast_in_dim3A_13 = vector.broadcast %jit3A_12 : i32 to vector<16xi32>
    %select_n3A = arith.select %ge3A_11, %broadcast_in_dim3A, %broadcast_in_dim3A_13 : vector<16xi1>, vector<16xi32>
    %add3A_14 = arith.addi %get3A_6, %select_n3A : vector<16xi32>
    %swap3A = arith.constant 0 : index
    %swap3A_15 = tpu.vector_load %arg9[%swap3A] {strides = array<i32>} : memref<80xi32, #tpu.memory_space<vmem>>, vector<16xi32>,
    %swap3A_16 = vector.shape_cast %swap3A_15 : vector<16xi32> to vector<16xi32>
    %swap3A_17 = vector.shape_cast %add3A_14 : vector<16xi32> to vector<16xi32>
    tpu.vector_store %arg9[%swap3A], %swap3A_17 {strides = array<i32>} : memref<80xi32, #tpu.memory_space<vmem>>, vector<16xi32>,
    %ge3A_18 = arith.constant 0 : i32
    %ge3A_19 = vector.broadcast %ge3A_18 : i32 to vector<16xi32>
    %ge3A_20 = arith.cmpi sge, %get3A_9, %ge3A_19 : vector<16xi32>
    %ge3A_21 = arith.constant 5000 : i32
    %ge3A_22 = vector.broadcast %ge3A_21 : i32 to vector<16xi32>
    %ge3A_23 = arith.cmpi sge, %get3A_9, %ge3A_22 : vector<16xi32>
    %jit3A_24 = arith.constant 120 : i32
    %jit3A_25 = arith.constant 0 : i32
    %broadcast_in_dim3A_26 = vector.broadcast %jit3A_24 : i32 to vector<16xi32>
    %broadcast_in_dim3A_27 = vector.broadcast %jit3A_25 : i32 to vector<16xi32>
    %select_n3A_28 = arith.select %ge3A_23, %broadcast_in_dim3A_26, %broadcast_in_dim3A_27 : vector<16xi1>, vector<16xi32>
    %add3A_29 = arith.addi %get3A_9, %select_n3A_28 : vector<16xi32>
    %jit3A_30 = arith.constant 0 : i32
    %broadcast_in_dim3A_31 = vector.broadcast %jit3A_30 : i32 to vector<16xi32>
    %select_n3A_32 = arith.select %ge3A_20, %add3A_29, %broadcast_in_dim3A_31 : vector<16xi1>, vector<16xi32>
    %swap3A_33 = arith.constant 0 : index
    %swap3A_34 = tpu.vector_load %arg10[%swap3A_33] {strides = array<i32>} : memref<80xi32, #tpu.memory_space<vmem>>, vector<16xi32>,
    %swap3A_35 = vector.shape_cast %swap3A_34 : vector<16xi32> to vector<16xi32>
    %swap3A_36 = vector.shape_cast %select_n3A_32 : vector<16xi32> to vector<16xi32>
    tpu.vector_store %arg10[%swap3A_33], %swap3A_36 {strides = array<i32>} : memref<80xi32, #tpu.memory_space<vmem>>, vector<16xi32>,
    %get3A_37 = arith.constant 16 : index
    %get3A_38 = tpu.vector_load %arg7[%get3A_37] {strides = array<i32>} : memref<80xi32, #tpu.memory_space<vmem>>, vector<16xi32>,
    %get3A_39 = vector.shape_cast %get3A_38 : vector<16xi32> to vector<16xi32>
    %get3A_40 = arith.constant 16 : index
    %get3A_41 = tpu.vector_load %arg8[%get3A_40] {strides = array<i32>} : memref<80xi32, #tpu.memory_space<vmem>>, vector<16xi32>,
    %get3A_42 = vector.shape_cast %get3A_41 : vector<16xi32> to vector<16xi32>
    %ge3A_43 = arith.constant 5000 : i32
    %ge3A_44 = vector.broadcast %ge3A_43 : i32 to vector<16xi32>
    %ge3A_45 = arith.cmpi sge, %get3A_39, %ge3A_44 : vector<16xi32>
    %jit3A_46 = arith.constant 120 : i32
    %jit3A_47 = arith.constant 0 : i32
    %broadcast_in_dim3A_48 = vector.broadcast %jit3A_46 : i32 to vector<16xi32>
    %broadcast_in_dim3A_49 = vector.broadcast %jit3A_47 : i32 to vector<16xi32>
    %select_n3A_50 = arith.select %ge3A_45, %broadcast_in_dim3A_48, %broadcast_in_dim3A_49 : vector<16xi1>, vector<16xi32>
    %add3A_51 = arith.addi %get3A_39, %select_n3A_50 : vector<16xi32>
    %swap3A_52 = arith.constant 16 : index
    %swap3A_53 = tpu.vector_load %arg9[%swap3A_52] {strides = array<i32>} : memref<80xi32, #tpu.memory_space<vmem>>, vector<16xi32>,
    %swap3A_54 = vector.shape_cast %swap3A_53 : vector<16xi32> to vector<16xi32>
    %swap3A_55 = vector.shape_cast %add3A_51 : vector<16xi32> to vector<16xi32>
    tpu.vector_store %arg9[%swap3A_52], %swap3A_55 {strides = array<i32>} : memref<80xi32, #tpu.memory_space<vmem>>, vector<16xi32>,
    %ge3A_56 = arith.constant 0 : i32
    %ge3A_57 = vector.broadcast %ge3A_56 : i32 to vector<16xi32>
    %ge3A_58 = arith.cmpi sge, %get3A_42, %ge3A_57 : vector<16xi32>
    %ge3A_59 = arith.constant 5000 : i32
    %ge3A_60 = vector.broadcast %ge3A_59 : i32 to vector<16xi32>
    %ge3A_61 = arith.cmpi sge, %get3A_42, %ge3A_60 : vector<16xi32>
    %jit3A_62 = arith.constant 120 : i32
    %jit3A_63 = arith.constant 0 : i32
    %broadcast_in_dim3A_64 = vector.broadcast %jit3A_62 : i32 to vector<16xi32>
    %broadcast_in_dim3A_65 = vector.broadcast %jit3A_63 : i32 to vector<16xi32>
    %select_n3A_66 = arith.select %ge3A_61, %broadcast_in_dim3A_64, %broadcast_in_dim3A_65 : vector<16xi1>, vector<16xi32>
    %add3A_67 = arith.addi %get3A_42, %select_n3A_66 : vector<16xi32>
    %jit3A_68 = arith.constant 0 : i32
    %broadcast_in_dim3A_69 = vector.broadcast %jit3A_68 : i32 to vector<16xi32>
    %select_n3A_70 = arith.select %ge3A_58, %add3A_67, %broadcast_in_dim3A_69 : vector<16xi1>, vector<16xi32>
    %swap3A_71 = arith.constant 16 : index
    %swap3A_72 = tpu.vector_load %arg10[%swap3A_71] {strides = array<i32>} : memref<80xi32, #tpu.memory_space<vmem>>, vector<16xi32>,
    %swap3A_73 = vector.shape_cast %swap3A_72 : vector<16xi32> to vector<16xi32>
    %swap3A_74 = vector.shape_cast %select_n3A_70 : vector<16xi32> to vector<16xi32>
    tpu.vector_store %arg10[%swap3A_71], %swap3A_74 {strides = array<i32>} : memref<80xi32, #tpu.memory_space<vmem>>, vector<16xi32>,
    %get3A_75 = arith.constant 32 : index
    %get3A_76 = tpu.vector_load %arg7[%get3A_75] {strides = array<i32>} : memref<80xi32, #tpu.memory_space<vmem>>, vector<16xi32>,
    %get3A_77 = vector.shape_cast %get3A_76 : vector<16xi32> to vector<16xi32>
    %get3A_78 = arith.constant 32 : index
    %get3A_79 = tpu.vector_load %arg8[%get3A_78] {strides = array<i32>} : memref<80xi32, #tpu.memory_space<vmem>>, vector<16xi32>,
    %get3A_80 = vector.shape_cast %get3A_79 : vector<16xi32> to vector<16xi32>
    %ge3A_81 = arith.constant 5000 : i32
    %ge3A_82 = vector.broadcast %ge3A_81 : i32 to vector<16xi32>
    %ge3A_83 = arith.cmpi sge, %get3A_77, %ge3A_82 : vector<16xi32>
    %jit3A_84 = arith.constant 120 : i32
    %jit3A_85 = arith.constant 0 : i32
    %broadcast_in_dim3A_86 = vector.broadcast %jit3A_84 : i32 to vector<16xi32>
    %broadcast_in_dim3A_87 = vector.broadcast %jit3A_85 : i32 to vector<16xi32>
    %select_n3A_88 = arith.select %ge3A_83, %broadcast_in_dim3A_86, %broadcast_in_dim3A_87 : vector<16xi1>, vector<16xi32>
    %add3A_89 = arith.addi %get3A_77, %select_n3A_88 : vector<16xi32>
    %swap3A_90 = arith.constant 32 : index
    %swap3A_91 = tpu.vector_load %arg9[%swap3A_90] {strides = array<i32>} : memref<80xi32, #tpu.memory_space<vmem>>, vector<16xi32>,
    %swap3A_92 = vector.shape_cast %swap3A_91 : vector<16xi32> to vector<16xi32>
    %swap3A_93 = vector.shape_cast %add3A_89 : vector<16xi32> to vector<16xi32>
    tpu.vector_store %arg9[%swap3A_90], %swap3A_93 {strides = array<i32>} : memref<80xi32, #tpu.memory_space<vmem>>, vector<16xi32>,
    %ge3A_94 = arith.constant 0 : i32
    %ge3A_95 = vector.broadcast %ge3A_94 : i32 to vector<16xi32>
    %ge3A_96 = arith.cmpi sge, %get3A_80, %ge3A_95 : vector<16xi32>
    %ge3A_97 = arith.constant 5000 : i32
    %ge3A_98 = vector.broadcast %ge3A_97 : i32 to vector<16xi32>
    %ge3A_99 = arith.cmpi sge, %get3A_80, %ge3A_98 : vector<16xi32>
    %jit3A_100 = arith.constant 120 : i32
    %jit3A_101 = arith.constant 0 : i32
    %broadcast_in_dim3A_102 = vector.broadcast %jit3A_100 : i32 to vector<16xi32>
    %broadcast_in_dim3A_103 = vector.broadcast %jit3A_101 : i32 to vector<16xi32>
    %select_n3A_104 = arith.select %ge3A_99, %broadcast_in_dim3A_102, %broadcast_in_dim3A_103 : vector<16xi1>, vector<16xi32>
    %add3A_105 = arith.addi %get3A_80, %select_n3A_104 : vector<16xi32>
    %jit3A_106 = arith.constant 0 : i32
    %broadcast_in_dim3A_107 = vector.broadcast %jit3A_106 : i32 to vector<16xi32>
    %select_n3A_108 = arith.select %ge3A_96, %add3A_105, %broadcast_in_dim3A_107 : vector<16xi1>, vector<16xi32>
    %swap3A_109 = arith.constant 32 : index
    %swap3A_110 = tpu.vector_load %arg10[%swap3A_109] {strides = array<i32>} : memref<80xi32, #tpu.memory_space<vmem>>, vector<16xi32>,
    %swap3A_111 = vector.shape_cast %swap3A_110 : vector<16xi32> to vector<16xi32>
    %swap3A_112 = vector.shape_cast %select_n3A_108 : vector<16xi32> to vector<16xi32>
    tpu.vector_store %arg10[%swap3A_109], %swap3A_112 {strides = array<i32>} : memref<80xi32, #tpu.memory_space<vmem>>, vector<16xi32>,
    %get3A_113 = arith.constant 48 : index
    %get3A_114 = tpu.vector_load %arg7[%get3A_113] {strides = array<i32>} : memref<80xi32, #tpu.memory_space<vmem>>, vector<16xi32>,
    %get3A_115 = vector.shape_cast %get3A_114 : vector<16xi32> to vector<16xi32>
    %get3A_116 = arith.constant 48 : index
    %get3A_117 = tpu.vector_load %arg8[%get3A_116] {strides = array<i32>} : memref<80xi32, #tpu.memory_space<vmem>>, vector<16xi32>,
    %get3A_118 = vector.shape_cast %get3A_117 : vector<16xi32> to vector<16xi32>
    %ge3A_119 = arith.constant 5000 : i32
    %ge3A_120 = vector.broadcast %ge3A_119 : i32 to vector<16xi32>
    %ge3A_121 = arith.cmpi sge, %get3A_115, %ge3A_120 : vector<16xi32>
    %jit3A_122 = arith.constant 120 : i32
    %jit3A_123 = arith.constant 0 : i32
    %broadcast_in_dim3A_124 = vector.broadcast %jit3A_122 : i32 to vector<16xi32>
    %broadcast_in_dim3A_125 = vector.broadcast %jit3A_123 : i32 to vector<16xi32>
    %select_n3A_126 = arith.select %ge3A_121, %broadcast_in_dim3A_124, %broadcast_in_dim3A_125 : vector<16xi1>, vector<16xi32>
    %add3A_127 = arith.addi %get3A_115, %select_n3A_126 : vector<16xi32>
    %swap3A_128 = arith.constant 48 : index
    %swap3A_129 = tpu.vector_load %arg9[%swap3A_128] {strides = array<i32>} : memref<80xi32, #tpu.memory_space<vmem>>, vector<16xi32>,
    %swap3A_130 = vector.shape_cast %swap3A_129 : vector<16xi32> to vector<16xi32>
    %swap3A_131 = vector.shape_cast %add3A_127 : vector<16xi32> to vector<16xi32>
    tpu.vector_store %arg9[%swap3A_128], %swap3A_131 {strides = array<i32>} : memref<80xi32, #tpu.memory_space<vmem>>, vector<16xi32>,
    %ge3A_132 = arith.constant 0 : i32
    %ge3A_133 = vector.broadcast %ge3A_132 : i32 to vector<16xi32>
    %ge3A_134 = arith.cmpi sge, %get3A_118, %ge3A_133 : vector<16xi32>
    %ge3A_135 = arith.constant 5000 : i32
    %ge3A_136 = vector.broadcast %ge3A_135 : i32 to vector<16xi32>
    %ge3A_137 = arith.cmpi sge, %get3A_118, %ge3A_136 : vector<16xi32>
    %jit3A_138 = arith.constant 120 : i32
    %jit3A_139 = arith.constant 0 : i32
    %broadcast_in_dim3A_140 = vector.broadcast %jit3A_138 : i32 to vector<16xi32>
    %broadcast_in_dim3A_141 = vector.broadcast %jit3A_139 : i32 to vector<16xi32>
    %select_n3A_142 = arith.select %ge3A_137, %broadcast_in_dim3A_140, %broadcast_in_dim3A_141 : vector<16xi1>, vector<16xi32>
    %add3A_143 = arith.addi %get3A_118, %select_n3A_142 : vector<16xi32>
    %jit3A_144 = arith.constant 0 : i32
    %broadcast_in_dim3A_145 = vector.broadcast %jit3A_144 : i32 to vector<16xi32>
    %select_n3A_146 = arith.select %ge3A_134, %add3A_143, %broadcast_in_dim3A_145 : vector<16xi1>, vector<16xi32>
    %swap3A_147 = arith.constant 48 : index
    %swap3A_148 = tpu.vector_load %arg10[%swap3A_147] {strides = array<i32>} : memref<80xi32, #tpu.memory_space<vmem>>, vector<16xi32>,
    %swap3A_149 = vector.shape_cast %swap3A_148 : vector<16xi32> to vector<16xi32>
    %swap3A_150 = vector.shape_cast %select_n3A_146 : vector<16xi32> to vector<16xi32>
    tpu.vector_store %arg10[%swap3A_147], %swap3A_150 {strides = array<i32>} : memref<80xi32, #tpu.memory_space<vmem>>, vector<16xi32>,
    %get3A_151 = arith.constant 64 : index
    %get3A_152 = tpu.vector_load %arg7[%get3A_151] {strides = array<i32>} : memref<80xi32, #tpu.memory_space<vmem>>, vector<16xi32>,
    %get3A_153 = vector.shape_cast %get3A_152 : vector<16xi32> to vector<16xi32>
    %get3A_154 = arith.constant 64 : index
    %get3A_155 = tpu.vector_load %arg8[%get3A_154] {strides = array<i32>} : memref<80xi32, #tpu.memory_space<vmem>>, vector<16xi32>,
    %get3A_156 = vector.shape_cast %get3A_155 : vector<16xi32> to vector<16xi32>
    %ge3A_157 = arith.constant 5000 : i32
    %ge3A_158 = vector.broadcast %ge3A_157 : i32 to vector<16xi32>
    %ge3A_159 = arith.cmpi sge, %get3A_153, %ge3A_158 : vector<16xi32>
    %jit3A_160 = arith.constant 120 : i32
    %jit3A_161 = arith.constant 0 : i32
    %broadcast_in_dim3A_162 = vector.broadcast %jit3A_160 : i32 to vector<16xi32>
    %broadcast_in_dim3A_163 = vector.broadcast %jit3A_161 : i32 to vector<16xi32>
    %select_n3A_164 = arith.select %ge3A_159, %broadcast_in_dim3A_162, %broadcast_in_dim3A_163 : vector<16xi1>, vector<16xi32>
    %add3A_165 = arith.addi %get3A_153, %select_n3A_164 : vector<16xi32>
    %swap3A_166 = arith.constant 64 : index
    %swap3A_167 = tpu.vector_load %arg9[%swap3A_166] {strides = array<i32>} : memref<80xi32, #tpu.memory_space<vmem>>, vector<16xi32>,
    %swap3A_168 = vector.shape_cast %swap3A_167 : vector<16xi32> to vector<16xi32>
    %swap3A_169 = vector.shape_cast %add3A_165 : vector<16xi32> to vector<16xi32>
    tpu.vector_store %arg9[%swap3A_166], %swap3A_169 {strides = array<i32>} : memref<80xi32, #tpu.memory_space<vmem>>, vector<16xi32>,
    %ge3A_170 = arith.constant 0 : i32
    %ge3A_171 = vector.broadcast %ge3A_170 : i32 to vector<16xi32>
    %ge3A_172 = arith.cmpi sge, %get3A_156, %ge3A_171 : vector<16xi32>
    %ge3A_173 = arith.constant 5000 : i32
    %ge3A_174 = vector.broadcast %ge3A_173 : i32 to vector<16xi32>
    %ge3A_175 = arith.cmpi sge, %get3A_156, %ge3A_174 : vector<16xi32>
    %jit3A_176 = arith.constant 120 : i32
    %jit3A_177 = arith.constant 0 : i32
    %broadcast_in_dim3A_178 = vector.broadcast %jit3A_176 : i32 to vector<16xi32>
    %broadcast_in_dim3A_179 = vector.broadcast %jit3A_177 : i32 to vector<16xi32>
    %select_n3A_180 = arith.select %ge3A_175, %broadcast_in_dim3A_178, %broadcast_in_dim3A_179 : vector<16xi1>, vector<16xi32>
    %add3A_181 = arith.addi %get3A_156, %select_n3A_180 : vector<16xi32>
    %jit3A_182 = arith.constant 0 : i32
    %broadcast_in_dim3A_183 = vector.broadcast %jit3A_182 : i32 to vector<16xi32>
    %select_n3A_184 = arith.select %ge3A_172, %add3A_181, %broadcast_in_dim3A_183 : vector<16xi1>, vector<16xi32>
    %swap3A_185 = arith.constant 64 : index
    %swap3A_186 = tpu.vector_load %arg10[%swap3A_185] {strides = array<i32>} : memref<80xi32, #tpu.memory_space<vmem>>, vector<16xi32>,
    %swap3A_187 = vector.shape_cast %swap3A_186 : vector<16xi32> to vector<16xi32>
    %swap3A_188 = vector.shape_cast %select_n3A_184 : vector<16xi32> to vector<16xi32>
    tpu.vector_store %arg10[%swap3A_185], %swap3A_188 {strides = array<i32>} : memref<80xi32, #tpu.memory_space<vmem>>, vector<16xi32>,
    %dma_start3A = arith.constant 0 : i32
    %dma_start3A_189 = arith.constant 0 : i32
    %dma_start3A_190 = tpu.memref_slice %arg2[%dma_start3A, %dma_start3A_189] : memref<10240x256xf32, #tpu.memory_space<hbm>> -> memref<10240x256xf32, #tpu.memory_space<hbm>>
    tpu.enqueue_indirect_dma source(%dma_start3A_190 : memref<10240x256xf32, #tpu.memory_space<hbm>>) target(%arg13 : memref<80x256xf32, #tpu.memory_space<vmem>>) offsets(%arg9 : memref<80xi32, #tpu.memory_space<vmem>>) semaphore(%arg17 : memref<!tpu.dma_semaphore, #tpu.memory_space<semaphore_mem>>)
    %dma_start3A_191 = arith.constant 0 : i32
    %dma_start3A_192 = arith.constant 0 : i32
    %dma_start3A_193 = tpu.memref_slice %arg2[%dma_start3A_191, %dma_start3A_192] : memref<10240x256xf32, #tpu.memory_space<hbm>> -> memref<10240x256xf32, #tpu.memory_space<hbm>>
    tpu.enqueue_indirect_dma source(%dma_start3A_193 : memref<10240x256xf32, #tpu.memory_space<hbm>>) target(%arg14 : memref<80x256xf32, #tpu.memory_space<vmem>>) offsets(%arg10 : memref<80xi32, #tpu.memory_space<vmem>>) semaphore(%arg17 : memref<!tpu.dma_semaphore, #tpu.memory_space<semaphore_mem>>)
    %scan3A = arith.constant 0 : i32
    %scan3A_194 = arith.constant 0 : i32
    %scan3A_195 = arith.constant 32 : i32
    %scan3A_196 = arith.addi %scan3A_194, %scan3A_195 : i32
    %scan3A_197 = arith.constant 1 : i32
    %scan3A_198 = scf.for %scan3A_200 = %scan3A_194 to %scan3A_196 step %scan3A_197 iter_args(%scan3A_201 = %scan3A) -> (i32)  : i32 {
      %mul3A_202 = arith.constant 2 : i32
      %mul3A_203 = arith.muli %scan3A_200, %mul3A_202 : i32
      %add3A_204 = arith.constant 1 : i32
      %add3A_205 = arith.addi %mul3A_203, %add3A_204 : i32
      %mul3A_206 = arith.constant 80 : i32
      %mul3A_207 = arith.muli %add3A_205, %mul3A_206 : i32
      %add3A_208 = arith.addi %mul3A_2, %mul3A_207 : i32
      "tpu.region"() ({
        %run_scoped3A = tpu.sem_alloc : memref<!tpu.dma_semaphore, #tpu.memory_space<semaphore_mem>>
        %dma_start3A_443 = tpu.memref_slice %arg3[%add3A_208] : memref<163840xi32, #tpu.memory_space<hbm>> -> memref<80xi32, #tpu.memory_space<hbm>>
        %dma_start3A_444 = tpu.memref_slice %arg3[%add3A_208] : memref<163840xi32, #tpu.memory_space<hbm>> -> memref<80xi32, #tpu.memory_space<hbm>>
        tpu.enqueue_dma source(%dma_start3A_444 : memref<80xi32, #tpu.memory_space<hbm>>) target(%arg7 : memref<80xi32, #tpu.memory_space<vmem>>) target_semaphore(%run_scoped3A : memref<!tpu.dma_semaphore, #tpu.memory_space<semaphore_mem>>)
        %dma_wait3A_445 = tpu.memref_slice %arg3[%add3A_208] : memref<163840xi32, #tpu.memory_space<hbm>> -> memref<80xi32, #tpu.memory_space<hbm>>
        %dma_wait3A_446 = tpu.memref_slice %arg3[%add3A_208] : memref<163840xi32, #tpu.memory_space<hbm>> -> memref<80xi32, #tpu.memory_space<hbm>>
        tpu.wait_dma2 semaphore(%run_scoped3A : memref<!tpu.dma_semaphore, #tpu.memory_space<semaphore_mem>>) src(%dma_wait3A_446 : memref<80xi32, #tpu.memory_space<hbm>>) dst(%arg7 : memref<80xi32, #tpu.memory_space<vmem>>)
        tpu.yield
      }) : () -> ()
      "tpu.region"() ({
        %run_scoped3A = tpu.sem_alloc : memref<!tpu.dma_semaphore, #tpu.memory_space<semaphore_mem>>
        %dma_start3A_443 = tpu.memref_slice %arg4[%add3A_208] : memref<163840xi32, #tpu.memory_space<hbm>> -> memref<80xi32, #tpu.memory_space<hbm>>
        %dma_start3A_444 = tpu.memref_slice %arg4[%add3A_208] : memref<163840xi32, #tpu.memory_space<hbm>> -> memref<80xi32, #tpu.memory_space<hbm>>
        tpu.enqueue_dma source(%dma_start3A_444 : memref<80xi32, #tpu.memory_space<hbm>>) target(%arg8 : memref<80xi32, #tpu.memory_space<vmem>>) target_semaphore(%run_scoped3A : memref<!tpu.dma_semaphore, #tpu.memory_space<semaphore_mem>>)
        %dma_wait3A_445 = tpu.memref_slice %arg4[%add3A_208] : memref<163840xi32, #tpu.memory_space<hbm>> -> memref<80xi32, #tpu.memory_space<hbm>>
        %dma_wait3A_446 = tpu.memref_slice %arg4[%add3A_208] : memref<163840xi32, #tpu.memory_space<hbm>> -> memref<80xi32, #tpu.memory_space<hbm>>
        tpu.wait_dma2 semaphore(%run_scoped3A : memref<!tpu.dma_semaphore, #tpu.memory_space<semaphore_mem>>) src(%dma_wait3A_446 : memref<80xi32, #tpu.memory_space<hbm>>) dst(%arg8 : memref<80xi32, #tpu.memory_space<vmem>>)
        tpu.yield
      }) : () -> ()
      %get3A_209 = arith.constant 0 : index
      %get3A_210 = tpu.vector_load %arg7[%get3A_209] {strides = array<i32>} : memref<80xi32, #tpu.memory_space<vmem>>, vector<16xi32>,
      %get3A_211 = vector.shape_cast %get3A_210 : vector<16xi32> to vector<16xi32>
      %get3A_212 = arith.constant 0 : index
      %get3A_213 = tpu.vector_load %arg8[%get3A_212] {strides = array<i32>} : memref<80xi32, #tpu.memory_space<vmem>>, vector<16xi32>,
      %get3A_214 = vector.shape_cast %get3A_213 : vector<16xi32> to vector<16xi32>
      %ge3A_215 = arith.constant 5000 : i32
      %ge3A_216 = vector.broadcast %ge3A_215 : i32 to vector<16xi32>
      %ge3A_217 = arith.cmpi sge, %get3A_211, %ge3A_216 : vector<16xi32>
      %jit3A_218 = arith.constant 120 : i32
      %jit3A_219 = arith.constant 0 : i32
      %broadcast_in_dim3A_220 = vector.broadcast %jit3A_218 : i32 to vector<16xi32>
      %broadcast_in_dim3A_221 = vector.broadcast %jit3A_219 : i32 to vector<16xi32>
      %select_n3A_222 = arith.select %ge3A_217, %broadcast_in_dim3A_220, %broadcast_in_dim3A_221 : vector<16xi1>, vector<16xi32>
      %add3A_223 = arith.addi %get3A_211, %select_n3A_222 : vector<16xi32>
      %swap3A_224 = arith.constant 0 : index
      %swap3A_225 = tpu.vector_load %arg11[%swap3A_224] {strides = array<i32>} : memref<80xi32, #tpu.memory_space<vmem>>, vector<16xi32>,
      %swap3A_226 = vector.shape_cast %swap3A_225 : vector<16xi32> to vector<16xi32>
      %swap3A_227 = vector.shape_cast %add3A_223 : vector<16xi32> to vector<16xi32>
      tpu.vector_store %arg11[%swap3A_224], %swap3A_227 {strides = array<i32>} : memref<80xi32, #tpu.memory_space<vmem>>, vector<16xi32>,
      %ge3A_228 = arith.constant 0 : i32
      %ge3A_229 = vector.broadcast %ge3A_228 : i32 to vector<16xi32>
      %ge3A_230 = arith.cmpi sge, %get3A_214, %ge3A_229 : vector<16xi32>
      %ge3A_231 = arith.constant 5000 : i32
      %ge3A_232 = vector.broadcast %ge3A_231 : i32 to vector<16xi32>
      %ge3A_233 = arith.cmpi sge, %get3A_214, %ge3A_232 : vector<16xi32>
      %jit3A_234 = arith.constant 120 : i32
      %jit3A_235 = arith.constant 0 : i32
      %broadcast_in_dim3A_236 = vector.broadcast %jit3A_234 : i32 to vector<16xi32>
      %broadcast_in_dim3A_237 = vector.broadcast %jit3A_235 : i32 to vector<16xi32>
      %select_n3A_238 = arith.select %ge3A_233, %broadcast_in_dim3A_236, %broadcast_in_dim3A_237 : vector<16xi1>, vector<16xi32>
      %add3A_239 = arith.addi %get3A_214, %select_n3A_238 : vector<16xi32>
      %jit3A_240 = arith.constant 0 : i32
      %broadcast_in_dim3A_241 = vector.broadcast %jit3A_240 : i32 to vector<16xi32>
      %select_n3A_242 = arith.select %ge3A_230, %add3A_239, %broadcast_in_dim3A_241 : vector<16xi1>, vector<16xi32>
      %swap3A_243 = arith.constant 0 : index
      %swap3A_244 = tpu.vector_load %arg12[%swap3A_243] {strides = array<i32>} : memref<80xi32, #tpu.memory_space<vmem>>, vector<16xi32>,
      %swap3A_245 = vector.shape_cast %swap3A_244 : vector<16xi32> to vector<16xi32>
      %swap3A_246 = vector.shape_cast %select_n3A_242 : vector<16xi32> to vector<16xi32>
      tpu.vector_store %arg12[%swap3A_243], %swap3A_246 {strides = array<i32>} : memref<80xi32, #tpu.memory_space<vmem>>, vector<16xi32>,
      %get3A_247 = arith.constant 16 : index
      %get3A_248 = tpu.vector_load %arg7[%get3A_247] {strides = array<i32>} : memref<80xi32, #tpu.memory_space<vmem>>, vector<16xi32>,
      %get3A_249 = vector.shape_cast %get3A_248 : vector<16xi32> to vector<16xi32>
      %get3A_250 = arith.constant 16 : index
      %get3A_251 = tpu.vector_load %arg8[%get3A_250] {strides = array<i32>} : memref<80xi32, #tpu.memory_space<vmem>>, vector<16xi32>,
      %get3A_252 = vector.shape_cast %get3A_251 : vector<16xi32> to vector<16xi32>
      %ge3A_253 = arith.constant 5000 : i32
      %ge3A_254 = vector.broadcast %ge3A_253 : i32 to vector<16xi32>
      %ge3A_255 = arith.cmpi sge, %get3A_249, %ge3A_254 : vector<16xi32>
      %jit3A_256 = arith.constant 120 : i32
      %jit3A_257 = arith.constant 0 : i32
      %broadcast_in_dim3A_258 = vector.broadcast %jit3A_256 : i32 to vector<16xi32>
      %broadcast_in_dim3A_259 = vector.broadcast %jit3A_257 : i32 to vector<16xi32>
      %select_n3A_260 = arith.select %ge3A_255, %broadcast_in_dim3A_258, %broadcast_in_dim3A_259 : vector<16xi1>, vector<16xi32>
      %add3A_261 = arith.addi %get3A_249, %select_n3A_260 : vector<16xi32>
      %swap3A_262 = arith.constant 16 : index
      %swap3A_263 = tpu.vector_load %arg11[%swap3A_262] {strides = array<i32>} : memref<80xi32, #tpu.memory_space<vmem>>, vector<16xi32>,
      %swap3A_264 = vector.shape_cast %swap3A_263 : vector<16xi32> to vector<16xi32>
      %swap3A_265 = vector.shape_cast %add3A_261 : vector<16xi32> to vector<16xi32>
      tpu.vector_store %arg11[%swap3A_262], %swap3A_265 {strides = array<i32>} : memref<80xi32, #tpu.memory_space<vmem>>, vector<16xi32>,
      %ge3A_266 = arith.constant 0 : i32
      %ge3A_267 = vector.broadcast %ge3A_266 : i32 to vector<16xi32>
      %ge3A_268 = arith.cmpi sge, %get3A_252, %ge3A_267 : vector<16xi32>
      %ge3A_269 = arith.constant 5000 : i32
      %ge3A_270 = vector.broadcast %ge3A_269 : i32 to vector<16xi32>
      %ge3A_271 = arith.cmpi sge, %get3A_252, %ge3A_270 : vector<16xi32>
      %jit3A_272 = arith.constant 120 : i32
      %jit3A_273 = arith.constant 0 : i32
      %broadcast_in_dim3A_274 = vector.broadcast %jit3A_272 : i32 to vector<16xi32>
      %broadcast_in_dim3A_275 = vector.broadcast %jit3A_273 : i32 to vector<16xi32>
      %select_n3A_276 = arith.select %ge3A_271, %broadcast_in_dim3A_274, %broadcast_in_dim3A_275 : vector<16xi1>, vector<16xi32>
      %add3A_277 = arith.addi %get3A_252, %select_n3A_276 : vector<16xi32>
      %jit3A_278 = arith.constant 0 : i32
      %broadcast_in_dim3A_279 = vector.broadcast %jit3A_278 : i32 to vector<16xi32>
      %select_n3A_280 = arith.select %ge3A_268, %add3A_277, %broadcast_in_dim3A_279 : vector<16xi1>, vector<16xi32>
      %swap3A_281 = arith.constant 16 : index
      %swap3A_282 = tpu.vector_load %arg12[%swap3A_281] {strides = array<i32>} : memref<80xi32, #tpu.memory_space<vmem>>, vector<16xi32>,
      %swap3A_283 = vector.shape_cast %swap3A_282 : vector<16xi32> to vector<16xi32>
      %swap3A_284 = vector.shape_cast %select_n3A_280 : vector<16xi32> to vector<16xi32>
      tpu.vector_store %arg12[%swap3A_281], %swap3A_284 {strides = array<i32>} : memref<80xi32, #tpu.memory_space<vmem>>, vector<16xi32>,
      %get3A_285 = arith.constant 32 : index
      %get3A_286 = tpu.vector_load %arg7[%get3A_285] {strides = array<i32>} : memref<80xi32, #tpu.memory_space<vmem>>, vector<16xi32>,
      %get3A_287 = vector.shape_cast %get3A_286 : vector<16xi32> to vector<16xi32>
      %get3A_288 = arith.constant 32 : index
      %get3A_289 = tpu.vector_load %arg8[%get3A_288] {strides = array<i32>} : memref<80xi32, #tpu.memory_space<vmem>>, vector<16xi32>,
      %get3A_290 = vector.shape_cast %get3A_289 : vector<16xi32> to vector<16xi32>
      %ge3A_291 = arith.constant 5000 : i32
      %ge3A_292 = vector.broadcast %ge3A_291 : i32 to vector<16xi32>
      %ge3A_293 = arith.cmpi sge, %get3A_287, %ge3A_292 : vector<16xi32>
      %jit3A_294 = arith.constant 120 : i32
      %jit3A_295 = arith.constant 0 : i32
      %broadcast_in_dim3A_296 = vector.broadcast %jit3A_294 : i32 to vector<16xi32>
      %broadcast_in_dim3A_297 = vector.broadcast %jit3A_295 : i32 to vector<16xi32>
      %select_n3A_298 = arith.select %ge3A_293, %broadcast_in_dim3A_296, %broadcast_in_dim3A_297 : vector<16xi1>, vector<16xi32>
      %add3A_299 = arith.addi %get3A_287, %select_n3A_298 : vector<16xi32>
      %swap3A_300 = arith.constant 32 : index
      %swap3A_301 = tpu.vector_load %arg11[%swap3A_300] {strides = array<i32>} : memref<80xi32, #tpu.memory_space<vmem>>, vector<16xi32>,
      %swap3A_302 = vector.shape_cast %swap3A_301 : vector<16xi32> to vector<16xi32>
      %swap3A_303 = vector.shape_cast %add3A_299 : vector<16xi32> to vector<16xi32>
      tpu.vector_store %arg11[%swap3A_300], %swap3A_303 {strides = array<i32>} : memref<80xi32, #tpu.memory_space<vmem>>, vector<16xi32>,
      %ge3A_304 = arith.constant 0 : i32
      %ge3A_305 = vector.broadcast %ge3A_304 : i32 to vector<16xi32>
      %ge3A_306 = arith.cmpi sge, %get3A_290, %ge3A_305 : vector<16xi32>
      %ge3A_307 = arith.constant 5000 : i32
      %ge3A_308 = vector.broadcast %ge3A_307 : i32 to vector<16xi32>
      %ge3A_309 = arith.cmpi sge, %get3A_290, %ge3A_308 : vector<16xi32>
      %jit3A_310 = arith.constant 120 : i32
      %jit3A_311 = arith.constant 0 : i32
      %broadcast_in_dim3A_312 = vector.broadcast %jit3A_310 : i32 to vector<16xi32>
      %broadcast_in_dim3A_313 = vector.broadcast %jit3A_311 : i32 to vector<16xi32>
      %select_n3A_314 = arith.select %ge3A_309, %broadcast_in_dim3A_312, %broadcast_in_dim3A_313 : vector<16xi1>, vector<16xi32>
      %add3A_315 = arith.addi %get3A_290, %select_n3A_314 : vector<16xi32>
      %jit3A_316 = arith.constant 0 : i32
      %broadcast_in_dim3A_317 = vector.broadcast %jit3A_316 : i32 to vector<16xi32>
      %select_n3A_318 = arith.select %ge3A_306, %add3A_315, %broadcast_in_dim3A_317 : vector<16xi1>, vector<16xi32>
      %swap3A_319 = arith.constant 32 : index
      %swap3A_320 = tpu.vector_load %arg12[%swap3A_319] {strides = array<i32>} : memref<80xi32, #tpu.memory_space<vmem>>, vector<16xi32>,
      %swap3A_321 = vector.shape_cast %swap3A_320 : vector<16xi32> to vector<16xi32>
      %swap3A_322 = vector.shape_cast %select_n3A_318 : vector<16xi32> to vector<16xi32>
      tpu.vector_store %arg12[%swap3A_319], %swap3A_322 {strides = array<i32>} : memref<80xi32, #tpu.memory_space<vmem>>, vector<16xi32>,
      %get3A_323 = arith.constant 48 : index
      %get3A_324 = tpu.vector_load %arg7[%get3A_323] {strides = array<i32>} : memref<80xi32, #tpu.memory_space<vmem>>, vector<16xi32>,
      %get3A_325 = vector.shape_cast %get3A_324 : vector<16xi32> to vector<16xi32>
      %get3A_326 = arith.constant 48 : index
      %get3A_327 = tpu.vector_load %arg8[%get3A_326] {strides = array<i32>} : memref<80xi32, #tpu.memory_space<vmem>>, vector<16xi32>,
      %get3A_328 = vector.shape_cast %get3A_327 : vector<16xi32> to vector<16xi32>
      %ge3A_329 = arith.constant 5000 : i32
      %ge3A_330 = vector.broadcast %ge3A_329 : i32 to vector<16xi32>
      %ge3A_331 = arith.cmpi sge, %get3A_325, %ge3A_330 : vector<16xi32>
      %jit3A_332 = arith.constant 120 : i32
      %jit3A_333 = arith.constant 0 : i32
      %broadcast_in_dim3A_334 = vector.broadcast %jit3A_332 : i32 to vector<16xi32>
      %broadcast_in_dim3A_335 = vector.broadcast %jit3A_333 : i32 to vector<16xi32>
      %select_n3A_336 = arith.select %ge3A_331, %broadcast_in_dim3A_334, %broadcast_in_dim3A_335 : vector<16xi1>, vector<16xi32>
      %add3A_337 = arith.addi %get3A_325, %select_n3A_336 : vector<16xi32>
      %swap3A_338 = arith.constant 48 : index
      %swap3A_339 = tpu.vector_load %arg11[%swap3A_338] {strides = array<i32>} : memref<80xi32, #tpu.memory_space<vmem>>, vector<16xi32>,
      %swap3A_340 = vector.shape_cast %swap3A_339 : vector<16xi32> to vector<16xi32>
      %swap3A_341 = vector.shape_cast %add3A_337 : vector<16xi32> to vector<16xi32>
      tpu.vector_store %arg11[%swap3A_338], %swap3A_341 {strides = array<i32>} : memref<80xi32, #tpu.memory_space<vmem>>, vector<16xi32>,
      %ge3A_342 = arith.constant 0 : i32
      %ge3A_343 = vector.broadcast %ge3A_342 : i32 to vector<16xi32>
      %ge3A_344 = arith.cmpi sge, %get3A_328, %ge3A_343 : vector<16xi32>
      %ge3A_345 = arith.constant 5000 : i32
      %ge3A_346 = vector.broadcast %ge3A_345 : i32 to vector<16xi32>
      %ge3A_347 = arith.cmpi sge, %get3A_328, %ge3A_346 : vector<16xi32>
      %jit3A_348 = arith.constant 120 : i32
      %jit3A_349 = arith.constant 0 : i32
      %broadcast_in_dim3A_350 = vector.broadcast %jit3A_348 : i32 to vector<16xi32>
      %broadcast_in_dim3A_351 = vector.broadcast %jit3A_349 : i32 to vector<16xi32>
      %select_n3A_352 = arith.select %ge3A_347, %broadcast_in_dim3A_350, %broadcast_in_dim3A_351 : vector<16xi1>, vector<16xi32>
      %add3A_353 = arith.addi %get3A_328, %select_n3A_352 : vector<16xi32>
      %jit3A_354 = arith.constant 0 : i32
      %broadcast_in_dim3A_355 = vector.broadcast %jit3A_354 : i32 to vector<16xi32>
      %select_n3A_356 = arith.select %ge3A_344, %add3A_353, %broadcast_in_dim3A_355 : vector<16xi1>, vector<16xi32>
      %swap3A_357 = arith.constant 48 : index
      %swap3A_358 = tpu.vector_load %arg12[%swap3A_357] {strides = array<i32>} : memref<80xi32, #tpu.memory_space<vmem>>, vector<16xi32>,
      %swap3A_359 = vector.shape_cast %swap3A_358 : vector<16xi32> to vector<16xi32>
      %swap3A_360 = vector.shape_cast %select_n3A_356 : vector<16xi32> to vector<16xi32>
      tpu.vector_store %arg12[%swap3A_357], %swap3A_360 {strides = array<i32>} : memref<80xi32, #tpu.memory_space<vmem>>, vector<16xi32>,
      %get3A_361 = arith.constant 64 : index
      %get3A_362 = tpu.vector_load %arg7[%get3A_361] {strides = array<i32>} : memref<80xi32, #tpu.memory_space<vmem>>, vector<16xi32>,
      %get3A_363 = vector.shape_cast %get3A_362 : vector<16xi32> to vector<16xi32>
      %get3A_364 = arith.constant 64 : index
      %get3A_365 = tpu.vector_load %arg8[%get3A_364] {strides = array<i32>} : memref<80xi32, #tpu.memory_space<vmem>>, vector<16xi32>,
      %get3A_366 = vector.shape_cast %get3A_365 : vector<16xi32> to vector<16xi32>
      %ge3A_367 = arith.constant 5000 : i32
      %ge3A_368 = vector.broadcast %ge3A_367 : i32 to vector<16xi32>
      %ge3A_369 = arith.cmpi sge, %get3A_363, %ge3A_368 : vector<16xi32>
      %jit3A_370 = arith.constant 120 : i32
      %jit3A_371 = arith.constant 0 : i32
      %broadcast_in_dim3A_372 = vector.broadcast %jit3A_370 : i32 to vector<16xi32>
      %broadcast_in_dim3A_373 = vector.broadcast %jit3A_371 : i32 to vector<16xi32>
      %select_n3A_374 = arith.select %ge3A_369, %broadcast_in_dim3A_372, %broadcast_in_dim3A_373 : vector<16xi1>, vector<16xi32>
      %add3A_375 = arith.addi %get3A_363, %select_n3A_374 : vector<16xi32>
      %swap3A_376 = arith.constant 64 : index
      %swap3A_377 = tpu.vector_load %arg11[%swap3A_376] {strides = array<i32>} : memref<80xi32, #tpu.memory_space<vmem>>, vector<16xi32>,
      %swap3A_378 = vector.shape_cast %swap3A_377 : vector<16xi32> to vector<16xi32>
      %swap3A_379 = vector.shape_cast %add3A_375 : vector<16xi32> to vector<16xi32>
      tpu.vector_store %arg11[%swap3A_376], %swap3A_379 {strides = array<i32>} : memref<80xi32, #tpu.memory_space<vmem>>, vector<16xi32>,
      %ge3A_380 = arith.constant 0 : i32
      %ge3A_381 = vector.broadcast %ge3A_380 : i32 to vector<16xi32>
      %ge3A_382 = arith.cmpi sge, %get3A_366, %ge3A_381 : vector<16xi32>
      %ge3A_383 = arith.constant 5000 : i32
      %ge3A_384 = vector.broadcast %ge3A_383 : i32 to vector<16xi32>
      %ge3A_385 = arith.cmpi sge, %get3A_366, %ge3A_384 : vector<16xi32>
      %jit3A_386 = arith.constant 120 : i32
      %jit3A_387 = arith.constant 0 : i32
      %broadcast_in_dim3A_388 = vector.broadcast %jit3A_386 : i32 to vector<16xi32>
      %broadcast_in_dim3A_389 = vector.broadcast %jit3A_387 : i32 to vector<16xi32>
      %select_n3A_390 = arith.select %ge3A_385, %broadcast_in_dim3A_388, %broadcast_in_dim3A_389 : vector<16xi1>, vector<16xi32>
      %add3A_391 = arith.addi %get3A_366, %select_n3A_390 : vector<16xi32>
      %jit3A_392 = arith.constant 0 : i32
      %broadcast_in_dim3A_393 = vector.broadcast %jit3A_392 : i32 to vector<16xi32>
      %select_n3A_394 = arith.select %ge3A_382, %add3A_391, %broadcast_in_dim3A_393 : vector<16xi1>, vector<16xi32>
      %swap3A_395 = arith.constant 64 : index
      %swap3A_396 = tpu.vector_load %arg12[%swap3A_395] {strides = array<i32>} : memref<80xi32, #tpu.memory_space<vmem>>, vector<16xi32>,
      %swap3A_397 = vector.shape_cast %swap3A_396 : vector<16xi32> to vector<16xi32>
      %swap3A_398 = vector.shape_cast %select_n3A_394 : vector<16xi32> to vector<16xi32>
      tpu.vector_store %arg12[%swap3A_395], %swap3A_398 {strides = array<i32>} : memref<80xi32, #tpu.memory_space<vmem>>, vector<16xi32>,
      %dma_start3A_399 = arith.constant 0 : i32
      %dma_start3A_400 = arith.constant 0 : i32
      %dma_start3A_401 = tpu.memref_slice %arg2[%dma_start3A_399, %dma_start3A_400] : memref<10240x256xf32, #tpu.memory_space<hbm>> -> memref<10240x256xf32, #tpu.memory_space<hbm>>
      tpu.enqueue_indirect_dma source(%dma_start3A_401 : memref<10240x256xf32, #tpu.memory_space<hbm>>) target(%arg15 : memref<80x256xf32, #tpu.memory_space<vmem>>) offsets(%arg11 : memref<80xi32, #tpu.memory_space<vmem>>) semaphore(%arg18 : memref<!tpu.dma_semaphore, #tpu.memory_space<semaphore_mem>>)
      %dma_start3A_402 = arith.constant 0 : i32
      %dma_start3A_403 = arith.constant 0 : i32
      %dma_start3A_404 = tpu.memref_slice %arg2[%dma_start3A_402, %dma_start3A_403] : memref<10240x256xf32, #tpu.memory_space<hbm>> -> memref<10240x256xf32, #tpu.memory_space<hbm>>
      tpu.enqueue_indirect_dma source(%dma_start3A_404 : memref<10240x256xf32, #tpu.memory_space<hbm>>) target(%arg16 : memref<80x256xf32, #tpu.memory_space<vmem>>) offsets(%arg12 : memref<80xi32, #tpu.memory_space<vmem>>) semaphore(%arg18 : memref<!tpu.dma_semaphore, #tpu.memory_space<semaphore_mem>>)
      %mul3A_405 = arith.constant 80 : i32
      %mul3A_406 = arith.muli %mul3A_203, %mul3A_405 : i32
      %add3A_407 = arith.addi %mul3A_2, %mul3A_406 : i32
      %dma_wait3A = arith.constant 0 : i32
      %dma_wait3A_408 = arith.constant 0 : i32
      %dma_wait3A_409 = tpu.memref_slice %arg2[%dma_wait3A, %dma_wait3A_408] : memref<10240x256xf32, #tpu.memory_space<hbm>> -> memref<10240x256xf32, #tpu.memory_space<hbm>>
      tpu.wait_indirect_dma semaphore(%arg17 : memref<!tpu.dma_semaphore, #tpu.memory_space<semaphore_mem>>) src(%dma_wait3A_409 : memref<10240x256xf32, #tpu.memory_space<hbm>>) dst(%arg13 : memref<80x256xf32, #tpu.memory_space<vmem>>)
      %dma_wait3A_410 = arith.constant 0 : i32
      %dma_wait3A_411 = arith.constant 0 : i32
      %dma_wait3A_412 = tpu.memref_slice %arg2[%dma_wait3A_410, %dma_wait3A_411] : memref<10240x256xf32, #tpu.memory_space<hbm>> -> memref<10240x256xf32, #tpu.memory_space<hbm>>
      tpu.wait_indirect_dma semaphore(%arg17 : memref<!tpu.dma_semaphore, #tpu.memory_space<semaphore_mem>>) src(%dma_wait3A_412 : memref<10240x256xf32, #tpu.memory_space<hbm>>) dst(%arg14 : memref<80x256xf32, #tpu.memory_space<vmem>>)
      "tpu.region"() ({
        %run_scoped3A = tpu.sem_alloc : memref<!tpu.dma_semaphore, #tpu.memory_space<semaphore_mem>>
        %dma_start3A_443 = arith.constant 0 : i32
        %dma_start3A_444 = tpu.memref_slice %arg5[%add3A_407, %dma_start3A_443] : memref<163840x256xf32, #tpu.memory_space<hbm>> -> memref<80x256xf32, #tpu.memory_space<hbm>>
        %dma_start3A_445 = arith.constant 0 : i32
        %dma_start3A_446 = tpu.memref_slice %arg5[%add3A_407, %dma_start3A_445] : memref<163840x256xf32, #tpu.memory_space<hbm>> -> memref<80x256xf32, #tpu.memory_space<hbm>>
        tpu.enqueue_dma source(%arg13 : memref<80x256xf32, #tpu.memory_space<vmem>>) target(%dma_start3A_446 : memref<80x256xf32, #tpu.memory_space<hbm>>) target_semaphore(%run_scoped3A : memref<!tpu.dma_semaphore, #tpu.memory_space<semaphore_mem>>)
        %dma_wait3A_447 = arith.constant 0 : i32
        %dma_wait3A_448 = tpu.memref_slice %arg5[%add3A_407, %dma_wait3A_447] : memref<163840x256xf32, #tpu.memory_space<hbm>> -> memref<80x256xf32, #tpu.memory_space<hbm>>
        %dma_wait3A_449 = arith.constant 0 : i32
        %dma_wait3A_450 = tpu.memref_slice %arg5[%add3A_407, %dma_wait3A_449] : memref<163840x256xf32, #tpu.memory_space<hbm>> -> memref<80x256xf32, #tpu.memory_space<hbm>>
        tpu.wait_dma2 semaphore(%run_scoped3A : memref<!tpu.dma_semaphore, #tpu.memory_space<semaphore_mem>>) src(%arg13 : memref<80x256xf32, #tpu.memory_space<vmem>>) dst(%dma_wait3A_450 : memref<80x256xf32, #tpu.memory_space<hbm>>)
        tpu.yield
      }) : () -> ()
      %scan3A_413 = arith.constant 0 : i32
      %scan3A_414 = arith.constant 0 : i32
      %scan3A_415 = arith.constant 80 : i32
      %scan3A_416 = arith.addi %scan3A_414, %scan3A_415 : i32
      %scan3A_417 = arith.constant 1 : i32
      %scan3A_418 = scf.for %scan3A_443 = %scan3A_414 to %scan3A_416 step %scan3A_417 iter_args(%scan3A_444 = %scan3A_413) -> (i32)  : i32 {
        %get3A_445 = arith.index_cast %scan3A_443 : i32 to index
        %get3A_446 = arith.constant 0 : index
        %get3A_447 = tpu.vector_load %arg13[%get3A_445, %get3A_446] {strides = array<i32>} : memref<80x256xf32, #tpu.memory_space<vmem>>, vector<1x16xf32>,
        %get3A_448 = vector.shape_cast %get3A_447 : vector<1x16xf32> to vector<16xf32>
        %get3A_449 = arith.index_cast %scan3A_443 : i32 to index
        %get3A_450 = arith.constant 0 : index
        %get3A_451 = tpu.vector_load %arg14[%get3A_449, %get3A_450] {strides = array<i32>} : memref<80x256xf32, #tpu.memory_space<vmem>>, vector<1x16xf32>,
        %get3A_452 = vector.shape_cast %get3A_451 : vector<1x16xf32> to vector<16xf32>
        %add3A_453 = arith.addf %get3A_448, %get3A_452 : vector<16xf32>
        %swap3A_454 = arith.index_cast %scan3A_443 : i32 to index
        %swap3A_455 = arith.constant 0 : index
        %swap3A_456 = tpu.vector_load %arg13[%swap3A_454, %swap3A_455] {strides = array<i32>} : memref<80x256xf32, #tpu.memory_space<vmem>>, vector<1x16xf32>,
        %swap3A_457 = vector.shape_cast %swap3A_456 : vector<1x16xf32> to vector<16xf32>
        %swap3A_458 = vector.shape_cast %add3A_453 : vector<16xf32> to vector<1x16xf32>
        tpu.vector_store %arg13[%swap3A_454, %swap3A_455], %swap3A_458 {strides = array<i32>} : memref<80x256xf32, #tpu.memory_space<vmem>>, vector<1x16xf32>,
        %get3A_459 = arith.index_cast %scan3A_443 : i32 to index
        %get3A_460 = arith.constant 16 : index
        %get3A_461 = tpu.vector_load %arg13[%get3A_459, %get3A_460] {strides = array<i32>} : memref<80x256xf32, #tpu.memory_space<vmem>>, vector<1x16xf32>,
        %get3A_462 = vector.shape_cast %get3A_461 : vector<1x16xf32> to vector<16xf32>
        %get3A_463 = arith.index_cast %scan3A_443 : i32 to index
        %get3A_464 = arith.constant 16 : index
        %get3A_465 = tpu.vector_load %arg14[%get3A_463, %get3A_464] {strides = array<i32>} : memref<80x256xf32, #tpu.memory_space<vmem>>, vector<1x16xf32>,
        %get3A_466 = vector.shape_cast %get3A_465 : vector<1x16xf32> to vector<16xf32>
        %add3A_467 = arith.addf %get3A_462, %get3A_466 : vector<16xf32>
        %swap3A_468 = arith.index_cast %scan3A_443 : i32 to index
        %swap3A_469 = arith.constant 16 : index
        %swap3A_470 = tpu.vector_load %arg13[%swap3A_468, %swap3A_469] {strides = array<i32>} : memref<80x256xf32, #tpu.memory_space<vmem>>, vector<1x16xf32>,
        %swap3A_471 = vector.shape_cast %swap3A_470 : vector<1x16xf32> to vector<16xf32>
        %swap3A_472 = vector.shape_cast %add3A_467 : vector<16xf32> to vector<1x16xf32>
        tpu.vector_store %arg13[%swap3A_468, %swap3A_469], %swap3A_472 {strides = array<i32>} : memref<80x256xf32, #tpu.memory_space<vmem>>, vector<1x16xf32>,
        %get3A_473 = arith.index_cast %scan3A_443 : i32 to index
        %get3A_474 = arith.constant 32 : index
        %get3A_475 = tpu.vector_load %arg13[%get3A_473, %get3A_474] {strides = array<i32>} : memref<80x256xf32, #tpu.memory_space<vmem>>, vector<1x16xf32>,
        %get3A_476 = vector.shape_cast %get3A_475 : vector<1x16xf32> to vector<16xf32>
        %get3A_477 = arith.index_cast %scan3A_443 : i32 to index
        %get3A_478 = arith.constant 32 : index
        %get3A_479 = tpu.vector_load %arg14[%get3A_477, %get3A_478] {strides = array<i32>} : memref<80x256xf32, #tpu.memory_space<vmem>>, vector<1x16xf32>,
        %get3A_480 = vector.shape_cast %get3A_479 : vector<1x16xf32> to vector<16xf32>
        %add3A_481 = arith.addf %get3A_476, %get3A_480 : vector<16xf32>
        %swap3A_482 = arith.index_cast %scan3A_443 : i32 to index
        %swap3A_483 = arith.constant 32 : index
        %swap3A_484 = tpu.vector_load %arg13[%swap3A_482, %swap3A_483] {strides = array<i32>} : memref<80x256xf32, #tpu.memory_space<vmem>>, vector<1x16xf32>,
        %swap3A_485 = vector.shape_cast %swap3A_484 : vector<1x16xf32> to vector<16xf32>
        %swap3A_486 = vector.shape_cast %add3A_481 : vector<16xf32> to vector<1x16xf32>
        tpu.vector_store %arg13[%swap3A_482, %swap3A_483], %swap3A_486 {strides = array<i32>} : memref<80x256xf32, #tpu.memory_space<vmem>>, vector<1x16xf32>,
        %get3A_487 = arith.index_cast %scan3A_443 : i32 to index
        %get3A_488 = arith.constant 48 : index
        %get3A_489 = tpu.vector_load %arg13[%get3A_487, %get3A_488] {strides = array<i32>} : memref<80x256xf32, #tpu.memory_space<vmem>>, vector<1x16xf32>,
        %get3A_490 = vector.shape_cast %get3A_489 : vector<1x16xf32> to vector<16xf32>
        %get3A_491 = arith.index_cast %scan3A_443 : i32 to index
        %get3A_492 = arith.constant 48 : index
        %get3A_493 = tpu.vector_load %arg14[%get3A_491, %get3A_492] {strides = array<i32>} : memref<80x256xf32, #tpu.memory_space<vmem>>, vector<1x16xf32>,
        %get3A_494 = vector.shape_cast %get3A_493 : vector<1x16xf32> to vector<16xf32>
        %add3A_495 = arith.addf %get3A_490, %get3A_494 : vector<16xf32>
        %swap3A_496 = arith.index_cast %scan3A_443 : i32 to index
        %swap3A_497 = arith.constant 48 : index
        %swap3A_498 = tpu.vector_load %arg13[%swap3A_496, %swap3A_497] {strides = array<i32>} : memref<80x256xf32, #tpu.memory_space<vmem>>, vector<1x16xf32>,
        %swap3A_499 = vector.shape_cast %swap3A_498 : vector<1x16xf32> to vector<16xf32>
        %swap3A_500 = vector.shape_cast %add3A_495 : vector<16xf32> to vector<1x16xf32>
        tpu.vector_store %arg13[%swap3A_496, %swap3A_497], %swap3A_500 {strides = array<i32>} : memref<80x256xf32, #tpu.memory_space<vmem>>, vector<1x16xf32>,
        %get3A_501 = arith.index_cast %scan3A_443 : i32 to index
        %get3A_502 = arith.constant 64 : index
        %get3A_503 = tpu.vector_load %arg13[%get3A_501, %get3A_502] {strides = array<i32>} : memref<80x256xf32, #tpu.memory_space<vmem>>, vector<1x16xf32>,
        %get3A_504 = vector.shape_cast %get3A_503 : vector<1x16xf32> to vector<16xf32>
        %get3A_505 = arith.index_cast %scan3A_443 : i32 to index
        %get3A_506 = arith.constant 64 : index
        %get3A_507 = tpu.vector_load %arg14[%get3A_505, %get3A_506] {strides = array<i32>} : memref<80x256xf32, #tpu.memory_space<vmem>>, vector<1x16xf32>,
        %get3A_508 = vector.shape_cast %get3A_507 : vector<1x16xf32> to vector<16xf32>
        %add3A_509 = arith.addf %get3A_504, %get3A_508 : vector<16xf32>
        %swap3A_510 = arith.index_cast %scan3A_443 : i32 to index
        %swap3A_511 = arith.constant 64 : index
        %swap3A_512 = tpu.vector_load %arg13[%swap3A_510, %swap3A_511] {strides = array<i32>} : memref<80x256xf32, #tpu.memory_space<vmem>>, vector<1x16xf32>,
        %swap3A_513 = vector.shape_cast %swap3A_512 : vector<1x16xf32> to vector<16xf32>
        %swap3A_514 = vector.shape_cast %add3A_509 : vector<16xf32> to vector<1x16xf32>
        tpu.vector_store %arg13[%swap3A_510, %swap3A_511], %swap3A_514 {strides = array<i32>} : memref<80x256xf32, #tpu.memory_space<vmem>>, vector<1x16xf32>,
        %get3A_515 = arith.index_cast %scan3A_443 : i32 to index
        %get3A_516 = arith.constant 80 : index
        %get3A_517 = tpu.vector_load %arg13[%get3A_515, %get3A_516] {strides = array<i32>} : memref<80x256xf32, #tpu.memory_space<vmem>>, vector<1x16xf32>,
        %get3A_518 = vector.shape_cast %get3A_517 : vector<1x16xf32> to vector<16xf32>
        %get3A_519 = arith.index_cast %scan3A_443 : i32 to index
        %get3A_520 = arith.constant 80 : index
        %get3A_521 = tpu.vector_load %arg14[%get3A_519, %get3A_520] {strides = array<i32>} : memref<80x256xf32, #tpu.memory_space<vmem>>, vector<1x16xf32>,
        %get3A_522 = vector.shape_cast %get3A_521 : vector<1x16xf32> to vector<16xf32>
        %add3A_523 = arith.addf %get3A_518, %get3A_522 : vector<16xf32>
        %swap3A_524 = arith.index_cast %scan3A_443 : i32 to index
        %swap3A_525 = arith.constant 80 : index
        %swap3A_526 = tpu.vector_load %arg13[%swap3A_524, %swap3A_525] {strides = array<i32>} : memref<80x256xf32, #tpu.memory_space<vmem>>, vector<1x16xf32>,
        %swap3A_527 = vector.shape_cast %swap3A_526 : vector<1x16xf32> to vector<16xf32>
        %swap3A_528 = vector.shape_cast %add3A_523 : vector<16xf32> to vector<1x16xf32>
        tpu.vector_store %arg13[%swap3A_524, %swap3A_525], %swap3A_528 {strides = array<i32>} : memref<80x256xf32, #tpu.memory_space<vmem>>, vector<1x16xf32>,
        %get3A_529 = arith.index_cast %scan3A_443 : i32 to index
        %get3A_530 = arith.constant 96 : index
        %get3A_531 = tpu.vector_load %arg13[%get3A_529, %get3A_530] {strides = array<i32>} : memref<80x256xf32, #tpu.memory_space<vmem>>, vector<1x16xf32>,
        %get3A_532 = vector.shape_cast %get3A_531 : vector<1x16xf32> to vector<16xf32>
        %get3A_533 = arith.index_cast %scan3A_443 : i32 to index
        %get3A_534 = arith.constant 96 : index
        %get3A_535 = tpu.vector_load %arg14[%get3A_533, %get3A_534] {strides = array<i32>} : memref<80x256xf32, #tpu.memory_space<vmem>>, vector<1x16xf32>,
        %get3A_536 = vector.shape_cast %get3A_535 : vector<1x16xf32> to vector<16xf32>
        %add3A_537 = arith.addf %get3A_532, %get3A_536 : vector<16xf32>
        %swap3A_538 = arith.index_cast %scan3A_443 : i32 to index
        %swap3A_539 = arith.constant 96 : index
        %swap3A_540 = tpu.vector_load %arg13[%swap3A_538, %swap3A_539] {strides = array<i32>} : memref<80x256xf32, #tpu.memory_space<vmem>>, vector<1x16xf32>,
        %swap3A_541 = vector.shape_cast %swap3A_540 : vector<1x16xf32> to vector<16xf32>
        %swap3A_542 = vector.shape_cast %add3A_537 : vector<16xf32> to vector<1x16xf32>
        tpu.vector_store %arg13[%swap3A_538, %swap3A_539], %swap3A_542 {strides = array<i32>} : memref<80x256xf32, #tpu.memory_space<vmem>>, vector<1x16xf32>,
        %get3A_543 = arith.index_cast %scan3A_443 : i32 to index
        %get3A_544 = arith.constant 112 : index
        %get3A_545 = tpu.vector_load %arg13[%get3A_543, %get3A_544] {strides = array<i32>} : memref<80x256xf32, #tpu.memory_space<vmem>>, vector<1x16xf32>,
        %get3A_546 = vector.shape_cast %get3A_545 : vector<1x16xf32> to vector<16xf32>
        %get3A_547 = arith.index_cast %scan3A_443 : i32 to index
        %get3A_548 = arith.constant 112 : index
        %get3A_549 = tpu.vector_load %arg14[%get3A_547, %get3A_548] {strides = array<i32>} : memref<80x256xf32, #tpu.memory_space<vmem>>, vector<1x16xf32>,
        %get3A_550 = vector.shape_cast %get3A_549 : vector<1x16xf32> to vector<16xf32>
        %add3A_551 = arith.addf %get3A_546, %get3A_550 : vector<16xf32>
        %swap3A_552 = arith.index_cast %scan3A_443 : i32 to index
        %swap3A_553 = arith.constant 112 : index
        %swap3A_554 = tpu.vector_load %arg13[%swap3A_552, %swap3A_553] {strides = array<i32>} : memref<80x256xf32, #tpu.memory_space<vmem>>, vector<1x16xf32>,
        %swap3A_555 = vector.shape_cast %swap3A_554 : vector<1x16xf32> to vector<16xf32>
        %swap3A_556 = vector.shape_cast %add3A_551 : vector<16xf32> to vector<1x16xf32>
        tpu.vector_store %arg13[%swap3A_552, %swap3A_553], %swap3A_556 {strides = array<i32>} : memref<80x256xf32, #tpu.memory_space<vmem>>, vector<1x16xf32>,
        %get3A_557 = arith.index_cast %scan3A_443 : i32 to index
        %get3A_558 = arith.constant 128 : index
        %get3A_559 = tpu.vector_load %arg13[%get3A_557, %get3A_558] {strides = array<i32>} : memref<80x256xf32, #tpu.memory_space<vmem>>, vector<1x16xf32>,
        %get3A_560 = vector.shape_cast %get3A_559 : vector<1x16xf32> to vector<16xf32>
        %get3A_561 = arith.index_cast %scan3A_443 : i32 to index
        %get3A_562 = arith.constant 128 : index
        %get3A_563 = tpu.vector_load %arg14[%get3A_561, %get3A_562] {strides = array<i32>} : memref<80x256xf32, #tpu.memory_space<vmem>>, vector<1x16xf32>,
        %get3A_564 = vector.shape_cast %get3A_563 : vector<1x16xf32> to vector<16xf32>
        %add3A_565 = arith.addf %get3A_560, %get3A_564 : vector<16xf32>
        %swap3A_566 = arith.index_cast %scan3A_443 : i32 to index
        %swap3A_567 = arith.constant 128 : index
        %swap3A_568 = tpu.vector_load %arg13[%swap3A_566, %swap3A_567] {strides = array<i32>} : memref<80x256xf32, #tpu.memory_space<vmem>>, vector<1x16xf32>,
        %swap3A_569 = vector.shape_cast %swap3A_568 : vector<1x16xf32> to vector<16xf32>
        %swap3A_570 = vector.shape_cast %add3A_565 : vector<16xf32> to vector<1x16xf32>
        tpu.vector_store %arg13[%swap3A_566, %swap3A_567], %swap3A_570 {strides = array<i32>} : memref<80x256xf32, #tpu.memory_space<vmem>>, vector<1x16xf32>,
        %get3A_571 = arith.index_cast %scan3A_443 : i32 to index
        %get3A_572 = arith.constant 144 : index
        %get3A_573 = tpu.vector_load %arg13[%get3A_571, %get3A_572] {strides = array<i32>} : memref<80x256xf32, #tpu.memory_space<vmem>>, vector<1x16xf32>,
        %get3A_574 = vector.shape_cast %get3A_573 : vector<1x16xf32> to vector<16xf32>
        %get3A_575 = arith.index_cast %scan3A_443 : i32 to index
        %get3A_576 = arith.constant 144 : index
        %get3A_577 = tpu.vector_load %arg14[%get3A_575, %get3A_576] {strides = array<i32>} : memref<80x256xf32, #tpu.memory_space<vmem>>, vector<1x16xf32>,
        %get3A_578 = vector.shape_cast %get3A_577 : vector<1x16xf32> to vector<16xf32>
        %add3A_579 = arith.addf %get3A_574, %get3A_578 : vector<16xf32>
        %swap3A_580 = arith.index_cast %scan3A_443 : i32 to index
        %swap3A_581 = arith.constant 144 : index
        %swap3A_582 = tpu.vector_load %arg13[%swap3A_580, %swap3A_581] {strides = array<i32>} : memref<80x256xf32, #tpu.memory_space<vmem>>, vector<1x16xf32>,
        %swap3A_583 = vector.shape_cast %swap3A_582 : vector<1x16xf32> to vector<16xf32>
        %swap3A_584 = vector.shape_cast %add3A_579 : vector<16xf32> to vector<1x16xf32>
        tpu.vector_store %arg13[%swap3A_580, %swap3A_581], %swap3A_584 {strides = array<i32>} : memref<80x256xf32, #tpu.memory_space<vmem>>, vector<1x16xf32>,
        %get3A_585 = arith.index_cast %scan3A_443 : i32 to index
        %get3A_586 = arith.constant 160 : index
        %get3A_587 = tpu.vector_load %arg13[%get3A_585, %get3A_586] {strides = array<i32>} : memref<80x256xf32, #tpu.memory_space<vmem>>, vector<1x16xf32>,
        %get3A_588 = vector.shape_cast %get3A_587 : vector<1x16xf32> to vector<16xf32>
        %get3A_589 = arith.index_cast %scan3A_443 : i32 to index
        %get3A_590 = arith.constant 160 : index
        %get3A_591 = tpu.vector_load %arg14[%get3A_589, %get3A_590] {strides = array<i32>} : memref<80x256xf32, #tpu.memory_space<vmem>>, vector<1x16xf32>,
        %get3A_592 = vector.shape_cast %get3A_591 : vector<1x16xf32> to vector<16xf32>
        %add3A_593 = arith.addf %get3A_588, %get3A_592 : vector<16xf32>
        %swap3A_594 = arith.index_cast %scan3A_443 : i32 to index
        %swap3A_595 = arith.constant 160 : index
        %swap3A_596 = tpu.vector_load %arg13[%swap3A_594, %swap3A_595] {strides = array<i32>} : memref<80x256xf32, #tpu.memory_space<vmem>>, vector<1x16xf32>,
        %swap3A_597 = vector.shape_cast %swap3A_596 : vector<1x16xf32> to vector<16xf32>
        %swap3A_598 = vector.shape_cast %add3A_593 : vector<16xf32> to vector<1x16xf32>
        tpu.vector_store %arg13[%swap3A_594, %swap3A_595], %swap3A_598 {strides = array<i32>} : memref<80x256xf32, #tpu.memory_space<vmem>>, vector<1x16xf32>,
        %get3A_599 = arith.index_cast %scan3A_443 : i32 to index
        %get3A_600 = arith.constant 176 : index
        %get3A_601 = tpu.vector_load %arg13[%get3A_599, %get3A_600] {strides = array<i32>} : memref<80x256xf32, #tpu.memory_space<vmem>>, vector<1x16xf32>,
        %get3A_602 = vector.shape_cast %get3A_601 : vector<1x16xf32> to vector<16xf32>
        %get3A_603 = arith.index_cast %scan3A_443 : i32 to index
        %get3A_604 = arith.constant 176 : index
        %get3A_605 = tpu.vector_load %arg14[%get3A_603, %get3A_604] {strides = array<i32>} : memref<80x256xf32, #tpu.memory_space<vmem>>, vector<1x16xf32>,
        %get3A_606 = vector.shape_cast %get3A_605 : vector<1x16xf32> to vector<16xf32>
        %add3A_607 = arith.addf %get3A_602, %get3A_606 : vector<16xf32>
        %swap3A_608 = arith.index_cast %scan3A_443 : i32 to index
        %swap3A_609 = arith.constant 176 : index
        %swap3A_610 = tpu.vector_load %arg13[%swap3A_608, %swap3A_609] {strides = array<i32>} : memref<80x256xf32, #tpu.memory_space<vmem>>, vector<1x16xf32>,
        %swap3A_611 = vector.shape_cast %swap3A_610 : vector<1x16xf32> to vector<16xf32>
        %swap3A_612 = vector.shape_cast %add3A_607 : vector<16xf32> to vector<1x16xf32>
        tpu.vector_store %arg13[%swap3A_608, %swap3A_609], %swap3A_612 {strides = array<i32>} : memref<80x256xf32, #tpu.memory_space<vmem>>, vector<1x16xf32>,
        %get3A_613 = arith.index_cast %scan3A_443 : i32 to index
        %get3A_614 = arith.constant 192 : index
        %get3A_615 = tpu.vector_load %arg13[%get3A_613, %get3A_614] {strides = array<i32>} : memref<80x256xf32, #tpu.memory_space<vmem>>, vector<1x16xf32>,
        %get3A_616 = vector.shape_cast %get3A_615 : vector<1x16xf32> to vector<16xf32>
        %get3A_617 = arith.index_cast %scan3A_443 : i32 to index
        %get3A_618 = arith.constant 192 : index
        %get3A_619 = tpu.vector_load %arg14[%get3A_617, %get3A_618] {strides = array<i32>} : memref<80x256xf32, #tpu.memory_space<vmem>>, vector<1x16xf32>,
        %get3A_620 = vector.shape_cast %get3A_619 : vector<1x16xf32> to vector<16xf32>
        %add3A_621 = arith.addf %get3A_616, %get3A_620 : vector<16xf32>
        %swap3A_622 = arith.index_cast %scan3A_443 : i32 to index
        %swap3A_623 = arith.constant 192 : index
        %swap3A_624 = tpu.vector_load %arg13[%swap3A_622, %swap3A_623] {strides = array<i32>} : memref<80x256xf32, #tpu.memory_space<vmem>>, vector<1x16xf32>,
        %swap3A_625 = vector.shape_cast %swap3A_624 : vector<1x16xf32> to vector<16xf32>
        %swap3A_626 = vector.shape_cast %add3A_621 : vector<16xf32> to vector<1x16xf32>
        tpu.vector_store %arg13[%swap3A_622, %swap3A_623], %swap3A_626 {strides = array<i32>} : memref<80x256xf32, #tpu.memory_space<vmem>>, vector<1x16xf32>,
        %get3A_627 = arith.index_cast %scan3A_443 : i32 to index
        %get3A_628 = arith.constant 208 : index
        %get3A_629 = tpu.vector_load %arg13[%get3A_627, %get3A_628] {strides = array<i32>} : memref<80x256xf32, #tpu.memory_space<vmem>>, vector<1x16xf32>,
        %get3A_630 = vector.shape_cast %get3A_629 : vector<1x16xf32> to vector<16xf32>
        %get3A_631 = arith.index_cast %scan3A_443 : i32 to index
        %get3A_632 = arith.constant 208 : index
        %get3A_633 = tpu.vector_load %arg14[%get3A_631, %get3A_632] {strides = array<i32>} : memref<80x256xf32, #tpu.memory_space<vmem>>, vector<1x16xf32>,
        %get3A_634 = vector.shape_cast %get3A_633 : vector<1x16xf32> to vector<16xf32>
        %add3A_635 = arith.addf %get3A_630, %get3A_634 : vector<16xf32>
        %swap3A_636 = arith.index_cast %scan3A_443 : i32 to index
        %swap3A_637 = arith.constant 208 : index
        %swap3A_638 = tpu.vector_load %arg13[%swap3A_636, %swap3A_637] {strides = array<i32>} : memref<80x256xf32, #tpu.memory_space<vmem>>, vector<1x16xf32>,
        %swap3A_639 = vector.shape_cast %swap3A_638 : vector<1x16xf32> to vector<16xf32>
        %swap3A_640 = vector.shape_cast %add3A_635 : vector<16xf32> to vector<1x16xf32>
        tpu.vector_store %arg13[%swap3A_636, %swap3A_637], %swap3A_640 {strides = array<i32>} : memref<80x256xf32, #tpu.memory_space<vmem>>, vector<1x16xf32>,
        %get3A_641 = arith.index_cast %scan3A_443 : i32 to index
        %get3A_642 = arith.constant 224 : index
        %get3A_643 = tpu.vector_load %arg13[%get3A_641, %get3A_642] {strides = array<i32>} : memref<80x256xf32, #tpu.memory_space<vmem>>, vector<1x16xf32>,
        %get3A_644 = vector.shape_cast %get3A_643 : vector<1x16xf32> to vector<16xf32>
        %get3A_645 = arith.index_cast %scan3A_443 : i32 to index
        %get3A_646 = arith.constant 224 : index
        %get3A_647 = tpu.vector_load %arg14[%get3A_645, %get3A_646] {strides = array<i32>} : memref<80x256xf32, #tpu.memory_space<vmem>>, vector<1x16xf32>,
        %get3A_648 = vector.shape_cast %get3A_647 : vector<1x16xf32> to vector<16xf32>
        %add3A_649 = arith.addf %get3A_644, %get3A_648 : vector<16xf32>
        %swap3A_650 = arith.index_cast %scan3A_443 : i32 to index
        %swap3A_651 = arith.constant 224 : index
        %swap3A_652 = tpu.vector_load %arg13[%swap3A_650, %swap3A_651] {strides = array<i32>} : memref<80x256xf32, #tpu.memory_space<vmem>>, vector<1x16xf32>,
        %swap3A_653 = vector.shape_cast %swap3A_652 : vector<1x16xf32> to vector<16xf32>
        %swap3A_654 = vector.shape_cast %add3A_649 : vector<16xf32> to vector<1x16xf32>
        tpu.vector_store %arg13[%swap3A_650, %swap3A_651], %swap3A_654 {strides = array<i32>} : memref<80x256xf32, #tpu.memory_space<vmem>>, vector<1x16xf32>,
        %get3A_655 = arith.index_cast %scan3A_443 : i32 to index
        %get3A_656 = arith.constant 240 : index
        %get3A_657 = tpu.vector_load %arg13[%get3A_655, %get3A_656] {strides = array<i32>} : memref<80x256xf32, #tpu.memory_space<vmem>>, vector<1x16xf32>,
        %get3A_658 = vector.shape_cast %get3A_657 : vector<1x16xf32> to vector<16xf32>
        %get3A_659 = arith.index_cast %scan3A_443 : i32 to index
        %get3A_660 = arith.constant 240 : index
        %get3A_661 = tpu.vector_load %arg14[%get3A_659, %get3A_660] {strides = array<i32>} : memref<80x256xf32, #tpu.memory_space<vmem>>, vector<1x16xf32>,
        %get3A_662 = vector.shape_cast %get3A_661 : vector<1x16xf32> to vector<16xf32>
        %add3A_663 = arith.addf %get3A_658, %get3A_662 : vector<16xf32>
        %swap3A_664 = arith.index_cast %scan3A_443 : i32 to index
        %swap3A_665 = arith.constant 240 : index
        %swap3A_666 = tpu.vector_load %arg13[%swap3A_664, %swap3A_665] {strides = array<i32>} : memref<80x256xf32, #tpu.memory_space<vmem>>, vector<1x16xf32>,
        %swap3A_667 = vector.shape_cast %swap3A_666 : vector<1x16xf32> to vector<16xf32>
        %swap3A_668 = vector.shape_cast %add3A_663 : vector<16xf32> to vector<1x16xf32>
        tpu.vector_store %arg13[%swap3A_664, %swap3A_665], %swap3A_668 {strides = array<i32>} : memref<80x256xf32, #tpu.memory_space<vmem>>, vector<1x16xf32>,
        %scan3A_669 = arith.constant 0 : i32
        scf.yield %scan3A_669 : i32
      }
      %scan3A_419 = arith.constant 80 : i32
      "tpu.region"() ({
        %run_scoped3A = tpu.sem_alloc : memref<!tpu.dma_semaphore, #tpu.memory_space<semaphore_mem>>
        %dma_start3A_443 = arith.constant 0 : i32
        %dma_start3A_444 = tpu.memref_slice %arg6[%add3A_407, %dma_start3A_443] : memref<163840x256xf32, #tpu.memory_space<hbm>> -> memref<80x256xf32, #tpu.memory_space<hbm>>
        %dma_start3A_445 = arith.constant 0 : i32
        %dma_start3A_446 = tpu.memref_slice %arg6[%add3A_407, %dma_start3A_445] : memref<163840x256xf32, #tpu.memory_space<hbm>> -> memref<80x256xf32, #tpu.memory_space<hbm>>
        tpu.enqueue_dma source(%arg13 : memref<80x256xf32, #tpu.memory_space<vmem>>) target(%dma_start3A_446 : memref<80x256xf32, #tpu.memory_space<hbm>>) target_semaphore(%run_scoped3A : memref<!tpu.dma_semaphore, #tpu.memory_space<semaphore_mem>>)
        %dma_wait3A_447 = arith.constant 0 : i32
        %dma_wait3A_448 = tpu.memref_slice %arg6[%add3A_407, %dma_wait3A_447] : memref<163840x256xf32, #tpu.memory_space<hbm>> -> memref<80x256xf32, #tpu.memory_space<hbm>>
        %dma_wait3A_449 = arith.constant 0 : i32
        %dma_wait3A_450 = tpu.memref_slice %arg6[%add3A_407, %dma_wait3A_449] : memref<163840x256xf32, #tpu.memory_space<hbm>> -> memref<80x256xf32, #tpu.memory_space<hbm>>
        tpu.wait_dma2 semaphore(%run_scoped3A : memref<!tpu.dma_semaphore, #tpu.memory_space<semaphore_mem>>) src(%arg13 : memref<80x256xf32, #tpu.memory_space<vmem>>) dst(%dma_wait3A_450 : memref<80x256xf32, #tpu.memory_space<hbm>>)
        tpu.yield
      }) : () -> ()
      %add3A_420 = arith.constant 2 : i32
      %add3A_421 = arith.addi %mul3A_203, %add3A_420 : i32
      %lt3A = arith.constant 64 : i32
      %lt3A_422 = arith.cmpi slt, %add3A_421, %lt3A : i32
      %convert_element_type3A = arith.extui %lt3A_422 : i1 to i32
      %cond3A = arith.constant 0 : i32
      %cond3A_423 = arith.cmpi ne, %convert_element_type3A, %cond3A : i32
      scf.if %cond3A_423 {
        %add3A_443 = arith.constant 2 : i32
        %add3A_444 = arith.addi %mul3A_203, %add3A_443 : i32
        %mul3A_445 = arith.constant 80 : i32
        %mul3A_446 = arith.muli %add3A_444, %mul3A_445 : i32
        %add3A_447 = arith.addi %mul3A_2, %mul3A_446 : i32
        "tpu.region"() ({
          %run_scoped3A = tpu.sem_alloc : memref<!tpu.dma_semaphore, #tpu.memory_space<semaphore_mem>>
          %dma_start3A_644 = tpu.memref_slice %arg3[%add3A_447] : memref<163840xi32, #tpu.memory_space<hbm>> -> memref<80xi32, #tpu.memory_space<hbm>>
          %dma_start3A_645 = tpu.memref_slice %arg3[%add3A_447] : memref<163840xi32, #tpu.memory_space<hbm>> -> memref<80xi32, #tpu.memory_space<hbm>>
          tpu.enqueue_dma source(%dma_start3A_645 : memref<80xi32, #tpu.memory_space<hbm>>) target(%arg7 : memref<80xi32, #tpu.memory_space<vmem>>) target_semaphore(%run_scoped3A : memref<!tpu.dma_semaphore, #tpu.memory_space<semaphore_mem>>)
          %dma_wait3A_646 = tpu.memref_slice %arg3[%add3A_447] : memref<163840xi32, #tpu.memory_space<hbm>> -> memref<80xi32, #tpu.memory_space<hbm>>
          %dma_wait3A_647 = tpu.memref_slice %arg3[%add3A_447] : memref<163840xi32, #tpu.memory_space<hbm>> -> memref<80xi32, #tpu.memory_space<hbm>>
          tpu.wait_dma2 semaphore(%run_scoped3A : memref<!tpu.dma_semaphore, #tpu.memory_space<semaphore_mem>>) src(%dma_wait3A_647 : memref<80xi32, #tpu.memory_space<hbm>>) dst(%arg7 : memref<80xi32, #tpu.memory_space<vmem>>)
          tpu.yield
        }) : () -> ()
        "tpu.region"() ({
          %run_scoped3A = tpu.sem_alloc : memref<!tpu.dma_semaphore, #tpu.memory_space<semaphore_mem>>
          %dma_start3A_644 = tpu.memref_slice %arg4[%add3A_447] : memref<163840xi32, #tpu.memory_space<hbm>> -> memref<80xi32, #tpu.memory_space<hbm>>
          %dma_start3A_645 = tpu.memref_slice %arg4[%add3A_447] : memref<163840xi32, #tpu.memory_space<hbm>> -> memref<80xi32, #tpu.memory_space<hbm>>
          tpu.enqueue_dma source(%dma_start3A_645 : memref<80xi32, #tpu.memory_space<hbm>>) target(%arg8 : memref<80xi32, #tpu.memory_space<vmem>>) target_semaphore(%run_scoped3A : memref<!tpu.dma_semaphore, #tpu.memory_space<semaphore_mem>>)
          %dma_wait3A_646 = tpu.memref_slice %arg4[%add3A_447] : memref<163840xi32, #tpu.memory_space<hbm>> -> memref<80xi32, #tpu.memory_space<hbm>>
          %dma_wait3A_647 = tpu.memref_slice %arg4[%add3A_447] : memref<163840xi32, #tpu.memory_space<hbm>> -> memref<80xi32, #tpu.memory_space<hbm>>
          tpu.wait_dma2 semaphore(%run_scoped3A : memref<!tpu.dma_semaphore, #tpu.memory_space<semaphore_mem>>) src(%dma_wait3A_647 : memref<80xi32, #tpu.memory_space<hbm>>) dst(%arg8 : memref<80xi32, #tpu.memory_space<vmem>>)
          tpu.yield
        }) : () -> ()
        %get3A_448 = arith.constant 0 : index
        %get3A_449 = tpu.vector_load %arg7[%get3A_448] {strides = array<i32>} : memref<80xi32, #tpu.memory_space<vmem>>, vector<16xi32>,
        %get3A_450 = vector.shape_cast %get3A_449 : vector<16xi32> to vector<16xi32>
        %get3A_451 = arith.constant 0 : index
        %get3A_452 = tpu.vector_load %arg8[%get3A_451] {strides = array<i32>} : memref<80xi32, #tpu.memory_space<vmem>>, vector<16xi32>,
        %get3A_453 = vector.shape_cast %get3A_452 : vector<16xi32> to vector<16xi32>
        %ge3A_454 = arith.constant 5000 : i32
        %ge3A_455 = vector.broadcast %ge3A_454 : i32 to vector<16xi32>
        %ge3A_456 = arith.cmpi sge, %get3A_450, %ge3A_455 : vector<16xi32>
        %jit3A_457 = arith.constant 120 : i32
        %jit3A_458 = arith.constant 0 : i32
        %broadcast_in_dim3A_459 = vector.broadcast %jit3A_457 : i32 to vector<16xi32>
        %broadcast_in_dim3A_460 = vector.broadcast %jit3A_458 : i32 to vector<16xi32>
        %select_n3A_461 = arith.select %ge3A_456, %broadcast_in_dim3A_459, %broadcast_in_dim3A_460 : vector<16xi1>, vector<16xi32>
        %add3A_462 = arith.addi %get3A_450, %select_n3A_461 : vector<16xi32>
        %swap3A_463 = arith.constant 0 : index
        %swap3A_464 = tpu.vector_load %arg9[%swap3A_463] {strides = array<i32>} : memref<80xi32, #tpu.memory_space<vmem>>, vector<16xi32>,
        %swap3A_465 = vector.shape_cast %swap3A_464 : vector<16xi32> to vector<16xi32>
        %swap3A_466 = vector.shape_cast %add3A_462 : vector<16xi32> to vector<16xi32>
        tpu.vector_store %arg9[%swap3A_463], %swap3A_466 {strides = array<i32>} : memref<80xi32, #tpu.memory_space<vmem>>, vector<16xi32>,
        %ge3A_467 = arith.constant 0 : i32
        %ge3A_468 = vector.broadcast %ge3A_467 : i32 to vector<16xi32>
        %ge3A_469 = arith.cmpi sge, %get3A_453, %ge3A_468 : vector<16xi32>
        %ge3A_470 = arith.constant 5000 : i32
        %ge3A_471 = vector.broadcast %ge3A_470 : i32 to vector<16xi32>
        %ge3A_472 = arith.cmpi sge, %get3A_453, %ge3A_471 : vector<16xi32>
        %jit3A_473 = arith.constant 120 : i32
        %jit3A_474 = arith.constant 0 : i32
        %broadcast_in_dim3A_475 = vector.broadcast %jit3A_473 : i32 to vector<16xi32>
        %broadcast_in_dim3A_476 = vector.broadcast %jit3A_474 : i32 to vector<16xi32>
        %select_n3A_477 = arith.select %ge3A_472, %broadcast_in_dim3A_475, %broadcast_in_dim3A_476 : vector<16xi1>, vector<16xi32>
        %add3A_478 = arith.addi %get3A_453, %select_n3A_477 : vector<16xi32>
        %jit3A_479 = arith.constant 0 : i32
        %broadcast_in_dim3A_480 = vector.broadcast %jit3A_479 : i32 to vector<16xi32>
        %select_n3A_481 = arith.select %ge3A_469, %add3A_478, %broadcast_in_dim3A_480 : vector<16xi1>, vector<16xi32>
        %swap3A_482 = arith.constant 0 : index
        %swap3A_483 = tpu.vector_load %arg10[%swap3A_482] {strides = array<i32>} : memref<80xi32, #tpu.memory_space<vmem>>, vector<16xi32>,
        %swap3A_484 = vector.shape_cast %swap3A_483 : vector<16xi32> to vector<16xi32>
        %swap3A_485 = vector.shape_cast %select_n3A_481 : vector<16xi32> to vector<16xi32>
        tpu.vector_store %arg10[%swap3A_482], %swap3A_485 {strides = array<i32>} : memref<80xi32, #tpu.memory_space<vmem>>, vector<16xi32>,
        %get3A_486 = arith.constant 16 : index
        %get3A_487 = tpu.vector_load %arg7[%get3A_486] {strides = array<i32>} : memref<80xi32, #tpu.memory_space<vmem>>, vector<16xi32>,
        %get3A_488 = vector.shape_cast %get3A_487 : vector<16xi32> to vector<16xi32>
        %get3A_489 = arith.constant 16 : index
        %get3A_490 = tpu.vector_load %arg8[%get3A_489] {strides = array<i32>} : memref<80xi32, #tpu.memory_space<vmem>>, vector<16xi32>,
        %get3A_491 = vector.shape_cast %get3A_490 : vector<16xi32> to vector<16xi32>
        %ge3A_492 = arith.constant 5000 : i32
        %ge3A_493 = vector.broadcast %ge3A_492 : i32 to vector<16xi32>
        %ge3A_494 = arith.cmpi sge, %get3A_488, %ge3A_493 : vector<16xi32>
        %jit3A_495 = arith.constant 120 : i32
        %jit3A_496 = arith.constant 0 : i32
        %broadcast_in_dim3A_497 = vector.broadcast %jit3A_495 : i32 to vector<16xi32>
        %broadcast_in_dim3A_498 = vector.broadcast %jit3A_496 : i32 to vector<16xi32>
        %select_n3A_499 = arith.select %ge3A_494, %broadcast_in_dim3A_497, %broadcast_in_dim3A_498 : vector<16xi1>, vector<16xi32>
        %add3A_500 = arith.addi %get3A_488, %select_n3A_499 : vector<16xi32>
        %swap3A_501 = arith.constant 16 : index
        %swap3A_502 = tpu.vector_load %arg9[%swap3A_501] {strides = array<i32>} : memref<80xi32, #tpu.memory_space<vmem>>, vector<16xi32>,
        %swap3A_503 = vector.shape_cast %swap3A_502 : vector<16xi32> to vector<16xi32>
        %swap3A_504 = vector.shape_cast %add3A_500 : vector<16xi32> to vector<16xi32>
        tpu.vector_store %arg9[%swap3A_501], %swap3A_504 {strides = array<i32>} : memref<80xi32, #tpu.memory_space<vmem>>, vector<16xi32>,
        %ge3A_505 = arith.constant 0 : i32
        %ge3A_506 = vector.broadcast %ge3A_505 : i32 to vector<16xi32>
        %ge3A_507 = arith.cmpi sge, %get3A_491, %ge3A_506 : vector<16xi32>
        %ge3A_508 = arith.constant 5000 : i32
        %ge3A_509 = vector.broadcast %ge3A_508 : i32 to vector<16xi32>
        %ge3A_510 = arith.cmpi sge, %get3A_491, %ge3A_509 : vector<16xi32>
        %jit3A_511 = arith.constant 120 : i32
        %jit3A_512 = arith.constant 0 : i32
        %broadcast_in_dim3A_513 = vector.broadcast %jit3A_511 : i32 to vector<16xi32>
        %broadcast_in_dim3A_514 = vector.broadcast %jit3A_512 : i32 to vector<16xi32>
        %select_n3A_515 = arith.select %ge3A_510, %broadcast_in_dim3A_513, %broadcast_in_dim3A_514 : vector<16xi1>, vector<16xi32>
        %add3A_516 = arith.addi %get3A_491, %select_n3A_515 : vector<16xi32>
        %jit3A_517 = arith.constant 0 : i32
        %broadcast_in_dim3A_518 = vector.broadcast %jit3A_517 : i32 to vector<16xi32>
        %select_n3A_519 = arith.select %ge3A_507, %add3A_516, %broadcast_in_dim3A_518 : vector<16xi1>, vector<16xi32>
        %swap3A_520 = arith.constant 16 : index
        %swap3A_521 = tpu.vector_load %arg10[%swap3A_520] {strides = array<i32>} : memref<80xi32, #tpu.memory_space<vmem>>, vector<16xi32>,
        %swap3A_522 = vector.shape_cast %swap3A_521 : vector<16xi32> to vector<16xi32>
        %swap3A_523 = vector.shape_cast %select_n3A_519 : vector<16xi32> to vector<16xi32>
        tpu.vector_store %arg10[%swap3A_520], %swap3A_523 {strides = array<i32>} : memref<80xi32, #tpu.memory_space<vmem>>, vector<16xi32>,
        %get3A_524 = arith.constant 32 : index
        %get3A_525 = tpu.vector_load %arg7[%get3A_524] {strides = array<i32>} : memref<80xi32, #tpu.memory_space<vmem>>, vector<16xi32>,
        %get3A_526 = vector.shape_cast %get3A_525 : vector<16xi32> to vector<16xi32>
        %get3A_527 = arith.constant 32 : index
        %get3A_528 = tpu.vector_load %arg8[%get3A_527] {strides = array<i32>} : memref<80xi32, #tpu.memory_space<vmem>>, vector<16xi32>,
        %get3A_529 = vector.shape_cast %get3A_528 : vector<16xi32> to vector<16xi32>
        %ge3A_530 = arith.constant 5000 : i32
        %ge3A_531 = vector.broadcast %ge3A_530 : i32 to vector<16xi32>
        %ge3A_532 = arith.cmpi sge, %get3A_526, %ge3A_531 : vector<16xi32>
        %jit3A_533 = arith.constant 120 : i32
        %jit3A_534 = arith.constant 0 : i32
        %broadcast_in_dim3A_535 = vector.broadcast %jit3A_533 : i32 to vector<16xi32>
        %broadcast_in_dim3A_536 = vector.broadcast %jit3A_534 : i32 to vector<16xi32>
        %select_n3A_537 = arith.select %ge3A_532, %broadcast_in_dim3A_535, %broadcast_in_dim3A_536 : vector<16xi1>, vector<16xi32>
        %add3A_538 = arith.addi %get3A_526, %select_n3A_537 : vector<16xi32>
        %swap3A_539 = arith.constant 32 : index
        %swap3A_540 = tpu.vector_load %arg9[%swap3A_539] {strides = array<i32>} : memref<80xi32, #tpu.memory_space<vmem>>, vector<16xi32>,
        %swap3A_541 = vector.shape_cast %swap3A_540 : vector<16xi32> to vector<16xi32>
        %swap3A_542 = vector.shape_cast %add3A_538 : vector<16xi32> to vector<16xi32>
        tpu.vector_store %arg9[%swap3A_539], %swap3A_542 {strides = array<i32>} : memref<80xi32, #tpu.memory_space<vmem>>, vector<16xi32>,
        %ge3A_543 = arith.constant 0 : i32
        %ge3A_544 = vector.broadcast %ge3A_543 : i32 to vector<16xi32>
        %ge3A_545 = arith.cmpi sge, %get3A_529, %ge3A_544 : vector<16xi32>
        %ge3A_546 = arith.constant 5000 : i32
        %ge3A_547 = vector.broadcast %ge3A_546 : i32 to vector<16xi32>
        %ge3A_548 = arith.cmpi sge, %get3A_529, %ge3A_547 : vector<16xi32>
        %jit3A_549 = arith.constant 120 : i32
        %jit3A_550 = arith.constant 0 : i32
        %broadcast_in_dim3A_551 = vector.broadcast %jit3A_549 : i32 to vector<16xi32>
        %broadcast_in_dim3A_552 = vector.broadcast %jit3A_550 : i32 to vector<16xi32>
        %select_n3A_553 = arith.select %ge3A_548, %broadcast_in_dim3A_551, %broadcast_in_dim3A_552 : vector<16xi1>, vector<16xi32>
        %add3A_554 = arith.addi %get3A_529, %select_n3A_553 : vector<16xi32>
        %jit3A_555 = arith.constant 0 : i32
        %broadcast_in_dim3A_556 = vector.broadcast %jit3A_555 : i32 to vector<16xi32>
        %select_n3A_557 = arith.select %ge3A_545, %add3A_554, %broadcast_in_dim3A_556 : vector<16xi1>, vector<16xi32>
        %swap3A_558 = arith.constant 32 : index
        %swap3A_559 = tpu.vector_load %arg10[%swap3A_558] {strides = array<i32>} : memref<80xi32, #tpu.memory_space<vmem>>, vector<16xi32>,
        %swap3A_560 = vector.shape_cast %swap3A_559 : vector<16xi32> to vector<16xi32>
        %swap3A_561 = vector.shape_cast %select_n3A_557 : vector<16xi32> to vector<16xi32>
        tpu.vector_store %arg10[%swap3A_558], %swap3A_561 {strides = array<i32>} : memref<80xi32, #tpu.memory_space<vmem>>, vector<16xi32>,
        %get3A_562 = arith.constant 48 : index
        %get3A_563 = tpu.vector_load %arg7[%get3A_562] {strides = array<i32>} : memref<80xi32, #tpu.memory_space<vmem>>, vector<16xi32>,
        %get3A_564 = vector.shape_cast %get3A_563 : vector<16xi32> to vector<16xi32>
        %get3A_565 = arith.constant 48 : index
        %get3A_566 = tpu.vector_load %arg8[%get3A_565] {strides = array<i32>} : memref<80xi32, #tpu.memory_space<vmem>>, vector<16xi32>,
        %get3A_567 = vector.shape_cast %get3A_566 : vector<16xi32> to vector<16xi32>
        %ge3A_568 = arith.constant 5000 : i32
        %ge3A_569 = vector.broadcast %ge3A_568 : i32 to vector<16xi32>
        %ge3A_570 = arith.cmpi sge, %get3A_564, %ge3A_569 : vector<16xi32>
        %jit3A_571 = arith.constant 120 : i32
        %jit3A_572 = arith.constant 0 : i32
        %broadcast_in_dim3A_573 = vector.broadcast %jit3A_571 : i32 to vector<16xi32>
        %broadcast_in_dim3A_574 = vector.broadcast %jit3A_572 : i32 to vector<16xi32>
        %select_n3A_575 = arith.select %ge3A_570, %broadcast_in_dim3A_573, %broadcast_in_dim3A_574 : vector<16xi1>, vector<16xi32>
        %add3A_576 = arith.addi %get3A_564, %select_n3A_575 : vector<16xi32>
        %swap3A_577 = arith.constant 48 : index
        %swap3A_578 = tpu.vector_load %arg9[%swap3A_577] {strides = array<i32>} : memref<80xi32, #tpu.memory_space<vmem>>, vector<16xi32>,
        %swap3A_579 = vector.shape_cast %swap3A_578 : vector<16xi32> to vector<16xi32>
        %swap3A_580 = vector.shape_cast %add3A_576 : vector<16xi32> to vector<16xi32>
        tpu.vector_store %arg9[%swap3A_577], %swap3A_580 {strides = array<i32>} : memref<80xi32, #tpu.memory_space<vmem>>, vector<16xi32>,
        %ge3A_581 = arith.constant 0 : i32
        %ge3A_582 = vector.broadcast %ge3A_581 : i32 to vector<16xi32>
        %ge3A_583 = arith.cmpi sge, %get3A_567, %ge3A_582 : vector<16xi32>
        %ge3A_584 = arith.constant 5000 : i32
        %ge3A_585 = vector.broadcast %ge3A_584 : i32 to vector<16xi32>
        %ge3A_586 = arith.cmpi sge, %get3A_567, %ge3A_585 : vector<16xi32>
        %jit3A_587 = arith.constant 120 : i32
        %jit3A_588 = arith.constant 0 : i32
        %broadcast_in_dim3A_589 = vector.broadcast %jit3A_587 : i32 to vector<16xi32>
        %broadcast_in_dim3A_590 = vector.broadcast %jit3A_588 : i32 to vector<16xi32>
        %select_n3A_591 = arith.select %ge3A_586, %broadcast_in_dim3A_589, %broadcast_in_dim3A_590 : vector<16xi1>, vector<16xi32>
        %add3A_592 = arith.addi %get3A_567, %select_n3A_591 : vector<16xi32>
        %jit3A_593 = arith.constant 0 : i32
        %broadcast_in_dim3A_594 = vector.broadcast %jit3A_593 : i32 to vector<16xi32>
        %select_n3A_595 = arith.select %ge3A_583, %add3A_592, %broadcast_in_dim3A_594 : vector<16xi1>, vector<16xi32>
        %swap3A_596 = arith.constant 48 : index
        %swap3A_597 = tpu.vector_load %arg10[%swap3A_596] {strides = array<i32>} : memref<80xi32, #tpu.memory_space<vmem>>, vector<16xi32>,
        %swap3A_598 = vector.shape_cast %swap3A_597 : vector<16xi32> to vector<16xi32>
        %swap3A_599 = vector.shape_cast %select_n3A_595 : vector<16xi32> to vector<16xi32>
        tpu.vector_store %arg10[%swap3A_596], %swap3A_599 {strides = array<i32>} : memref<80xi32, #tpu.memory_space<vmem>>, vector<16xi32>,
        %get3A_600 = arith.constant 64 : index
        %get3A_601 = tpu.vector_load %arg7[%get3A_600] {strides = array<i32>} : memref<80xi32, #tpu.memory_space<vmem>>, vector<16xi32>,
        %get3A_602 = vector.shape_cast %get3A_601 : vector<16xi32> to vector<16xi32>
        %get3A_603 = arith.constant 64 : index
        %get3A_604 = tpu.vector_load %arg8[%get3A_603] {strides = array<i32>} : memref<80xi32, #tpu.memory_space<vmem>>, vector<16xi32>,
        %get3A_605 = vector.shape_cast %get3A_604 : vector<16xi32> to vector<16xi32>
        %ge3A_606 = arith.constant 5000 : i32
        %ge3A_607 = vector.broadcast %ge3A_606 : i32 to vector<16xi32>
        %ge3A_608 = arith.cmpi sge, %get3A_602, %ge3A_607 : vector<16xi32>
        %jit3A_609 = arith.constant 120 : i32
        %jit3A_610 = arith.constant 0 : i32
        %broadcast_in_dim3A_611 = vector.broadcast %jit3A_609 : i32 to vector<16xi32>
        %broadcast_in_dim3A_612 = vector.broadcast %jit3A_610 : i32 to vector<16xi32>
        %select_n3A_613 = arith.select %ge3A_608, %broadcast_in_dim3A_611, %broadcast_in_dim3A_612 : vector<16xi1>, vector<16xi32>
        %add3A_614 = arith.addi %get3A_602, %select_n3A_613 : vector<16xi32>
        %swap3A_615 = arith.constant 64 : index
        %swap3A_616 = tpu.vector_load %arg9[%swap3A_615] {strides = array<i32>} : memref<80xi32, #tpu.memory_space<vmem>>, vector<16xi32>,
        %swap3A_617 = vector.shape_cast %swap3A_616 : vector<16xi32> to vector<16xi32>
        %swap3A_618 = vector.shape_cast %add3A_614 : vector<16xi32> to vector<16xi32>
        tpu.vector_store %arg9[%swap3A_615], %swap3A_618 {strides = array<i32>} : memref<80xi32, #tpu.memory_space<vmem>>, vector<16xi32>,
        %ge3A_619 = arith.constant 0 : i32
        %ge3A_620 = vector.broadcast %ge3A_619 : i32 to vector<16xi32>
        %ge3A_621 = arith.cmpi sge, %get3A_605, %ge3A_620 : vector<16xi32>
        %ge3A_622 = arith.constant 5000 : i32
        %ge3A_623 = vector.broadcast %ge3A_622 : i32 to vector<16xi32>
        %ge3A_624 = arith.cmpi sge, %get3A_605, %ge3A_623 : vector<16xi32>
        %jit3A_625 = arith.constant 120 : i32
        %jit3A_626 = arith.constant 0 : i32
        %broadcast_in_dim3A_627 = vector.broadcast %jit3A_625 : i32 to vector<16xi32>
        %broadcast_in_dim3A_628 = vector.broadcast %jit3A_626 : i32 to vector<16xi32>
        %select_n3A_629 = arith.select %ge3A_624, %broadcast_in_dim3A_627, %broadcast_in_dim3A_628 : vector<16xi1>, vector<16xi32>
        %add3A_630 = arith.addi %get3A_605, %select_n3A_629 : vector<16xi32>
        %jit3A_631 = arith.constant 0 : i32
        %broadcast_in_dim3A_632 = vector.broadcast %jit3A_631 : i32 to vector<16xi32>
        %select_n3A_633 = arith.select %ge3A_621, %add3A_630, %broadcast_in_dim3A_632 : vector<16xi1>, vector<16xi32>
        %swap3A_634 = arith.constant 64 : index
        %swap3A_635 = tpu.vector_load %arg10[%swap3A_634] {strides = array<i32>} : memref<80xi32, #tpu.memory_space<vmem>>, vector<16xi32>,
        %swap3A_636 = vector.shape_cast %swap3A_635 : vector<16xi32> to vector<16xi32>
        %swap3A_637 = vector.shape_cast %select_n3A_633 : vector<16xi32> to vector<16xi32>
        tpu.vector_store %arg10[%swap3A_634], %swap3A_637 {strides = array<i32>} : memref<80xi32, #tpu.memory_space<vmem>>, vector<16xi32>,
        %dma_start3A_638 = arith.constant 0 : i32
        %dma_start3A_639 = arith.constant 0 : i32
        %dma_start3A_640 = tpu.memref_slice %arg2[%dma_start3A_638, %dma_start3A_639] : memref<10240x256xf32, #tpu.memory_space<hbm>> -> memref<10240x256xf32, #tpu.memory_space<hbm>>
        tpu.enqueue_indirect_dma source(%dma_start3A_640 : memref<10240x256xf32, #tpu.memory_space<hbm>>) target(%arg13 : memref<80x256xf32, #tpu.memory_space<vmem>>) offsets(%arg9 : memref<80xi32, #tpu.memory_space<vmem>>) semaphore(%arg17 : memref<!tpu.dma_semaphore, #tpu.memory_space<semaphore_mem>>)
        %dma_start3A_641 = arith.constant 0 : i32
        %dma_start3A_642 = arith.constant 0 : i32
        %dma_start3A_643 = tpu.memref_slice %arg2[%dma_start3A_641, %dma_start3A_642] : memref<10240x256xf32, #tpu.memory_space<hbm>> -> memref<10240x256xf32, #tpu.memory_space<hbm>>
        tpu.enqueue_indirect_dma source(%dma_start3A_643 : memref<10240x256xf32, #tpu.memory_space<hbm>>) target(%arg14 : memref<80x256xf32, #tpu.memory_space<vmem>>) offsets(%arg10 : memref<80xi32, #tpu.memory_space<vmem>>) semaphore(%arg17 : memref<!tpu.dma_semaphore, #tpu.memory_space<semaphore_mem>>)
      } else {
      }
      %add3A_424 = arith.constant 1 : i32
      %add3A_425 = arith.addi %mul3A_203, %add3A_424 : i32
      %mul3A_426 = arith.constant 80 : i32
      %mul3A_427 = arith.muli %add3A_425, %mul3A_426 : i32
      %add3A_428 = arith.addi %mul3A_2, %mul3A_427 : i32
      %dma_wait3A_429 = arith.constant 0 : i32
      %dma_wait3A_430 = arith.constant 0 : i32
      %dma_wait3A_431 = tpu.memref_slice %arg2[%dma_wait3A_429, %dma_wait3A_430] : memref<10240x256xf32, #tpu.memory_space<hbm>> -> memref<10240x256xf32, #tpu.memory_space<hbm>>
      tpu.wait_indirect_dma semaphore(%arg18 : memref<!tpu.dma_semaphore, #tpu.memory_space<semaphore_mem>>) src(%dma_wait3A_431 : memref<10240x256xf32, #tpu.memory_space<hbm>>) dst(%arg15 : memref<80x256xf32, #tpu.memory_space<vmem>>)
      %dma_wait3A_432 = arith.constant 0 : i32
      %dma_wait3A_433 = arith.constant 0 : i32
      %dma_wait3A_434 = tpu.memref_slice %arg2[%dma_wait3A_432, %dma_wait3A_433] : memref<10240x256xf32, #tpu.memory_space<hbm>> -> memref<10240x256xf32, #tpu.memory_space<hbm>>
      tpu.wait_indirect_dma semaphore(%arg18 : memref<!tpu.dma_semaphore, #tpu.memory_space<semaphore_mem>>) src(%dma_wait3A_434 : memref<10240x256xf32, #tpu.memory_space<hbm>>) dst(%arg16 : memref<80x256xf32, #tpu.memory_space<vmem>>)
      "tpu.region"() ({
        %run_scoped3A = tpu.sem_alloc : memref<!tpu.dma_semaphore, #tpu.memory_space<semaphore_mem>>
        %dma_start3A_443 = arith.constant 0 : i32
        %dma_start3A_444 = tpu.memref_slice %arg5[%add3A_428, %dma_start3A_443] : memref<163840x256xf32, #tpu.memory_space<hbm>> -> memref<80x256xf32, #tpu.memory_space<hbm>>
        %dma_start3A_445 = arith.constant 0 : i32
        %dma_start3A_446 = tpu.memref_slice %arg5[%add3A_428, %dma_start3A_445] : memref<163840x256xf32, #tpu.memory_space<hbm>> -> memref<80x256xf32, #tpu.memory_space<hbm>>
        tpu.enqueue_dma source(%arg15 : memref<80x256xf32, #tpu.memory_space<vmem>>) target(%dma_start3A_446 : memref<80x256xf32, #tpu.memory_space<hbm>>) target_semaphore(%run_scoped3A : memref<!tpu.dma_semaphore, #tpu.memory_space<semaphore_mem>>)
        %dma_wait3A_447 = arith.constant 0 : i32
        %dma_wait3A_448 = tpu.memref_slice %arg5[%add3A_428, %dma_wait3A_447] : memref<163840x256xf32, #tpu.memory_space<hbm>> -> memref<80x256xf32, #tpu.memory_space<hbm>>
        %dma_wait3A_449 = arith.constant 0 : i32
        %dma_wait3A_450 = tpu.memref_slice %arg5[%add3A_428, %dma_wait3A_449] : memref<163840x256xf32, #tpu.memory_space<hbm>> -> memref<80x256xf32, #tpu.memory_space<hbm>>
        tpu.wait_dma2 semaphore(%run_scoped3A : memref<!tpu.dma_semaphore, #tpu.memory_space<semaphore_mem>>) src(%arg15 : memref<80x256xf32, #tpu.memory_space<vmem>>) dst(%dma_wait3A_450 : memref<80x256xf32, #tpu.memory_space<hbm>>)
        tpu.yield
      }) : () -> ()
      %scan3A_435 = arith.constant 0 : i32
      %scan3A_436 = arith.constant 0 : i32
      %scan3A_437 = arith.constant 80 : i32
      %scan3A_438 = arith.addi %scan3A_436, %scan3A_437 : i32
      %scan3A_439 = arith.constant 1 : i32
      %scan3A_440 = scf.for %scan3A_443 = %scan3A_436 to %scan3A_438 step %scan3A_439 iter_args(%scan3A_444 = %scan3A_435) -> (i32)  : i32 {
        %get3A_445 = arith.index_cast %scan3A_443 : i32 to index
        %get3A_446 = arith.constant 0 : index
        %get3A_447 = tpu.vector_load %arg15[%get3A_445, %get3A_446] {strides = array<i32>} : memref<80x256xf32, #tpu.memory_space<vmem>>, vector<1x16xf32>,
        %get3A_448 = vector.shape_cast %get3A_447 : vector<1x16xf32> to vector<16xf32>
        %get3A_449 = arith.index_cast %scan3A_443 : i32 to index
        %get3A_450 = arith.constant 0 : index
        %get3A_451 = tpu.vector_load %arg16[%get3A_449, %get3A_450] {strides = array<i32>} : memref<80x256xf32, #tpu.memory_space<vmem>>, vector<1x16xf32>,
        %get3A_452 = vector.shape_cast %get3A_451 : vector<1x16xf32> to vector<16xf32>
        %add3A_453 = arith.addf %get3A_448, %get3A_452 : vector<16xf32>
        %swap3A_454 = arith.index_cast %scan3A_443 : i32 to index
        %swap3A_455 = arith.constant 0 : index
        %swap3A_456 = tpu.vector_load %arg15[%swap3A_454, %swap3A_455] {strides = array<i32>} : memref<80x256xf32, #tpu.memory_space<vmem>>, vector<1x16xf32>,
        %swap3A_457 = vector.shape_cast %swap3A_456 : vector<1x16xf32> to vector<16xf32>
        %swap3A_458 = vector.shape_cast %add3A_453 : vector<16xf32> to vector<1x16xf32>
        tpu.vector_store %arg15[%swap3A_454, %swap3A_455], %swap3A_458 {strides = array<i32>} : memref<80x256xf32, #tpu.memory_space<vmem>>, vector<1x16xf32>,
        %get3A_459 = arith.index_cast %scan3A_443 : i32 to index
        %get3A_460 = arith.constant 16 : index
        %get3A_461 = tpu.vector_load %arg15[%get3A_459, %get3A_460] {strides = array<i32>} : memref<80x256xf32, #tpu.memory_space<vmem>>, vector<1x16xf32>,
        %get3A_462 = vector.shape_cast %get3A_461 : vector<1x16xf32> to vector<16xf32>
        %get3A_463 = arith.index_cast %scan3A_443 : i32 to index
        %get3A_464 = arith.constant 16 : index
        %get3A_465 = tpu.vector_load %arg16[%get3A_463, %get3A_464] {strides = array<i32>} : memref<80x256xf32, #tpu.memory_space<vmem>>, vector<1x16xf32>,
        %get3A_466 = vector.shape_cast %get3A_465 : vector<1x16xf32> to vector<16xf32>
        %add3A_467 = arith.addf %get3A_462, %get3A_466 : vector<16xf32>
        %swap3A_468 = arith.index_cast %scan3A_443 : i32 to index
        %swap3A_469 = arith.constant 16 : index
        %swap3A_470 = tpu.vector_load %arg15[%swap3A_468, %swap3A_469] {strides = array<i32>} : memref<80x256xf32, #tpu.memory_space<vmem>>, vector<1x16xf32>,
        %swap3A_471 = vector.shape_cast %swap3A_470 : vector<1x16xf32> to vector<16xf32>
        %swap3A_472 = vector.shape_cast %add3A_467 : vector<16xf32> to vector<1x16xf32>
        tpu.vector_store %arg15[%swap3A_468, %swap3A_469], %swap3A_472 {strides = array<i32>} : memref<80x256xf32, #tpu.memory_space<vmem>>, vector<1x16xf32>,
        %get3A_473 = arith.index_cast %scan3A_443 : i32 to index
        %get3A_474 = arith.constant 32 : index
        %get3A_475 = tpu.vector_load %arg15[%get3A_473, %get3A_474] {strides = array<i32>} : memref<80x256xf32, #tpu.memory_space<vmem>>, vector<1x16xf32>,
        %get3A_476 = vector.shape_cast %get3A_475 : vector<1x16xf32> to vector<16xf32>
        %get3A_477 = arith.index_cast %scan3A_443 : i32 to index
        %get3A_478 = arith.constant 32 : index
        %get3A_479 = tpu.vector_load %arg16[%get3A_477, %get3A_478] {strides = array<i32>} : memref<80x256xf32, #tpu.memory_space<vmem>>, vector<1x16xf32>,
        %get3A_480 = vector.shape_cast %get3A_479 : vector<1x16xf32> to vector<16xf32>
        %add3A_481 = arith.addf %get3A_476, %get3A_480 : vector<16xf32>
        %swap3A_482 = arith.index_cast %scan3A_443 : i32 to index
        %swap3A_483 = arith.constant 32 : index
        %swap3A_484 = tpu.vector_load %arg15[%swap3A_482, %swap3A_483] {strides = array<i32>} : memref<80x256xf32, #tpu.memory_space<vmem>>, vector<1x16xf32>,
        %swap3A_485 = vector.shape_cast %swap3A_484 : vector<1x16xf32> to vector<16xf32>
        %swap3A_486 = vector.shape_cast %add3A_481 : vector<16xf32> to vector<1x16xf32>
        tpu.vector_store %arg15[%swap3A_482, %swap3A_483], %swap3A_486 {strides = array<i32>} : memref<80x256xf32, #tpu.memory_space<vmem>>, vector<1x16xf32>,
        %get3A_487 = arith.index_cast %scan3A_443 : i32 to index
        %get3A_488 = arith.constant 48 : index
        %get3A_489 = tpu.vector_load %arg15[%get3A_487, %get3A_488] {strides = array<i32>} : memref<80x256xf32, #tpu.memory_space<vmem>>, vector<1x16xf32>,
        %get3A_490 = vector.shape_cast %get3A_489 : vector<1x16xf32> to vector<16xf32>
        %get3A_491 = arith.index_cast %scan3A_443 : i32 to index
        %get3A_492 = arith.constant 48 : index
        %get3A_493 = tpu.vector_load %arg16[%get3A_491, %get3A_492] {strides = array<i32>} : memref<80x256xf32, #tpu.memory_space<vmem>>, vector<1x16xf32>,
        %get3A_494 = vector.shape_cast %get3A_493 : vector<1x16xf32> to vector<16xf32>
        %add3A_495 = arith.addf %get3A_490, %get3A_494 : vector<16xf32>
        %swap3A_496 = arith.index_cast %scan3A_443 : i32 to index
        %swap3A_497 = arith.constant 48 : index
        %swap3A_498 = tpu.vector_load %arg15[%swap3A_496, %swap3A_497] {strides = array<i32>} : memref<80x256xf32, #tpu.memory_space<vmem>>, vector<1x16xf32>,
        %swap3A_499 = vector.shape_cast %swap3A_498 : vector<1x16xf32> to vector<16xf32>
        %swap3A_500 = vector.shape_cast %add3A_495 : vector<16xf32> to vector<1x16xf32>
        tpu.vector_store %arg15[%swap3A_496, %swap3A_497], %swap3A_500 {strides = array<i32>} : memref<80x256xf32, #tpu.memory_space<vmem>>, vector<1x16xf32>,
        %get3A_501 = arith.index_cast %scan3A_443 : i32 to index
        %get3A_502 = arith.constant 64 : index
        %get3A_503 = tpu.vector_load %arg15[%get3A_501, %get3A_502] {strides = array<i32>} : memref<80x256xf32, #tpu.memory_space<vmem>>, vector<1x16xf32>,
        %get3A_504 = vector.shape_cast %get3A_503 : vector<1x16xf32> to vector<16xf32>
        %get3A_505 = arith.index_cast %scan3A_443 : i32 to index
        %get3A_506 = arith.constant 64 : index
        %get3A_507 = tpu.vector_load %arg16[%get3A_505, %get3A_506] {strides = array<i32>} : memref<80x256xf32, #tpu.memory_space<vmem>>, vector<1x16xf32>,
        %get3A_508 = vector.shape_cast %get3A_507 : vector<1x16xf32> to vector<16xf32>
        %add3A_509 = arith.addf %get3A_504, %get3A_508 : vector<16xf32>
        %swap3A_510 = arith.index_cast %scan3A_443 : i32 to index
        %swap3A_511 = arith.constant 64 : index
        %swap3A_512 = tpu.vector_load %arg15[%swap3A_510, %swap3A_511] {strides = array<i32>} : memref<80x256xf32, #tpu.memory_space<vmem>>, vector<1x16xf32>,
        %swap3A_513 = vector.shape_cast %swap3A_512 : vector<1x16xf32> to vector<16xf32>
        %swap3A_514 = vector.shape_cast %add3A_509 : vector<16xf32> to vector<1x16xf32>
        tpu.vector_store %arg15[%swap3A_510, %swap3A_511], %swap3A_514 {strides = array<i32>} : memref<80x256xf32, #tpu.memory_space<vmem>>, vector<1x16xf32>,
        %get3A_515 = arith.index_cast %scan3A_443 : i32 to index
        %get3A_516 = arith.constant 80 : index
        %get3A_517 = tpu.vector_load %arg15[%get3A_515, %get3A_516] {strides = array<i32>} : memref<80x256xf32, #tpu.memory_space<vmem>>, vector<1x16xf32>,
        %get3A_518 = vector.shape_cast %get3A_517 : vector<1x16xf32> to vector<16xf32>
        %get3A_519 = arith.index_cast %scan3A_443 : i32 to index
        %get3A_520 = arith.constant 80 : index
        %get3A_521 = tpu.vector_load %arg16[%get3A_519, %get3A_520] {strides = array<i32>} : memref<80x256xf32, #tpu.memory_space<vmem>>, vector<1x16xf32>,
        %get3A_522 = vector.shape_cast %get3A_521 : vector<1x16xf32> to vector<16xf32>
        %add3A_523 = arith.addf %get3A_518, %get3A_522 : vector<16xf32>
        %swap3A_524 = arith.index_cast %scan3A_443 : i32 to index
        %swap3A_525 = arith.constant 80 : index
        %swap3A_526 = tpu.vector_load %arg15[%swap3A_524, %swap3A_525] {strides = array<i32>} : memref<80x256xf32, #tpu.memory_space<vmem>>, vector<1x16xf32>,
        %swap3A_527 = vector.shape_cast %swap3A_526 : vector<1x16xf32> to vector<16xf32>
        %swap3A_528 = vector.shape_cast %add3A_523 : vector<16xf32> to vector<1x16xf32>
        tpu.vector_store %arg15[%swap3A_524, %swap3A_525], %swap3A_528 {strides = array<i32>} : memref<80x256xf32, #tpu.memory_space<vmem>>, vector<1x16xf32>,
        %get3A_529 = arith.index_cast %scan3A_443 : i32 to index
        %get3A_530 = arith.constant 96 : index
        %get3A_531 = tpu.vector_load %arg15[%get3A_529, %get3A_530] {strides = array<i32>} : memref<80x256xf32, #tpu.memory_space<vmem>>, vector<1x16xf32>,
        %get3A_532 = vector.shape_cast %get3A_531 : vector<1x16xf32> to vector<16xf32>
        %get3A_533 = arith.index_cast %scan3A_443 : i32 to index
        %get3A_534 = arith.constant 96 : index
        %get3A_535 = tpu.vector_load %arg16[%get3A_533, %get3A_534] {strides = array<i32>} : memref<80x256xf32, #tpu.memory_space<vmem>>, vector<1x16xf32>,
        %get3A_536 = vector.shape_cast %get3A_535 : vector<1x16xf32> to vector<16xf32>
        %add3A_537 = arith.addf %get3A_532, %get3A_536 : vector<16xf32>
        %swap3A_538 = arith.index_cast %scan3A_443 : i32 to index
        %swap3A_539 = arith.constant 96 : index
        %swap3A_540 = tpu.vector_load %arg15[%swap3A_538, %swap3A_539] {strides = array<i32>} : memref<80x256xf32, #tpu.memory_space<vmem>>, vector<1x16xf32>,
        %swap3A_541 = vector.shape_cast %swap3A_540 : vector<1x16xf32> to vector<16xf32>
        %swap3A_542 = vector.shape_cast %add3A_537 : vector<16xf32> to vector<1x16xf32>
        tpu.vector_store %arg15[%swap3A_538, %swap3A_539], %swap3A_542 {strides = array<i32>} : memref<80x256xf32, #tpu.memory_space<vmem>>, vector<1x16xf32>,
        %get3A_543 = arith.index_cast %scan3A_443 : i32 to index
        %get3A_544 = arith.constant 112 : index
        %get3A_545 = tpu.vector_load %arg15[%get3A_543, %get3A_544] {strides = array<i32>} : memref<80x256xf32, #tpu.memory_space<vmem>>, vector<1x16xf32>,
        %get3A_546 = vector.shape_cast %get3A_545 : vector<1x16xf32> to vector<16xf32>
        %get3A_547 = arith.index_cast %scan3A_443 : i32 to index
        %get3A_548 = arith.constant 112 : index
        %get3A_549 = tpu.vector_load %arg16[%get3A_547, %get3A_548] {strides = array<i32>} : memref<80x256xf32, #tpu.memory_space<vmem>>, vector<1x16xf32>,
        %get3A_550 = vector.shape_cast %get3A_549 : vector<1x16xf32> to vector<16xf32>
        %add3A_551 = arith.addf %get3A_546, %get3A_550 : vector<16xf32>
        %swap3A_552 = arith.index_cast %scan3A_443 : i32 to index
        %swap3A_553 = arith.constant 112 : index
        %swap3A_554 = tpu.vector_load %arg15[%swap3A_552, %swap3A_553] {strides = array<i32>} : memref<80x256xf32, #tpu.memory_space<vmem>>, vector<1x16xf32>,
        %swap3A_555 = vector.shape_cast %swap3A_554 : vector<1x16xf32> to vector<16xf32>
        %swap3A_556 = vector.shape_cast %add3A_551 : vector<16xf32> to vector<1x16xf32>
        tpu.vector_store %arg15[%swap3A_552, %swap3A_553], %swap3A_556 {strides = array<i32>} : memref<80x256xf32, #tpu.memory_space<vmem>>, vector<1x16xf32>,
        %get3A_557 = arith.index_cast %scan3A_443 : i32 to index
        %get3A_558 = arith.constant 128 : index
        %get3A_559 = tpu.vector_load %arg15[%get3A_557, %get3A_558] {strides = array<i32>} : memref<80x256xf32, #tpu.memory_space<vmem>>, vector<1x16xf32>,
        %get3A_560 = vector.shape_cast %get3A_559 : vector<1x16xf32> to vector<16xf32>
        %get3A_561 = arith.index_cast %scan3A_443 : i32 to index
        %get3A_562 = arith.constant 128 : index
        %get3A_563 = tpu.vector_load %arg16[%get3A_561, %get3A_562] {strides = array<i32>} : memref<80x256xf32, #tpu.memory_space<vmem>>, vector<1x16xf32>,
        %get3A_564 = vector.shape_cast %get3A_563 : vector<1x16xf32> to vector<16xf32>
        %add3A_565 = arith.addf %get3A_560, %get3A_564 : vector<16xf32>
        %swap3A_566 = arith.index_cast %scan3A_443 : i32 to index
        %swap3A_567 = arith.constant 128 : index
        %swap3A_568 = tpu.vector_load %arg15[%swap3A_566, %swap3A_567] {strides = array<i32>} : memref<80x256xf32, #tpu.memory_space<vmem>>, vector<1x16xf32>,
        %swap3A_569 = vector.shape_cast %swap3A_568 : vector<1x16xf32> to vector<16xf32>
        %swap3A_570 = vector.shape_cast %add3A_565 : vector<16xf32> to vector<1x16xf32>
        tpu.vector_store %arg15[%swap3A_566, %swap3A_567], %swap3A_570 {strides = array<i32>} : memref<80x256xf32, #tpu.memory_space<vmem>>, vector<1x16xf32>,
        %get3A_571 = arith.index_cast %scan3A_443 : i32 to index
        %get3A_572 = arith.constant 144 : index
        %get3A_573 = tpu.vector_load %arg15[%get3A_571, %get3A_572] {strides = array<i32>} : memref<80x256xf32, #tpu.memory_space<vmem>>, vector<1x16xf32>,
        %get3A_574 = vector.shape_cast %get3A_573 : vector<1x16xf32> to vector<16xf32>
        %get3A_575 = arith.index_cast %scan3A_443 : i32 to index
        %get3A_576 = arith.constant 144 : index
        %get3A_577 = tpu.vector_load %arg16[%get3A_575, %get3A_576] {strides = array<i32>} : memref<80x256xf32, #tpu.memory_space<vmem>>, vector<1x16xf32>,
        %get3A_578 = vector.shape_cast %get3A_577 : vector<1x16xf32> to vector<16xf32>
        %add3A_579 = arith.addf %get3A_574, %get3A_578 : vector<16xf32>
        %swap3A_580 = arith.index_cast %scan3A_443 : i32 to index
        %swap3A_581 = arith.constant 144 : index
        %swap3A_582 = tpu.vector_load %arg15[%swap3A_580, %swap3A_581] {strides = array<i32>} : memref<80x256xf32, #tpu.memory_space<vmem>>, vector<1x16xf32>,
        %swap3A_583 = vector.shape_cast %swap3A_582 : vector<1x16xf32> to vector<16xf32>
        %swap3A_584 = vector.shape_cast %add3A_579 : vector<16xf32> to vector<1x16xf32>
        tpu.vector_store %arg15[%swap3A_580, %swap3A_581], %swap3A_584 {strides = array<i32>} : memref<80x256xf32, #tpu.memory_space<vmem>>, vector<1x16xf32>,
        %get3A_585 = arith.index_cast %scan3A_443 : i32 to index
        %get3A_586 = arith.constant 160 : index
        %get3A_587 = tpu.vector_load %arg15[%get3A_585, %get3A_586] {strides = array<i32>} : memref<80x256xf32, #tpu.memory_space<vmem>>, vector<1x16xf32>,
        %get3A_588 = vector.shape_cast %get3A_587 : vector<1x16xf32> to vector<16xf32>
        %get3A_589 = arith.index_cast %scan3A_443 : i32 to index
        %get3A_590 = arith.constant 160 : index
        %get3A_591 = tpu.vector_load %arg16[%get3A_589, %get3A_590] {strides = array<i32>} : memref<80x256xf32, #tpu.memory_space<vmem>>, vector<1x16xf32>,
        %get3A_592 = vector.shape_cast %get3A_591 : vector<1x16xf32> to vector<16xf32>
        %add3A_593 = arith.addf %get3A_588, %get3A_592 : vector<16xf32>
        %swap3A_594 = arith.index_cast %scan3A_443 : i32 to index
        %swap3A_595 = arith.constant 160 : index
        %swap3A_596 = tpu.vector_load %arg15[%swap3A_594, %swap3A_595] {strides = array<i32>} : memref<80x256xf32, #tpu.memory_space<vmem>>, vector<1x16xf32>,
        %swap3A_597 = vector.shape_cast %swap3A_596 : vector<1x16xf32> to vector<16xf32>
        %swap3A_598 = vector.shape_cast %add3A_593 : vector<16xf32> to vector<1x16xf32>
        tpu.vector_store %arg15[%swap3A_594, %swap3A_595], %swap3A_598 {strides = array<i32>} : memref<80x256xf32, #tpu.memory_space<vmem>>, vector<1x16xf32>,
        %get3A_599 = arith.index_cast %scan3A_443 : i32 to index
        %get3A_600 = arith.constant 176 : index
        %get3A_601 = tpu.vector_load %arg15[%get3A_599, %get3A_600] {strides = array<i32>} : memref<80x256xf32, #tpu.memory_space<vmem>>, vector<1x16xf32>,
        %get3A_602 = vector.shape_cast %get3A_601 : vector<1x16xf32> to vector<16xf32>
        %get3A_603 = arith.index_cast %scan3A_443 : i32 to index
        %get3A_604 = arith.constant 176 : index
        %get3A_605 = tpu.vector_load %arg16[%get3A_603, %get3A_604] {strides = array<i32>} : memref<80x256xf32, #tpu.memory_space<vmem>>, vector<1x16xf32>,
        %get3A_606 = vector.shape_cast %get3A_605 : vector<1x16xf32> to vector<16xf32>
        %add3A_607 = arith.addf %get3A_602, %get3A_606 : vector<16xf32>
        %swap3A_608 = arith.index_cast %scan3A_443 : i32 to index
        %swap3A_609 = arith.constant 176 : index
        %swap3A_610 = tpu.vector_load %arg15[%swap3A_608, %swap3A_609] {strides = array<i32>} : memref<80x256xf32, #tpu.memory_space<vmem>>, vector<1x16xf32>,
        %swap3A_611 = vector.shape_cast %swap3A_610 : vector<1x16xf32> to vector<16xf32>
        %swap3A_612 = vector.shape_cast %add3A_607 : vector<16xf32> to vector<1x16xf32>
        tpu.vector_store %arg15[%swap3A_608, %swap3A_609], %swap3A_612 {strides = array<i32>} : memref<80x256xf32, #tpu.memory_space<vmem>>, vector<1x16xf32>,
        %get3A_613 = arith.index_cast %scan3A_443 : i32 to index
        %get3A_614 = arith.constant 192 : index
        %get3A_615 = tpu.vector_load %arg15[%get3A_613, %get3A_614] {strides = array<i32>} : memref<80x256xf32, #tpu.memory_space<vmem>>, vector<1x16xf32>,
        %get3A_616 = vector.shape_cast %get3A_615 : vector<1x16xf32> to vector<16xf32>
        %get3A_617 = arith.index_cast %scan3A_443 : i32 to index
        %get3A_618 = arith.constant 192 : index
        %get3A_619 = tpu.vector_load %arg16[%get3A_617, %get3A_618] {strides = array<i32>} : memref<80x256xf32, #tpu.memory_space<vmem>>, vector<1x16xf32>,
        %get3A_620 = vector.shape_cast %get3A_619 : vector<1x16xf32> to vector<16xf32>
        %add3A_621 = arith.addf %get3A_616, %get3A_620 : vector<16xf32>
        %swap3A_622 = arith.index_cast %scan3A_443 : i32 to index
        %swap3A_623 = arith.constant 192 : index
        %swap3A_624 = tpu.vector_load %arg15[%swap3A_622, %swap3A_623] {strides = array<i32>} : memref<80x256xf32, #tpu.memory_space<vmem>>, vector<1x16xf32>,
        %swap3A_625 = vector.shape_cast %swap3A_624 : vector<1x16xf32> to vector<16xf32>
        %swap3A_626 = vector.shape_cast %add3A_621 : vector<16xf32> to vector<1x16xf32>
        tpu.vector_store %arg15[%swap3A_622, %swap3A_623], %swap3A_626 {strides = array<i32>} : memref<80x256xf32, #tpu.memory_space<vmem>>, vector<1x16xf32>,
        %get3A_627 = arith.index_cast %scan3A_443 : i32 to index
        %get3A_628 = arith.constant 208 : index
        %get3A_629 = tpu.vector_load %arg15[%get3A_627, %get3A_628] {strides = array<i32>} : memref<80x256xf32, #tpu.memory_space<vmem>>, vector<1x16xf32>,
        %get3A_630 = vector.shape_cast %get3A_629 : vector<1x16xf32> to vector<16xf32>
        %get3A_631 = arith.index_cast %scan3A_443 : i32 to index
        %get3A_632 = arith.constant 208 : index
        %get3A_633 = tpu.vector_load %arg16[%get3A_631, %get3A_632] {strides = array<i32>} : memref<80x256xf32, #tpu.memory_space<vmem>>, vector<1x16xf32>,
        %get3A_634 = vector.shape_cast %get3A_633 : vector<1x16xf32> to vector<16xf32>
        %add3A_635 = arith.addf %get3A_630, %get3A_634 : vector<16xf32>
        %swap3A_636 = arith.index_cast %scan3A_443 : i32 to index
        %swap3A_637 = arith.constant 208 : index
        %swap3A_638 = tpu.vector_load %arg15[%swap3A_636, %swap3A_637] {strides = array<i32>} : memref<80x256xf32, #tpu.memory_space<vmem>>, vector<1x16xf32>,
        %swap3A_639 = vector.shape_cast %swap3A_638 : vector<1x16xf32> to vector<16xf32>
        %swap3A_640 = vector.shape_cast %add3A_635 : vector<16xf32> to vector<1x16xf32>
        tpu.vector_store %arg15[%swap3A_636, %swap3A_637], %swap3A_640 {strides = array<i32>} : memref<80x256xf32, #tpu.memory_space<vmem>>, vector<1x16xf32>,
        %get3A_641 = arith.index_cast %scan3A_443 : i32 to index
        %get3A_642 = arith.constant 224 : index
        %get3A_643 = tpu.vector_load %arg15[%get3A_641, %get3A_642] {strides = array<i32>} : memref<80x256xf32, #tpu.memory_space<vmem>>, vector<1x16xf32>,
        %get3A_644 = vector.shape_cast %get3A_643 : vector<1x16xf32> to vector<16xf32>
        %get3A_645 = arith.index_cast %scan3A_443 : i32 to index
        %get3A_646 = arith.constant 224 : index
        %get3A_647 = tpu.vector_load %arg16[%get3A_645, %get3A_646] {strides = array<i32>} : memref<80x256xf32, #tpu.memory_space<vmem>>, vector<1x16xf32>,
        %get3A_648 = vector.shape_cast %get3A_647 : vector<1x16xf32> to vector<16xf32>
        %add3A_649 = arith.addf %get3A_644, %get3A_648 : vector<16xf32>
        %swap3A_650 = arith.index_cast %scan3A_443 : i32 to index
        %swap3A_651 = arith.constant 224 : index
        %swap3A_652 = tpu.vector_load %arg15[%swap3A_650, %swap3A_651] {strides = array<i32>} : memref<80x256xf32, #tpu.memory_space<vmem>>, vector<1x16xf32>,
        %swap3A_653 = vector.shape_cast %swap3A_652 : vector<1x16xf32> to vector<16xf32>
        %swap3A_654 = vector.shape_cast %add3A_649 : vector<16xf32> to vector<1x16xf32>
        tpu.vector_store %arg15[%swap3A_650, %swap3A_651], %swap3A_654 {strides = array<i32>} : memref<80x256xf32, #tpu.memory_space<vmem>>, vector<1x16xf32>,
        %get3A_655 = arith.index_cast %scan3A_443 : i32 to index
        %get3A_656 = arith.constant 240 : index
        %get3A_657 = tpu.vector_load %arg15[%get3A_655, %get3A_656] {strides = array<i32>} : memref<80x256xf32, #tpu.memory_space<vmem>>, vector<1x16xf32>,
        %get3A_658 = vector.shape_cast %get3A_657 : vector<1x16xf32> to vector<16xf32>
        %get3A_659 = arith.index_cast %scan3A_443 : i32 to index
        %get3A_660 = arith.constant 240 : index
        %get3A_661 = tpu.vector_load %arg16[%get3A_659, %get3A_660] {strides = array<i32>} : memref<80x256xf32, #tpu.memory_space<vmem>>, vector<1x16xf32>,
        %get3A_662 = vector.shape_cast %get3A_661 : vector<1x16xf32> to vector<16xf32>
        %add3A_663 = arith.addf %get3A_658, %get3A_662 : vector<16xf32>
        %swap3A_664 = arith.index_cast %scan3A_443 : i32 to index
        %swap3A_665 = arith.constant 240 : index
        %swap3A_666 = tpu.vector_load %arg15[%swap3A_664, %swap3A_665] {strides = array<i32>} : memref<80x256xf32, #tpu.memory_space<vmem>>, vector<1x16xf32>,
        %swap3A_667 = vector.shape_cast %swap3A_666 : vector<1x16xf32> to vector<16xf32>
        %swap3A_668 = vector.shape_cast %add3A_663 : vector<16xf32> to vector<1x16xf32>
        tpu.vector_store %arg15[%swap3A_664, %swap3A_665], %swap3A_668 {strides = array<i32>} : memref<80x256xf32, #tpu.memory_space<vmem>>, vector<1x16xf32>,
        %scan3A_669 = arith.constant 0 : i32
        scf.yield %scan3A_669 : i32
      }
      %scan3A_441 = arith.constant 80 : i32
      "tpu.region"() ({
        %run_scoped3A = tpu.sem_alloc : memref<!tpu.dma_semaphore, #tpu.memory_space<semaphore_mem>>
        %dma_start3A_443 = arith.constant 0 : i32
        %dma_start3A_444 = tpu.memref_slice %arg6[%add3A_428, %dma_start3A_443] : memref<163840x256xf32, #tpu.memory_space<hbm>> -> memref<80x256xf32, #tpu.memory_space<hbm>>
        %dma_start3A_445 = arith.constant 0 : i32
        %dma_start3A_446 = tpu.memref_slice %arg6[%add3A_428, %dma_start3A_445] : memref<163840x256xf32, #tpu.memory_space<hbm>> -> memref<80x256xf32, #tpu.memory_space<hbm>>
        tpu.enqueue_dma source(%arg15 : memref<80x256xf32, #tpu.memory_space<vmem>>) target(%dma_start3A_446 : memref<80x256xf32, #tpu.memory_space<hbm>>) target_semaphore(%run_scoped3A : memref<!tpu.dma_semaphore, #tpu.memory_space<semaphore_mem>>)
        %dma_wait3A_447 = arith.constant 0 : i32
        %dma_wait3A_448 = tpu.memref_slice %arg6[%add3A_428, %dma_wait3A_447] : memref<163840x256xf32, #tpu.memory_space<hbm>> -> memref<80x256xf32, #tpu.memory_space<hbm>>
        %dma_wait3A_449 = arith.constant 0 : i32
        %dma_wait3A_450 = tpu.memref_slice %arg6[%add3A_428, %dma_wait3A_449] : memref<163840x256xf32, #tpu.memory_space<hbm>> -> memref<80x256xf32, #tpu.memory_space<hbm>>
        tpu.wait_dma2 semaphore(%run_scoped3A : memref<!tpu.dma_semaphore, #tpu.memory_space<semaphore_mem>>) src(%arg15 : memref<80x256xf32, #tpu.memory_space<vmem>>) dst(%dma_wait3A_450 : memref<80x256xf32, #tpu.memory_space<hbm>>)
        tpu.yield
      }) : () -> ()
      %scan3A_442 = arith.constant 0 : i32
      scf.yield %scan3A_442 : i32
    }
    %scan3A_199 = arith.constant 32 : i32
    return
  }
}

module attributes {stable_mosaic.version = 14 : i64} {
  func.func @_mm_body(%arg0: i32, %arg1: memref<1280x256xf32, #tpu.memory_space<vmem>>, %arg2: memref<256x256xf32, #tpu.memory_space<vmem>>, %arg3: memref<1280x256xf32, #tpu.memory_space<vmem>>) attributes {dimension_semantics = [#tpu.dimension_semantics<arbitrary>], iteration_bounds = array<i64: 8>, scalar_prefetch = 0 : i64, scratch_operands = 0 : i64, tpu.core_type = #tpu.core_type<tc>, window_params = [{transform_indices = @transform_0, window_bounds = array<i64: 1280, 256>}, {pipeline_mode = #tpu.pipeline_mode<synchronous>, transform_indices = @transform_1, window_bounds = array<i64: 256, 256>}, {transform_indices = @transform_2, window_bounds = array<i64: 1280, 256>}]} {
    %get3A = arith.constant 0 : index
    %get3A_0 = arith.constant 0 : index
    %get3A_1 = vector.load %arg1[%get3A, %get3A_0] : memref<1280x256xf32, #tpu.memory_space<vmem>>, vector<1280x256xf32>
    %get3A_2 = arith.constant 0 : index
    %get3A_3 = arith.constant 0 : index
    %get3A_4 = vector.load %arg2[%get3A_2, %get3A_3] : memref<256x256xf32, #tpu.memory_space<vmem>>, vector<256x256xf32>
    %dot_general3A = arith.constant dense<0.000000e+00> : vector<1280x256xf32>
    %dot_general3A_5 = tpu.matmul %get3A_1, %get3A_4, %dot_general3A {dimension_numbers = #tpu.dot_dimension_numbers<[1], [0], [0], [1], [0, 0, 1, 1], [], []>, transpose_lhs_hint = false} : vector<1280x256xf32>, vector<256x256xf32>, vector<1280x256xf32> -> vector<1280x256xf32>
    %swap3A = arith.constant 0 : index
    %swap3A_6 = arith.constant 0 : index
    %swap3A_7 = vector.load %arg3[%swap3A, %swap3A_6] : memref<1280x256xf32, #tpu.memory_space<vmem>>, vector<1280x256xf32>
    tpu.vector_store %arg3[%swap3A, %swap3A_6], %dot_general3A_5 {strides = array<i32>} : memref<1280x256xf32, #tpu.memory_space<vmem>>, vector<1280x256xf32>,
    return
  }
  func.func @transform_0(%arg0: i32) -> (i32, i32) {
    %c0_i32 = arith.constant 0 : i32
    %c0_i32_0 = arith.constant 0 : i32
    return %arg0, %c0_i32 : i32, i32
  }
  func.func @transform_1(%arg0: i32) -> (i32, i32) {
    %c0_i32 = arith.constant 0 : i32
    %c0_i32_0 = arith.constant 0 : i32
    %c0_i32_1 = arith.constant 0 : i32
    return %c0_i32, %c0_i32_0 : i32, i32
  }
  func.func @transform_2(%arg0: i32) -> (i32, i32) {
    %c0_i32 = arith.constant 0 : i32
    %c0_i32_0 = arith.constant 0 : i32
    return %arg0, %c0_i32 : i32, i32
  }
}

module attributes {stable_mosaic.version = 14 : i64} {
  func.func @_att_body(%arg0: i32, %arg1: memref<2048x256xf32, #tpu.memory_space<vmem>>, %arg2: memref<2048x256xf32, #tpu.memory_space<vmem>>, %arg3: memref<1x256xf32, #tpu.memory_space<vmem>>, %arg4: memref<2048x264xbf16, #tpu.memory_space<vmem>>) attributes {dimension_semantics = [#tpu.dimension_semantics<arbitrary>], iteration_bounds = array<i64: 80>, scalar_prefetch = 0 : i64, scratch_operands = 0 : i64, tpu.core_type = #tpu.core_type<tc>, window_params = [{transform_indices = @transform_0, window_bounds = array<i64: 2048, 256>}, {transform_indices = @transform_1, window_bounds = array<i64: 2048, 256>}, {pipeline_mode = #tpu.pipeline_mode<synchronous>, transform_indices = @transform_2, window_bounds = array<i64: 1, 256>}, {transform_indices = @transform_3, window_bounds = array<i64: 2048, 264>}]} {
    %get3A = arith.constant 0 : index
    %get3A_0 = arith.constant 0 : index
    %get3A_1 = vector.load %arg2[%get3A, %get3A_0] : memref<2048x256xf32, #tpu.memory_space<vmem>>, vector<2048x256xf32>
    %mul3A = arith.constant 2.000000e-01 : f32
    %mul3A_2 = vector.broadcast %mul3A : f32 to vector<2048x256xf32>
    %mul3A_3 = arith.mulf %mul3A_2, %get3A_1 : vector<2048x256xf32>
    %max3A = arith.maximumf %get3A_1, %mul3A_3 : vector<2048x256xf32>
    %get3A_4 = arith.constant 0 : index
    %get3A_5 = arith.constant 0 : index
    %get3A_6 = vector.load %arg3[%get3A_4, %get3A_5] : memref<1x256xf32, #tpu.memory_space<vmem>>, vector<1x256xf32>
    %get3A_7 = arith.constant 0 : index
    %get3A_8 = arith.constant 0 : index
    %get3A_9 = vector.load %arg1[%get3A_7, %get3A_8] : memref<2048x256xf32, #tpu.memory_space<vmem>>, vector<2048x256xf32>
    %slice3A = vector.extract_strided_slice %max3A {offsets = [0, 0], sizes = [2048, 64], strides = [1, 1]} : vector<2048x256xf32> to vector<2048x64xf32>
    %slice3A_10 = vector.extract_strided_slice %get3A_6 {offsets = [0, 0], sizes = [1, 64], strides = [1, 1]} : vector<1x256xf32> to vector<1x64xf32>
    %squeeze3A = vector.shape_cast %slice3A_10 : vector<1x64xf32> to vector<64xf32>
    %broadcast_in_dim3A = vector.shape_cast %squeeze3A : vector<64xf32> to vector<1x64xf32>
    %mul3A_11 = vector.broadcast %broadcast_in_dim3A : vector<1x64xf32> to vector<2048x64xf32>
    %mul3A_12 = arith.mulf %slice3A, %mul3A_11 : vector<2048x64xf32>
    %reduce_sum3A = arith.constant dense<0.000000e+00> : vector<2048xf32>
    %reduce_sum3A_13 = vector.multi_reduction <add>, %mul3A_12, %reduce_sum3A [1] : vector<2048x64xf32> to vector<2048xf32>
    %exp3A = math.exp %reduce_sum3A_13 : vector<2048xf32>
    %slice3A_14 = vector.extract_strided_slice %get3A_9 {offsets = [0, 0], sizes = [2048, 64], strides = [1, 1]} : vector<2048x256xf32> to vector<2048x64xf32>
    %broadcast_in_dim3A_15 = vector.shape_cast %exp3A : vector<2048xf32> to vector<2048x1xf32>
    %mul3A_16 = vector.broadcast %broadcast_in_dim3A_15 : vector<2048x1xf32> to vector<2048x64xf32>
    %mul3A_17 = arith.mulf %slice3A_14, %mul3A_16 : vector<2048x64xf32>
    %convert_element_type3A = arith.truncf %mul3A_17 : vector<2048x64xf32> to vector<2048x64xbf16>
    %swap3A = arith.constant 0 : index
    %swap3A_18 = arith.constant 0 : index
    %swap3A_19 = vector.load %arg4[%swap3A, %swap3A_18] : memref<2048x264xbf16, #tpu.memory_space<vmem>>, vector<2048x64xbf16>
    tpu.vector_store %arg4[%swap3A, %swap3A_18], %convert_element_type3A {strides = array<i32>} : memref<2048x264xbf16, #tpu.memory_space<vmem>>, vector<2048x64xbf16>,
    %convert_element_type3A_20 = arith.truncf %exp3A : vector<2048xf32> to vector<2048xbf16>
    %swap3A_21 = arith.constant 0 : index
    %swap3A_22 = arith.constant 256 : index
    %swap3A_23 = vector.load %arg4[%swap3A_21, %swap3A_22] : memref<2048x264xbf16, #tpu.memory_space<vmem>>, vector<2048x1xbf16>
    %swap3A_24 = vector.shape_cast %swap3A_23 : vector<2048x1xbf16> to vector<2048xbf16>
    %swap3A_25 = vector.shape_cast %convert_element_type3A_20 : vector<2048xbf16> to vector<2048x1xbf16>
    tpu.vector_store %arg4[%swap3A_21, %swap3A_22], %swap3A_25 {strides = array<i32>} : memref<2048x264xbf16, #tpu.memory_space<vmem>>, vector<2048x1xbf16>,
    %slice3A_26 = vector.extract_strided_slice %max3A {offsets = [0, 64], sizes = [2048, 64], strides = [1, 1]} : vector<2048x256xf32> to vector<2048x64xf32>
    %slice3A_27 = vector.extract_strided_slice %get3A_6 {offsets = [0, 64], sizes = [1, 64], strides = [1, 1]} : vector<1x256xf32> to vector<1x64xf32>
    %squeeze3A_28 = vector.shape_cast %slice3A_27 : vector<1x64xf32> to vector<64xf32>
    %broadcast_in_dim3A_29 = vector.shape_cast %squeeze3A_28 : vector<64xf32> to vector<1x64xf32>
    %mul3A_30 = vector.broadcast %broadcast_in_dim3A_29 : vector<1x64xf32> to vector<2048x64xf32>
    %mul3A_31 = arith.mulf %slice3A_26, %mul3A_30 : vector<2048x64xf32>
    %reduce_sum3A_32 = arith.constant dense<0.000000e+00> : vector<2048xf32>
    %reduce_sum3A_33 = vector.multi_reduction <add>, %mul3A_31, %reduce_sum3A_32 [1] : vector<2048x64xf32> to vector<2048xf32>
    %exp3A_34 = math.exp %reduce_sum3A_33 : vector<2048xf32>
    %slice3A_35 = vector.extract_strided_slice %get3A_9 {offsets = [0, 64], sizes = [2048, 64], strides = [1, 1]} : vector<2048x256xf32> to vector<2048x64xf32>
    %broadcast_in_dim3A_36 = vector.shape_cast %exp3A_34 : vector<2048xf32> to vector<2048x1xf32>
    %mul3A_37 = vector.broadcast %broadcast_in_dim3A_36 : vector<2048x1xf32> to vector<2048x64xf32>
    %mul3A_38 = arith.mulf %slice3A_35, %mul3A_37 : vector<2048x64xf32>
    %convert_element_type3A_39 = arith.truncf %mul3A_38 : vector<2048x64xf32> to vector<2048x64xbf16>
    %swap3A_40 = arith.constant 0 : index
    %swap3A_41 = arith.constant 64 : index
    %swap3A_42 = vector.load %arg4[%swap3A_40, %swap3A_41] : memref<2048x264xbf16, #tpu.memory_space<vmem>>, vector<2048x64xbf16>
    tpu.vector_store %arg4[%swap3A_40, %swap3A_41], %convert_element_type3A_39 {strides = array<i32>} : memref<2048x264xbf16, #tpu.memory_space<vmem>>, vector<2048x64xbf16>,
    %convert_element_type3A_43 = arith.truncf %exp3A_34 : vector<2048xf32> to vector<2048xbf16>
    %swap3A_44 = arith.constant 0 : index
    %swap3A_45 = arith.constant 257 : index
    %swap3A_46 = vector.load %arg4[%swap3A_44, %swap3A_45] : memref<2048x264xbf16, #tpu.memory_space<vmem>>, vector<2048x1xbf16>
    %swap3A_47 = vector.shape_cast %swap3A_46 : vector<2048x1xbf16> to vector<2048xbf16>
    %swap3A_48 = vector.shape_cast %convert_element_type3A_43 : vector<2048xbf16> to vector<2048x1xbf16>
    tpu.vector_store %arg4[%swap3A_44, %swap3A_45], %swap3A_48 {strides = array<i32>} : memref<2048x264xbf16, #tpu.memory_space<vmem>>, vector<2048x1xbf16>,
    %slice3A_49 = vector.extract_strided_slice %max3A {offsets = [0, 128], sizes = [2048, 64], strides = [1, 1]} : vector<2048x256xf32> to vector<2048x64xf32>
    %slice3A_50 = vector.extract_strided_slice %get3A_6 {offsets = [0, 128], sizes = [1, 64], strides = [1, 1]} : vector<1x256xf32> to vector<1x64xf32>
    %squeeze3A_51 = vector.shape_cast %slice3A_50 : vector<1x64xf32> to vector<64xf32>
    %broadcast_in_dim3A_52 = vector.shape_cast %squeeze3A_51 : vector<64xf32> to vector<1x64xf32>
    %mul3A_53 = vector.broadcast %broadcast_in_dim3A_52 : vector<1x64xf32> to vector<2048x64xf32>
    %mul3A_54 = arith.mulf %slice3A_49, %mul3A_53 : vector<2048x64xf32>
    %reduce_sum3A_55 = arith.constant dense<0.000000e+00> : vector<2048xf32>
    %reduce_sum3A_56 = vector.multi_reduction <add>, %mul3A_54, %reduce_sum3A_55 [1] : vector<2048x64xf32> to vector<2048xf32>
    %exp3A_57 = math.exp %reduce_sum3A_56 : vector<2048xf32>
    %slice3A_58 = vector.extract_strided_slice %get3A_9 {offsets = [0, 128], sizes = [2048, 64], strides = [1, 1]} : vector<2048x256xf32> to vector<2048x64xf32>
    %broadcast_in_dim3A_59 = vector.shape_cast %exp3A_57 : vector<2048xf32> to vector<2048x1xf32>
    %mul3A_60 = vector.broadcast %broadcast_in_dim3A_59 : vector<2048x1xf32> to vector<2048x64xf32>
    %mul3A_61 = arith.mulf %slice3A_58, %mul3A_60 : vector<2048x64xf32>
    %convert_element_type3A_62 = arith.truncf %mul3A_61 : vector<2048x64xf32> to vector<2048x64xbf16>
    %swap3A_63 = arith.constant 0 : index
    %swap3A_64 = arith.constant 128 : index
    %swap3A_65 = vector.load %arg4[%swap3A_63, %swap3A_64] : memref<2048x264xbf16, #tpu.memory_space<vmem>>, vector<2048x64xbf16>
    tpu.vector_store %arg4[%swap3A_63, %swap3A_64], %convert_element_type3A_62 {strides = array<i32>} : memref<2048x264xbf16, #tpu.memory_space<vmem>>, vector<2048x64xbf16>,
    %convert_element_type3A_66 = arith.truncf %exp3A_57 : vector<2048xf32> to vector<2048xbf16>
    %swap3A_67 = arith.constant 0 : index
    %swap3A_68 = arith.constant 258 : index
    %swap3A_69 = vector.load %arg4[%swap3A_67, %swap3A_68] : memref<2048x264xbf16, #tpu.memory_space<vmem>>, vector<2048x1xbf16>
    %swap3A_70 = vector.shape_cast %swap3A_69 : vector<2048x1xbf16> to vector<2048xbf16>
    %swap3A_71 = vector.shape_cast %convert_element_type3A_66 : vector<2048xbf16> to vector<2048x1xbf16>
    tpu.vector_store %arg4[%swap3A_67, %swap3A_68], %swap3A_71 {strides = array<i32>} : memref<2048x264xbf16, #tpu.memory_space<vmem>>, vector<2048x1xbf16>,
    %slice3A_72 = vector.extract_strided_slice %max3A {offsets = [0, 192], sizes = [2048, 64], strides = [1, 1]} : vector<2048x256xf32> to vector<2048x64xf32>
    %slice3A_73 = vector.extract_strided_slice %get3A_6 {offsets = [0, 192], sizes = [1, 64], strides = [1, 1]} : vector<1x256xf32> to vector<1x64xf32>
    %squeeze3A_74 = vector.shape_cast %slice3A_73 : vector<1x64xf32> to vector<64xf32>
    %broadcast_in_dim3A_75 = vector.shape_cast %squeeze3A_74 : vector<64xf32> to vector<1x64xf32>
    %mul3A_76 = vector.broadcast %broadcast_in_dim3A_75 : vector<1x64xf32> to vector<2048x64xf32>
    %mul3A_77 = arith.mulf %slice3A_72, %mul3A_76 : vector<2048x64xf32>
    %reduce_sum3A_78 = arith.constant dense<0.000000e+00> : vector<2048xf32>
    %reduce_sum3A_79 = vector.multi_reduction <add>, %mul3A_77, %reduce_sum3A_78 [1] : vector<2048x64xf32> to vector<2048xf32>
    %exp3A_80 = math.exp %reduce_sum3A_79 : vector<2048xf32>
    %slice3A_81 = vector.extract_strided_slice %get3A_9 {offsets = [0, 192], sizes = [2048, 64], strides = [1, 1]} : vector<2048x256xf32> to vector<2048x64xf32>
    %broadcast_in_dim3A_82 = vector.shape_cast %exp3A_80 : vector<2048xf32> to vector<2048x1xf32>
    %mul3A_83 = vector.broadcast %broadcast_in_dim3A_82 : vector<2048x1xf32> to vector<2048x64xf32>
    %mul3A_84 = arith.mulf %slice3A_81, %mul3A_83 : vector<2048x64xf32>
    %convert_element_type3A_85 = arith.truncf %mul3A_84 : vector<2048x64xf32> to vector<2048x64xbf16>
    %swap3A_86 = arith.constant 0 : index
    %swap3A_87 = arith.constant 192 : index
    %swap3A_88 = vector.load %arg4[%swap3A_86, %swap3A_87] : memref<2048x264xbf16, #tpu.memory_space<vmem>>, vector<2048x64xbf16>
    tpu.vector_store %arg4[%swap3A_86, %swap3A_87], %convert_element_type3A_85 {strides = array<i32>} : memref<2048x264xbf16, #tpu.memory_space<vmem>>, vector<2048x64xbf16>,
    %convert_element_type3A_89 = arith.truncf %exp3A_80 : vector<2048xf32> to vector<2048xbf16>
    %swap3A_90 = arith.constant 0 : index
    %swap3A_91 = arith.constant 259 : index
    %swap3A_92 = vector.load %arg4[%swap3A_90, %swap3A_91] : memref<2048x264xbf16, #tpu.memory_space<vmem>>, vector<2048x1xbf16>
    %swap3A_93 = vector.shape_cast %swap3A_92 : vector<2048x1xbf16> to vector<2048xbf16>
    %swap3A_94 = vector.shape_cast %convert_element_type3A_89 : vector<2048xbf16> to vector<2048x1xbf16>
    tpu.vector_store %arg4[%swap3A_90, %swap3A_91], %swap3A_94 {strides = array<i32>} : memref<2048x264xbf16, #tpu.memory_space<vmem>>, vector<2048x1xbf16>,
    %broadcast_in_dim3A_95 = arith.constant 0.000000e+00 : bf16
    %broadcast_in_dim3A_96 = vector.broadcast %broadcast_in_dim3A_95 : bf16 to vector<2048xbf16>
    %swap3A_97 = arith.constant 0 : index
    %swap3A_98 = arith.constant 260 : index
    %swap3A_99 = vector.load %arg4[%swap3A_97, %swap3A_98] : memref<2048x264xbf16, #tpu.memory_space<vmem>>, vector<2048x1xbf16>
    %swap3A_100 = vector.shape_cast %swap3A_99 : vector<2048x1xbf16> to vector<2048xbf16>
    %swap3A_101 = vector.shape_cast %broadcast_in_dim3A_96 : vector<2048xbf16> to vector<2048x1xbf16>
    tpu.vector_store %arg4[%swap3A_97, %swap3A_98], %swap3A_101 {strides = array<i32>} : memref<2048x264xbf16, #tpu.memory_space<vmem>>, vector<2048x1xbf16>,
    %broadcast_in_dim3A_102 = arith.constant 0.000000e+00 : bf16
    %broadcast_in_dim3A_103 = vector.broadcast %broadcast_in_dim3A_102 : bf16 to vector<2048xbf16>
    %swap3A_104 = arith.constant 0 : index
    %swap3A_105 = arith.constant 261 : index
    %swap3A_106 = vector.load %arg4[%swap3A_104, %swap3A_105] : memref<2048x264xbf16, #tpu.memory_space<vmem>>, vector<2048x1xbf16>
    %swap3A_107 = vector.shape_cast %swap3A_106 : vector<2048x1xbf16> to vector<2048xbf16>
    %swap3A_108 = vector.shape_cast %broadcast_in_dim3A_103 : vector<2048xbf16> to vector<2048x1xbf16>
    tpu.vector_store %arg4[%swap3A_104, %swap3A_105], %swap3A_108 {strides = array<i32>} : memref<2048x264xbf16, #tpu.memory_space<vmem>>, vector<2048x1xbf16>,
    %broadcast_in_dim3A_109 = arith.constant 0.000000e+00 : bf16
    %broadcast_in_dim3A_110 = vector.broadcast %broadcast_in_dim3A_109 : bf16 to vector<2048xbf16>
    %swap3A_111 = arith.constant 0 : index
    %swap3A_112 = arith.constant 262 : index
    %swap3A_113 = vector.load %arg4[%swap3A_111, %swap3A_112] : memref<2048x264xbf16, #tpu.memory_space<vmem>>, vector<2048x1xbf16>
    %swap3A_114 = vector.shape_cast %swap3A_113 : vector<2048x1xbf16> to vector<2048xbf16>
    %swap3A_115 = vector.shape_cast %broadcast_in_dim3A_110 : vector<2048xbf16> to vector<2048x1xbf16>
    tpu.vector_store %arg4[%swap3A_111, %swap3A_112], %swap3A_115 {strides = array<i32>} : memref<2048x264xbf16, #tpu.memory_space<vmem>>, vector<2048x1xbf16>,
    %broadcast_in_dim3A_116 = arith.constant 0.000000e+00 : bf16
    %broadcast_in_dim3A_117 = vector.broadcast %broadcast_in_dim3A_116 : bf16 to vector<2048xbf16>
    %swap3A_118 = arith.constant 0 : index
    %swap3A_119 = arith.constant 263 : index
    %swap3A_120 = vector.load %arg4[%swap3A_118, %swap3A_119] : memref<2048x264xbf16, #tpu.memory_space<vmem>>, vector<2048x1xbf16>
    %swap3A_121 = vector.shape_cast %swap3A_120 : vector<2048x1xbf16> to vector<2048xbf16>
    %swap3A_122 = vector.shape_cast %broadcast_in_dim3A_117 : vector<2048xbf16> to vector<2048x1xbf16>
    tpu.vector_store %arg4[%swap3A_118, %swap3A_119], %swap3A_122 {strides = array<i32>} : memref<2048x264xbf16, #tpu.memory_space<vmem>>, vector<2048x1xbf16>,
    return
  }
  func.func @transform_0(%arg0: i32) -> (i32, i32) {
    %c0_i32 = arith.constant 0 : i32
    %c0_i32_0 = arith.constant 0 : i32
    return %arg0, %c0_i32 : i32, i32
  }
  func.func @transform_1(%arg0: i32) -> (i32, i32) {
    %c0_i32 = arith.constant 0 : i32
    %c0_i32_0 = arith.constant 0 : i32
    return %arg0, %c0_i32 : i32, i32
  }
  func.func @transform_2(%arg0: i32) -> (i32, i32) {
    %c0_i32 = arith.constant 0 : i32
    %c0_i32_0 = arith.constant 0 : i32
    %c0_i32_1 = arith.constant 0 : i32
    return %c0_i32, %c0_i32_0 : i32, i32
  }
  func.func @transform_3(%arg0: i32) -> (i32, i32) {
    %c0_i32 = arith.constant 0 : i32
    %c0_i32_0 = arith.constant 0 : i32
    return %arg0, %c0_i32 : i32, i32
  }
}

module attributes {stable_mosaic.version = 14 : i64} {
  func.func @_seg_body(%arg0: i32, %arg1: i32, %arg2: memref<1x4096xi32, #tpu.memory_space<vmem>>, %arg3: memref<4096x264xbf16, #tpu.memory_space<vmem>>, %arg4: memref<2048x264xf32, #tpu.memory_space<vmem>>) attributes {dimension_semantics = [#tpu.dimension_semantics<arbitrary>, #tpu.dimension_semantics<arbitrary>], iteration_bounds = array<i64: 5, 40>, scalar_prefetch = 0 : i64, scratch_operands = 0 : i64, tpu.core_type = #tpu.core_type<tc>, window_params = [{transform_indices = @transform_0, window_bounds = array<i64: 1, 4096>}, {transform_indices = @transform_1, window_bounds = array<i64: 4096, 264>}, {transform_indices = @transform_2, window_bounds = array<i64: 2048, 264>}]} {
    %get3A = arith.constant 0 : index
    %get3A_0 = arith.constant 0 : index
    %get3A_1 = vector.load %arg2[%get3A, %get3A_0] : memref<1x4096xi32, #tpu.memory_space<vmem>>, vector<1x4096xi32>
    %get3A_2 = vector.shape_cast %get3A_1 : vector<1x4096xi32> to vector<4096xi32>
    %ge3A = arith.constant 5000 : i32
    %ge3A_3 = vector.broadcast %ge3A : i32 to vector<4096xi32>
    %ge3A_4 = arith.cmpi sge, %get3A_2, %ge3A_3 : vector<4096xi32>
    %jit3A = arith.constant 120 : i32
    %jit3A_5 = arith.constant 0 : i32
    %broadcast_in_dim3A = vector.broadcast %jit3A : i32 to vector<4096xi32>
    %broadcast_in_dim3A_6 = vector.broadcast %jit3A_5 : i32 to vector<4096xi32>
    %select_n3A = arith.select %ge3A_4, %broadcast_in_dim3A, %broadcast_in_dim3A_6 : vector<4096xi1>, vector<4096xi32>
    %add3A = arith.addi %get3A_2, %select_n3A : vector<4096xi32>
    %iota3A = tpu.iota {dimensions = array<i32: 0>} : vector<2048x4096xi32>
    %mul3A = arith.constant 2048 : i32
    %mul3A_7 = arith.muli %arg0, %mul3A : i32
    %add3A_8 = vector.broadcast %mul3A_7 : i32 to vector<2048x4096xi32>
    %add3A_9 = arith.addi %iota3A, %add3A_8 : vector<2048x4096xi32>
    %broadcast_in_dim3A_10 = vector.shape_cast %add3A : vector<4096xi32> to vector<1x4096xi32>
    %eq3A = vector.broadcast %broadcast_in_dim3A_10 : vector<1x4096xi32> to vector<2048x4096xi32>
    %eq3A_11 = arith.cmpi eq, %add3A_9, %eq3A : vector<2048x4096xi32>
    %convert_element_type3A = arith.extui %eq3A_11 : vector<2048x4096xi1> to vector<2048x4096xi32>
    %convert_element_type3A_12 = arith.sitofp %convert_element_type3A : vector<2048x4096xi32> to vector<2048x4096xf32>
    %convert_element_type3A_13 = arith.truncf %convert_element_type3A_12 : vector<2048x4096xf32> to vector<2048x4096xbf16>
    %get3A_14 = arith.constant 0 : index
    %get3A_15 = arith.constant 0 : index
    %get3A_16 = vector.load %arg3[%get3A_14, %get3A_15] : memref<4096x264xbf16, #tpu.memory_space<vmem>>, vector<4096x264xbf16>
    %dot_general3A = arith.constant dense<0.000000e+00> : vector<2048x264xf32>
    %dot_general3A_17 = tpu.matmul %convert_element_type3A_13, %get3A_16, %dot_general3A {dimension_numbers = #tpu.dot_dimension_numbers<[1], [0], [0], [1], [0, 0, 1, 1], [], []>, transpose_lhs_hint = false} : vector<2048x4096xbf16>, vector<4096x264xbf16>, vector<2048x264xf32> -> vector<2048x264xf32>
    %eq3A_18 = arith.constant 0 : i32
    %eq3A_19 = arith.cmpi eq, %arg1, %eq3A_18 : i32
    %convert_element_type3A_20 = arith.extui %eq3A_19 : i1 to i32
    %cond3A = arith.constant 0 : i32
    %cond3A_21 = arith.cmpi ne, %convert_element_type3A_20, %cond3A : i32
    scf.if %cond3A_21 {
      %swap3A = arith.constant 0 : index
      %swap3A_26 = arith.constant 0 : index
      %swap3A_27 = vector.load %arg4[%swap3A, %swap3A_26] : memref<2048x264xf32, #tpu.memory_space<vmem>>, vector<2048x264xf32>
      tpu.vector_store %arg4[%swap3A, %swap3A_26], %dot_general3A_17 {strides = array<i32>} : memref<2048x264xf32, #tpu.memory_space<vmem>>, vector<2048x264xf32>,
    } else {
    }
    %gt3A = arith.constant 0 : i32
    %gt3A_22 = arith.cmpi sgt, %arg1, %gt3A : i32
    %convert_element_type3A_23 = arith.extui %gt3A_22 : i1 to i32
    %cond3A_24 = arith.constant 0 : i32
    %cond3A_25 = arith.cmpi ne, %convert_element_type3A_23, %cond3A_24 : i32
    scf.if %cond3A_25 {
      %get3A_26 = arith.constant 0 : index
      %get3A_27 = arith.constant 0 : index
      %get3A_28 = vector.load %arg4[%get3A_26, %get3A_27] : memref<2048x264xf32, #tpu.memory_space<vmem>>, vector<2048x264xf32>
      %add3A_29 = arith.addf %get3A_28, %dot_general3A_17 : vector<2048x264xf32>
      %swap3A = arith.constant 0 : index
      %swap3A_30 = arith.constant 0 : index
      %swap3A_31 = vector.load %arg4[%swap3A, %swap3A_30] : memref<2048x264xf32, #tpu.memory_space<vmem>>, vector<2048x264xf32>
      tpu.vector_store %arg4[%swap3A, %swap3A_30], %add3A_29 {strides = array<i32>} : memref<2048x264xf32, #tpu.memory_space<vmem>>, vector<2048x264xf32>,
    } else {
    }
    return
  }
  func.func @transform_0(%arg0: i32, %arg1: i32) -> (i32, i32) {
    %c0_i32 = arith.constant 0 : i32
    %c0_i32_0 = arith.constant 0 : i32
    return %c0_i32, %arg1 : i32, i32
  }
  func.func @transform_1(%arg0: i32, %arg1: i32) -> (i32, i32) {
    %c0_i32 = arith.constant 0 : i32
    %c0_i32_0 = arith.constant 0 : i32
    return %arg1, %c0_i32 : i32, i32
  }
  func.func @transform_2(%arg0: i32, %arg1: i32) -> (i32, i32) {
    %c0_i32 = arith.constant 0 : i32
    %c0_i32_0 = arith.constant 0 : i32
    return %arg0, %c0_i32 : i32, i32
  }
}

module attributes {stable_mosaic.version = 14 : i64} {
  func.func @_norm_body(%arg0: i32, %arg1: memref<1280x264xf32, #tpu.memory_space<vmem>>, %arg2: memref<1280x256xf32, #tpu.memory_space<vmem>>) attributes {dimension_semantics = [#tpu.dimension_semantics<arbitrary>], iteration_bounds = array<i64: 8>, scalar_prefetch = 0 : i64, scratch_operands = 0 : i64, tpu.core_type = #tpu.core_type<tc>, window_params = [{transform_indices = @transform_0, window_bounds = array<i64: 1280, 264>}, {transform_indices = @transform_1, window_bounds = array<i64: 1280, 256>}]} {
    %get3A = arith.constant 0 : index
    %get3A_0 = arith.constant 0 : index
    %get3A_1 = vector.load %arg1[%get3A, %get3A_0] : memref<1280x264xf32, #tpu.memory_space<vmem>>, vector<1280x264xf32>
    %slice3A = vector.extract_strided_slice %get3A_1 {offsets = [0, 256], sizes = [1280, 1], strides = [1, 1]} : vector<1280x264xf32> to vector<1280x1xf32>
    %squeeze3A = vector.shape_cast %slice3A : vector<1280x1xf32> to vector<1280xf32>
    %gt3A = arith.constant 0.000000e+00 : f32
    %gt3A_2 = vector.broadcast %gt3A : f32 to vector<1280xf32>
    %gt3A_3 = arith.cmpf ogt, %squeeze3A, %gt3A_2 : vector<1280xf32>
    %gt3A_4 = arith.constant 0.000000e+00 : f32
    %gt3A_5 = vector.broadcast %gt3A_4 : f32 to vector<1280xf32>
    %gt3A_6 = arith.cmpf ogt, %squeeze3A, %gt3A_5 : vector<1280xf32>
    %jit3A = arith.constant 1.000000e+00 : f32
    %broadcast_in_dim3A = vector.broadcast %jit3A : f32 to vector<1280xf32>
    %select_n3A = arith.select %gt3A_6, %squeeze3A, %broadcast_in_dim3A : vector<1280xi1>, vector<1280xf32>
    %div3A = arith.constant 1.000000e+00 : f32
    %div3A_7 = vector.broadcast %div3A : f32 to vector<1280xf32>
    %div3A_8 = arith.divf %div3A_7, %select_n3A : vector<1280xf32>
    %jit3A_9 = arith.constant 0.000000e+00 : f32
    %broadcast_in_dim3A_10 = vector.broadcast %jit3A_9 : f32 to vector<1280xf32>
    %select_n3A_11 = arith.select %gt3A_3, %div3A_8, %broadcast_in_dim3A_10 : vector<1280xi1>, vector<1280xf32>
    %slice3A_12 = vector.extract_strided_slice %get3A_1 {offsets = [0, 0], sizes = [1280, 64], strides = [1, 1]} : vector<1280x264xf32> to vector<1280x64xf32>
    %broadcast_in_dim3A_13 = vector.shape_cast %select_n3A_11 : vector<1280xf32> to vector<1280x1xf32>
    %mul3A = vector.broadcast %broadcast_in_dim3A_13 : vector<1280x1xf32> to vector<1280x64xf32>
    %mul3A_14 = arith.mulf %slice3A_12, %mul3A : vector<1280x64xf32>
    %slice3A_15 = vector.extract_strided_slice %get3A_1 {offsets = [0, 257], sizes = [1280, 1], strides = [1, 1]} : vector<1280x264xf32> to vector<1280x1xf32>
    %squeeze3A_16 = vector.shape_cast %slice3A_15 : vector<1280x1xf32> to vector<1280xf32>
    %gt3A_17 = arith.constant 0.000000e+00 : f32
    %gt3A_18 = vector.broadcast %gt3A_17 : f32 to vector<1280xf32>
    %gt3A_19 = arith.cmpf ogt, %squeeze3A_16, %gt3A_18 : vector<1280xf32>
    %gt3A_20 = arith.constant 0.000000e+00 : f32
    %gt3A_21 = vector.broadcast %gt3A_20 : f32 to vector<1280xf32>
    %gt3A_22 = arith.cmpf ogt, %squeeze3A_16, %gt3A_21 : vector<1280xf32>
    %jit3A_23 = arith.constant 1.000000e+00 : f32
    %broadcast_in_dim3A_24 = vector.broadcast %jit3A_23 : f32 to vector<1280xf32>
    %select_n3A_25 = arith.select %gt3A_22, %squeeze3A_16, %broadcast_in_dim3A_24 : vector<1280xi1>, vector<1280xf32>
    %div3A_26 = arith.constant 1.000000e+00 : f32
    %div3A_27 = vector.broadcast %div3A_26 : f32 to vector<1280xf32>
    %div3A_28 = arith.divf %div3A_27, %select_n3A_25 : vector<1280xf32>
    %jit3A_29 = arith.constant 0.000000e+00 : f32
    %broadcast_in_dim3A_30 = vector.broadcast %jit3A_29 : f32 to vector<1280xf32>
    %select_n3A_31 = arith.select %gt3A_19, %div3A_28, %broadcast_in_dim3A_30 : vector<1280xi1>, vector<1280xf32>
    %slice3A_32 = vector.extract_strided_slice %get3A_1 {offsets = [0, 64], sizes = [1280, 64], strides = [1, 1]} : vector<1280x264xf32> to vector<1280x64xf32>
    %broadcast_in_dim3A_33 = vector.shape_cast %select_n3A_31 : vector<1280xf32> to vector<1280x1xf32>
    %mul3A_34 = vector.broadcast %broadcast_in_dim3A_33 : vector<1280x1xf32> to vector<1280x64xf32>
    %mul3A_35 = arith.mulf %slice3A_32, %mul3A_34 : vector<1280x64xf32>
    %slice3A_36 = vector.extract_strided_slice %get3A_1 {offsets = [0, 258], sizes = [1280, 1], strides = [1, 1]} : vector<1280x264xf32> to vector<1280x1xf32>
    %squeeze3A_37 = vector.shape_cast %slice3A_36 : vector<1280x1xf32> to vector<1280xf32>
    %gt3A_38 = arith.constant 0.000000e+00 : f32
    %gt3A_39 = vector.broadcast %gt3A_38 : f32 to vector<1280xf32>
    %gt3A_40 = arith.cmpf ogt, %squeeze3A_37, %gt3A_39 : vector<1280xf32>
    %gt3A_41 = arith.constant 0.000000e+00 : f32
    %gt3A_42 = vector.broadcast %gt3A_41 : f32 to vector<1280xf32>
    %gt3A_43 = arith.cmpf ogt, %squeeze3A_37, %gt3A_42 : vector<1280xf32>
    %jit3A_44 = arith.constant 1.000000e+00 : f32
    %broadcast_in_dim3A_45 = vector.broadcast %jit3A_44 : f32 to vector<1280xf32>
    %select_n3A_46 = arith.select %gt3A_43, %squeeze3A_37, %broadcast_in_dim3A_45 : vector<1280xi1>, vector<1280xf32>
    %div3A_47 = arith.constant 1.000000e+00 : f32
    %div3A_48 = vector.broadcast %div3A_47 : f32 to vector<1280xf32>
    %div3A_49 = arith.divf %div3A_48, %select_n3A_46 : vector<1280xf32>
    %jit3A_50 = arith.constant 0.000000e+00 : f32
    %broadcast_in_dim3A_51 = vector.broadcast %jit3A_50 : f32 to vector<1280xf32>
    %select_n3A_52 = arith.select %gt3A_40, %div3A_49, %broadcast_in_dim3A_51 : vector<1280xi1>, vector<1280xf32>
    %slice3A_53 = vector.extract_strided_slice %get3A_1 {offsets = [0, 128], sizes = [1280, 64], strides = [1, 1]} : vector<1280x264xf32> to vector<1280x64xf32>
    %broadcast_in_dim3A_54 = vector.shape_cast %select_n3A_52 : vector<1280xf32> to vector<1280x1xf32>
    %mul3A_55 = vector.broadcast %broadcast_in_dim3A_54 : vector<1280x1xf32> to vector<1280x64xf32>
    %mul3A_56 = arith.mulf %slice3A_53, %mul3A_55 : vector<1280x64xf32>
    %slice3A_57 = vector.extract_strided_slice %get3A_1 {offsets = [0, 259], sizes = [1280, 1], strides = [1, 1]} : vector<1280x264xf32> to vector<1280x1xf32>
    %squeeze3A_58 = vector.shape_cast %slice3A_57 : vector<1280x1xf32> to vector<1280xf32>
    %gt3A_59 = arith.constant 0.000000e+00 : f32
    %gt3A_60 = vector.broadcast %gt3A_59 : f32 to vector<1280xf32>
    %gt3A_61 = arith.cmpf ogt, %squeeze3A_58, %gt3A_60 : vector<1280xf32>
    %gt3A_62 = arith.constant 0.000000e+00 : f32
    %gt3A_63 = vector.broadcast %gt3A_62 : f32 to vector<1280xf32>
    %gt3A_64 = arith.cmpf ogt, %squeeze3A_58, %gt3A_63 : vector<1280xf32>
    %jit3A_65 = arith.constant 1.000000e+00 : f32
    %broadcast_in_dim3A_66 = vector.broadcast %jit3A_65 : f32 to vector<1280xf32>
    %select_n3A_67 = arith.select %gt3A_64, %squeeze3A_58, %broadcast_in_dim3A_66 : vector<1280xi1>, vector<1280xf32>
    %div3A_68 = arith.constant 1.000000e+00 : f32
    %div3A_69 = vector.broadcast %div3A_68 : f32 to vector<1280xf32>
    %div3A_70 = arith.divf %div3A_69, %select_n3A_67 : vector<1280xf32>
    %jit3A_71 = arith.constant 0.000000e+00 : f32
    %broadcast_in_dim3A_72 = vector.broadcast %jit3A_71 : f32 to vector<1280xf32>
    %select_n3A_73 = arith.select %gt3A_61, %div3A_70, %broadcast_in_dim3A_72 : vector<1280xi1>, vector<1280xf32>
    %slice3A_74 = vector.extract_strided_slice %get3A_1 {offsets = [0, 192], sizes = [1280, 64], strides = [1, 1]} : vector<1280x264xf32> to vector<1280x64xf32>
    %broadcast_in_dim3A_75 = vector.shape_cast %select_n3A_73 : vector<1280xf32> to vector<1280x1xf32>
    %mul3A_76 = vector.broadcast %broadcast_in_dim3A_75 : vector<1280x1xf32> to vector<1280x64xf32>
    %mul3A_77 = arith.mulf %slice3A_74, %mul3A_76 : vector<1280x64xf32>
    %concatenate3A = tpu.concatenate %mul3A_14, %mul3A_35, %mul3A_56, %mul3A_77 in 1 : vector<1280x64xf32>, vector<1280x64xf32>, vector<1280x64xf32>, vector<1280x64xf32> -> vector<1280x256xf32>
    %max3A = arith.constant 0.000000e+00 : f32
    %max3A_78 = vector.broadcast %max3A : f32 to vector<1280x256xf32>
    %max3A_79 = arith.maximumf %concatenate3A, %max3A_78 : vector<1280x256xf32>
    %swap3A = arith.constant 0 : index
    %swap3A_80 = arith.constant 0 : index
    %swap3A_81 = vector.load %arg2[%swap3A, %swap3A_80] : memref<1280x256xf32, #tpu.memory_space<vmem>>, vector<1280x256xf32>
    tpu.vector_store %arg2[%swap3A, %swap3A_80], %max3A_79 {strides = array<i32>} : memref<1280x256xf32, #tpu.memory_space<vmem>>, vector<1280x256xf32>,
    return
  }
  func.func @transform_0(%arg0: i32) -> (i32, i32) {
    %c0_i32 = arith.constant 0 : i32
    %c0_i32_0 = arith.constant 0 : i32
    return %arg0, %c0_i32 : i32, i32
  }
  func.func @transform_1(%arg0: i32) -> (i32, i32) {
    %c0_i32 = arith.constant 0 : i32
    %c0_i32_0 = arith.constant 0 : i32
    return %arg0, %c0_i32 : i32, i32
  }
}

module attributes {stable_mosaic.version = 14 : i64} {
  func.func @_norm_body(%arg0: i32, %arg1: memref<1280x264xf32, #tpu.memory_space<vmem>>, %arg2: memref<1280x256xf32, #tpu.memory_space<vmem>>, %arg3: memref<1280x256xf32, #tpu.memory_space<vmem>>) attributes {dimension_semantics = [#tpu.dimension_semantics<arbitrary>], iteration_bounds = array<i64: 8>, scalar_prefetch = 0 : i64, scratch_operands = 0 : i64, tpu.core_type = #tpu.core_type<tc>, window_params = [{transform_indices = @transform_0, window_bounds = array<i64: 1280, 264>}, {transform_indices = @transform_1, window_bounds = array<i64: 1280, 256>}, {transform_indices = @transform_2, window_bounds = array<i64: 1280, 256>}]} {
    %get3A = arith.constant 0 : index
    %get3A_0 = arith.constant 0 : index
    %get3A_1 = vector.load %arg1[%get3A, %get3A_0] : memref<1280x264xf32, #tpu.memory_space<vmem>>, vector<1280x264xf32>
    %slice3A = vector.extract_strided_slice %get3A_1 {offsets = [0, 256], sizes = [1280, 1], strides = [1, 1]} : vector<1280x264xf32> to vector<1280x1xf32>
    %squeeze3A = vector.shape_cast %slice3A : vector<1280x1xf32> to vector<1280xf32>
    %gt3A = arith.constant 0.000000e+00 : f32
    %gt3A_2 = vector.broadcast %gt3A : f32 to vector<1280xf32>
    %gt3A_3 = arith.cmpf ogt, %squeeze3A, %gt3A_2 : vector<1280xf32>
    %gt3A_4 = arith.constant 0.000000e+00 : f32
    %gt3A_5 = vector.broadcast %gt3A_4 : f32 to vector<1280xf32>
    %gt3A_6 = arith.cmpf ogt, %squeeze3A, %gt3A_5 : vector<1280xf32>
    %jit3A = arith.constant 1.000000e+00 : f32
    %broadcast_in_dim3A = vector.broadcast %jit3A : f32 to vector<1280xf32>
    %select_n3A = arith.select %gt3A_6, %squeeze3A, %broadcast_in_dim3A : vector<1280xi1>, vector<1280xf32>
    %div3A = arith.constant 1.000000e+00 : f32
    %div3A_7 = vector.broadcast %div3A : f32 to vector<1280xf32>
    %div3A_8 = arith.divf %div3A_7, %select_n3A : vector<1280xf32>
    %jit3A_9 = arith.constant 0.000000e+00 : f32
    %broadcast_in_dim3A_10 = vector.broadcast %jit3A_9 : f32 to vector<1280xf32>
    %select_n3A_11 = arith.select %gt3A_3, %div3A_8, %broadcast_in_dim3A_10 : vector<1280xi1>, vector<1280xf32>
    %slice3A_12 = vector.extract_strided_slice %get3A_1 {offsets = [0, 0], sizes = [1280, 64], strides = [1, 1]} : vector<1280x264xf32> to vector<1280x64xf32>
    %broadcast_in_dim3A_13 = vector.shape_cast %select_n3A_11 : vector<1280xf32> to vector<1280x1xf32>
    %mul3A = vector.broadcast %broadcast_in_dim3A_13 : vector<1280x1xf32> to vector<1280x64xf32>
    %mul3A_14 = arith.mulf %slice3A_12, %mul3A : vector<1280x64xf32>
    %slice3A_15 = vector.extract_strided_slice %get3A_1 {offsets = [0, 257], sizes = [1280, 1], strides = [1, 1]} : vector<1280x264xf32> to vector<1280x1xf32>
    %squeeze3A_16 = vector.shape_cast %slice3A_15 : vector<1280x1xf32> to vector<1280xf32>
    %gt3A_17 = arith.constant 0.000000e+00 : f32
    %gt3A_18 = vector.broadcast %gt3A_17 : f32 to vector<1280xf32>
    %gt3A_19 = arith.cmpf ogt, %squeeze3A_16, %gt3A_18 : vector<1280xf32>
    %gt3A_20 = arith.constant 0.000000e+00 : f32
    %gt3A_21 = vector.broadcast %gt3A_20 : f32 to vector<1280xf32>
    %gt3A_22 = arith.cmpf ogt, %squeeze3A_16, %gt3A_21 : vector<1280xf32>
    %jit3A_23 = arith.constant 1.000000e+00 : f32
    %broadcast_in_dim3A_24 = vector.broadcast %jit3A_23 : f32 to vector<1280xf32>
    %select_n3A_25 = arith.select %gt3A_22, %squeeze3A_16, %broadcast_in_dim3A_24 : vector<1280xi1>, vector<1280xf32>
    %div3A_26 = arith.constant 1.000000e+00 : f32
    %div3A_27 = vector.broadcast %div3A_26 : f32 to vector<1280xf32>
    %div3A_28 = arith.divf %div3A_27, %select_n3A_25 : vector<1280xf32>
    %jit3A_29 = arith.constant 0.000000e+00 : f32
    %broadcast_in_dim3A_30 = vector.broadcast %jit3A_29 : f32 to vector<1280xf32>
    %select_n3A_31 = arith.select %gt3A_19, %div3A_28, %broadcast_in_dim3A_30 : vector<1280xi1>, vector<1280xf32>
    %slice3A_32 = vector.extract_strided_slice %get3A_1 {offsets = [0, 64], sizes = [1280, 64], strides = [1, 1]} : vector<1280x264xf32> to vector<1280x64xf32>
    %broadcast_in_dim3A_33 = vector.shape_cast %select_n3A_31 : vector<1280xf32> to vector<1280x1xf32>
    %mul3A_34 = vector.broadcast %broadcast_in_dim3A_33 : vector<1280x1xf32> to vector<1280x64xf32>
    %mul3A_35 = arith.mulf %slice3A_32, %mul3A_34 : vector<1280x64xf32>
    %slice3A_36 = vector.extract_strided_slice %get3A_1 {offsets = [0, 258], sizes = [1280, 1], strides = [1, 1]} : vector<1280x264xf32> to vector<1280x1xf32>
    %squeeze3A_37 = vector.shape_cast %slice3A_36 : vector<1280x1xf32> to vector<1280xf32>
    %gt3A_38 = arith.constant 0.000000e+00 : f32
    %gt3A_39 = vector.broadcast %gt3A_38 : f32 to vector<1280xf32>
    %gt3A_40 = arith.cmpf ogt, %squeeze3A_37, %gt3A_39 : vector<1280xf32>
    %gt3A_41 = arith.constant 0.000000e+00 : f32
    %gt3A_42 = vector.broadcast %gt3A_41 : f32 to vector<1280xf32>
    %gt3A_43 = arith.cmpf ogt, %squeeze3A_37, %gt3A_42 : vector<1280xf32>
    %jit3A_44 = arith.constant 1.000000e+00 : f32
    %broadcast_in_dim3A_45 = vector.broadcast %jit3A_44 : f32 to vector<1280xf32>
    %select_n3A_46 = arith.select %gt3A_43, %squeeze3A_37, %broadcast_in_dim3A_45 : vector<1280xi1>, vector<1280xf32>
    %div3A_47 = arith.constant 1.000000e+00 : f32
    %div3A_48 = vector.broadcast %div3A_47 : f32 to vector<1280xf32>
    %div3A_49 = arith.divf %div3A_48, %select_n3A_46 : vector<1280xf32>
    %jit3A_50 = arith.constant 0.000000e+00 : f32
    %broadcast_in_dim3A_51 = vector.broadcast %jit3A_50 : f32 to vector<1280xf32>
    %select_n3A_52 = arith.select %gt3A_40, %div3A_49, %broadcast_in_dim3A_51 : vector<1280xi1>, vector<1280xf32>
    %slice3A_53 = vector.extract_strided_slice %get3A_1 {offsets = [0, 128], sizes = [1280, 64], strides = [1, 1]} : vector<1280x264xf32> to vector<1280x64xf32>
    %broadcast_in_dim3A_54 = vector.shape_cast %select_n3A_52 : vector<1280xf32> to vector<1280x1xf32>
    %mul3A_55 = vector.broadcast %broadcast_in_dim3A_54 : vector<1280x1xf32> to vector<1280x64xf32>
    %mul3A_56 = arith.mulf %slice3A_53, %mul3A_55 : vector<1280x64xf32>
    %slice3A_57 = vector.extract_strided_slice %get3A_1 {offsets = [0, 259], sizes = [1280, 1], strides = [1, 1]} : vector<1280x264xf32> to vector<1280x1xf32>
    %squeeze3A_58 = vector.shape_cast %slice3A_57 : vector<1280x1xf32> to vector<1280xf32>
    %gt3A_59 = arith.constant 0.000000e+00 : f32
    %gt3A_60 = vector.broadcast %gt3A_59 : f32 to vector<1280xf32>
    %gt3A_61 = arith.cmpf ogt, %squeeze3A_58, %gt3A_60 : vector<1280xf32>
    %gt3A_62 = arith.constant 0.000000e+00 : f32
    %gt3A_63 = vector.broadcast %gt3A_62 : f32 to vector<1280xf32>
    %gt3A_64 = arith.cmpf ogt, %squeeze3A_58, %gt3A_63 : vector<1280xf32>
    %jit3A_65 = arith.constant 1.000000e+00 : f32
    %broadcast_in_dim3A_66 = vector.broadcast %jit3A_65 : f32 to vector<1280xf32>
    %select_n3A_67 = arith.select %gt3A_64, %squeeze3A_58, %broadcast_in_dim3A_66 : vector<1280xi1>, vector<1280xf32>
    %div3A_68 = arith.constant 1.000000e+00 : f32
    %div3A_69 = vector.broadcast %div3A_68 : f32 to vector<1280xf32>
    %div3A_70 = arith.divf %div3A_69, %select_n3A_67 : vector<1280xf32>
    %jit3A_71 = arith.constant 0.000000e+00 : f32
    %broadcast_in_dim3A_72 = vector.broadcast %jit3A_71 : f32 to vector<1280xf32>
    %select_n3A_73 = arith.select %gt3A_61, %div3A_70, %broadcast_in_dim3A_72 : vector<1280xi1>, vector<1280xf32>
    %slice3A_74 = vector.extract_strided_slice %get3A_1 {offsets = [0, 192], sizes = [1280, 64], strides = [1, 1]} : vector<1280x264xf32> to vector<1280x64xf32>
    %broadcast_in_dim3A_75 = vector.shape_cast %select_n3A_73 : vector<1280xf32> to vector<1280x1xf32>
    %mul3A_76 = vector.broadcast %broadcast_in_dim3A_75 : vector<1280x1xf32> to vector<1280x64xf32>
    %mul3A_77 = arith.mulf %slice3A_74, %mul3A_76 : vector<1280x64xf32>
    %concatenate3A = tpu.concatenate %mul3A_14, %mul3A_35, %mul3A_56, %mul3A_77 in 1 : vector<1280x64xf32>, vector<1280x64xf32>, vector<1280x64xf32>, vector<1280x64xf32> -> vector<1280x256xf32>
    %get3A_78 = arith.constant 0 : index
    %get3A_79 = arith.constant 0 : index
    %get3A_80 = vector.load %arg2[%get3A_78, %get3A_79] : memref<1280x256xf32, #tpu.memory_space<vmem>>, vector<1280x256xf32>
    %add3A = arith.addf %concatenate3A, %get3A_80 : vector<1280x256xf32>
    %max3A = arith.constant 0.000000e+00 : f32
    %max3A_81 = vector.broadcast %max3A : f32 to vector<1280x256xf32>
    %max3A_82 = arith.maximumf %add3A, %max3A_81 : vector<1280x256xf32>
    %swap3A = arith.constant 0 : index
    %swap3A_83 = arith.constant 0 : index
    %swap3A_84 = vector.load %arg3[%swap3A, %swap3A_83] : memref<1280x256xf32, #tpu.memory_space<vmem>>, vector<1280x256xf32>
    tpu.vector_store %arg3[%swap3A, %swap3A_83], %max3A_82 {strides = array<i32>} : memref<1280x256xf32, #tpu.memory_space<vmem>>, vector<1280x256xf32>,
    return
  }
  func.func @transform_0(%arg0: i32) -> (i32, i32) {
    %c0_i32 = arith.constant 0 : i32
    %c0_i32_0 = arith.constant 0 : i32
    return %arg0, %c0_i32 : i32, i32
  }
  func.func @transform_1(%arg0: i32) -> (i32, i32) {
    %c0_i32 = arith.constant 0 : i32
    %c0_i32_0 = arith.constant 0 : i32
    return %arg0, %c0_i32 : i32, i32
  }
  func.func @transform_2(%arg0: i32) -> (i32, i32) {
    %c0_i32 = arith.constant 0 : i32
    %c0_i32_0 = arith.constant 0 : i32
    return %arg0, %c0_i32 : i32, i32
  }
}

</mosaic_0001>

<sc_bundles>
// kernel: kernel.12.cloned.1.call-start
scs
__scs_entry_jumppad:
0x0: {  	(pc) =	sbr.rel $0x88, $3  }
0x1: {  	(tag) =	ssettag $0x0;
	lr =	simm.s32 $0x1  }
0x2: {  	[smem:$0x3F9B] =	sst lr;
	_ =	strace $0xD0000000  }
0x3: {  	_ = 	snop  }
0x4: {  	_ = 	snop  }
0x5: {  	_ = 	snop  }
0x6: {  	_ = 	snop  }
0x7: {  	_ = 	snop  }
__scs_overlays_trampoline_lowered:
0x8: {  	[smem:$0x3FAA] =	sst s0  }
0x9: {  	[smem:$0x3FAB] =	sst s1  }
0xa: {  	[smem:$0x3FAC] =	sst s2  }
0xb: {  	[smem:$0x3FAD] =	sst s3  }
0xc: {  	[smem:$0x3FAE] =	sst s4  }
0xd: {  	[smem:$0x3FAF] =	sst s5  }
0xe: {  	[smem:$0x3FB0] =	sst s6  }
0xf: {  	[smem:$0x3FB1] =	sst s7  }
0x10: {  	[smem:$0x3FB2] =	sst s8  }
0x11: {  	[smem:$0x3FB3] =	sst s9;
	s0 =	simm.s32 @!p0 $0x0  }
0x12: {  	s1 =	sld [smem:$0x3F99];
	s0 =	simm.s32 @p0 $0x1  }
0x13: {  	[smem:$0x3FB4] =	sst s0;
	s0 =	simm.s32 @!p1 $0x0  }
0x14: {  	s2 =	sld [smem:$0x3F98];
	s0 =	simm.s32 @p1 $0x1  }
0x15: {  	[smem:$0x3FB5] =	sst s0;
	s0 =	simm.s32 @!p2 $0x0  }
0x16: {  	s3 =	sld [smem:$0x3FDB];
	s0 =	simm.s32 @p2 $0x1  }
0x17: {  	s4 =	simm.s32 $0x1BF5;
	[smem:$0x3FB7] =	sst s0  }
0x18: {  	s0 =	sld [smem:$0x3F9A];
	_ =	swait.ge [sflag:s4], $0x0  }
0x19: {  	s7 =	sld [smem:$0x3F9B]  }
0x1a: {  	s8 =	sadd.s32 $0xFFFFE003, lr  }
0x1b: {  	s9 =	sadd.s32 $0xFFFFFEF7, lr;
	s5 =	simm.s32 $0xFFFFFFFF;
	p2 =	slt.u32 s8, $0xFFFFF086  }
0x1c: {  	p1 =	slt.u32 s9, $0xF7A;
	s5 =	simm.s32 @!p2 $0x0  }
0x1d: {  	s5 =	simm.s32 @p1 $0x1;
	p0 =	seq.s32 s7, s2  }
0x1e: {  	s7 =	smul.u32 @!p0 $0xF7A, s2;
	p2 =	seq.s32 @!p0 s5, $0x0  }
0x1f: {  	s9 =	smul.u32 $0xF7A, s1;
	s8 =	simm.s32 @!p0 $0x1BF5;
	p2 =	por !p2, p0  }
0x20: {  	[sflag:s8] =	ssyncset.s32 @!p0 $0xFFFFF086;
	s6 =	sadd.s32 @!p0 s3, s7;
	s7 =	simm.s32 @!p0 $0x108  }
0x21: {  	s3 =	sadd.s32 s3, s9;
	s6 =	sadd.s32 @!p0 $0x88, s6;
	s7 =	simm.s32 @p2 $0x1082  }
0x22: {  	[simem:s7], [sflag:s8] =	dma.local @!p0 [hbm:s6], $0xF7A  }
0x23: {  	s9 =	sor.u32 $0xD0000000, s2;
	s6 =	simm.s32 $0x108;
	_ =	swait.ge @!p0 [sflag:s8], $0x0  }
0x24: {  	s3 =	sadd.s32 $0x88, s3;
	s6 =	simm.s32 @!p1 $0x1082;
	[sflag:s4] =	ssyncset.s32 $0xFFFFF086  }
0x25: {  	[simem:s6], [sflag:s4] =	dma.local [hbm:s3], $0xF7A  }
0x26: {  	[smem:$0x3F9B] =	sst s1;
	(tag) =	ssettag s2;
	_ =	strace s9  }
0x27: {  	s1 =	sld [smem:$0x3FAB]  }
0x28: {  	s2 =	sld [smem:$0x3FAC]  }
0x29: {  	s4 =	sld [smem:$0x3FAE]  }
0x2a: {  	p0 =	seq.s32 s5, $0x0;
	s5 =	sld [smem:$0x3FAF]  }
0x2b: {  	s6 =	sld [smem:$0x3FB0]  }
0x2c: {  	s7 =	sld [smem:$0x3FB1]  }
0x2d: {  	s3 =	simm.s32 $0x108;
	s8 =	sld [smem:$0x3FB2]  }
0x2e: {  	s3 =	simm.s32 @!p0 $0x1082;
	s9 =	sld [smem:$0x3FB3]  }
0x2f: {  	lr =	sadd.s32 s0, s3;
	s0 =	sld [smem:$0x3FAA]  }
0x30: {  	s3 =	sld [smem:$0x3FAD]  }
0x31: {  	[smem:$0x3FB6] =	sst s10  }
0x32: {  	s10 =	sld [smem:$0x3FB4];
	_ =	sdelay $0x3  }
0x33: {  	p0 =	seq.s32 s10, $0x1;
	s10 =	sld [smem:$0x3FB6];
	_ =	sdelay $0x3  }
0x34: {  	[smem:$0x3FB6] =	sst s10  }
0x35: {  	s10 =	sld [smem:$0x3FB5];
	_ =	sdelay $0x3  }
0x36: {  	p1 =	seq.s32 s10, $0x1;
	s10 =	sld [smem:$0x3FB6];
	_ =	sdelay $0x3  }
0x37: {  	[smem:$0x3FB6] =	sst s10  }
0x38: {  	s10 =	sld [smem:$0x3FB7]  }
0x39: {  	_ = 	snop;
	(pc) =	sbr.ind lr, $3  }
0x3a: {  	_ = 	snop  }
0x3b: {  	_ = 	snop  }
0x3c: {  	p2 =	seq.s32 s10, $0x1;
	s10 =	sld [smem:$0x3FB6]  }
0x3d: {  	_ =	shalt  }
0x3e: {  	_ =	shalt  }
0x3f: {  	_ =	shalt  }
0x40: {  	_ =	shalt  }
0x41: {  	_ =	shalt  }
0x42: {  	_ =	shalt  }
0x43: {  	_ =	shalt  }
0x44: {  	_ =	shalt  }
0x45: {  	_ =	shalt  }
0x46: {  	_ =	shalt  }
0x47: {  	_ =	shalt  }
0x48: {  	_ =	shalt  }
0x49: {  	_ =	shalt  }
0x4a: {  	_ =	shalt  }
0x4b: {  	_ =	shalt  }
0x4c: {  	_ =	shalt  }
0x4d: {  	_ =	shalt  }
0x4e: {  	_ =	shalt  }
0x4f: {  	_ =	shalt  }
0x50: {  	_ =	shalt  }
0x51: {  	_ =	shalt  }
0x52: {  	_ =	shalt  }
0x53: {  	_ =	shalt  }
0x54: {  	_ =	shalt  }
0x55: {  	_ =	shalt  }
0x56: {  	_ =	shalt  }
0x57: {  	_ =	shalt  }
0x58: {  	_ =	shalt  }
0x59: {  	_ =	shalt  }
0x5a: {  	_ =	shalt  }
0x5b: {  	_ =	shalt  }
0x5c: {  	_ =	shalt  }
0x5d: {  	_ =	shalt  }
0x5e: {  	_ =	shalt  }
0x5f: {  	_ =	shalt  }
0x60: {  	_ =	shalt  }
0x61: {  	_ =	shalt  }
0x62: {  	_ =	shalt  }
0x63: {  	_ =	shalt  }
0x64: {  	_ =	shalt  }
0x65: {  	_ =	shalt  }
0x66: {  	_ =	shalt  }
0x67: {  	_ =	shalt  }
0x68: {  	_ =	shalt  }
0x69: {  	_ =	shalt  }
0x6a: {  	_ =	shalt  }
0x6b: {  	_ =	shalt  }
0x6c: {  	_ =	shalt  }
0x6d: {  	_ =	shalt  }
0x6e: {  	_ =	shalt  }
0x6f: {  	_ =	shalt  }
0x70: {  	_ =	shalt  }
0x71: {  	_ =	shalt  }
0x72: {  	_ =	shalt  }
0x73: {  	_ =	shalt  }
0x74: {  	_ =	shalt  }
0x75: {  	_ =	shalt  }
0x76: {  	_ =	shalt  }
0x77: {  	_ =	shalt  }
0x78: {  	_ =	shalt  }
0x79: {  	_ =	shalt  }
0x7a: {  	_ =	shalt  }
0x7b: {  	_ =	shalt  }
0x7c: {  	_ =	shalt  }
0x7d: {  	_ =	shalt  }
0x7e: {  	_ =	shalt  }
0x7f: {  	_ =	shalt  }
0x80: {  	_ =	shalt  }
0x81: {  	_ =	shalt  }
0x82: {  	_ =	shalt  }
0x83: {  	_ =	shalt  }
0x84: {  	_ =	shalt  }
0x85: {  	_ =	shalt  }
0x86: {  	_ =	shalt  }
0x87: {  	_ =	shalt  }
.Lfunc_end0:
.L_simem_size_0:
called_computation_lowered:
.L_overlay_start_0:
0x88: {  	s2 =	sld [smem:$0x3FD9]  }
0x89: {  	s3 =	sld [smem:$0x3FFE];
	_ =	sdelay $0x1  }
0x8a: {  	s1 =	srdreg.scid  }
0x8b: {  	s0 =	sand.u32 $0x1, s1  }
0x8c: {  	s17 =	sshll.u32 s0, $0xA;
	s2 =	sadd.s32 s3, s2  }
0x8d: {  	s2 =	sadd.s32 s2, s17  }
0x8e: {  	[smem:$0x3FC2] =	sst s2  }
0x8f: {  	_ = 	snop  }
0x90: {  	s2 =	sld [smem:$0x3FD0];
	(tm) =	ssettm $0x1  }
0x91: {  	s18 =	sld [smem:$0x3FFB];
	_ =	sdelay $0x3  }
0x92: {  	_ =	strace s18  }
0x93: {  	s3 =	sld [smem:$0x3FFC];
	_ =	sdelay $0x3  }
0x94: {  	_ =	strace s3  }
0x95: {  	s3 =	sld [smem:$0x3FFD];
	_ =	sdelay $0x3  }
0x96: {  	_ =	strace s3  }
0x97: {  	_ =	strace $0x8FFFFFFF  }
0x98: {  	s19 =	sld [smem:$0x3FDB];
	_ =	sdelay $0x1  }
0x99: {  	s4 =	simm.s32 $_scs_section_size  }
0x9a: {  	s5 =	simm.s32 $_size__tile_overlayer_lowered;
	s6 =	simm.s32 $_tile_overlayer_lowered  }
0x9b: {  	s22 =	simm.s32 $0x1BFF;
	s21 =	sshll.u32 s6, $0x1;
	s3 =	sadd.s32 s4, s19  }
0x9c: {  	s7 =	simm.s32 $0x0;
	s20 =	sshll.u32 s5, $0x1;
	s5 =	sadd.s32 s21, s3  }
0x9d: {  	[timem:s7], [sflag:s22] =	dma.local [hbm:s5], s20  }
0x9e: {  	_ =	swait.ge [sflag:s22], s20  }
0x9f: {  	s4 =	ssub.s32 $0x0, s20;
	[sflag:s22] =	ssyncset.done $0x0  }
0xa0: {  	[sflag:s22] =	ssyncadd.s32 s4;
	_ =	sdelay $0x1  }
0xa1: {  	s23 =	simm.s32 $0x1B8B  }
0xa2: {  	_ =	swait.ge [sflag:s23], $0x1  }
0xa3: {  	[sflag:s23] =	ssyncset.done $0x0  }
0xa4: {  	s25 =	simm.s32 $0x1B8E;
	s24 =	sld [smem:$0x3FFE];
	[sflag:s23] =	ssyncadd.s32 $0xFFFFFFFF  }
0xa5: {  	s26 =	simm.s32 $execute0_lowered;
	[smem:$0x3FD2] =	sst s25  }
0xa6: {  	s5 =	sshll.u32 s26, $0x1;
	_ =	strace $0x80000046;
	[dreg:$0x1] =	wrdreg $0xFFFFFFFF  }
0xa7: {  	s28 =	simm.s32 $_size_execute0_lowered;
	s3 =	sadd.s32 s3, s5;
	[dreg:$0x0] =	wrdreg $0x0  }
0xa8: {  	s5 =	sshll.u32 s28, $0x1;
	[dreg:$0x2] =	wrdreg s3  }
0xa9: {  	[dreg:$0x3] =	wrdreg s5  }
0xaa: {  	[dreg:$0x4] =	wrdreg $0xC0  }
0xab: {  	_ =	task [dreg:s7], $0x5FFFF  }
0xac: {  	[dreg:$0x1] =	wrdreg $0xFFFFFFFF  }
0xad: {  	[dreg:$0x0] =	wrdreg $0x60  }
0xae: {  	[dreg:$0x2] =	wrdreg s24  }
0xaf: {  	[dreg:$0x3] =	wrdreg s2  }
0xb0: {  	[dreg:$0x4] =	wrdreg $0x9  }
0xb1: {  	_ =	task.clear_ibuf [dreg:s7], $0x5FFFF;
	_ =	strace $0x90000046  }
0xb2: {  	s29 =	simm.s32 $0x9;
	_ =	strace $0x80000048  }
0xb3: {  	_ =	swait.ge [sflag:s29], $0x1  }
0xb4: {  	[sflag:s29] =	ssyncadd.s32 $0xFFFFFFFF  }
0xb5: {  	_ =	strace $0x90000048  }
0xb6: {  	_ =	sfence  }
0xb7: {  	s30 =	sld [smem:$0x0];
	_ =	sdelay $0x2  }
0xb8: {  	s31 =	sshll.u32 s1, $0xD;
	s1 =	sshrl.u32 s1, $0x2  }
0xb9: {  	s3 =	sand.u32 $0x4000, s31;
	s1 =	sadd.s32 s1, s30  }
0xba: {  	s0 =	sor.u32 s3, s0;
	s1 =	sshll.u32 s1, $0x11  }
0xbb: {  	s0 =	sor.u32 s1, s0  }
0xbc: {  	s0 =	sadd.s32 $0x8F2B, s0  }
0xbd: {  	[sflag:s0] =	ssyncadd.remote.s32 $0x1  }
0xbe: {  	_ =	sfence.sel $0xFFFF  }
0xbf: {  	[dreg:$0x0] =	wrdreg $0xFFFFFFFF;
	(pc) =	sbr.abs _section_cstart, $3  }
0xc0: {  	[dreg:$0x1] =	wrdreg $0xFFFFFFFF  }
0xc1: {  	_ =	task.clear_ibuf [dreg:s7], $0x2FFFF;
	_ =	strace $0x9FFFFFFF  }
0xc2: {  	(tm) =	ssettm $0x7FFFFFFF  }
0xc3: {  	_ =	shalt  }
tec
execute0_lowered:
.L_overlay_start_1:
0x0: {  	(tag) =	ssettag $0x1  }
0x1: {  	s0 =	rddreg [dreg:$0x0]  }
0x2: {  	s2 =	rddreg [dreg:$0x1]  }
0x3: {  	s1 =	srdreg.scid;
	s4 =	stileid.u32  }
0x4: {  	s3 =	simm.s32 $0x0;
	s14 =	simm.s32 $0x3;
	s15 =	simm.s32 $0x80  }
0x5: {  	s16 =	simm.s32 $0x300;
	s17 =	simm.s32 $0xA300;
	s30 =	simm.s32 $0x10300  }
0x6: {  	s31 =	simm.s32 $0x10B00;
	s10 =	simm.s32 $0x12B00;
	s13 =	simm.s32 $0x13300  }
0x7: {  	s12 =	simm.s32 $0x13B00;
	s18 =	simm.s32 $0x1;
	s19 =	simm.s32 $0x2  }
0x8: {  	s21 =	simm.s32 $0x0;
	s1 =	sand.u32 $0x1, s1;
	s4 =	sshll.u32 s4, $0x1  }
0x9: {  	[smem:$0x7FF] =	sst s3;
	s6 =	sadd.s32 $0x2400, s0;
	s5 =	sor.u32 s1, s4  }
0xa: {  	s7 =	sadd.s32 $0x57400, s0;
	s1 =	ssub.s32 $0x2, s1;
	s5 =	smul.u32 $0x1400, s5  }
0xb: {  	s8 =	sadd.s32 $0x557400, s0;
	_ =	strace $0x80000047;
	s25 =	sshrl.u32 s1, $0x1  }
0xc: {  	s4 =	sadd.s32 $0x7400, s0;
	s0 =	ssub.s32 s1, s25;
	s29 =	sor.u32 $0xA0, s5  }
0xd: {  	s9 =	sshrl.u32 s5, $0x3;
	s0 =	smax.u32 s0, $0x1;
	[dreg:$0x5] =	wrdreg s29  }
0xe: {  	v3 =	vlaneseq.u32;
	s1 =	simm.s32 $0x11B00;
	s26 =	sadd.s32 s6, s9;
	[dreg:$0x6] =	wrdreg s0  }
0xf: {  	v0 =	vimm.s32 $0x0;
	vm0 =	vmmov $0xffff;
	v2 =	vshrl.u32 v3, $0x3;
	s11 =	sor.u32 $0x50, s5;
	s28 =	sadd.s32 s2, s9;
	[dreg:$0x3] =	wrdreg s26  }
0x10: {  	v1 =	vand.u32 $0x7, v3;
	v3 =	vor.u32 $0x8, v3;
	v2 =	vmul.u32 $0x8, v2;
	s0 =	simm.s32 $0x11300;
	s9 =	simm.s32 $0x12300;
	[dreg:$0x4] =	wrdreg s28  }
.LBB2_1:
0x11: {  	[dreg:$0x7] =	wrdreg s21  }
0x12: {  	s20 =	rddreg [dreg:$0x3]  }
0x13: {  	[tilespmem:s3], [sflag:$0x3] =	stream.linear.gather [hbm4b:s20+s3], $0x50, $0x38;
	[tilespmem:$0x14300] =	vst v63  }
0x14: {  	_ =	swait.ge [sflag:s14], $0x50  }
0x15: {  	[sflag:s14] =	ssyncset.done $0x0  }
0x16: {  	s25 =	rddreg [dreg:$0x4];
	[sflag:s14] =	ssyncadd.s32 $0xFFFFFFB0  }
0x17: {  	[tilespmem:s15], [sflag:$0x3] =	stream.linear.gather [hbm4b:s25+s3], $0x50, $0x38;
	[tilespmem:$0x14300] =	vst v63  }
0x18: {  	_ =	swait.ge [sflag:s14], $0x50  }
0x19: {  	[sflag:s14] =	ssyncset.done $0x0  }
0x1a: {  	[sflag:s14] =	ssyncadd.s32 $0xFFFFFFB0  }
0x1b: {  	v4 =	vld [tilespmem:$0x0]  }
0x1c: {  	v5 =	vld [tilespmem:$0x80];
	_ =	sdelay $0x1  }
0x1d: {  	v6 =	vld [tilespmem:$0x10]  }
0x1e: {  	v7 =	vld [tilespmem:$0x90]  }
0x1f: {  	v8 =	vld [tilespmem:$0x20];
	vm1 =	vgt.s32 v4, $0x1387  }
0x20: {  	v10 =	vld [tilespmem:$0xA0];
	v9 =	vsel vm1, $0x78, v0;
	vm1 =	vgt.s32 v5, $0x1387  }
0x21: {  	v11 =	vld [tilespmem:$0x30];
	v4 =	vadd.s32 v4, v9;
	v50 =	vsel vm1, $0x78, v0  }
0x22: {  	v13 =	vld [tilespmem:$0xB0];
	vm2 =	vgt.s32 v6, $0x1387;
	vm1 =	vlt.s32 v5, $0x0;
	[tilespmem:$0x100] =	vst v4;
	v4 =	vadd.s32 v5, v50  }
0x23: {  	v5 =	vsel vm2, $0x78, v0;
	v4 =	vsel vm1, $0x0, v4;
	vm1 =	vgt.s32 v7, $0x1387;
	v51 =	vld [tilespmem:$0x100]  }
0x24: {  	vm2 =	vlt.s32 v7, $0x0;
	v52 =	vsel vm1, $0x78, v0;
	vm1 =	vgt.s32 v8, $0x1387  }
0x25: {  	v5 =	vadd.s32 v6, v5;
	v12 =	vsel vm1, $0x78, v0;
	vm1 =	vgt.s32 v10, $0x1387  }
0x26: {  	v14 =	vld [tilespmem:$0x40];
	v6 =	vadd.s32 v7, v52;
	v53 =	vsel vm1, $0x78, v0;
	vm1 =	vgt.s32 v11, $0x1387  }
0x27: {  	[tilespmem:$0x180] =	vst v4;
	v8 =	vadd.s32 v8, v12;
	v4 =	vsel vm2, $0x0, v6;
	vm2 =	vlt.s32 v13, $0x0  }
0x28: {  	v56 =	vld [tilespmem:$0xC0];
	v7 =	vadd.s32 v10, v53;
	v54 =	vsel vm1, $0x78, v0;
	v57 =	vshll.u32 v51, $0x1  }
0x29: {  	vm1 =	vlt.s32 v10, $0x0;
	v58 =	vand.u32 $0x7, v51;
	v59 =	vand.u32 $0xFFFFFFF0, v57  }
0x2a: {  	[tilespmem:$0x110] =	vst v5;
	v5 =	vsel vm1, $0x0, v7;
	vm1 =	vgt.s32 v13, $0x1387;
	v6 =	vor.u32 v58, v59  }
0x2b: {  	[tilespmem:$0x190] =	vst v4;
	v4 =	vsel vm1, $0x78, v0;
	vm1 =	vgt.s32 v14, $0x1387;
	v60 =	vperm.xlane v6, v1  }
0x2c: {  	[tilespmem:$0x120] =	vst v8;
	v55 =	vadd.s32 v11, v54;
	v4 =	vadd.s32 v13, v4;
	v61 =	vsel vm1, $0x78, v0  }
0x2d: {  	[tilespmem:$0x1A0] =	vst v5;
	vm1 =	vgt.s32 v56, $0x1387;
	v6 =	vperm.xlane v6, v3;
	v5 =	vadd.s32 v2, v60  }
0x2e: {  	[tilespmem:$0x130] =	vst v55;
	v4 =	vsel vm2, $0x0, v4;
	v62 =	vadd.s32 v14, v61;
	v63 =	vsel vm1, $0x78, v0  }
0x2f: {  	vm1 =	vlt.s32 v56, $0x0;
	[tilespmem:$0x1B0] =	vst v4;
	v4 =	vadd.s32 v56, v63;
	v6 =	vadd.s32 v2, v6  }
0x30: {  	[tilespmem:$0x140] =	vst v62;
	v4 =	vsel vm1, $0x0, v4  }
0x31: {  	[tilespmem:$0x1C0] =	vst v4  }
0x32: {  	[tilespmem:s16], [sflag:$0x1] =	stream.indirect_vreg.gather [hbm4b:s4+s3], $0x80, v5, vm0, $0xb8;
	[tilespmem:$0x14300] =	vst v63  }
0x33: {  	s26 =	simm.s32 $0xB00  }
0x34: {  	[tilespmem:s26], [sflag:$0x1] =	stream.indirect_vreg.gather [hbm4b:s4+s3], $0x80, v6, vm0, $0xb8;
	[tilespmem:$0x14300] =	vst v63  }
0x35: {  	v4 =	vld [tilespmem:$0x110];
	_ =	sdelay $0x4  }
0x36: {  	v5 =	vshll.u32 v4, $0x1  }
0x37: {  	v4 =	vand.u32 $0x7, v4;
	v5 =	vand.u32 $0xFFFFFFF0, v5  }
0x38: {  	v4 =	vor.u32 v4, v5  }
0x39: {  	v5 =	vperm.xlane v4, v1;
	_ =	sdelay $0x1  }
0x3a: {  	v4 =	vperm.xlane v4, v3;
	v5 =	vadd.s32 v2, v5;
	_ =	sdelay $0x1  }
0x3b: {  	v4 =	vadd.s32 v2, v4;
	_ =	sdelay $0x1  }
0x3c: {  	s28 =	simm.s32 $0x1300  }
0x3d: {  	[tilespmem:s28], [sflag:$0x1] =	stream.indirect_vreg.gather [hbm4b:s4+s3], $0x80, v5, vm0, $0xb8;
	[tilespmem:$0x14300] =	vst v63  }
0x3e: {  	s29 =	simm.s32 $0x1B00  }
0x3f: {  	[tilespmem:s29], [sflag:$0x1] =	stream.indirect_vreg.gather [hbm4b:s4+s3], $0x80, v4, vm0, $0xb8;
	[tilespmem:$0x14300] =	vst v63  }
0x40: {  	v4 =	vld [tilespmem:$0x120];
	_ =	sdelay $0x4  }
0x41: {  	v5 =	vshll.u32 v4, $0x1  }
0x42: {  	v4 =	vand.u32 $0x7, v4;
	v5 =	vand.u32 $0xFFFFFFF0, v5  }
0x43: {  	v4 =	vor.u32 v4, v5  }
0x44: {  	v5 =	vperm.xlane v4, v1;
	_ =	sdelay $0x1  }
0x45: {  	v4 =	vperm.xlane v4, v3;
	v5 =	vadd.s32 v2, v5;
	_ =	sdelay $0x1  }
0x46: {  	v4 =	vadd.s32 v2, v4;
	_ =	sdelay $0x1  }
0x47: {  	s21 =	simm.s32 $0x2300  }
0x48: {  	[tilespmem:s21], [sflag:$0x1] =	stream.indirect_vreg.gather [hbm4b:s4+s3], $0x80, v5, vm0, $0xb8;
	[tilespmem:$0x14300] =	vst v63  }
0x49: {  	s22 =	simm.s32 $0x2B00  }
0x4a: {  	[tilespmem:s22], [sflag:$0x1] =	stream.indirect_vreg.gather [hbm4b:s4+s3], $0x80, v4, vm0, $0xb8;
	[tilespmem:$0x14300] =	vst v63  }
0x4b: {  	v4 =	vld [tilespmem:$0x130];
	_ =	sdelay $0x4  }
0x4c: {  	v5 =	vshll.u32 v4, $0x1  }
0x4d: {  	v4 =	vand.u32 $0x7, v4;
	v5 =	vand.u32 $0xFFFFFFF0, v5  }
0x4e: {  	v4 =	vor.u32 v4, v5  }
0x4f: {  	v5 =	vperm.xlane v4, v1;
	_ =	sdelay $0x1  }
0x50: {  	v4 =	vperm.xlane v4, v3;
	v5 =	vadd.s32 v2, v5;
	_ =	sdelay $0x1  }
0x51: {  	v4 =	vadd.s32 v2, v4;
	_ =	sdelay $0x1  }
0x52: {  	s23 =	simm.s32 $0x3300  }
0x53: {  	[tilespmem:s23], [sflag:$0x1] =	stream.indirect_vreg.gather [hbm4b:s4+s3], $0x80, v5, vm0, $0xb8;
	[tilespmem:$0x14300] =	vst v63  }
0x54: {  	s24 =	simm.s32 $0x3B00  }
0x55: {  	[tilespmem:s24], [sflag:$0x1] =	stream.indirect_vreg.gather [hbm4b:s4+s3], $0x80, v4, vm0, $0xb8;
	[tilespmem:$0x14300] =	vst v63  }
0x56: {  	v4 =	vld [tilespmem:$0x140];
	_ =	sdelay $0x4  }
0x57: {  	v5 =	vshll.u32 v4, $0x1  }
0x58: {  	v4 =	vand.u32 $0x7, v4;
	v5 =	vand.u32 $0xFFFFFFF0, v5  }
0x59: {  	v4 =	vor.u32 v4, v5  }
0x5a: {  	v5 =	vperm.xlane v4, v1;
	_ =	sdelay $0x1  }
0x5b: {  	v4 =	vperm.xlane v4, v3;
	v5 =	vadd.s32 v2, v5;
	_ =	sdelay $0x1  }
0x5c: {  	v4 =	vadd.s32 v2, v4;
	_ =	sdelay $0x1  }
0x5d: {  	s25 =	simm.s32 $0x4300  }
0x5e: {  	[tilespmem:s25], [sflag:$0x1] =	stream.indirect_vreg.gather [hbm4b:s4+s3], $0x80, v5, vm0, $0xb8;
	[tilespmem:$0x14300] =	vst v63  }
0x5f: {  	s26 =	simm.s32 $0x4B00  }
0x60: {  	[tilespmem:s26], [sflag:$0x1] =	stream.indirect_vreg.gather [hbm4b:s4+s3], $0x80, v4, vm0, $0xb8;
	[tilespmem:$0x14300] =	vst v63  }
0x61: {  	v4 =	vld [tilespmem:$0x180];
	_ =	sdelay $0x4  }
0x62: {  	v5 =	vshll.u32 v4, $0x1  }
0x63: {  	v4 =	vand.u32 $0x7, v4;
	v5 =	vand.u32 $0xFFFFFFF0, v5  }
0x64: {  	v4 =	vor.u32 v4, v5  }
0x65: {  	v5 =	vperm.xlane v4, v1;
	_ =	sdelay $0x1  }
0x66: {  	v4 =	vperm.xlane v4, v3;
	v5 =	vadd.s32 v2, v5;
	_ =	sdelay $0x1  }
0x67: {  	v4 =	vadd.s32 v2, v4;
	_ =	sdelay $0x1  }
0x68: {  	s28 =	simm.s32 $0x5300  }
0x69: {  	[tilespmem:s28], [sflag:$0x1] =	stream.indirect_vreg.gather [hbm4b:s4+s3], $0x80, v5, vm0, $0xb8;
	[tilespmem:$0x14300] =	vst v63  }
0x6a: {  	s29 =	simm.s32 $0x5B00  }
0x6b: {  	[tilespmem:s29], [sflag:$0x1] =	stream.indirect_vreg.gather [hbm4b:s4+s3], $0x80, v4, vm0, $0xb8;
	[tilespmem:$0x14300] =	vst v63  }
0x6c: {  	v4 =	vld [tilespmem:$0x190];
	_ =	sdelay $0x4  }
0x6d: {  	v5 =	vshll.u32 v4, $0x1  }
0x6e: {  	v4 =	vand.u32 $0x7, v4;
	v5 =	vand.u32 $0xFFFFFFF0, v5  }
0x6f: {  	v4 =	vor.u32 v4, v5  }
0x70: {  	v5 =	vperm.xlane v4, v1;
	_ =	sdelay $0x1  }
0x71: {  	v4 =	vperm.xlane v4, v3;
	v5 =	vadd.s32 v2, v5;
	_ =	sdelay $0x1  }
0x72: {  	v4 =	vadd.s32 v2, v4;
	_ =	sdelay $0x1  }
0x73: {  	s21 =	simm.s32 $0x6300  }
0x74: {  	[tilespmem:s21], [sflag:$0x1] =	stream.indirect_vreg.gather [hbm4b:s4+s3], $0x80, v5, vm0, $0xb8;
	[tilespmem:$0x14300] =	vst v63  }
0x75: {  	s22 =	simm.s32 $0x6B00  }
0x76: {  	[tilespmem:s22], [sflag:$0x1] =	stream.indirect_vreg.gather [hbm4b:s4+s3], $0x80, v4, vm0, $0xb8;
	[tilespmem:$0x14300] =	vst v63  }
0x77: {  	v4 =	vld [tilespmem:$0x1A0];
	_ =	sdelay $0x4  }
0x78: {  	v5 =	vshll.u32 v4, $0x1  }
0x79: {  	v4 =	vand.u32 $0x7, v4;
	v5 =	vand.u32 $0xFFFFFFF0, v5  }
0x7a: {  	v4 =	vor.u32 v4, v5  }
0x7b: {  	v5 =	vperm.xlane v4, v1;
	_ =	sdelay $0x1  }
0x7c: {  	v4 =	vperm.xlane v4, v3;
	v5 =	vadd.s32 v2, v5;
	_ =	sdelay $0x1  }
0x7d: {  	v4 =	vadd.s32 v2, v4;
	_ =	sdelay $0x1  }
0x7e: {  	s23 =	simm.s32 $0x7300  }
0x7f: {  	[tilespmem:s23], [sflag:$0x1] =	stream.indirect_vreg.gather [hbm4b:s4+s3], $0x80, v5, vm0, $0xb8;
	[tilespmem:$0x14300] =	vst v63  }
0x80: {  	s24 =	simm.s32 $0x7B00  }
0x81: {  	[tilespmem:s24], [sflag:$0x1] =	stream.indirect_vreg.gather [hbm4b:s4+s3], $0x80, v4, vm0, $0xb8;
	[tilespmem:$0x14300] =	vst v63  }
0x82: {  	v4 =	vld [tilespmem:$0x1B0];
	_ =	sdelay $0x4  }
0x83: {  	v5 =	vshll.u32 v4, $0x1  }
0x84: {  	v4 =	vand.u32 $0x7, v4;
	v5 =	vand.u32 $0xFFFFFFF0, v5  }
0x85: {  	v4 =	vor.u32 v4, v5  }
0x86: {  	v5 =	vperm.xlane v4, v1;
	_ =	sdelay $0x1  }
0x87: {  	v4 =	vperm.xlane v4, v3;
	v5 =	vadd.s32 v2, v5;
	_ =	sdelay $0x1  }
0x88: {  	v4 =	vadd.s32 v2, v4;
	_ =	sdelay $0x1  }
0x89: {  	s25 =	simm.s32 $0x8300  }
0x8a: {  	[tilespmem:s25], [sflag:$0x1] =	stream.indirect_vreg.gather [hbm4b:s4+s3], $0x80, v5, vm0, $0xb8;
	[tilespmem:$0x14300] =	vst v63  }
0x8b: {  	s26 =	simm.s32 $0x8B00  }
0x8c: {  	[tilespmem:s26], [sflag:$0x1] =	stream.indirect_vreg.gather [hbm4b:s4+s3], $0x80, v4, vm0, $0xb8;
	[tilespmem:$0x14300] =	vst v63  }
0x8d: {  	v4 =	vld [tilespmem:$0x1C0];
	_ =	sdelay $0x4  }
0x8e: {  	v5 =	vshll.u32 v4, $0x1  }
0x8f: {  	v4 =	vand.u32 $0x7, v4;
	v5 =	vand.u32 $0xFFFFFFF0, v5  }
0x90: {  	v4 =	vor.u32 v4, v5  }
0x91: {  	v5 =	vperm.xlane v4, v1;
	_ =	sdelay $0x1  }
0x92: {  	v4 =	vperm.xlane v4, v3;
	v5 =	vadd.s32 v2, v5;
	_ =	sdelay $0x1  }
0x93: {  	v4 =	vadd.s32 v2, v4;
	_ =	sdelay $0x1  }
0x94: {  	s28 =	simm.s32 $0x9300  }
0x95: {  	[tilespmem:s28], [sflag:$0x1] =	stream.indirect_vreg.gather [hbm4b:s4+s3], $0x80, v5, vm0, $0xb8;
	[tilespmem:$0x14300] =	vst v63  }
0x96: {  	s20 =	simm.s32 $0x0;
	s29 =	simm.s32 $0x9B00  }
0x97: {  	[tilespmem:s29], [sflag:$0x1] =	stream.indirect_vreg.gather [hbm4b:s4+s3], $0x80, v4, vm0, $0xb8;
	[tilespmem:$0x14300] =	vst v63  }
.LBB2_2:
0x98: {  	s22 =	smul.u32 $0xA0, s20;
	_ =	sdelay $0x1  }
0x99: {  	s21 =	sadd.s32 s22, s11  }
0x9a: {  	s24 =	sshrl.u32 s21, $0x3  }
0x9b: {  	s23 =	simm.s32 $0x0;
	s25 =	sadd.s32 s6, s24  }
0x9c: {  	[tilespmem:s23], [sflag:$0x3] =	stream.linear.gather [hbm4b:s25+s23], $0x50, $0x38;
	[tilespmem:$0x14300] =	vst v63  }
0x9d: {  	_ =	swait.ge [sflag:s14], $0x50  }
0x9e: {  	[sflag:s14] =	ssyncset.done $0x0  }
0x9f: {  	s24 =	sadd.s32 s2, s24;
	[sflag:s14] =	ssyncadd.s32 $0xFFFFFFB0  }
0xa0: {  	[tilespmem:s15], [sflag:$0x3] =	stream.linear.gather [hbm4b:s24+s23], $0x50, $0x38;
	[tilespmem:$0x14300] =	vst v63  }
0xa1: {  	_ =	swait.ge [sflag:s14], $0x50  }
0xa2: {  	[sflag:s14] =	ssyncset.done $0x0  }
0xa3: {  	[sflag:s14] =	ssyncadd.s32 $0xFFFFFFB0  }
0xa4: {  	v4 =	vld [tilespmem:$0x0]  }
0xa5: {  	v5 =	vld [tilespmem:$0x80];
	_ =	sdelay $0x1  }
0xa6: {  	v6 =	vld [tilespmem:$0x90]  }
0xa7: {  	v7 =	vld [tilespmem:$0x10]  }
0xa8: {  	v8 =	vld [tilespmem:$0x20];
	vm1 =	vgt.s32 v4, $0x1387  }
0xa9: {  	v10 =	vld [tilespmem:$0xA0];
	v9 =	vsel vm1, $0x78, v0;
	vm1 =	vgt.s32 v5, $0x1387  }
0xaa: {  	v4 =	vadd.s32 v4, v9;
	v9 =	vsel vm1, $0x78, v0  }
0xab: {  	vm2 =	vgt.s32 v6, $0x1387;
	vm1 =	vlt.s32 v5, $0x0;
	[tilespmem:$0x200] =	vst v4;
	v4 =	vadd.s32 v5, v9;
	v5 =	vld [tilespmem:$0x30]  }
0xac: {  	v9 =	vsel vm2, $0x78, v0;
	v4 =	vsel vm1, $0x0, v4;
	vm1 =	vgt.s32 v7, $0x1387;
	v11 =	vld [tilespmem:$0x200]  }
0xad: {  	v9 =	vadd.s32 v6, v9;
	v12 =	vsel vm1, $0x78, v0;
	vm1 =	vlt.s32 v6, $0x0  }
0xae: {  	vm2 =	vgt.s32 v10, $0x1387;
	v6 =	vsel vm1, $0x0, v9;
	vm1 =	vgt.s32 v8, $0x1387;
	v9 =	vld [tilespmem:$0xB0]  }
0xaf: {  	v13 =	vsel vm2, $0x78, v0;
	v7 =	vadd.s32 v7, v12;
	v12 =	vsel vm1, $0x78, v0  }
0xb0: {  	v14 =	vld [tilespmem:$0x40];
	vm1 =	vlt.s32 v10, $0x0;
	v8 =	vadd.s32 v8, v12;
	v12 =	vadd.s32 v10, v13  }
0xb1: {  	v10 =	vsel vm1, $0x0, v12;
	vm1 =	vgt.s32 v5, $0x1387;
	v12 =	vld [tilespmem:$0xC0];
	v13 =	vshll.u32 v11, $0x1  }
0xb2: {  	[tilespmem:$0x280] =	vst v4;
	v11 =	vand.u32 $0x7, v11;
	v4 =	vsel vm1, $0x78, v0;
	v13 =	vand.u32 $0xFFFFFFF0, v13  }
0xb3: {  	[tilespmem:$0x210] =	vst v7;
	v4 =	vadd.s32 v5, v4;
	vm1 =	vgt.s32 v9, $0x1387;
	v5 =	vor.u32 v11, v13  }
0xb4: {  	[tilespmem:$0x290] =	vst v6;
	vm2 =	vlt.s32 v9, $0x0;
	v6 =	vsel vm1, $0x78, v0;
	v7 =	vperm.xlane v5, v1  }
0xb5: {  	[tilespmem:$0x220] =	vst v8;
	vm1 =	vgt.s32 v14, $0x1387;
	v5 =	vperm.xlane v5, v3;
	v6 =	vadd.s32 v9, v6  }
0xb6: {  	[tilespmem:$0x2A0] =	vst v10;
	v8 =	vsel vm1, $0x78, v0;
	vm1 =	vgt.s32 v12, $0x1387;
	v7 =	vadd.s32 v2, v7  }
0xb7: {  	[tilespmem:$0x230] =	vst v4;
	v6 =	vsel vm2, $0x0, v6;
	v4 =	vadd.s32 v14, v8;
	v8 =	vsel vm1, $0x78, v0  }
0xb8: {  	v5 =	vadd.s32 v2, v5;
	[tilespmem:$0x2B0] =	vst v6;
	vm1 =	vlt.s32 v12, $0x0;
	v6 =	vadd.s32 v12, v8  }
0xb9: {  	[tilespmem:$0x240] =	vst v4;
	v4 =	vsel vm1, $0x0, v6  }
0xba: {  	[tilespmem:$0x2C0] =	vst v4  }
0xbb: {  	[tilespmem:s17], [sflag:$0x2] =	stream.indirect_vreg.gather [hbm4b:s4+s23], $0x80, v7, vm0, $0xb8;
	[tilespmem:$0x14300] =	vst v63  }
0xbc: {  	s28 =	simm.s32 $0xAB00  }
0xbd: {  	[tilespmem:s28], [sflag:$0x2] =	stream.indirect_vreg.gather [hbm4b:s4+s23], $0x80, v5, vm0, $0xb8;
	[tilespmem:$0x14300] =	vst v63  }
0xbe: {  	v4 =	vld [tilespmem:$0x210];
	_ =	sdelay $0x4  }
0xbf: {  	v5 =	vshll.u32 v4, $0x1  }
0xc0: {  	v4 =	vand.u32 $0x7, v4;
	v5 =	vand.u32 $0xFFFFFFF0, v5  }
0xc1: {  	v4 =	vor.u32 v4, v5  }
0xc2: {  	v5 =	vperm.xlane v4, v1;
	_ =	sdelay $0x1  }
0xc3: {  	v4 =	vperm.xlane v4, v3;
	v5 =	vadd.s32 v2, v5;
	_ =	sdelay $0x1  }
0xc4: {  	v4 =	vadd.s32 v2, v4;
	_ =	sdelay $0x1  }
0xc5: {  	s29 =	simm.s32 $0xB300  }
0xc6: {  	[tilespmem:s29], [sflag:$0x2] =	stream.indirect_vreg.gather [hbm4b:s4+s23], $0x80, v5, vm0, $0xb8;
	[tilespmem:$0x14300] =	vst v63  }
0xc7: {  	s25 =	simm.s32 $0xBB00  }
0xc8: {  	[tilespmem:s25], [sflag:$0x2] =	stream.indirect_vreg.gather [hbm4b:s4+s23], $0x80, v4, vm0, $0xb8;
	[tilespmem:$0x14300] =	vst v63  }
0xc9: {  	v4 =	vld [tilespmem:$0x220];
	_ =	sdelay $0x4  }
0xca: {  	v5 =	vshll.u32 v4, $0x1  }
0xcb: {  	v4 =	vand.u32 $0x7, v4;
	v5 =	vand.u32 $0xFFFFFFF0, v5  }
0xcc: {  	v4 =	vor.u32 v4, v5  }
0xcd: {  	v5 =	vperm.xlane v4, v1;
	_ =	sdelay $0x1  }
0xce: {  	v4 =	vperm.xlane v4, v3;
	v5 =	vadd.s32 v2, v5;
	_ =	sdelay $0x1  }
0xcf: {  	v4 =	vadd.s32 v2, v4;
	_ =	sdelay $0x1  }
0xd0: {  	s26 =	simm.s32 $0xC300  }
0xd1: {  	[tilespmem:s26], [sflag:$0x2] =	stream.indirect_vreg.gather [hbm4b:s4+s23], $0x80, v5, vm0, $0xb8;
	[tilespmem:$0x14300] =	vst v63  }
0xd2: {  	s28 =	simm.s32 $0xCB00  }
0xd3: {  	[tilespmem:s28], [sflag:$0x2] =	stream.indirect_vreg.gather [hbm4b:s4+s23], $0x80, v4, vm0, $0xb8;
	[tilespmem:$0x14300] =	vst v63  }
0xd4: {  	v4 =	vld [tilespmem:$0x230];
	_ =	sdelay $0x4  }
0xd5: {  	v5 =	vshll.u32 v4, $0x1  }
0xd6: {  	v4 =	vand.u32 $0x7, v4;
	v5 =	vand.u32 $0xFFFFFFF0, v5  }
0xd7: {  	v4 =	vor.u32 v4, v5  }
0xd8: {  	v5 =	vperm.xlane v4, v1;
	_ =	sdelay $0x1  }
0xd9: {  	v4 =	vperm.xlane v4, v3;
	v5 =	vadd.s32 v2, v5;
	_ =	sdelay $0x1  }
0xda: {  	v4 =	vadd.s32 v2, v4;
	_ =	sdelay $0x1  }
0xdb: {  	s29 =	simm.s32 $0xD300  }
0xdc: {  	[tilespmem:s29], [sflag:$0x2] =	stream.indirect_vreg.gather [hbm4b:s4+s23], $0x80, v5, vm0, $0xb8;
	[tilespmem:$0x14300] =	vst v63  }
0xdd: {  	s25 =	simm.s32 $0xDB00  }
0xde: {  	[tilespmem:s25], [sflag:$0x2] =	stream.indirect_vreg.gather [hbm4b:s4+s23], $0x80, v4, vm0, $0xb8;
	[tilespmem:$0x14300] =	vst v63  }
0xdf: {  	v4 =	vld [tilespmem:$0x240];
	_ =	sdelay $0x4  }
0xe0: {  	v5 =	vshll.u32 v4, $0x1  }
0xe1: {  	v4 =	vand.u32 $0x7, v4;
	v5 =	vand.u32 $0xFFFFFFF0, v5  }
0xe2: {  	v4 =	vor.u32 v4, v5  }
0xe3: {  	v5 =	vperm.xlane v4, v1;
	_ =	sdelay $0x1  }
0xe4: {  	v4 =	vperm.xlane v4, v3;
	v5 =	vadd.s32 v2, v5;
	_ =	sdelay $0x1  }
0xe5: {  	v4 =	vadd.s32 v2, v4;
	_ =	sdelay $0x1  }
0xe6: {  	s26 =	simm.s32 $0xE300  }
0xe7: {  	[tilespmem:s26], [sflag:$0x2] =	stream.indirect_vreg.gather [hbm4b:s4+s23], $0x80, v5, vm0, $0xb8;
	[tilespmem:$0x14300] =	vst v63  }
0xe8: {  	s28 =	simm.s32 $0xEB00  }
0xe9: {  	[tilespmem:s28], [sflag:$0x2] =	stream.indirect_vreg.gather [hbm4b:s4+s23], $0x80, v4, vm0, $0xb8;
	[tilespmem:$0x14300] =	vst v63  }
0xea: {  	v4 =	vld [tilespmem:$0x280];
	_ =	sdelay $0x4  }
0xeb: {  	v5 =	vshll.u32 v4, $0x1  }
0xec: {  	v4 =	vand.u32 $0x7, v4;
	v5 =	vand.u32 $0xFFFFFFF0, v5  }
0xed: {  	v4 =	vor.u32 v4, v5  }
0xee: {  	v5 =	vperm.xlane v4, v1;
	_ =	sdelay $0x1  }
0xef: {  	v4 =	vperm.xlane v4, v3;
	v5 =	vadd.s32 v2, v5;
	_ =	sdelay $0x1  }
0xf0: {  	v4 =	vadd.s32 v2, v4;
	_ =	sdelay $0x1  }
0xf1: {  	s29 =	simm.s32 $0xF300  }
0xf2: {  	[tilespmem:s29], [sflag:$0x2] =	stream.indirect_vreg.gather [hbm4b:s4+s23], $0x80, v5, vm0, $0xb8;
	[tilespmem:$0x14300] =	vst v63  }
0xf3: {  	s25 =	simm.s32 $0xFB00  }
0xf4: {  	[tilespmem:s25], [sflag:$0x2] =	stream.indirect_vreg.gather [hbm4b:s4+s23], $0x80, v4, vm0, $0xb8;
	[tilespmem:$0x14300] =	vst v63  }
0xf5: {  	v4 =	vld [tilespmem:$0x290];
	_ =	sdelay $0x4  }
0xf6: {  	v5 =	vshll.u32 v4, $0x1  }
0xf7: {  	v4 =	vand.u32 $0x7, v4;
	v5 =	vand.u32 $0xFFFFFFF0, v5  }
0xf8: {  	v4 =	vor.u32 v4, v5  }
0xf9: {  	v5 =	vperm.xlane v4, v1;
	_ =	sdelay $0x1  }
0xfa: {  	v4 =	vperm.xlane v4, v3;
	v5 =	vadd.s32 v2, v5;
	_ =	sdelay $0x1  }
0xfb: {  	v4 =	vadd.s32 v2, v4;
	_ =	sdelay $0x2  }
0xfc: {  	[tilespmem:s30], [sflag:$0x2] =	stream.indirect_vreg.gather [hbm4b:s4+s23], $0x80, v5, vm0, $0xb8;
	[tilespmem:$0x14300] =	vst v63  }
0xfd: {  	_ = 	snop  }
0xfe: {  	[tilespmem:s31], [sflag:$0x2] =	stream.indirect_vreg.gather [hbm4b:s4+s23], $0x80, v4, vm0, $0xb8;
	[tilespmem:$0x14300] =	vst v63  }
0xff: {  	v4 =	vld [tilespmem:$0x2A0];
	_ =	sdelay $0x4  }
0x100: {  	v5 =	vshll.u32 v4, $0x1  }
0x101: {  	v4 =	vand.u32 $0x7, v4;
	v5 =	vand.u32 $0xFFFFFFF0, v5  }
0x102: {  	v4 =	vor.u32 v4, v5  }
0x103: {  	v5 =	vperm.xlane v4, v1;
	_ =	sdelay $0x1  }
0x104: {  	v4 =	vperm.xlane v4, v3;
	v5 =	vadd.s32 v2, v5;
	_ =	sdelay $0x1  }
0x105: {  	v4 =	vadd.s32 v2, v4;
	_ =	sdelay $0x2  }
0x106: {  	[tilespmem:s0], [sflag:$0x2] =	stream.indirect_vreg.gather [hbm4b:s4+s23], $0x80, v5, vm0, $0xb8;
	[tilespmem:$0x14300] =	vst v63  }
0x107: {  	_ = 	snop  }
0x108: {  	[tilespmem:s1], [sflag:$0x2] =	stream.indirect_vreg.gather [hbm4b:s4+s23], $0x80, v4, vm0, $0xb8;
	[tilespmem:$0x14300] =	vst v63  }
0x109: {  	v4 =	vld [tilespmem:$0x2B0];
	_ =	sdelay $0x4  }
0x10a: {  	v5 =	vshll.u32 v4, $0x1  }
0x10b: {  	v4 =	vand.u32 $0x7, v4;
	v5 =	vand.u32 $0xFFFFFFF0, v5  }
0x10c: {  	v4 =	vor.u32 v4, v5  }
0x10d: {  	v5 =	vperm.xlane v4, v1;
	_ =	sdelay $0x1  }
0x10e: {  	v4 =	vperm.xlane v4, v3;
	v5 =	vadd.s32 v2, v5;
	_ =	sdelay $0x1  }
0x10f: {  	v4 =	vadd.s32 v2, v4;
	_ =	sdelay $0x2  }
0x110: {  	[tilespmem:s9], [sflag:$0x2] =	stream.indirect_vreg.gather [hbm4b:s4+s23], $0x80, v5, vm0, $0xb8;
	[tilespmem:$0x14300] =	vst v63  }
0x111: {  	_ = 	snop  }
0x112: {  	[tilespmem:s10], [sflag:$0x2] =	stream.indirect_vreg.gather [hbm4b:s4+s23], $0x80, v4, vm0, $0xb8;
	[tilespmem:$0x14300] =	vst v63  }
0x113: {  	v4 =	vld [tilespmem:$0x2C0];
	_ =	sdelay $0x4  }
0x114: {  	v5 =	vshll.u32 v4, $0x1  }
0x115: {  	v4 =	vand.u32 $0x7, v4;
	v5 =	vand.u32 $0xFFFFFFF0, v5  }
0x116: {  	v4 =	vor.u32 v4, v5  }
0x117: {  	v5 =	vperm.xlane v4, v1;
	_ =	sdelay $0x1  }
0x118: {  	v4 =	vperm.xlane v4, v3;
	v5 =	vadd.s32 v2, v5;
	_ =	sdelay $0x1  }
0x119: {  	v4 =	vadd.s32 v2, v4;
	_ =	sdelay $0x2  }
0x11a: {  	[tilespmem:s13], [sflag:$0x2] =	stream.indirect_vreg.gather [hbm4b:s4+s23], $0x80, v5, vm0, $0xb8;
	[tilespmem:$0x14300] =	vst v63  }
0x11b: {  	_ = 	snop  }
0x11c: {  	[tilespmem:s12], [sflag:$0x2] =	stream.indirect_vreg.gather [hbm4b:s4+s23], $0x80, v4, vm0, $0xb8;
	[tilespmem:$0x14300] =	vst v63  }
0x11d: {  	_ =	swait.ge [sflag:s18], $0x5000  }
0x11e: {  	[sflag:s18] =	ssyncset.done $0x0  }
0x11f: {  	[sflag:s18] =	ssyncadd.s32 $0xFFFFB000  }
0x120: {  	s26 =	sadd.s32 s5, s22;
	_ =	swait.ge [sflag:s18], $0x5000  }
0x121: {  	s24 =	sshll.u32 s26, $0x5;
	[sflag:s18] =	ssyncset.done $0x0  }
0x122: {  	s28 =	sadd.s32 s7, s24;
	[sflag:s18] =	ssyncadd.s32 $0xFFFFB000  }
0x123: {  	[hbm4b:s28+s23] =	stream.linear.scatter [tilespmem:s16], [sflag:$0x3], $0x5000, $0x38;
	[tilespmem:$0x14300] =	vst v63  }
0x124: {  	_ =	swait.ge [sflag:s14], $0x5000  }
0x125: {  	s29 =	sand.u32 $0x7800, s23;
	s23 =	sand.u32 $0x380, s23;
	[sflag:s14] =	ssyncset.done $0x0  }
0x126: {  	s23 =	sor.u32 s23, s29;
	[sflag:s14] =	ssyncadd.s32 $0xFFFFB000  }
0x127: {  	v11 =	vld [tilespmem:s23+$0x5300]  }
0x128: {  	v12 =	vld [tilespmem:s23+$0x5310]  }
0x129: {  	v13 =	vld [tilespmem:s23+$0x5320]  }
0x12a: {  	v14 =	vld [tilespmem:s23+$0x5330]  }
0x12b: {  	v15 =	vld [tilespmem:s23+$0x5340]  }
0x12c: {  	v16 =	vld [tilespmem:s23+$0x5350]  }
0x12d: {  	v17 =	vld [tilespmem:s23+$0x5360]  }
0x12e: {  	v18 =	vld [tilespmem:s23+$0x5370]  }
0x12f: {  	v19 =	vld [tilespmem:s23+$0x5700]  }
0x130: {  	v10 =	vld [tilespmem:s23+$0x5710]  }
0x131: {  	v9 =	vld [tilespmem:s23+$0x5720]  }
0x132: {  	v8 =	vld [tilespmem:s23+$0x5730]  }
0x133: {  	v7 =	vld [tilespmem:s23+$0x5740]  }
0x134: {  	v6 =	vld [tilespmem:s23+$0x5750]  }
0x135: {  	v5 =	vld [tilespmem:s23+$0x5760]  }
0x136: {  	v4 =	vld [tilespmem:s23+$0x5770]  }
0x137: {  	v20 =	vld [tilespmem:s23+$0x300]  }
0x138: {  	v21 =	vld [tilespmem:s23+$0x310]  }
0x139: {  	v22 =	vld [tilespmem:s23+$0x320]  }
0x13a: {  	v23 =	vld [tilespmem:s23+$0x330]  }
0x13b: {  	v24 =	vld [tilespmem:s23+$0x340]  }
0x13c: {  	v60 =	vld [tilespmem:s23+$0x350];
	v11 =	vadd.f32 v11, v20  }
0x13d: {  	v61 =	vld [tilespmem:s23+$0x360];
	v12 =	vadd.f32 v12, v21  }
0x13e: {  	v62 =	vld [tilespmem:s23+$0x370];
	[tilespmem:s23+$0x300] =	vst v11;
	v11 =	vadd.f32 v13, v22  }
0x13f: {  	v63 =	vld [tilespmem:s23+$0x700];
	[tilespmem:s23+$0x310] =	vst v12;
	v12 =	vadd.f32 v14, v23  }
0x140: {  	v14 =	vld [tilespmem:s23+$0x710];
	[tilespmem:s23+$0x320] =	vst v11;
	v11 =	vadd.f32 v15, v24  }
0x141: {  	v13 =	vld [tilespmem:s23+$0x720];
	[tilespmem:s23+$0x330] =	vst v12;
	v12 =	vadd.f32 v16, v60  }
0x142: {  	v15 =	vadd.f32 v17, v61;
	[tilespmem:s23+$0x340] =	vst v11;
	v11 =	vld [tilespmem:s23+$0x730]  }
0x143: {  	v17 =	vadd.f32 v18, v62;
	[tilespmem:s23+$0x350] =	vst v12;
	v12 =	vld [tilespmem:s23+$0x740]  }
0x144: {  	s26 =	simm.s32 $0x100;
	s25 =	simm.s32 $0x80;
	v16 =	vadd.f32 v19, v63;
	[tilespmem:s23+$0x360] =	vst v15;
	v15 =	vld [tilespmem:s23+$0x750]  }
.LBB2_3:
0x145: {  	s28 =	sand.u32 $0x7800, s26;
	s29 =	sand.u32 $0x380, s25;
	p0 =	sne.s32 s26, $0x4F00;
	[tilespmem:s23+$0x370] =	vst v17;
	v10 =	vadd.f32 v10, v14;
	v14 =	vld [tilespmem:s23+$0x760]  }
0x146: {  	s28 =	sor.u32 s29, s28;
	[tilespmem:s23+$0x700] =	vst v16;
	v9 =	vadd.f32 v9, v13;
	v13 =	vld [tilespmem:s23+$0x770]  }
0x147: {  	v16 =	vld [tilespmem:s28+$0x5300];
	[tilespmem:s23+$0x710] =	vst v10;
	v8 =	vadd.f32 v8, v11  }
0x148: {  	v11 =	vld [tilespmem:s28+$0x5310];
	[tilespmem:s23+$0x720] =	vst v9;
	v7 =	vadd.f32 v7, v12  }
0x149: {  	v12 =	vld [tilespmem:s28+$0x5320];
	[tilespmem:s23+$0x730] =	vst v8;
	v6 =	vadd.f32 v6, v15  }
0x14a: {  	v15 =	vld [tilespmem:s28+$0x5330];
	[tilespmem:s23+$0x740] =	vst v7;
	v5 =	vadd.f32 v5, v14  }
0x14b: {  	v14 =	vld [tilespmem:s28+$0x5340];
	[tilespmem:s23+$0x750] =	vst v6;
	v4 =	vadd.f32 v4, v13  }
0x14c: {  	v13 =	vld [tilespmem:s28+$0x5350];
	[tilespmem:s23+$0x760] =	vst v5  }
0x14d: {  	v17 =	vld [tilespmem:s28+$0x5360];
	[tilespmem:s23+$0x770] =	vst v4;
	s23 =	smov.u32 s28  }
0x14e: {  	v18 =	vld [tilespmem:s23+$0x5370]  }
0x14f: {  	v19 =	vld [tilespmem:s23+$0x5700]  }
0x150: {  	v10 =	vld [tilespmem:s23+$0x5710]  }
0x151: {  	v9 =	vld [tilespmem:s23+$0x5720]  }
0x152: {  	v8 =	vld [tilespmem:s23+$0x5730]  }
0x153: {  	v7 =	vld [tilespmem:s23+$0x5740]  }
0x154: {  	v6 =	vld [tilespmem:s23+$0x5750]  }
0x155: {  	v5 =	vld [tilespmem:s23+$0x5760]  }
0x156: {  	v4 =	vld [tilespmem:s23+$0x5770]  }
0x157: {  	v20 =	vld [tilespmem:s23+$0x300]  }
0x158: {  	v21 =	vld [tilespmem:s23+$0x310]  }
0x159: {  	v22 =	vld [tilespmem:s23+$0x320]  }
0x15a: {  	v23 =	vld [tilespmem:s23+$0x330]  }
0x15b: {  	v24 =	vld [tilespmem:s23+$0x340]  }
0x15c: {  	v16 =	vadd.f32 v16, v20;
	v20 =	vld [tilespmem:s23+$0x350]  }
0x15d: {  	v11 =	vadd.f32 v11, v21;
	v21 =	vld [tilespmem:s23+$0x360]  }
0x15e: {  	[tilespmem:s23+$0x300] =	vst v16;
	v12 =	vadd.f32 v12, v22;
	v16 =	vld [tilespmem:s23+$0x370]  }
0x15f: {  	[tilespmem:s23+$0x310] =	vst v11;
	v11 =	vadd.f32 v15, v23;
	v15 =	vld [tilespmem:s23+$0x700]  }
.Ltmp0:
0x160: {  	[tilespmem:s23+$0x320] =	vst v12;
	v12 =	vadd.f32 v14, v24;
	v14 =	vld [tilespmem:s23+$0x710];
	(pc) =	sbr.rel @p0 .LBB2_3-.Ltmp0, $4  }
0x161: {  	[tilespmem:s23+$0x330] =	vst v11;
	v20 =	vadd.f32 v13, v20;
	v13 =	vld [tilespmem:s23+$0x720]  }
0x162: {  	[tilespmem:s23+$0x340] =	vst v12;
	v21 =	vadd.f32 v17, v21;
	v11 =	vld [tilespmem:s23+$0x730]  }
0x163: {  	[tilespmem:s23+$0x350] =	vst v20;
	v17 =	vadd.f32 v18, v16;
	v12 =	vld [tilespmem:s23+$0x740]  }
0x164: {  	s25 =	sadd.s32 $0x80, s25;
	s26 =	sadd.s32 $0x100, s26;
	[tilespmem:s23+$0x360] =	vst v21;
	v16 =	vadd.f32 v19, v15;
	v15 =	vld [tilespmem:s23+$0x750]  }
0x165: {  	[tilespmem:s23+$0x370] =	vst v17;
	v10 =	vadd.f32 v10, v14;
	v62 =	vld [tilespmem:s23+$0x760]  }
0x166: {  	v63 =	vld [tilespmem:s23+$0x770];
	[tilespmem:s23+$0x700] =	vst v16;
	v9 =	vadd.f32 v9, v13  }
0x167: {  	[tilespmem:s23+$0x710] =	vst v10;
	v8 =	vadd.f32 v8, v11  }
0x168: {  	[tilespmem:s23+$0x720] =	vst v9;
	v7 =	vadd.f32 v7, v12  }
0x169: {  	[tilespmem:s23+$0x730] =	vst v8;
	v6 =	vadd.f32 v6, v15  }
0x16a: {  	[tilespmem:s23+$0x740] =	vst v7;
	v5 =	vadd.f32 v5, v62  }
0x16b: {  	v4 =	vadd.f32 v4, v63;
	[tilespmem:s23+$0x750] =	vst v6  }
0x16c: {  	p0 =	seq.s32 s20, $0x1F;
	[tilespmem:s23+$0x760] =	vst v5  }
.Ltmp1:
0x16d: {  	s29 =	sadd.s32 s8, s24;
	[tilespmem:s23+$0x770] =	vst v4;
	(pc) =	sbr.rel @p0 .LBB2_6-.Ltmp1, $4  }
0x16e: {  	[hbm4b:s29+s3] =	stream.linear.scatter [tilespmem:s16], [sflag:$0x3], $0x5000, $0x38;
	[tilespmem:$0x14300] =	vst v63  }
0x16f: {  	_ =	swait.ge [sflag:s14], $0x5000  }
0x170: {  	[sflag:s14] =	ssyncset.done $0x0  }
0x171: {  	[sflag:s14] =	ssyncadd.s32 $0xFFFFB000  }
0x172: {  	s23 =	rddreg [dreg:$0x5]  }
0x173: {  	s22 =	sadd.s32 s22, s23  }
0x174: {  	s22 =	sshrl.u32 s22, $0x3  }
0x175: {  	s28 =	sadd.s32 s6, s22  }
0x176: {  	[tilespmem:s3], [sflag:$0x3] =	stream.linear.gather [hbm4b:s28+s3], $0x50, $0x38;
	[tilespmem:$0x14300] =	vst v63  }
0x177: {  	_ =	swait.ge [sflag:s14], $0x50  }
0x178: {  	[sflag:s14] =	ssyncset.done $0x0  }
0x179: {  	s22 =	sadd.s32 s2, s22;
	[sflag:s14] =	ssyncadd.s32 $0xFFFFFFB0  }
0x17a: {  	[tilespmem:s15], [sflag:$0x3] =	stream.linear.gather [hbm4b:s22+s3], $0x50, $0x38;
	[tilespmem:$0x14300] =	vst v63  }
0x17b: {  	_ =	swait.ge [sflag:s14], $0x50  }
0x17c: {  	[sflag:s14] =	ssyncset.done $0x0  }
0x17d: {  	[sflag:s14] =	ssyncadd.s32 $0xFFFFFFB0  }
0x17e: {  	v4 =	vld [tilespmem:$0x0]  }
0x17f: {  	v5 =	vld [tilespmem:$0x80];
	_ =	sdelay $0x1  }
0x180: {  	v6 =	vld [tilespmem:$0x10]  }
0x181: {  	v7 =	vld [tilespmem:$0x90]  }
0x182: {  	v8 =	vld [tilespmem:$0x20];
	vm1 =	vgt.s32 v4, $0x1387  }
0x183: {  	v10 =	vld [tilespmem:$0xA0];
	v9 =	vsel vm1, $0x78, v0;
	vm1 =	vgt.s32 v5, $0x1387  }
0x184: {  	v11 =	vld [tilespmem:$0x30];
	v4 =	vadd.s32 v4, v9;
	v50 =	vsel vm1, $0x78, v0  }
0x185: {  	v13 =	vld [tilespmem:$0xB0];
	vm2 =	vgt.s32 v6, $0x1387;
	vm1 =	vlt.s32 v5, $0x0;
	[tilespmem:$0x100] =	vst v4;
	v4 =	vadd.s32 v5, v50  }
0x186: {  	v5 =	vsel vm2, $0x78, v0;
	v4 =	vsel vm1, $0x0, v4;
	vm1 =	vgt.s32 v7, $0x1387;
	v51 =	vld [tilespmem:$0x100]  }
0x187: {  	vm2 =	vlt.s32 v7, $0x0;
	v52 =	vsel vm1, $0x78, v0;
	vm1 =	vgt.s32 v8, $0x1387  }
0x188: {  	v5 =	vadd.s32 v6, v5;
	v12 =	vsel vm1, $0x78, v0;
	vm1 =	vgt.s32 v10, $0x1387  }
0x189: {  	v14 =	vld [tilespmem:$0x40];
	v6 =	vadd.s32 v7, v52;
	v53 =	vsel vm1, $0x78, v0;
	vm1 =	vgt.s32 v11, $0x1387  }
0x18a: {  	[tilespmem:$0x180] =	vst v4;
	v8 =	vadd.s32 v8, v12;
	v4 =	vsel vm2, $0x0, v6;
	vm2 =	vlt.s32 v13, $0x0  }
0x18b: {  	v56 =	vld [tilespmem:$0xC0];
	v7 =	vadd.s32 v10, v53;
	v54 =	vsel vm1, $0x78, v0;
	v57 =	vshll.u32 v51, $0x1  }
0x18c: {  	vm1 =	vlt.s32 v10, $0x0;
	v58 =	vand.u32 $0x7, v51;
	v59 =	vand.u32 $0xFFFFFFF0, v57  }
0x18d: {  	[tilespmem:$0x110] =	vst v5;
	v5 =	vsel vm1, $0x0, v7;
	vm1 =	vgt.s32 v13, $0x1387;
	v6 =	vor.u32 v58, v59  }
0x18e: {  	[tilespmem:$0x190] =	vst v4;
	v4 =	vsel vm1, $0x78, v0;
	vm1 =	vgt.s32 v14, $0x1387;
	v60 =	vperm.xlane v6, v1  }
0x18f: {  	[tilespmem:$0x120] =	vst v8;
	v55 =	vadd.s32 v11, v54;
	v4 =	vadd.s32 v13, v4;
	v61 =	vsel vm1, $0x78, v0  }
0x190: {  	[tilespmem:$0x1A0] =	vst v5;
	vm1 =	vgt.s32 v56, $0x1387;
	v6 =	vperm.xlane v6, v3;
	v5 =	vadd.s32 v2, v60  }
0x191: {  	[tilespmem:$0x130] =	vst v55;
	v4 =	vsel vm2, $0x0, v4;
	v62 =	vadd.s32 v14, v61;
	v63 =	vsel vm1, $0x78, v0  }
0x192: {  	vm1 =	vlt.s32 v56, $0x0;
	[tilespmem:$0x1B0] =	vst v4;
	v4 =	vadd.s32 v56, v63;
	v6 =	vadd.s32 v2, v6  }
0x193: {  	[tilespmem:$0x140] =	vst v62;
	v4 =	vsel vm1, $0x0, v4  }
0x194: {  	[tilespmem:$0x1C0] =	vst v4  }
0x195: {  	[tilespmem:s16], [sflag:$0x1] =	stream.indirect_vreg.gather [hbm4b:s4+s3], $0x80, v5, vm0, $0xb8;
	[tilespmem:$0x14300] =	vst v63  }
0x196: {  	s29 =	simm.s32 $0xB00  }
0x197: {  	[tilespmem:s29], [sflag:$0x1] =	stream.indirect_vreg.gather [hbm4b:s4+s3], $0x80, v6, vm0, $0xb8;
	[tilespmem:$0x14300] =	vst v63  }
0x198: {  	v4 =	vld [tilespmem:$0x110];
	_ =	sdelay $0x4  }
0x199: {  	v5 =	vshll.u32 v4, $0x1  }
0x19a: {  	v4 =	vand.u32 $0x7, v4;
	v5 =	vand.u32 $0xFFFFFFF0, v5  }
0x19b: {  	v4 =	vor.u32 v4, v5  }
0x19c: {  	v5 =	vperm.xlane v4, v1;
	_ =	sdelay $0x1  }
0x19d: {  	v4 =	vperm.xlane v4, v3;
	v5 =	vadd.s32 v2, v5;
	_ =	sdelay $0x1  }
0x19e: {  	v4 =	vadd.s32 v2, v4;
	_ =	sdelay $0x1  }
0x19f: {  	s23 =	simm.s32 $0x1300  }
0x1a0: {  	[tilespmem:s23], [sflag:$0x1] =	stream.indirect_vreg.gather [hbm4b:s4+s3], $0x80, v5, vm0, $0xb8;
	[tilespmem:$0x14300] =	vst v63  }
0x1a1: {  	s24 =	simm.s32 $0x1B00  }
0x1a2: {  	[tilespmem:s24], [sflag:$0x1] =	stream.indirect_vreg.gather [hbm4b:s4+s3], $0x80, v4, vm0, $0xb8;
	[tilespmem:$0x14300] =	vst v63  }
0x1a3: {  	v4 =	vld [tilespmem:$0x120];
	_ =	sdelay $0x4  }
0x1a4: {  	v5 =	vshll.u32 v4, $0x1  }
0x1a5: {  	v4 =	vand.u32 $0x7, v4;
	v5 =	vand.u32 $0xFFFFFFF0, v5  }
0x1a6: {  	v4 =	vor.u32 v4, v5  }
0x1a7: {  	v5 =	vperm.xlane v4, v1;
	_ =	sdelay $0x1  }
0x1a8: {  	v4 =	vperm.xlane v4, v3;
	v5 =	vadd.s32 v2, v5;
	_ =	sdelay $0x1  }
0x1a9: {  	v4 =	vadd.s32 v2, v4;
	_ =	sdelay $0x1  }
0x1aa: {  	s25 =	simm.s32 $0x2300  }
0x1ab: {  	[tilespmem:s25], [sflag:$0x1] =	stream.indirect_vreg.gather [hbm4b:s4+s3], $0x80, v5, vm0, $0xb8;
	[tilespmem:$0x14300] =	vst v63  }
0x1ac: {  	s26 =	simm.s32 $0x2B00  }
0x1ad: {  	[tilespmem:s26], [sflag:$0x1] =	stream.indirect_vreg.gather [hbm4b:s4+s3], $0x80, v4, vm0, $0xb8;
	[tilespmem:$0x14300] =	vst v63  }
0x1ae: {  	v4 =	vld [tilespmem:$0x130];
	_ =	sdelay $0x4  }
0x1af: {  	v5 =	vshll.u32 v4, $0x1  }
0x1b0: {  	v4 =	vand.u32 $0x7, v4;
	v5 =	vand.u32 $0xFFFFFFF0, v5  }
0x1b1: {  	v4 =	vor.u32 v4, v5  }
0x1b2: {  	v5 =	vperm.xlane v4, v1;
	_ =	sdelay $0x1  }
0x1b3: {  	v4 =	vperm.xlane v4, v3;
	v5 =	vadd.s32 v2, v5;
	_ =	sdelay $0x1  }
0x1b4: {  	v4 =	vadd.s32 v2, v4;
	_ =	sdelay $0x1  }
0x1b5: {  	s28 =	simm.s32 $0x3300  }
0x1b6: {  	[tilespmem:s28], [sflag:$0x1] =	stream.indirect_vreg.gather [hbm4b:s4+s3], $0x80, v5, vm0, $0xb8;
	[tilespmem:$0x14300] =	vst v63  }
0x1b7: {  	s29 =	simm.s32 $0x3B00  }
0x1b8: {  	[tilespmem:s29], [sflag:$0x1] =	stream.indirect_vreg.gather [hbm4b:s4+s3], $0x80, v4, vm0, $0xb8;
	[tilespmem:$0x14300] =	vst v63  }
0x1b9: {  	v4 =	vld [tilespmem:$0x140];
	_ =	sdelay $0x4  }
0x1ba: {  	v5 =	vshll.u32 v4, $0x1  }
0x1bb: {  	v4 =	vand.u32 $0x7, v4;
	v5 =	vand.u32 $0xFFFFFFF0, v5  }
0x1bc: {  	v4 =	vor.u32 v4, v5  }
0x1bd: {  	v5 =	vperm.xlane v4, v1;
	_ =	sdelay $0x1  }
0x1be: {  	v4 =	vperm.xlane v4, v3;
	v5 =	vadd.s32 v2, v5;
	_ =	sdelay $0x1  }
0x1bf: {  	v4 =	vadd.s32 v2, v4;
	_ =	sdelay $0x1  }
0x1c0: {  	s23 =	simm.s32 $0x4300  }
0x1c1: {  	[tilespmem:s23], [sflag:$0x1] =	stream.indirect_vreg.gather [hbm4b:s4+s3], $0x80, v5, vm0, $0xb8;
	[tilespmem:$0x14300] =	vst v63  }
0x1c2: {  	s24 =	simm.s32 $0x4B00  }
0x1c3: {  	[tilespmem:s24], [sflag:$0x1] =	stream.indirect_vreg.gather [hbm4b:s4+s3], $0x80, v4, vm0, $0xb8;
	[tilespmem:$0x14300] =	vst v63  }
0x1c4: {  	v4 =	vld [tilespmem:$0x180];
	_ =	sdelay $0x4  }
0x1c5: {  	v5 =	vshll.u32 v4, $0x1  }
0x1c6: {  	v4 =	vand.u32 $0x7, v4;
	v5 =	vand.u32 $0xFFFFFFF0, v5  }
0x1c7: {  	v4 =	vor.u32 v4, v5  }
0x1c8: {  	v5 =	vperm.xlane v4, v1;
	_ =	sdelay $0x1  }
0x1c9: {  	v4 =	vperm.xlane v4, v3;
	v5 =	vadd.s32 v2, v5;
	_ =	sdelay $0x1  }
0x1ca: {  	v4 =	vadd.s32 v2, v4;
	_ =	sdelay $0x1  }
0x1cb: {  	s25 =	simm.s32 $0x5300  }
0x1cc: {  	[tilespmem:s25], [sflag:$0x1] =	stream.indirect_vreg.gather [hbm4b:s4+s3], $0x80, v5, vm0, $0xb8;
	[tilespmem:$0x14300] =	vst v63  }
0x1cd: {  	s26 =	simm.s32 $0x5B00  }
0x1ce: {  	[tilespmem:s26], [sflag:$0x1] =	stream.indirect_vreg.gather [hbm4b:s4+s3], $0x80, v4, vm0, $0xb8;
	[tilespmem:$0x14300] =	vst v63  }
0x1cf: {  	v4 =	vld [tilespmem:$0x190];
	_ =	sdelay $0x4  }
0x1d0: {  	v5 =	vshll.u32 v4, $0x1  }
0x1d1: {  	v4 =	vand.u32 $0x7, v4;
	v5 =	vand.u32 $0xFFFFFFF0, v5  }
0x1d2: {  	v4 =	vor.u32 v4, v5  }
0x1d3: {  	v5 =	vperm.xlane v4, v1;
	_ =	sdelay $0x1  }
0x1d4: {  	v4 =	vperm.xlane v4, v3;
	v5 =	vadd.s32 v2, v5;
	_ =	sdelay $0x1  }
0x1d5: {  	v4 =	vadd.s32 v2, v4;
	_ =	sdelay $0x1  }
0x1d6: {  	s28 =	simm.s32 $0x6300  }
0x1d7: {  	[tilespmem:s28], [sflag:$0x1] =	stream.indirect_vreg.gather [hbm4b:s4+s3], $0x80, v5, vm0, $0xb8;
	[tilespmem:$0x14300] =	vst v63  }
0x1d8: {  	s29 =	simm.s32 $0x6B00  }
0x1d9: {  	[tilespmem:s29], [sflag:$0x1] =	stream.indirect_vreg.gather [hbm4b:s4+s3], $0x80, v4, vm0, $0xb8;
	[tilespmem:$0x14300] =	vst v63  }
0x1da: {  	v4 =	vld [tilespmem:$0x1A0];
	_ =	sdelay $0x4  }
0x1db: {  	v5 =	vshll.u32 v4, $0x1  }
0x1dc: {  	v4 =	vand.u32 $0x7, v4;
	v5 =	vand.u32 $0xFFFFFFF0, v5  }
0x1dd: {  	v4 =	vor.u32 v4, v5  }
0x1de: {  	v5 =	vperm.xlane v4, v1;
	_ =	sdelay $0x1  }
0x1df: {  	v4 =	vperm.xlane v4, v3;
	v5 =	vadd.s32 v2, v5;
	_ =	sdelay $0x1  }
0x1e0: {  	v4 =	vadd.s32 v2, v4;
	_ =	sdelay $0x1  }
0x1e1: {  	s23 =	simm.s32 $0x7300  }
0x1e2: {  	[tilespmem:s23], [sflag:$0x1] =	stream.indirect_vreg.gather [hbm4b:s4+s3], $0x80, v5, vm0, $0xb8;
	[tilespmem:$0x14300] =	vst v63  }
0x1e3: {  	s24 =	simm.s32 $0x7B00  }
0x1e4: {  	[tilespmem:s24], [sflag:$0x1] =	stream.indirect_vreg.gather [hbm4b:s4+s3], $0x80, v4, vm0, $0xb8;
	[tilespmem:$0x14300] =	vst v63  }
0x1e5: {  	v4 =	vld [tilespmem:$0x1B0];
	_ =	sdelay $0x4  }
0x1e6: {  	v5 =	vshll.u32 v4, $0x1  }
0x1e7: {  	v4 =	vand.u32 $0x7, v4;
	v5 =	vand.u32 $0xFFFFFFF0, v5  }
0x1e8: {  	v4 =	vor.u32 v4, v5  }
0x1e9: {  	v5 =	vperm.xlane v4, v1;
	_ =	sdelay $0x1  }
0x1ea: {  	v4 =	vperm.xlane v4, v3;
	v5 =	vadd.s32 v2, v5;
	_ =	sdelay $0x1  }
0x1eb: {  	v4 =	vadd.s32 v2, v4;
	_ =	sdelay $0x1  }
0x1ec: {  	s25 =	simm.s32 $0x8300  }
0x1ed: {  	[tilespmem:s25], [sflag:$0x1] =	stream.indirect_vreg.gather [hbm4b:s4+s3], $0x80, v5, vm0, $0xb8;
	[tilespmem:$0x14300] =	vst v63  }
0x1ee: {  	s26 =	simm.s32 $0x8B00  }
0x1ef: {  	[tilespmem:s26], [sflag:$0x1] =	stream.indirect_vreg.gather [hbm4b:s4+s3], $0x80, v4, vm0, $0xb8;
	[tilespmem:$0x14300] =	vst v63  }
0x1f0: {  	v4 =	vld [tilespmem:$0x1C0];
	_ =	sdelay $0x4  }
0x1f1: {  	v5 =	vshll.u32 v4, $0x1  }
0x1f2: {  	v4 =	vand.u32 $0x7, v4;
	v5 =	vand.u32 $0xFFFFFFF0, v5  }
0x1f3: {  	v4 =	vor.u32 v4, v5  }
0x1f4: {  	v5 =	vperm.xlane v4, v1;
	_ =	sdelay $0x1  }
0x1f5: {  	v4 =	vperm.xlane v4, v3;
	v5 =	vadd.s32 v2, v5;
	_ =	sdelay $0x1  }
0x1f6: {  	v4 =	vadd.s32 v2, v4;
	_ =	sdelay $0x1  }
0x1f7: {  	s28 =	simm.s32 $0x9300  }
0x1f8: {  	[tilespmem:s28], [sflag:$0x1] =	stream.indirect_vreg.gather [hbm4b:s4+s3], $0x80, v5, vm0, $0xb8;
	[tilespmem:$0x14300] =	vst v63  }
0x1f9: {  	s29 =	simm.s32 $0x9B00  }
0x1fa: {  	[tilespmem:s29], [sflag:$0x1] =	stream.indirect_vreg.gather [hbm4b:s4+s3], $0x80, v4, vm0, $0xb8;
	[tilespmem:$0x14300] =	vst v63  }
.LBB2_6:
0x1fb: {  	_ =	swait.ge [sflag:s19], $0x5000  }
0x1fc: {  	[sflag:s19] =	ssyncset.done $0x0  }
0x1fd: {  	[sflag:s19] =	ssyncadd.s32 $0xFFFFB000  }
0x1fe: {  	_ =	swait.ge [sflag:s19], $0x5000  }
0x1ff: {  	s21 =	sshll.u32 s21, $0x5;
	[sflag:s19] =	ssyncset.done $0x0  }
0x200: {  	s23 =	simm.s32 $0x0;
	s22 =	sadd.s32 s7, s21;
	[sflag:s19] =	ssyncadd.s32 $0xFFFFB000  }
0x201: {  	[hbm4b:s22+s23] =	stream.linear.scatter [tilespmem:s17], [sflag:$0x3], $0x5000, $0x38;
	[tilespmem:$0x14300] =	vst v63  }
0x202: {  	_ =	swait.ge [sflag:s14], $0x5000  }
0x203: {  	s29 =	sand.u32 $0x7800, s23;
	s23 =	sand.u32 $0x380, s23;
	[sflag:s14] =	ssyncset.done $0x0  }
0x204: {  	s22 =	sor.u32 s23, s29;
	[sflag:s14] =	ssyncadd.s32 $0xFFFFB000  }
0x205: {  	v11 =	vld [tilespmem:s22+$0xF300]  }
0x206: {  	v12 =	vld [tilespmem:s22+$0xF310]  }
0x207: {  	v13 =	vld [tilespmem:s22+$0xF320]  }
0x208: {  	v14 =	vld [tilespmem:s22+$0xF330]  }
0x209: {  	v15 =	vld [tilespmem:s22+$0xF340]  }
0x20a: {  	v16 =	vld [tilespmem:s22+$0xF350]  }
0x20b: {  	v17 =	vld [tilespmem:s22+$0xF360]  }
0x20c: {  	v18 =	vld [tilespmem:s22+$0xF370]  }
0x20d: {  	v19 =	vld [tilespmem:s22+$0xF700]  }
0x20e: {  	v10 =	vld [tilespmem:s22+$0xF710]  }
0x20f: {  	v9 =	vld [tilespmem:s22+$0xF720]  }
0x210: {  	v8 =	vld [tilespmem:s22+$0xF730]  }
0x211: {  	v7 =	vld [tilespmem:s22+$0xF740]  }
0x212: {  	v6 =	vld [tilespmem:s22+$0xF750]  }
0x213: {  	v5 =	vld [tilespmem:s22+$0xF760]  }
0x214: {  	v4 =	vld [tilespmem:s22+$0xF770]  }
0x215: {  	v20 =	vld [tilespmem:s22+$0xA300]  }
0x216: {  	v21 =	vld [tilespmem:s22+$0xA310]  }
0x217: {  	v22 =	vld [tilespmem:s22+$0xA320]  }
0x218: {  	v23 =	vld [tilespmem:s22+$0xA330]  }
0x219: {  	v24 =	vld [tilespmem:s22+$0xA340]  }
0x21a: {  	v60 =	vld [tilespmem:s22+$0xA350];
	v11 =	vadd.f32 v11, v20  }
0x21b: {  	v61 =	vld [tilespmem:s22+$0xA360];
	v12 =	vadd.f32 v12, v21  }
0x21c: {  	v62 =	vld [tilespmem:s22+$0xA370];
	[tilespmem:s22+$0xA300] =	vst v11;
	v11 =	vadd.f32 v13, v22  }
0x21d: {  	v63 =	vld [tilespmem:s22+$0xA700];
	[tilespmem:s22+$0xA310] =	vst v12;
	v12 =	vadd.f32 v14, v23  }
0x21e: {  	v14 =	vld [tilespmem:s22+$0xA710];
	[tilespmem:s22+$0xA320] =	vst v11;
	v11 =	vadd.f32 v15, v24  }
0x21f: {  	v13 =	vld [tilespmem:s22+$0xA720];
	[tilespmem:s22+$0xA330] =	vst v12;
	v12 =	vadd.f32 v16, v60  }
0x220: {  	v15 =	vadd.f32 v17, v61;
	[tilespmem:s22+$0xA340] =	vst v11;
	v11 =	vld [tilespmem:s22+$0xA730]  }
0x221: {  	v17 =	vadd.f32 v18, v62;
	[tilespmem:s22+$0xA350] =	vst v12;
	v12 =	vld [tilespmem:s22+$0xA740]  }
0x222: {  	s24 =	simm.s32 $0x100;
	s23 =	simm.s32 $0x80;
	v16 =	vadd.f32 v19, v63;
	[tilespmem:s22+$0xA360] =	vst v15;
	v15 =	vld [tilespmem:s22+$0xA750]  }
.LBB2_7:
0x223: {  	s25 =	sand.u32 $0x7800, s24;
	s26 =	sand.u32 $0x380, s23;
	p0 =	sne.s32 s24, $0x4F00;
	[tilespmem:s22+$0xA370] =	vst v17;
	v10 =	vadd.f32 v10, v14;
	v14 =	vld [tilespmem:s22+$0xA760]  }
0x224: {  	s25 =	sor.u32 s26, s25;
	[tilespmem:s22+$0xA700] =	vst v16;
	v9 =	vadd.f32 v9, v13;
	v13 =	vld [tilespmem:s22+$0xA770]  }
0x225: {  	v16 =	vld [tilespmem:s25+$0xF300];
	[tilespmem:s22+$0xA710] =	vst v10;
	v8 =	vadd.f32 v8, v11  }
0x226: {  	v11 =	vld [tilespmem:s25+$0xF310];
	[tilespmem:s22+$0xA720] =	vst v9;
	v7 =	vadd.f32 v7, v12  }
0x227: {  	v12 =	vld [tilespmem:s25+$0xF320];
	[tilespmem:s22+$0xA730] =	vst v8;
	v6 =	vadd.f32 v6, v15  }
0x228: {  	v15 =	vld [tilespmem:s25+$0xF330];
	[tilespmem:s22+$0xA740] =	vst v7;
	v5 =	vadd.f32 v5, v14  }
0x229: {  	v14 =	vld [tilespmem:s25+$0xF340];
	[tilespmem:s22+$0xA750] =	vst v6;
	v4 =	vadd.f32 v4, v13  }
0x22a: {  	v13 =	vld [tilespmem:s25+$0xF350];
	[tilespmem:s22+$0xA760] =	vst v5  }
0x22b: {  	v17 =	vld [tilespmem:s25+$0xF360];
	[tilespmem:s22+$0xA770] =	vst v4;
	s22 =	smov.u32 s25  }
0x22c: {  	v18 =	vld [tilespmem:s22+$0xF370]  }
0x22d: {  	v19 =	vld [tilespmem:s22+$0xF700]  }
0x22e: {  	v10 =	vld [tilespmem:s22+$0xF710]  }
0x22f: {  	v9 =	vld [tilespmem:s22+$0xF720]  }
0x230: {  	v8 =	vld [tilespmem:s22+$0xF730]  }
0x231: {  	v7 =	vld [tilespmem:s22+$0xF740]  }
0x232: {  	v6 =	vld [tilespmem:s22+$0xF750]  }
0x233: {  	v5 =	vld [tilespmem:s22+$0xF760]  }
0x234: {  	v4 =	vld [tilespmem:s22+$0xF770]  }
0x235: {  	v20 =	vld [tilespmem:s22+$0xA300]  }
0x236: {  	v21 =	vld [tilespmem:s22+$0xA310]  }
0x237: {  	v22 =	vld [tilespmem:s22+$0xA320]  }
0x238: {  	v23 =	vld [tilespmem:s22+$0xA330]  }
0x239: {  	v24 =	vld [tilespmem:s22+$0xA340]  }
0x23a: {  	v16 =	vadd.f32 v16, v20;
	v20 =	vld [tilespmem:s22+$0xA350]  }
0x23b: {  	v11 =	vadd.f32 v11, v21;
	v21 =	vld [tilespmem:s22+$0xA360]  }
0x23c: {  	[tilespmem:s22+$0xA300] =	vst v16;
	v12 =	vadd.f32 v12, v22;
	v16 =	vld [tilespmem:s22+$0xA370]  }
0x23d: {  	[tilespmem:s22+$0xA310] =	vst v11;
	v11 =	vadd.f32 v15, v23;
	v15 =	vld [tilespmem:s22+$0xA700]  }
.Ltmp2:
0x23e: {  	[tilespmem:s22+$0xA320] =	vst v12;
	v12 =	vadd.f32 v14, v24;
	v14 =	vld [tilespmem:s22+$0xA710];
	(pc) =	sbr.rel @p0 .LBB2_7-.Ltmp2, $4  }
0x23f: {  	[tilespmem:s22+$0xA330] =	vst v11;
	v20 =	vadd.f32 v13, v20;
	v13 =	vld [tilespmem:s22+$0xA720]  }
0x240: {  	[tilespmem:s22+$0xA340] =	vst v12;
	v21 =	vadd.f32 v17, v21;
	v11 =	vld [tilespmem:s22+$0xA730]  }
0x241: {  	[tilespmem:s22+$0xA350] =	vst v20;
	v17 =	vadd.f32 v18, v16;
	v12 =	vld [tilespmem:s22+$0xA740]  }
0x242: {  	s23 =	sadd.s32 $0x80, s23;
	s24 =	sadd.s32 $0x100, s24;
	[tilespmem:s22+$0xA360] =	vst v21;
	v16 =	vadd.f32 v19, v15;
	v15 =	vld [tilespmem:s22+$0xA750]  }
0x243: {  	[tilespmem:s22+$0xA370] =	vst v17;
	v10 =	vadd.f32 v10, v14;
	v62 =	vld [tilespmem:s22+$0xA760]  }
0x244: {  	v63 =	vld [tilespmem:s22+$0xA770];
	[tilespmem:s22+$0xA700] =	vst v16;
	v9 =	vadd.f32 v9, v13  }
0x245: {  	[tilespmem:s22+$0xA710] =	vst v10;
	v8 =	vadd.f32 v8, v11  }
0x246: {  	[tilespmem:s22+$0xA720] =	vst v9;
	v7 =	vadd.f32 v7, v12  }
0x247: {  	[tilespmem:s22+$0xA730] =	vst v8;
	v6 =	vadd.f32 v6, v15  }
0x248: {  	[tilespmem:s22+$0xA740] =	vst v7;
	v5 =	vadd.f32 v5, v62  }
0x249: {  	s20 =	sadd.s32 $0x1, s20;
	v4 =	vadd.f32 v4, v63;
	[tilespmem:s22+$0xA750] =	vst v6  }
0x24a: {  	p0 =	sne.s32 s20, $0x20;
	[tilespmem:s22+$0xA760] =	vst v5  }
.Ltmp3:
0x24b: {  	s21 =	sadd.s32 s8, s21;
	[tilespmem:s22+$0xA770] =	vst v4;
	(pc) =	sbr.rel @p0 .LBB2_2-.Ltmp3, $4  }
0x24c: {  	[hbm4b:s21+s3] =	stream.linear.scatter [tilespmem:s17], [sflag:$0x3], $0x5000, $0x38;
	[tilespmem:$0x14300] =	vst v63  }
0x24d: {  	_ =	swait.ge [sflag:s14], $0x5000  }
0x24e: {  	[sflag:s14] =	ssyncset.done $0x0  }
0x24f: {  	[sflag:s14] =	ssyncadd.s32 $0xFFFFB000  }
0x250: {  	s21 =	rddreg [dreg:$0x7]  }
0x251: {  	s20 =	rddreg [dreg:$0x6];
	s21 =	sadd.s32 $0x1, s21  }
0x252: {  	p0 =	sne.s32 s21, s20  }
.Ltmp4:
0x253: {  	_ = 	snop;
	(pc) =	sbr.rel @p0 .LBB2_1-.Ltmp4, $1  }
0x254: {  	_ =	sdelay $0x3  }
0x255: {  	_ =	sfence.sel $0x180000  }
0x256: {  	[bflag:$0x0] =	sbarrier.arrive $0xFFFF  }
0x257: {  	_ =	strace $0x90000047  }
0x258: {  	s0 =	stileid.u32;
	[bflag:$0x2] =	sbarrier.arrive $0xFFFF  }
0x259: {  	p0 =	sne.s32 s0, $0x0;
	s0 =	rddreg [dreg:$0x2]  }
0x25a: {  	s0 =	sadd.s32 @!p0 $0x100000, s0  }
0x25b: {  	[sflag:s0] =	ssyncadd.tile.s32 @!p0 $0x1;
	_ =	shalt  }
.Lfunc_end2:
_tile_overlayer_lowered:
.L_overlay_start_2:
0x25c: {  	(tag) =	ssettag $0x2  }
0x25d: {  	s0 =	rddreg [dreg:$0x0];
	s2 =	stileid.u32  }
0x25e: {  	s1 =	rddreg [dreg:$0x1];
	p0 =	sne.s32 s2, $0x0  }
0x25f: {  	s3 =	rddreg [dreg:$0x2];
	[bflag:$0x3] =	sbarrier.arrive $0xFFFF;
	s2 =	simm.s32 @!p0 $0x1C03  }
0x260: {  	[timem:s3], [sflag:s2] =	dma.local @!p0 [hbm:s0], s1  }
0x261: {  	s0 =	simm.s32 @!p0 $0x3  }
0x262: {  	_ =	swait.ge @!p0 [sflag:s0], s1  }
0x263: {  	s1 =	ssub.s32 @!p0 $0x0, s1;
	[sflag:s0] =	ssyncset.done @!p0 $0x0  }
0x264: {  	[sflag:s0] =	ssyncadd.s32 @!p0 s1  }
0x265: {  	[bflag:$0x3] =	sbarrier.arrive $0xFFFF  }
0x266: {  	_ =	shalt  }

// kernel: kernel.15.cloned.1.call-start
scs
__scs_entry_jumppad:
0x0: {  	(pc) =	sbr.rel $0x88, $3  }
0x1: {  	(tag) =	ssettag $0x0;
	lr =	simm.s32 $0x1  }
0x2: {  	[smem:$0x3F9B] =	sst lr;
	_ =	strace $0xD0000000  }
0x3: {  	_ = 	snop  }
0x4: {  	_ = 	snop  }
0x5: {  	_ = 	snop  }
0x6: {  	_ = 	snop  }
0x7: {  	_ = 	snop  }
__scs_overlays_trampoline_lowered:
0x8: {  	[smem:$0x3FAA] =	sst s0  }
0x9: {  	[smem:$0x3FAB] =	sst s1  }
0xa: {  	[smem:$0x3FAC] =	sst s2  }
0xb: {  	[smem:$0x3FAD] =	sst s3  }
0xc: {  	[smem:$0x3FAE] =	sst s4  }
0xd: {  	[smem:$0x3FAF] =	sst s5  }
0xe: {  	[smem:$0x3FB0] =	sst s6  }
0xf: {  	[smem:$0x3FB1] =	sst s7  }
0x10: {  	[smem:$0x3FB2] =	sst s8  }
0x11: {  	[smem:$0x3FB3] =	sst s9;
	s0 =	simm.s32 @!p0 $0x0  }
0x12: {  	s1 =	sld [smem:$0x3F99];
	s0 =	simm.s32 @p0 $0x1  }
0x13: {  	[smem:$0x3FB4] =	sst s0;
	s0 =	simm.s32 @!p1 $0x0  }
0x14: {  	s2 =	sld [smem:$0x3F98];
	s0 =	simm.s32 @p1 $0x1  }
0x15: {  	[smem:$0x3FB5] =	sst s0;
	s0 =	simm.s32 @!p2 $0x0  }
0x16: {  	s3 =	sld [smem:$0x3FDB];
	s0 =	simm.s32 @p2 $0x1  }
0x17: {  	s4 =	simm.s32 $0x1BF5;
	[smem:$0x3FB7] =	sst s0  }
0x18: {  	s0 =	sld [smem:$0x3F9A];
	_ =	swait.ge [sflag:s4], $0x0  }
0x19: {  	s7 =	sld [smem:$0x3F9B]  }
0x1a: {  	s8 =	sadd.s32 $0xFFFFE003, lr  }
0x1b: {  	s9 =	sadd.s32 $0xFFFFFEF7, lr;
	s5 =	simm.s32 $0xFFFFFFFF;
	p2 =	slt.u32 s8, $0xFFFFF086  }
0x1c: {  	p1 =	slt.u32 s9, $0xF7A;
	s5 =	simm.s32 @!p2 $0x0  }
0x1d: {  	s5 =	simm.s32 @p1 $0x1;
	p0 =	seq.s32 s7, s2  }
0x1e: {  	s7 =	smul.u32 @!p0 $0xF7A, s2;
	p2 =	seq.s32 @!p0 s5, $0x0  }
0x1f: {  	s9 =	smul.u32 $0xF7A, s1;
	s8 =	simm.s32 @!p0 $0x1BF5;
	p2 =	por !p2, p0  }
0x20: {  	[sflag:s8] =	ssyncset.s32 @!p0 $0xFFFFF086;
	s6 =	sadd.s32 @!p0 s3, s7;
	s7 =	simm.s32 @!p0 $0x108  }
0x21: {  	s3 =	sadd.s32 s3, s9;
	s6 =	sadd.s32 @!p0 $0x88, s6;
	s7 =	simm.s32 @p2 $0x1082  }
0x22: {  	[simem:s7], [sflag:s8] =	dma.local @!p0 [hbm:s6], $0xF7A  }
0x23: {  	s9 =	sor.u32 $0xD0000000, s2;
	s6 =	simm.s32 $0x108;
	_ =	swait.ge @!p0 [sflag:s8], $0x0  }
0x24: {  	s3 =	sadd.s32 $0x88, s3;
	s6 =	simm.s32 @!p1 $0x1082;
	[sflag:s4] =	ssyncset.s32 $0xFFFFF086  }
0x25: {  	[simem:s6], [sflag:s4] =	dma.local [hbm:s3], $0xF7A  }
0x26: {  	[smem:$0x3F9B] =	sst s1;
	(tag) =	ssettag s2;
	_ =	strace s9  }
0x27: {  	s1 =	sld [smem:$0x3FAB]  }
0x28: {  	s2 =	sld [smem:$0x3FAC]  }
0x29: {  	s4 =	sld [smem:$0x3FAE]  }
0x2a: {  	p0 =	seq.s32 s5, $0x0;
	s5 =	sld [smem:$0x3FAF]  }
0x2b: {  	s6 =	sld [smem:$0x3FB0]  }
0x2c: {  	s7 =	sld [smem:$0x3FB1]  }
0x2d: {  	s3 =	simm.s32 $0x108;
	s8 =	sld [smem:$0x3FB2]  }
0x2e: {  	s3 =	simm.s32 @!p0 $0x1082;
	s9 =	sld [smem:$0x3FB3]  }
0x2f: {  	lr =	sadd.s32 s0, s3;
	s0 =	sld [smem:$0x3FAA]  }
0x30: {  	s3 =	sld [smem:$0x3FAD]  }
0x31: {  	[smem:$0x3FB6] =	sst s10  }
0x32: {  	s10 =	sld [smem:$0x3FB4];
	_ =	sdelay $0x3  }
0x33: {  	p0 =	seq.s32 s10, $0x1;
	s10 =	sld [smem:$0x3FB6];
	_ =	sdelay $0x3  }
0x34: {  	[smem:$0x3FB6] =	sst s10  }
0x35: {  	s10 =	sld [smem:$0x3FB5];
	_ =	sdelay $0x3  }
0x36: {  	p1 =	seq.s32 s10, $0x1;
	s10 =	sld [smem:$0x3FB6];
	_ =	sdelay $0x3  }
0x37: {  	[smem:$0x3FB6] =	sst s10  }
0x38: {  	s10 =	sld [smem:$0x3FB7]  }
0x39: {  	_ = 	snop;
	(pc) =	sbr.ind lr, $3  }
0x3a: {  	_ = 	snop  }
0x3b: {  	_ = 	snop  }
0x3c: {  	p2 =	seq.s32 s10, $0x1;
	s10 =	sld [smem:$0x3FB6]  }
0x3d: {  	_ =	shalt  }
0x3e: {  	_ =	shalt  }
0x3f: {  	_ =	shalt  }
0x40: {  	_ =	shalt  }
0x41: {  	_ =	shalt  }
0x42: {  	_ =	shalt  }
0x43: {  	_ =	shalt  }
0x44: {  	_ =	shalt  }
0x45: {  	_ =	shalt  }
0x46: {  	_ =	shalt  }
0x47: {  	_ =	shalt  }
0x48: {  	_ =	shalt  }
0x49: {  	_ =	shalt  }
0x4a: {  	_ =	shalt  }
0x4b: {  	_ =	shalt  }
0x4c: {  	_ =	shalt  }
0x4d: {  	_ =	shalt  }
0x4e: {  	_ =	shalt  }
0x4f: {  	_ =	shalt  }
0x50: {  	_ =	shalt  }
0x51: {  	_ =	shalt  }
0x52: {  	_ =	shalt  }
0x53: {  	_ =	shalt  }
0x54: {  	_ =	shalt  }
0x55: {  	_ =	shalt  }
0x56: {  	_ =	shalt  }
0x57: {  	_ =	shalt  }
0x58: {  	_ =	shalt  }
0x59: {  	_ =	shalt  }
0x5a: {  	_ =	shalt  }
0x5b: {  	_ =	shalt  }
0x5c: {  	_ =	shalt  }
0x5d: {  	_ =	shalt  }
0x5e: {  	_ =	shalt  }
0x5f: {  	_ =	shalt  }
0x60: {  	_ =	shalt  }
0x61: {  	_ =	shalt  }
0x62: {  	_ =	shalt  }
0x63: {  	_ =	shalt  }
0x64: {  	_ =	shalt  }
0x65: {  	_ =	shalt  }
0x66: {  	_ =	shalt  }
0x67: {  	_ =	shalt  }
0x68: {  	_ =	shalt  }
0x69: {  	_ =	shalt  }
0x6a: {  	_ =	shalt  }
0x6b: {  	_ =	shalt  }
0x6c: {  	_ =	shalt  }
0x6d: {  	_ =	shalt  }
0x6e: {  	_ =	shalt  }
0x6f: {  	_ =	shalt  }
0x70: {  	_ =	shalt  }
0x71: {  	_ =	shalt  }
0x72: {  	_ =	shalt  }
0x73: {  	_ =	shalt  }
0x74: {  	_ =	shalt  }
0x75: {  	_ =	shalt  }
0x76: {  	_ =	shalt  }
0x77: {  	_ =	shalt  }
0x78: {  	_ =	shalt  }
0x79: {  	_ =	shalt  }
0x7a: {  	_ =	shalt  }
0x7b: {  	_ =	shalt  }
0x7c: {  	_ =	shalt  }
0x7d: {  	_ =	shalt  }
0x7e: {  	_ =	shalt  }
0x7f: {  	_ =	shalt  }
0x80: {  	_ =	shalt  }
0x81: {  	_ =	shalt  }
0x82: {  	_ =	shalt  }
0x83: {  	_ =	shalt  }
0x84: {  	_ =	shalt  }
0x85: {  	_ =	shalt  }
0x86: {  	_ =	shalt  }
0x87: {  	_ =	shalt  }
.Lfunc_end0:
.L_simem_size_0:
called_computation.1_lowered:
.L_overlay_start_0:
0x88: {  	s2 =	sld [smem:$0x3FD9]  }
0x89: {  	s3 =	sld [smem:$0x3FFE];
	_ =	sdelay $0x1  }
0x8a: {  	s1 =	srdreg.scid  }
0x8b: {  	s0 =	sand.u32 $0x1, s1  }
0x8c: {  	s17 =	sshll.u32 s0, $0xA;
	s2 =	sadd.s32 s3, s2  }
0x8d: {  	s2 =	sadd.s32 s2, s17  }
0x8e: {  	[smem:$0x3FC2] =	sst s2  }
0x8f: {  	_ = 	snop  }
0x90: {  	s2 =	sld [smem:$0x3FD0];
	(tm) =	ssettm $0x1  }
0x91: {  	s18 =	sld [smem:$0x3FFB];
	_ =	sdelay $0x3  }
0x92: {  	_ =	strace s18  }
0x93: {  	s3 =	sld [smem:$0x3FFC];
	_ =	sdelay $0x3  }
0x94: {  	_ =	strace s3  }
0x95: {  	s3 =	sld [smem:$0x3FFD];
	_ =	sdelay $0x3  }
0x96: {  	_ =	strace s3  }
0x97: {  	_ =	strace $0x8FFFFFFF  }
0x98: {  	s19 =	sld [smem:$0x3FDB];
	_ =	sdelay $0x1  }
0x99: {  	s4 =	simm.s32 $_scs_section_size  }
0x9a: {  	s5 =	simm.s32 $_size__tile_overlayer_lowered;
	s6 =	simm.s32 $_tile_overlayer_lowered  }
0x9b: {  	s22 =	simm.s32 $0x1BFF;
	s21 =	sshll.u32 s6, $0x1;
	s3 =	sadd.s32 s4, s19  }
0x9c: {  	s7 =	simm.s32 $0x0;
	s20 =	sshll.u32 s5, $0x1;
	s5 =	sadd.s32 s21, s3  }
0x9d: {  	[timem:s7], [sflag:s22] =	dma.local [hbm:s5], s20  }
0x9e: {  	_ =	swait.ge [sflag:s22], s20  }
0x9f: {  	s4 =	ssub.s32 $0x0, s20;
	[sflag:s22] =	ssyncset.done $0x0  }
0xa0: {  	[sflag:s22] =	ssyncadd.s32 s4;
	_ =	sdelay $0x1  }
0xa1: {  	s23 =	simm.s32 $0x1B8B  }
0xa2: {  	_ =	swait.ge [sflag:s23], $0x1  }
0xa3: {  	[sflag:s23] =	ssyncset.done $0x0  }
0xa4: {  	s25 =	simm.s32 $0x1B8E;
	s24 =	sld [smem:$0x3FFE];
	[sflag:s23] =	ssyncadd.s32 $0xFFFFFFFF  }
0xa5: {  	s26 =	simm.s32 $execute0_lowered;
	[smem:$0x3FD2] =	sst s25  }
0xa6: {  	s5 =	sshll.u32 s26, $0x1;
	_ =	strace $0x80000049;
	[dreg:$0x1] =	wrdreg $0xFFFFFFFF  }
0xa7: {  	s28 =	simm.s32 $_size_execute0_lowered;
	s3 =	sadd.s32 s3, s5;
	[dreg:$0x0] =	wrdreg $0x0  }
0xa8: {  	s5 =	sshll.u32 s28, $0x1;
	[dreg:$0x2] =	wrdreg s3  }
0xa9: {  	[dreg:$0x3] =	wrdreg s5  }
0xaa: {  	[dreg:$0x4] =	wrdreg $0xC0  }
0xab: {  	_ =	task [dreg:s7], $0x5FFFF  }
0xac: {  	[dreg:$0x1] =	wrdreg $0xFFFFFFFF  }
0xad: {  	[dreg:$0x0] =	wrdreg $0x60  }
0xae: {  	[dreg:$0x2] =	wrdreg s24  }
0xaf: {  	[dreg:$0x3] =	wrdreg s2  }
0xb0: {  	[dreg:$0x4] =	wrdreg $0x9  }
0xb1: {  	_ =	task.clear_ibuf [dreg:s7], $0x5FFFF;
	_ =	strace $0x90000049  }
0xb2: {  	s29 =	simm.s32 $0x9;
	_ =	strace $0x8000004B  }
0xb3: {  	_ =	swait.ge [sflag:s29], $0x1  }
0xb4: {  	[sflag:s29] =	ssyncadd.s32 $0xFFFFFFFF  }
0xb5: {  	_ =	strace $0x9000004B  }
0xb6: {  	_ =	sfence  }
0xb7: {  	s30 =	sld [smem:$0x0];
	_ =	sdelay $0x2  }
0xb8: {  	s31 =	sshll.u32 s1, $0xD;
	s1 =	sshrl.u32 s1, $0x2  }
0xb9: {  	s3 =	sand.u32 $0x4000, s31;
	s1 =	sadd.s32 s1, s30  }
0xba: {  	s0 =	sor.u32 s3, s0;
	s1 =	sshll.u32 s1, $0x11  }
0xbb: {  	s0 =	sor.u32 s1, s0  }
0xbc: {  	s0 =	sadd.s32 $0x8F2B, s0  }
0xbd: {  	[sflag:s0] =	ssyncadd.remote.s32 $0x1  }
0xbe: {  	_ =	sfence.sel $0xFFFF  }
0xbf: {  	[dreg:$0x0] =	wrdreg $0xFFFFFFFF;
	(pc) =	sbr.abs _section_cstart, $3  }
0xc0: {  	[dreg:$0x1] =	wrdreg $0xFFFFFFFF  }
0xc1: {  	_ =	task.clear_ibuf [dreg:s7], $0x2FFFF;
	_ =	strace $0x9FFFFFFF  }
0xc2: {  	(tm) =	ssettm $0x7FFFFFFF  }
0xc3: {  	_ =	shalt  }
tec
execute0_lowered:
.L_overlay_start_1:
0x0: {  	(tag) =	ssettag $0x1  }
0x1: {  	s0 =	rddreg [dreg:$0x0]  }
0x2: {  	s2 =	rddreg [dreg:$0x1]  }
0x3: {  	s1 =	srdreg.scid;
	s4 =	stileid.u32  }
0x4: {  	s3 =	simm.s32 $0x0;
	s14 =	simm.s32 $0x3;
	s15 =	simm.s32 $0x80  }
0x5: {  	s16 =	simm.s32 $0x300;
	s17 =	simm.s32 $0xA300;
	s30 =	simm.s32 $0x10300  }
0x6: {  	s31 =	simm.s32 $0x10B00;
	s10 =	simm.s32 $0x12B00;
	s13 =	simm.s32 $0x13300  }
0x7: {  	s12 =	simm.s32 $0x13B00;
	s18 =	simm.s32 $0x1;
	s19 =	simm.s32 $0x2  }
0x8: {  	s21 =	simm.s32 $0x0;
	s1 =	sand.u32 $0x1, s1;
	s4 =	sshll.u32 s4, $0x1  }
0x9: {  	[smem:$0x7FF] =	sst s3;
	s6 =	sadd.s32 $0x2400, s0;
	s5 =	sor.u32 s1, s4  }
0xa: {  	s7 =	sadd.s32 $0xA7400, s0;
	s1 =	ssub.s32 $0x2, s1;
	s5 =	smul.u32 $0x1400, s5  }
0xb: {  	s8 =	sadd.s32 $0x5A7400, s0;
	_ =	strace $0x8000004A;
	s25 =	sshrl.u32 s1, $0x1  }
0xc: {  	s4 =	sadd.s32 $0x57400, s0;
	s0 =	ssub.s32 s1, s25;
	s29 =	sor.u32 $0xA0, s5  }
0xd: {  	s9 =	sshrl.u32 s5, $0x3;
	s0 =	smax.u32 s0, $0x1;
	[dreg:$0x5] =	wrdreg s29  }
0xe: {  	v3 =	vlaneseq.u32;
	s1 =	simm.s32 $0x11B00;
	s26 =	sadd.s32 s6, s9;
	[dreg:$0x6] =	wrdreg s0  }
0xf: {  	v0 =	vimm.s32 $0x0;
	vm0 =	vmmov $0xffff;
	v2 =	vshrl.u32 v3, $0x3;
	s11 =	sor.u32 $0x50, s5;
	s28 =	sadd.s32 s2, s9;
	[dreg:$0x3] =	wrdreg s26  }
0x10: {  	v1 =	vand.u32 $0x7, v3;
	v3 =	vor.u32 $0x8, v3;
	v2 =	vmul.u32 $0x8, v2;
	s0 =	simm.s32 $0x11300;
	s9 =	simm.s32 $0x12300;
	[dreg:$0x4] =	wrdreg s28  }
.LBB2_1:
0x11: {  	[dreg:$0x7] =	wrdreg s21  }
0x12: {  	s20 =	rddreg [dreg:$0x3]  }
0x13: {  	[tilespmem:s3], [sflag:$0x3] =	stream.linear.gather [hbm4b:s20+s3], $0x50, $0x38;
	[tilespmem:$0x14300] =	vst v63  }
0x14: {  	_ =	swait.ge [sflag:s14], $0x50  }
0x15: {  	[sflag:s14] =	ssyncset.done $0x0  }
0x16: {  	s25 =	rddreg [dreg:$0x4];
	[sflag:s14] =	ssyncadd.s32 $0xFFFFFFB0  }
0x17: {  	[tilespmem:s15], [sflag:$0x3] =	stream.linear.gather [hbm4b:s25+s3], $0x50, $0x38;
	[tilespmem:$0x14300] =	vst v63  }
0x18: {  	_ =	swait.ge [sflag:s14], $0x50  }
0x19: {  	[sflag:s14] =	ssyncset.done $0x0  }
0x1a: {  	[sflag:s14] =	ssyncadd.s32 $0xFFFFFFB0  }
0x1b: {  	v4 =	vld [tilespmem:$0x0]  }
0x1c: {  	v5 =	vld [tilespmem:$0x80];
	_ =	sdelay $0x1  }
0x1d: {  	v6 =	vld [tilespmem:$0x10]  }
0x1e: {  	v7 =	vld [tilespmem:$0x90]  }
0x1f: {  	v8 =	vld [tilespmem:$0x20];
	vm1 =	vgt.s32 v4, $0x1387  }
0x20: {  	v10 =	vld [tilespmem:$0xA0];
	v9 =	vsel vm1, $0x78, v0;
	vm1 =	vgt.s32 v5, $0x1387  }
0x21: {  	v11 =	vld [tilespmem:$0x30];
	v4 =	vadd.s32 v4, v9;
	v50 =	vsel vm1, $0x78, v0  }
0x22: {  	v13 =	vld [tilespmem:$0xB0];
	vm2 =	vgt.s32 v6, $0x1387;
	vm1 =	vlt.s32 v5, $0x0;
	[tilespmem:$0x100] =	vst v4;
	v4 =	vadd.s32 v5, v50  }
0x23: {  	v5 =	vsel vm2, $0x78, v0;
	v4 =	vsel vm1, $0x0, v4;
	vm1 =	vgt.s32 v7, $0x1387;
	v51 =	vld [tilespmem:$0x100]  }
0x24: {  	vm2 =	vlt.s32 v7, $0x0;
	v52 =	vsel vm1, $0x78, v0;
	vm1 =	vgt.s32 v8, $0x1387  }
0x25: {  	v5 =	vadd.s32 v6, v5;
	v12 =	vsel vm1, $0x78, v0;
	vm1 =	vgt.s32 v10, $0x1387  }
0x26: {  	v14 =	vld [tilespmem:$0x40];
	v6 =	vadd.s32 v7, v52;
	v53 =	vsel vm1, $0x78, v0;
	vm1 =	vgt.s32 v11, $0x1387  }
0x27: {  	[tilespmem:$0x180] =	vst v4;
	v8 =	vadd.s32 v8, v12;
	v4 =	vsel vm2, $0x0, v6;
	vm2 =	vlt.s32 v13, $0x0  }
0x28: {  	v56 =	vld [tilespmem:$0xC0];
	v7 =	vadd.s32 v10, v53;
	v54 =	vsel vm1, $0x78, v0;
	v57 =	vshll.u32 v51, $0x1  }
0x29: {  	vm1 =	vlt.s32 v10, $0x0;
	v58 =	vand.u32 $0x7, v51;
	v59 =	vand.u32 $0xFFFFFFF0, v57  }
0x2a: {  	[tilespmem:$0x110] =	vst v5;
	v5 =	vsel vm1, $0x0, v7;
	vm1 =	vgt.s32 v13, $0x1387;
	v6 =	vor.u32 v58, v59  }
0x2b: {  	[tilespmem:$0x190] =	vst v4;
	v4 =	vsel vm1, $0x78, v0;
	vm1 =	vgt.s32 v14, $0x1387;
	v60 =	vperm.xlane v6, v1  }
0x2c: {  	[tilespmem:$0x120] =	vst v8;
	v55 =	vadd.s32 v11, v54;
	v4 =	vadd.s32 v13, v4;
	v61 =	vsel vm1, $0x78, v0  }
0x2d: {  	[tilespmem:$0x1A0] =	vst v5;
	vm1 =	vgt.s32 v56, $0x1387;
	v6 =	vperm.xlane v6, v3;
	v5 =	vadd.s32 v2, v60  }
0x2e: {  	[tilespmem:$0x130] =	vst v55;
	v4 =	vsel vm2, $0x0, v4;
	v62 =	vadd.s32 v14, v61;
	v63 =	vsel vm1, $0x78, v0  }
0x2f: {  	vm1 =	vlt.s32 v56, $0x0;
	[tilespmem:$0x1B0] =	vst v4;
	v4 =	vadd.s32 v56, v63;
	v6 =	vadd.s32 v2, v6  }
0x30: {  	[tilespmem:$0x140] =	vst v62;
	v4 =	vsel vm1, $0x0, v4  }
0x31: {  	[tilespmem:$0x1C0] =	vst v4  }
0x32: {  	[tilespmem:s16], [sflag:$0x1] =	stream.indirect_vreg.gather [hbm4b:s4+s3], $0x80, v5, vm0, $0xb8;
	[tilespmem:$0x14300] =	vst v63  }
0x33: {  	s26 =	simm.s32 $0xB00  }
0x34: {  	[tilespmem:s26], [sflag:$0x1] =	stream.indirect_vreg.gather [hbm4b:s4+s3], $0x80, v6, vm0, $0xb8;
	[tilespmem:$0x14300] =	vst v63  }
0x35: {  	v4 =	vld [tilespmem:$0x110];
	_ =	sdelay $0x4  }
0x36: {  	v5 =	vshll.u32 v4, $0x1  }
0x37: {  	v4 =	vand.u32 $0x7, v4;
	v5 =	vand.u32 $0xFFFFFFF0, v5  }
0x38: {  	v4 =	vor.u32 v4, v5  }
0x39: {  	v5 =	vperm.xlane v4, v1;
	_ =	sdelay $0x1  }
0x3a: {  	v4 =	vperm.xlane v4, v3;
	v5 =	vadd.s32 v2, v5;
	_ =	sdelay $0x1  }
0x3b: {  	v4 =	vadd.s32 v2, v4;
	_ =	sdelay $0x1  }
0x3c: {  	s28 =	simm.s32 $0x1300  }
0x3d: {  	[tilespmem:s28], [sflag:$0x1] =	stream.indirect_vreg.gather [hbm4b:s4+s3], $0x80, v5, vm0, $0xb8;
	[tilespmem:$0x14300] =	vst v63  }
0x3e: {  	s29 =	simm.s32 $0x1B00  }
0x3f: {  	[tilespmem:s29], [sflag:$0x1] =	stream.indirect_vreg.gather [hbm4b:s4+s3], $0x80, v4, vm0, $0xb8;
	[tilespmem:$0x14300] =	vst v63  }
0x40: {  	v4 =	vld [tilespmem:$0x120];
	_ =	sdelay $0x4  }
0x41: {  	v5 =	vshll.u32 v4, $0x1  }
0x42: {  	v4 =	vand.u32 $0x7, v4;
	v5 =	vand.u32 $0xFFFFFFF0, v5  }
0x43: {  	v4 =	vor.u32 v4, v5  }
0x44: {  	v5 =	vperm.xlane v4, v1;
	_ =	sdelay $0x1  }
0x45: {  	v4 =	vperm.xlane v4, v3;
	v5 =	vadd.s32 v2, v5;
	_ =	sdelay $0x1  }
0x46: {  	v4 =	vadd.s32 v2, v4;
	_ =	sdelay $0x1  }
0x47: {  	s21 =	simm.s32 $0x2300  }
0x48: {  	[tilespmem:s21], [sflag:$0x1] =	stream.indirect_vreg.gather [hbm4b:s4+s3], $0x80, v5, vm0, $0xb8;
	[tilespmem:$0x14300] =	vst v63  }
0x49: {  	s22 =	simm.s32 $0x2B00  }
0x4a: {  	[tilespmem:s22], [sflag:$0x1] =	stream.indirect_vreg.gather [hbm4b:s4+s3], $0x80, v4, vm0, $0xb8;
	[tilespmem:$0x14300] =	vst v63  }
0x4b: {  	v4 =	vld [tilespmem:$0x130];
	_ =	sdelay $0x4  }
0x4c: {  	v5 =	vshll.u32 v4, $0x1  }
0x4d: {  	v4 =	vand.u32 $0x7, v4;
	v5 =	vand.u32 $0xFFFFFFF0, v5  }
0x4e: {  	v4 =	vor.u32 v4, v5  }
0x4f: {  	v5 =	vperm.xlane v4, v1;
	_ =	sdelay $0x1  }
0x50: {  	v4 =	vperm.xlane v4, v3;
	v5 =	vadd.s32 v2, v5;
	_ =	sdelay $0x1  }
0x51: {  	v4 =	vadd.s32 v2, v4;
	_ =	sdelay $0x1  }
0x52: {  	s23 =	simm.s32 $0x3300  }
0x53: {  	[tilespmem:s23], [sflag:$0x1] =	stream.indirect_vreg.gather [hbm4b:s4+s3], $0x80, v5, vm0, $0xb8;
	[tilespmem:$0x14300] =	vst v63  }
0x54: {  	s24 =	simm.s32 $0x3B00  }
0x55: {  	[tilespmem:s24], [sflag:$0x1] =	stream.indirect_vreg.gather [hbm4b:s4+s3], $0x80, v4, vm0, $0xb8;
	[tilespmem:$0x14300] =	vst v63  }
0x56: {  	v4 =	vld [tilespmem:$0x140];
	_ =	sdelay $0x4  }
0x57: {  	v5 =	vshll.u32 v4, $0x1  }
0x58: {  	v4 =	vand.u32 $0x7, v4;
	v5 =	vand.u32 $0xFFFFFFF0, v5  }
0x59: {  	v4 =	vor.u32 v4, v5  }
0x5a: {  	v5 =	vperm.xlane v4, v1;
	_ =	sdelay $0x1  }
0x5b: {  	v4 =	vperm.xlane v4, v3;
	v5 =	vadd.s32 v2, v5;
	_ =	sdelay $0x1  }
0x5c: {  	v4 =	vadd.s32 v2, v4;
	_ =	sdelay $0x1  }
0x5d: {  	s25 =	simm.s32 $0x4300  }
0x5e: {  	[tilespmem:s25], [sflag:$0x1] =	stream.indirect_vreg.gather [hbm4b:s4+s3], $0x80, v5, vm0, $0xb8;
	[tilespmem:$0x14300] =	vst v63  }
0x5f: {  	s26 =	simm.s32 $0x4B00  }
0x60: {  	[tilespmem:s26], [sflag:$0x1] =	stream.indirect_vreg.gather [hbm4b:s4+s3], $0x80, v4, vm0, $0xb8;
	[tilespmem:$0x14300] =	vst v63  }
0x61: {  	v4 =	vld [tilespmem:$0x180];
	_ =	sdelay $0x4  }
0x62: {  	v5 =	vshll.u32 v4, $0x1  }
0x63: {  	v4 =	vand.u32 $0x7, v4;
	v5 =	vand.u32 $0xFFFFFFF0, v5  }
0x64: {  	v4 =	vor.u32 v4, v5  }
0x65: {  	v5 =	vperm.xlane v4, v1;
	_ =	sdelay $0x1  }
0x66: {  	v4 =	vperm.xlane v4, v3;
	v5 =	vadd.s32 v2, v5;
	_ =	sdelay $0x1  }
0x67: {  	v4 =	vadd.s32 v2, v4;
	_ =	sdelay $0x1  }
0x68: {  	s28 =	simm.s32 $0x5300  }
0x69: {  	[tilespmem:s28], [sflag:$0x1] =	stream.indirect_vreg.gather [hbm4b:s4+s3], $0x80, v5, vm0, $0xb8;
	[tilespmem:$0x14300] =	vst v63  }
0x6a: {  	s29 =	simm.s32 $0x5B00  }
0x6b: {  	[tilespmem:s29], [sflag:$0x1] =	stream.indirect_vreg.gather [hbm4b:s4+s3], $0x80, v4, vm0, $0xb8;
	[tilespmem:$0x14300] =	vst v63  }
0x6c: {  	v4 =	vld [tilespmem:$0x190];
	_ =	sdelay $0x4  }
0x6d: {  	v5 =	vshll.u32 v4, $0x1  }
0x6e: {  	v4 =	vand.u32 $0x7, v4;
	v5 =	vand.u32 $0xFFFFFFF0, v5  }
0x6f: {  	v4 =	vor.u32 v4, v5  }
0x70: {  	v5 =	vperm.xlane v4, v1;
	_ =	sdelay $0x1  }
0x71: {  	v4 =	vperm.xlane v4, v3;
	v5 =	vadd.s32 v2, v5;
	_ =	sdelay $0x1  }
0x72: {  	v4 =	vadd.s32 v2, v4;
	_ =	sdelay $0x1  }
0x73: {  	s21 =	simm.s32 $0x6300  }
0x74: {  	[tilespmem:s21], [sflag:$0x1] =	stream.indirect_vreg.gather [hbm4b:s4+s3], $0x80, v5, vm0, $0xb8;
	[tilespmem:$0x14300] =	vst v63  }
0x75: {  	s22 =	simm.s32 $0x6B00  }
0x76: {  	[tilespmem:s22], [sflag:$0x1] =	stream.indirect_vreg.gather [hbm4b:s4+s3], $0x80, v4, vm0, $0xb8;
	[tilespmem:$0x14300] =	vst v63  }
0x77: {  	v4 =	vld [tilespmem:$0x1A0];
	_ =	sdelay $0x4  }
0x78: {  	v5 =	vshll.u32 v4, $0x1  }
0x79: {  	v4 =	vand.u32 $0x7, v4;
	v5 =	vand.u32 $0xFFFFFFF0, v5  }
0x7a: {  	v4 =	vor.u32 v4, v5  }
0x7b: {  	v5 =	vperm.xlane v4, v1;
	_ =	sdelay $0x1  }
0x7c: {  	v4 =	vperm.xlane v4, v3;
	v5 =	vadd.s32 v2, v5;
	_ =	sdelay $0x1  }
0x7d: {  	v4 =	vadd.s32 v2, v4;
	_ =	sdelay $0x1  }
0x7e: {  	s23 =	simm.s32 $0x7300  }
0x7f: {  	[tilespmem:s23], [sflag:$0x1] =	stream.indirect_vreg.gather [hbm4b:s4+s3], $0x80, v5, vm0, $0xb8;
	[tilespmem:$0x14300] =	vst v63  }
0x80: {  	s24 =	simm.s32 $0x7B00  }
0x81: {  	[tilespmem:s24], [sflag:$0x1] =	stream.indirect_vreg.gather [hbm4b:s4+s3], $0x80, v4, vm0, $0xb8;
	[tilespmem:$0x14300] =	vst v63  }
0x82: {  	v4 =	vld [tilespmem:$0x1B0];
	_ =	sdelay $0x4  }
0x83: {  	v5 =	vshll.u32 v4, $0x1  }
0x84: {  	v4 =	vand.u32 $0x7, v4;
	v5 =	vand.u32 $0xFFFFFFF0, v5  }
0x85: {  	v4 =	vor.u32 v4, v5  }
0x86: {  	v5 =	vperm.xlane v4, v1;
	_ =	sdelay $0x1  }
0x87: {  	v4 =	vperm.xlane v4, v3;
	v5 =	vadd.s32 v2, v5;
	_ =	sdelay $0x1  }
0x88: {  	v4 =	vadd.s32 v2, v4;
	_ =	sdelay $0x1  }
0x89: {  	s25 =	simm.s32 $0x8300  }
0x8a: {  	[tilespmem:s25], [sflag:$0x1] =	stream.indirect_vreg.gather [hbm4b:s4+s3], $0x80, v5, vm0, $0xb8;
	[tilespmem:$0x14300] =	vst v63  }
0x8b: {  	s26 =	simm.s32 $0x8B00  }
0x8c: {  	[tilespmem:s26], [sflag:$0x1] =	stream.indirect_vreg.gather [hbm4b:s4+s3], $0x80, v4, vm0, $0xb8;
	[tilespmem:$0x14300] =	vst v63  }
0x8d: {  	v4 =	vld [tilespmem:$0x1C0];
	_ =	sdelay $0x4  }
0x8e: {  	v5 =	vshll.u32 v4, $0x1  }
0x8f: {  	v4 =	vand.u32 $0x7, v4;
	v5 =	vand.u32 $0xFFFFFFF0, v5  }
0x90: {  	v4 =	vor.u32 v4, v5  }
0x91: {  	v5 =	vperm.xlane v4, v1;
	_ =	sdelay $0x1  }
0x92: {  	v4 =	vperm.xlane v4, v3;
	v5 =	vadd.s32 v2, v5;
	_ =	sdelay $0x1  }
0x93: {  	v4 =	vadd.s32 v2, v4;
	_ =	sdelay $0x1  }
0x94: {  	s28 =	simm.s32 $0x9300  }
0x95: {  	[tilespmem:s28], [sflag:$0x1] =	stream.indirect_vreg.gather [hbm4b:s4+s3], $0x80, v5, vm0, $0xb8;
	[tilespmem:$0x14300] =	vst v63  }
0x96: {  	s20 =	simm.s32 $0x0;
	s29 =	simm.s32 $0x9B00  }
0x97: {  	[tilespmem:s29], [sflag:$0x1] =	stream.indirect_vreg.gather [hbm4b:s4+s3], $0x80, v4, vm0, $0xb8;
	[tilespmem:$0x14300] =	vst v63  }
.LBB2_2:
0x98: {  	s22 =	smul.u32 $0xA0, s20;
	_ =	sdelay $0x1  }
0x99: {  	s21 =	sadd.s32 s22, s11  }
0x9a: {  	s24 =	sshrl.u32 s21, $0x3  }
0x9b: {  	s23 =	simm.s32 $0x0;
	s25 =	sadd.s32 s6, s24  }
0x9c: {  	[tilespmem:s23], [sflag:$0x3] =	stream.linear.gather [hbm4b:s25+s23], $0x50, $0x38;
	[tilespmem:$0x14300] =	vst v63  }
0x9d: {  	_ =	swait.ge [sflag:s14], $0x50  }
0x9e: {  	[sflag:s14] =	ssyncset.done $0x0  }
0x9f: {  	s24 =	sadd.s32 s2, s24;
	[sflag:s14] =	ssyncadd.s32 $0xFFFFFFB0  }
0xa0: {  	[tilespmem:s15], [sflag:$0x3] =	stream.linear.gather [hbm4b:s24+s23], $0x50, $0x38;
	[tilespmem:$0x14300] =	vst v63  }
0xa1: {  	_ =	swait.ge [sflag:s14], $0x50  }
0xa2: {  	[sflag:s14] =	ssyncset.done $0x0  }
0xa3: {  	[sflag:s14] =	ssyncadd.s32 $0xFFFFFFB0  }
0xa4: {  	v4 =	vld [tilespmem:$0x0]  }
0xa5: {  	v5 =	vld [tilespmem:$0x80];
	_ =	sdelay $0x1  }
0xa6: {  	v6 =	vld [tilespmem:$0x90]  }
0xa7: {  	v7 =	vld [tilespmem:$0x10]  }
0xa8: {  	v8 =	vld [tilespmem:$0x20];
	vm1 =	vgt.s32 v4, $0x1387  }
0xa9: {  	v10 =	vld [tilespmem:$0xA0];
	v9 =	vsel vm1, $0x78, v0;
	vm1 =	vgt.s32 v5, $0x1387  }
0xaa: {  	v4 =	vadd.s32 v4, v9;
	v9 =	vsel vm1, $0x78, v0  }
0xab: {  	vm2 =	vgt.s32 v6, $0x1387;
	vm1 =	vlt.s32 v5, $0x0;
	[tilespmem:$0x200] =	vst v4;
	v4 =	vadd.s32 v5, v9;
	v5 =	vld [tilespmem:$0x30]  }
0xac: {  	v9 =	vsel vm2, $0x78, v0;
	v4 =	vsel vm1, $0x0, v4;
	vm1 =	vgt.s32 v7, $0x1387;
	v11 =	vld [tilespmem:$0x200]  }
0xad: {  	v9 =	vadd.s32 v6, v9;
	v12 =	vsel vm1, $0x78, v0;
	vm1 =	vlt.s32 v6, $0x0  }
0xae: {  	vm2 =	vgt.s32 v10, $0x1387;
	v6 =	vsel vm1, $0x0, v9;
	vm1 =	vgt.s32 v8, $0x1387;
	v9 =	vld [tilespmem:$0xB0]  }
0xaf: {  	v13 =	vsel vm2, $0x78, v0;
	v7 =	vadd.s32 v7, v12;
	v12 =	vsel vm1, $0x78, v0  }
0xb0: {  	v14 =	vld [tilespmem:$0x40];
	vm1 =	vlt.s32 v10, $0x0;
	v8 =	vadd.s32 v8, v12;
	v12 =	vadd.s32 v10, v13  }
0xb1: {  	v10 =	vsel vm1, $0x0, v12;
	vm1 =	vgt.s32 v5, $0x1387;
	v12 =	vld [tilespmem:$0xC0];
	v13 =	vshll.u32 v11, $0x1  }
0xb2: {  	[tilespmem:$0x280] =	vst v4;
	v11 =	vand.u32 $0x7, v11;
	v4 =	vsel vm1, $0x78, v0;
	v13 =	vand.u32 $0xFFFFFFF0, v13  }
0xb3: {  	[tilespmem:$0x210] =	vst v7;
	v4 =	vadd.s32 v5, v4;
	vm1 =	vgt.s32 v9, $0x1387;
	v5 =	vor.u32 v11, v13  }
0xb4: {  	[tilespmem:$0x290] =	vst v6;
	vm2 =	vlt.s32 v9, $0x0;
	v6 =	vsel vm1, $0x78, v0;
	v7 =	vperm.xlane v5, v1  }
0xb5: {  	[tilespmem:$0x220] =	vst v8;
	vm1 =	vgt.s32 v14, $0x1387;
	v5 =	vperm.xlane v5, v3;
	v6 =	vadd.s32 v9, v6  }
0xb6: {  	[tilespmem:$0x2A0] =	vst v10;
	v8 =	vsel vm1, $0x78, v0;
	vm1 =	vgt.s32 v12, $0x1387;
	v7 =	vadd.s32 v2, v7  }
0xb7: {  	[tilespmem:$0x230] =	vst v4;
	v6 =	vsel vm2, $0x0, v6;
	v4 =	vadd.s32 v14, v8;
	v8 =	vsel vm1, $0x78, v0  }
0xb8: {  	v5 =	vadd.s32 v2, v5;
	[tilespmem:$0x2B0] =	vst v6;
	vm1 =	vlt.s32 v12, $0x0;
	v6 =	vadd.s32 v12, v8  }
0xb9: {  	[tilespmem:$0x240] =	vst v4;
	v4 =	vsel vm1, $0x0, v6  }
0xba: {  	[tilespmem:$0x2C0] =	vst v4  }
0xbb: {  	[tilespmem:s17], [sflag:$0x2] =	stream.indirect_vreg.gather [hbm4b:s4+s23], $0x80, v7, vm0, $0xb8;
	[tilespmem:$0x14300] =	vst v63  }
0xbc: {  	s28 =	simm.s32 $0xAB00  }
0xbd: {  	[tilespmem:s28], [sflag:$0x2] =	stream.indirect_vreg.gather [hbm4b:s4+s23], $0x80, v5, vm0, $0xb8;
	[tilespmem:$0x14300] =	vst v63  }
0xbe: {  	v4 =	vld [tilespmem:$0x210];
	_ =	sdelay $0x4  }
0xbf: {  	v5 =	vshll.u32 v4, $0x1  }
0xc0: {  	v4 =	vand.u32 $0x7, v4;
	v5 =	vand.u32 $0xFFFFFFF0, v5  }
0xc1: {  	v4 =	vor.u32 v4, v5  }
0xc2: {  	v5 =	vperm.xlane v4, v1;
	_ =	sdelay $0x1  }
0xc3: {  	v4 =	vperm.xlane v4, v3;
	v5 =	vadd.s32 v2, v5;
	_ =	sdelay $0x1  }
0xc4: {  	v4 =	vadd.s32 v2, v4;
	_ =	sdelay $0x1  }
0xc5: {  	s29 =	simm.s32 $0xB300  }
0xc6: {  	[tilespmem:s29], [sflag:$0x2] =	stream.indirect_vreg.gather [hbm4b:s4+s23], $0x80, v5, vm0, $0xb8;
	[tilespmem:$0x14300] =	vst v63  }
0xc7: {  	s25 =	simm.s32 $0xBB00  }
0xc8: {  	[tilespmem:s25], [sflag:$0x2] =	stream.indirect_vreg.gather [hbm4b:s4+s23], $0x80, v4, vm0, $0xb8;
	[tilespmem:$0x14300] =	vst v63  }
0xc9: {  	v4 =	vld [tilespmem:$0x220];
	_ =	sdelay $0x4  }
0xca: {  	v5 =	vshll.u32 v4, $0x1  }
0xcb: {  	v4 =	vand.u32 $0x7, v4;
	v5 =	vand.u32 $0xFFFFFFF0, v5  }
0xcc: {  	v4 =	vor.u32 v4, v5  }
0xcd: {  	v5 =	vperm.xlane v4, v1;
	_ =	sdelay $0x1  }
0xce: {  	v4 =	vperm.xlane v4, v3;
	v5 =	vadd.s32 v2, v5;
	_ =	sdelay $0x1  }
0xcf: {  	v4 =	vadd.s32 v2, v4;
	_ =	sdelay $0x1  }
0xd0: {  	s26 =	simm.s32 $0xC300  }
0xd1: {  	[tilespmem:s26], [sflag:$0x2] =	stream.indirect_vreg.gather [hbm4b:s4+s23], $0x80, v5, vm0, $0xb8;
	[tilespmem:$0x14300] =	vst v63  }
0xd2: {  	s28 =	simm.s32 $0xCB00  }
0xd3: {  	[tilespmem:s28], [sflag:$0x2] =	stream.indirect_vreg.gather [hbm4b:s4+s23], $0x80, v4, vm0, $0xb8;
	[tilespmem:$0x14300] =	vst v63  }
0xd4: {  	v4 =	vld [tilespmem:$0x230];
	_ =	sdelay $0x4  }
0xd5: {  	v5 =	vshll.u32 v4, $0x1  }
0xd6: {  	v4 =	vand.u32 $0x7, v4;
	v5 =	vand.u32 $0xFFFFFFF0, v5  }
0xd7: {  	v4 =	vor.u32 v4, v5  }
0xd8: {  	v5 =	vperm.xlane v4, v1;
	_ =	sdelay $0x1  }
0xd9: {  	v4 =	vperm.xlane v4, v3;
	v5 =	vadd.s32 v2, v5;
	_ =	sdelay $0x1  }
0xda: {  	v4 =	vadd.s32 v2, v4;
	_ =	sdelay $0x1  }
0xdb: {  	s29 =	simm.s32 $0xD300  }
0xdc: {  	[tilespmem:s29], [sflag:$0x2] =	stream.indirect_vreg.gather [hbm4b:s4+s23], $0x80, v5, vm0, $0xb8;
	[tilespmem:$0x14300] =	vst v63  }
0xdd: {  	s25 =	simm.s32 $0xDB00  }
0xde: {  	[tilespmem:s25], [sflag:$0x2] =	stream.indirect_vreg.gather [hbm4b:s4+s23], $0x80, v4, vm0, $0xb8;
	[tilespmem:$0x14300] =	vst v63  }
0xdf: {  	v4 =	vld [tilespmem:$0x240];
	_ =	sdelay $0x4  }
0xe0: {  	v5 =	vshll.u32 v4, $0x1  }
0xe1: {  	v4 =	vand.u32 $0x7, v4;
	v5 =	vand.u32 $0xFFFFFFF0, v5  }
0xe2: {  	v4 =	vor.u32 v4, v5  }
0xe3: {  	v5 =	vperm.xlane v4, v1;
	_ =	sdelay $0x1  }
0xe4: {  	v4 =	vperm.xlane v4, v3;
	v5 =	vadd.s32 v2, v5;
	_ =	sdelay $0x1  }
0xe5: {  	v4 =	vadd.s32 v2, v4;
	_ =	sdelay $0x1  }
0xe6: {  	s26 =	simm.s32 $0xE300  }
0xe7: {  	[tilespmem:s26], [sflag:$0x2] =	stream.indirect_vreg.gather [hbm4b:s4+s23], $0x80, v5, vm0, $0xb8;
	[tilespmem:$0x14300] =	vst v63  }
0xe8: {  	s28 =	simm.s32 $0xEB00  }
0xe9: {  	[tilespmem:s28], [sflag:$0x2] =	stream.indirect_vreg.gather [hbm4b:s4+s23], $0x80, v4, vm0, $0xb8;
	[tilespmem:$0x14300] =	vst v63  }
0xea: {  	v4 =	vld [tilespmem:$0x280];
	_ =	sdelay $0x4  }
0xeb: {  	v5 =	vshll.u32 v4, $0x1  }
0xec: {  	v4 =	vand.u32 $0x7, v4;
	v5 =	vand.u32 $0xFFFFFFF0, v5  }
0xed: {  	v4 =	vor.u32 v4, v5  }
0xee: {  	v5 =	vperm.xlane v4, v1;
	_ =	sdelay $0x1  }
0xef: {  	v4 =	vperm.xlane v4, v3;
	v5 =	vadd.s32 v2, v5;
	_ =	sdelay $0x1  }
0xf0: {  	v4 =	vadd.s32 v2, v4;
	_ =	sdelay $0x1  }
0xf1: {  	s29 =	simm.s32 $0xF300  }
0xf2: {  	[tilespmem:s29], [sflag:$0x2] =	stream.indirect_vreg.gather [hbm4b:s4+s23], $0x80, v5, vm0, $0xb8;
	[tilespmem:$0x14300] =	vst v63  }
0xf3: {  	s25 =	simm.s32 $0xFB00  }
0xf4: {  	[tilespmem:s25], [sflag:$0x2] =	stream.indirect_vreg.gather [hbm4b:s4+s23], $0x80, v4, vm0, $0xb8;
	[tilespmem:$0x14300] =	vst v63  }
0xf5: {  	v4 =	vld [tilespmem:$0x290];
	_ =	sdelay $0x4  }
0xf6: {  	v5 =	vshll.u32 v4, $0x1  }
0xf7: {  	v4 =	vand.u32 $0x7, v4;
	v5 =	vand.u32 $0xFFFFFFF0, v5  }
0xf8: {  	v4 =	vor.u32 v4, v5  }
0xf9: {  	v5 =	vperm.xlane v4, v1;
	_ =	sdelay $0x1  }
0xfa: {  	v4 =	vperm.xlane v4, v3;
	v5 =	vadd.s32 v2, v5;
	_ =	sdelay $0x1  }
0xfb: {  	v4 =	vadd.s32 v2, v4;
	_ =	sdelay $0x2  }
0xfc: {  	[tilespmem:s30], [sflag:$0x2] =	stream.indirect_vreg.gather [hbm4b:s4+s23], $0x80, v5, vm0, $0xb8;
	[tilespmem:$0x14300] =	vst v63  }
0xfd: {  	_ = 	snop  }
0xfe: {  	[tilespmem:s31], [sflag:$0x2] =	stream.indirect_vreg.gather [hbm4b:s4+s23], $0x80, v4, vm0, $0xb8;
	[tilespmem:$0x14300] =	vst v63  }
0xff: {  	v4 =	vld [tilespmem:$0x2A0];
	_ =	sdelay $0x4  }
0x100: {  	v5 =	vshll.u32 v4, $0x1  }
0x101: {  	v4 =	vand.u32 $0x7, v4;
	v5 =	vand.u32 $0xFFFFFFF0, v5  }
0x102: {  	v4 =	vor.u32 v4, v5  }
0x103: {  	v5 =	vperm.xlane v4, v1;
	_ =	sdelay $0x1  }
0x104: {  	v4 =	vperm.xlane v4, v3;
	v5 =	vadd.s32 v2, v5;
	_ =	sdelay $0x1  }
0x105: {  	v4 =	vadd.s32 v2, v4;
	_ =	sdelay $0x2  }
0x106: {  	[tilespmem:s0], [sflag:$0x2] =	stream.indirect_vreg.gather [hbm4b:s4+s23], $0x80, v5, vm0, $0xb8;
	[tilespmem:$0x14300] =	vst v63  }
0x107: {  	_ = 	snop  }
0x108: {  	[tilespmem:s1], [sflag:$0x2] =	stream.indirect_vreg.gather [hbm4b:s4+s23], $0x80, v4, vm0, $0xb8;
	[tilespmem:$0x14300] =	vst v63  }
0x109: {  	v4 =	vld [tilespmem:$0x2B0];
	_ =	sdelay $0x4  }
0x10a: {  	v5 =	vshll.u32 v4, $0x1  }
0x10b: {  	v4 =	vand.u32 $0x7, v4;
	v5 =	vand.u32 $0xFFFFFFF0, v5  }
0x10c: {  	v4 =	vor.u32 v4, v5  }
0x10d: {  	v5 =	vperm.xlane v4, v1;
	_ =	sdelay $0x1  }
0x10e: {  	v4 =	vperm.xlane v4, v3;
	v5 =	vadd.s32 v2, v5;
	_ =	sdelay $0x1  }
0x10f: {  	v4 =	vadd.s32 v2, v4;
	_ =	sdelay $0x2  }
0x110: {  	[tilespmem:s9], [sflag:$0x2] =	stream.indirect_vreg.gather [hbm4b:s4+s23], $0x80, v5, vm0, $0xb8;
	[tilespmem:$0x14300] =	vst v63  }
0x111: {  	_ = 	snop  }
0x112: {  	[tilespmem:s10], [sflag:$0x2] =	stream.indirect_vreg.gather [hbm4b:s4+s23], $0x80, v4, vm0, $0xb8;
	[tilespmem:$0x14300] =	vst v63  }
0x113: {  	v4 =	vld [tilespmem:$0x2C0];
	_ =	sdelay $0x4  }
0x114: {  	v5 =	vshll.u32 v4, $0x1  }
0x115: {  	v4 =	vand.u32 $0x7, v4;
	v5 =	vand.u32 $0xFFFFFFF0, v5  }
0x116: {  	v4 =	vor.u32 v4, v5  }
0x117: {  	v5 =	vperm.xlane v4, v1;
	_ =	sdelay $0x1  }
0x118: {  	v4 =	vperm.xlane v4, v3;
	v5 =	vadd.s32 v2, v5;
	_ =	sdelay $0x1  }
0x119: {  	v4 =	vadd.s32 v2, v4;
	_ =	sdelay $0x2  }
0x11a: {  	[tilespmem:s13], [sflag:$0x2] =	stream.indirect_vreg.gather [hbm4b:s4+s23], $0x80, v5, vm0, $0xb8;
	[tilespmem:$0x14300] =	vst v63  }
0x11b: {  	_ = 	snop  }
0x11c: {  	[tilespmem:s12], [sflag:$0x2] =	stream.indirect_vreg.gather [hbm4b:s4+s23], $0x80, v4, vm0, $0xb8;
	[tilespmem:$0x14300] =	vst v63  }
0x11d: {  	_ =	swait.ge [sflag:s18], $0x5000  }
0x11e: {  	[sflag:s18] =	ssyncset.done $0x0  }
0x11f: {  	[sflag:s18] =	ssyncadd.s32 $0xFFFFB000  }
0x120: {  	s26 =	sadd.s32 s5, s22;
	_ =	swait.ge [sflag:s18], $0x5000  }
0x121: {  	s24 =	sshll.u32 s26, $0x5;
	[sflag:s18] =	ssyncset.done $0x0  }
0x122: {  	s28 =	sadd.s32 s7, s24;
	[sflag:s18] =	ssyncadd.s32 $0xFFFFB000  }
0x123: {  	[hbm4b:s28+s23] =	stream.linear.scatter [tilespmem:s16], [sflag:$0x3], $0x5000, $0x38;
	[tilespmem:$0x14300] =	vst v63  }
0x124: {  	_ =	swait.ge [sflag:s14], $0x5000  }
0x125: {  	s29 =	sand.u32 $0x7800, s23;
	s23 =	sand.u32 $0x380, s23;
	[sflag:s14] =	ssyncset.done $0x0  }
0x126: {  	s23 =	sor.u32 s23, s29;
	[sflag:s14] =	ssyncadd.s32 $0xFFFFB000  }
0x127: {  	v11 =	vld [tilespmem:s23+$0x5300]  }
0x128: {  	v12 =	vld [tilespmem:s23+$0x5310]  }
0x129: {  	v13 =	vld [tilespmem:s23+$0x5320]  }
0x12a: {  	v14 =	vld [tilespmem:s23+$0x5330]  }
0x12b: {  	v15 =	vld [tilespmem:s23+$0x5340]  }
0x12c: {  	v16 =	vld [tilespmem:s23+$0x5350]  }
0x12d: {  	v17 =	vld [tilespmem:s23+$0x5360]  }
0x12e: {  	v18 =	vld [tilespmem:s23+$0x5370]  }
0x12f: {  	v19 =	vld [tilespmem:s23+$0x5700]  }
0x130: {  	v10 =	vld [tilespmem:s23+$0x5710]  }
0x131: {  	v9 =	vld [tilespmem:s23+$0x5720]  }
0x132: {  	v8 =	vld [tilespmem:s23+$0x5730]  }
0x133: {  	v7 =	vld [tilespmem:s23+$0x5740]  }
0x134: {  	v6 =	vld [tilespmem:s23+$0x5750]  }
0x135: {  	v5 =	vld [tilespmem:s23+$0x5760]  }
0x136: {  	v4 =	vld [tilespmem:s23+$0x5770]  }
0x137: {  	v20 =	vld [tilespmem:s23+$0x300]  }
0x138: {  	v21 =	vld [tilespmem:s23+$0x310]  }
0x139: {  	v22 =	vld [tilespmem:s23+$0x320]  }
0x13a: {  	v23 =	vld [tilespmem:s23+$0x330]  }
0x13b: {  	v24 =	vld [tilespmem:s23+$0x340]  }
0x13c: {  	v60 =	vld [tilespmem:s23+$0x350];
	v11 =	vadd.f32 v11, v20  }
0x13d: {  	v61 =	vld [tilespmem:s23+$0x360];
	v12 =	vadd.f32 v12, v21  }
0x13e: {  	v62 =	vld [tilespmem:s23+$0x370];
	[tilespmem:s23+$0x300] =	vst v11;
	v11 =	vadd.f32 v13, v22  }
0x13f: {  	v63 =	vld [tilespmem:s23+$0x700];
	[tilespmem:s23+$0x310] =	vst v12;
	v12 =	vadd.f32 v14, v23  }
0x140: {  	v14 =	vld [tilespmem:s23+$0x710];
	[tilespmem:s23+$0x320] =	vst v11;
	v11 =	vadd.f32 v15, v24  }
0x141: {  	v13 =	vld [tilespmem:s23+$0x720];
	[tilespmem:s23+$0x330] =	vst v12;
	v12 =	vadd.f32 v16, v60  }
0x142: {  	v15 =	vadd.f32 v17, v61;
	[tilespmem:s23+$0x340] =	vst v11;
	v11 =	vld [tilespmem:s23+$0x730]  }
0x143: {  	v17 =	vadd.f32 v18, v62;
	[tilespmem:s23+$0x350] =	vst v12;
	v12 =	vld [tilespmem:s23+$0x740]  }
0x144: {  	s26 =	simm.s32 $0x100;
	s25 =	simm.s32 $0x80;
	v16 =	vadd.f32 v19, v63;
	[tilespmem:s23+$0x360] =	vst v15;
	v15 =	vld [tilespmem:s23+$0x750]  }
.LBB2_3:
0x145: {  	s28 =	sand.u32 $0x7800, s26;
	s29 =	sand.u32 $0x380, s25;
	p0 =	sne.s32 s26, $0x4F00;
	[tilespmem:s23+$0x370] =	vst v17;
	v10 =	vadd.f32 v10, v14;
	v14 =	vld [tilespmem:s23+$0x760]  }
0x146: {  	s28 =	sor.u32 s29, s28;
	[tilespmem:s23+$0x700] =	vst v16;
	v9 =	vadd.f32 v9, v13;
	v13 =	vld [tilespmem:s23+$0x770]  }
0x147: {  	v16 =	vld [tilespmem:s28+$0x5300];
	[tilespmem:s23+$0x710] =	vst v10;
	v8 =	vadd.f32 v8, v11  }
0x148: {  	v11 =	vld [tilespmem:s28+$0x5310];
	[tilespmem:s23+$0x720] =	vst v9;
	v7 =	vadd.f32 v7, v12  }
0x149: {  	v12 =	vld [tilespmem:s28+$0x5320];
	[tilespmem:s23+$0x730] =	vst v8;
	v6 =	vadd.f32 v6, v15  }
0x14a: {  	v15 =	vld [tilespmem:s28+$0x5330];
	[tilespmem:s23+$0x740] =	vst v7;
	v5 =	vadd.f32 v5, v14  }
0x14b: {  	v14 =	vld [tilespmem:s28+$0x5340];
	[tilespmem:s23+$0x750] =	vst v6;
	v4 =	vadd.f32 v4, v13  }
0x14c: {  	v13 =	vld [tilespmem:s28+$0x5350];
	[tilespmem:s23+$0x760] =	vst v5  }
0x14d: {  	v17 =	vld [tilespmem:s28+$0x5360];
	[tilespmem:s23+$0x770] =	vst v4;
	s23 =	smov.u32 s28  }
0x14e: {  	v18 =	vld [tilespmem:s23+$0x5370]  }
0x14f: {  	v19 =	vld [tilespmem:s23+$0x5700]  }
0x150: {  	v10 =	vld [tilespmem:s23+$0x5710]  }
0x151: {  	v9 =	vld [tilespmem:s23+$0x5720]  }
0x152: {  	v8 =	vld [tilespmem:s23+$0x5730]  }
0x153: {  	v7 =	vld [tilespmem:s23+$0x5740]  }
0x154: {  	v6 =	vld [tilespmem:s23+$0x5750]  }
0x155: {  	v5 =	vld [tilespmem:s23+$0x5760]  }
0x156: {  	v4 =	vld [tilespmem:s23+$0x5770]  }
0x157: {  	v20 =	vld [tilespmem:s23+$0x300]  }
0x158: {  	v21 =	vld [tilespmem:s23+$0x310]  }
0x159: {  	v22 =	vld [tilespmem:s23+$0x320]  }
0x15a: {  	v23 =	vld [tilespmem:s23+$0x330]  }
0x15b: {  	v24 =	vld [tilespmem:s23+$0x340]  }
0x15c: {  	v16 =	vadd.f32 v16, v20;
	v20 =	vld [tilespmem:s23+$0x350]  }
0x15d: {  	v11 =	vadd.f32 v11, v21;
	v21 =	vld [tilespmem:s23+$0x360]  }
0x15e: {  	[tilespmem:s23+$0x300] =	vst v16;
	v12 =	vadd.f32 v12, v22;
	v16 =	vld [tilespmem:s23+$0x370]  }
0x15f: {  	[tilespmem:s23+$0x310] =	vst v11;
	v11 =	vadd.f32 v15, v23;
	v15 =	vld [tilespmem:s23+$0x700]  }
.Ltmp0:
0x160: {  	[tilespmem:s23+$0x320] =	vst v12;
	v12 =	vadd.f32 v14, v24;
	v14 =	vld [tilespmem:s23+$0x710];
	(pc) =	sbr.rel @p0 .LBB2_3-.Ltmp0, $4  }
0x161: {  	[tilespmem:s23+$0x330] =	vst v11;
	v20 =	vadd.f32 v13, v20;
	v13 =	vld [tilespmem:s23+$0x720]  }
0x162: {  	[tilespmem:s23+$0x340] =	vst v12;
	v21 =	vadd.f32 v17, v21;
	v11 =	vld [tilespmem:s23+$0x730]  }
0x163: {  	[tilespmem:s23+$0x350] =	vst v20;
	v17 =	vadd.f32 v18, v16;
	v12 =	vld [tilespmem:s23+$0x740]  }
0x164: {  	s25 =	sadd.s32 $0x80, s25;
	s26 =	sadd.s32 $0x100, s26;
	[tilespmem:s23+$0x360] =	vst v21;
	v16 =	vadd.f32 v19, v15;
	v15 =	vld [tilespmem:s23+$0x750]  }
0x165: {  	[tilespmem:s23+$0x370] =	vst v17;
	v10 =	vadd.f32 v10, v14;
	v62 =	vld [tilespmem:s23+$0x760]  }
0x166: {  	v63 =	vld [tilespmem:s23+$0x770];
	[tilespmem:s23+$0x700] =	vst v16;
	v9 =	vadd.f32 v9, v13  }
0x167: {  	[tilespmem:s23+$0x710] =	vst v10;
	v8 =	vadd.f32 v8, v11  }
0x168: {  	[tilespmem:s23+$0x720] =	vst v9;
	v7 =	vadd.f32 v7, v12  }
0x169: {  	[tilespmem:s23+$0x730] =	vst v8;
	v6 =	vadd.f32 v6, v15  }
0x16a: {  	[tilespmem:s23+$0x740] =	vst v7;
	v5 =	vadd.f32 v5, v62  }
0x16b: {  	v4 =	vadd.f32 v4, v63;
	[tilespmem:s23+$0x750] =	vst v6  }
0x16c: {  	p0 =	seq.s32 s20, $0x1F;
	[tilespmem:s23+$0x760] =	vst v5  }
.Ltmp1:
0x16d: {  	s29 =	sadd.s32 s8, s24;
	[tilespmem:s23+$0x770] =	vst v4;
	(pc) =	sbr.rel @p0 .LBB2_6-.Ltmp1, $4  }
0x16e: {  	[hbm4b:s29+s3] =	stream.linear.scatter [tilespmem:s16], [sflag:$0x3], $0x5000, $0x38;
	[tilespmem:$0x14300] =	vst v63  }
0x16f: {  	_ =	swait.ge [sflag:s14], $0x5000  }
0x170: {  	[sflag:s14] =	ssyncset.done $0x0  }
0x171: {  	[sflag:s14] =	ssyncadd.s32 $0xFFFFB000  }
0x172: {  	s23 =	rddreg [dreg:$0x5]  }
0x173: {  	s22 =	sadd.s32 s22, s23  }
0x174: {  	s22 =	sshrl.u32 s22, $0x3  }
0x175: {  	s28 =	sadd.s32 s6, s22  }
0x176: {  	[tilespmem:s3], [sflag:$0x3] =	stream.linear.gather [hbm4b:s28+s3], $0x50, $0x38;
	[tilespmem:$0x14300] =	vst v63  }
0x177: {  	_ =	swait.ge [sflag:s14], $0x50  }
0x178: {  	[sflag:s14] =	ssyncset.done $0x0  }
0x179: {  	s22 =	sadd.s32 s2, s22;
	[sflag:s14] =	ssyncadd.s32 $0xFFFFFFB0  }
0x17a: {  	[tilespmem:s15], [sflag:$0x3] =	stream.linear.gather [hbm4b:s22+s3], $0x50, $0x38;
	[tilespmem:$0x14300] =	vst v63  }
0x17b: {  	_ =	swait.ge [sflag:s14], $0x50  }
0x17c: {  	[sflag:s14] =	ssyncset.done $0x0  }
0x17d: {  	[sflag:s14] =	ssyncadd.s32 $0xFFFFFFB0  }
0x17e: {  	v4 =	vld [tilespmem:$0x0]  }
0x17f: {  	v5 =	vld [tilespmem:$0x80];
	_ =	sdelay $0x1  }
0x180: {  	v6 =	vld [tilespmem:$0x10]  }
0x181: {  	v7 =	vld [tilespmem:$0x90]  }
0x182: {  	v8 =	vld [tilespmem:$0x20];
	vm1 =	vgt.s32 v4, $0x1387  }
0x183: {  	v10 =	vld [tilespmem:$0xA0];
	v9 =	vsel vm1, $0x78, v0;
	vm1 =	vgt.s32 v5, $0x1387  }
0x184: {  	v11 =	vld [tilespmem:$0x30];
	v4 =	vadd.s32 v4, v9;
	v50 =	vsel vm1, $0x78, v0  }
0x185: {  	v13 =	vld [tilespmem:$0xB0];
	vm2 =	vgt.s32 v6, $0x1387;
	vm1 =	vlt.s32 v5, $0x0;
	[tilespmem:$0x100] =	vst v4;
	v4 =	vadd.s32 v5, v50  }
0x186: {  	v5 =	vsel vm2, $0x78, v0;
	v4 =	vsel vm1, $0x0, v4;
	vm1 =	vgt.s32 v7, $0x1387;
	v51 =	vld [tilespmem:$0x100]  }
0x187: {  	vm2 =	vlt.s32 v7, $0x0;
	v52 =	vsel vm1, $0x78, v0;
	vm1 =	vgt.s32 v8, $0x1387  }
0x188: {  	v5 =	vadd.s32 v6, v5;
	v12 =	vsel vm1, $0x78, v0;
	vm1 =	vgt.s32 v10, $0x1387  }
0x189: {  	v14 =	vld [tilespmem:$0x40];
	v6 =	vadd.s32 v7, v52;
	v53 =	vsel vm1, $0x78, v0;
	vm1 =	vgt.s32 v11, $0x1387  }
0x18a: {  	[tilespmem:$0x180] =	vst v4;
	v8 =	vadd.s32 v8, v12;
	v4 =	vsel vm2, $0x0, v6;
	vm2 =	vlt.s32 v13, $0x0  }
0x18b: {  	v56 =	vld [tilespmem:$0xC0];
	v7 =	vadd.s32 v10, v53;
	v54 =	vsel vm1, $0x78, v0;
	v57 =	vshll.u32 v51, $0x1  }
0x18c: {  	vm1 =	vlt.s32 v10, $0x0;
	v58 =	vand.u32 $0x7, v51;
	v59 =	vand.u32 $0xFFFFFFF0, v57  }
0x18d: {  	[tilespmem:$0x110] =	vst v5;
	v5 =	vsel vm1, $0x0, v7;
	vm1 =	vgt.s32 v13, $0x1387;
	v6 =	vor.u32 v58, v59  }
0x18e: {  	[tilespmem:$0x190] =	vst v4;
	v4 =	vsel vm1, $0x78, v0;
	vm1 =	vgt.s32 v14, $0x1387;
	v60 =	vperm.xlane v6, v1  }
0x18f: {  	[tilespmem:$0x120] =	vst v8;
	v55 =	vadd.s32 v11, v54;
	v4 =	vadd.s32 v13, v4;
	v61 =	vsel vm1, $0x78, v0  }
0x190: {  	[tilespmem:$0x1A0] =	vst v5;
	vm1 =	vgt.s32 v56, $0x1387;
	v6 =	vperm.xlane v6, v3;
	v5 =	vadd.s32 v2, v60  }
0x191: {  	[tilespmem:$0x130] =	vst v55;
	v4 =	vsel vm2, $0x0, v4;
	v62 =	vadd.s32 v14, v61;
	v63 =	vsel vm1, $0x78, v0  }
0x192: {  	vm1 =	vlt.s32 v56, $0x0;
	[tilespmem:$0x1B0] =	vst v4;
	v4 =	vadd.s32 v56, v63;
	v6 =	vadd.s32 v2, v6  }
0x193: {  	[tilespmem:$0x140] =	vst v62;
	v4 =	vsel vm1, $0x0, v4  }
0x194: {  	[tilespmem:$0x1C0] =	vst v4  }
0x195: {  	[tilespmem:s16], [sflag:$0x1] =	stream.indirect_vreg.gather [hbm4b:s4+s3], $0x80, v5, vm0, $0xb8;
	[tilespmem:$0x14300] =	vst v63  }
0x196: {  	s29 =	simm.s32 $0xB00  }
0x197: {  	[tilespmem:s29], [sflag:$0x1] =	stream.indirect_vreg.gather [hbm4b:s4+s3], $0x80, v6, vm0, $0xb8;
	[tilespmem:$0x14300] =	vst v63  }
0x198: {  	v4 =	vld [tilespmem:$0x110];
	_ =	sdelay $0x4  }
0x199: {  	v5 =	vshll.u32 v4, $0x1  }
0x19a: {  	v4 =	vand.u32 $0x7, v4;
	v5 =	vand.u32 $0xFFFFFFF0, v5  }
0x19b: {  	v4 =	vor.u32 v4, v5  }
0x19c: {  	v5 =	vperm.xlane v4, v1;
	_ =	sdelay $0x1  }
0x19d: {  	v4 =	vperm.xlane v4, v3;
	v5 =	vadd.s32 v2, v5;
	_ =	sdelay $0x1  }
0x19e: {  	v4 =	vadd.s32 v2, v4;
	_ =	sdelay $0x1  }
0x19f: {  	s23 =	simm.s32 $0x1300  }
0x1a0: {  	[tilespmem:s23], [sflag:$0x1] =	stream.indirect_vreg.gather [hbm4b:s4+s3], $0x80, v5, vm0, $0xb8;
	[tilespmem:$0x14300] =	vst v63  }
0x1a1: {  	s24 =	simm.s32 $0x1B00  }
0x1a2: {  	[tilespmem:s24], [sflag:$0x1] =	stream.indirect_vreg.gather [hbm4b:s4+s3], $0x80, v4, vm0, $0xb8;
	[tilespmem:$0x14300] =	vst v63  }
0x1a3: {  	v4 =	vld [tilespmem:$0x120];
	_ =	sdelay $0x4  }
0x1a4: {  	v5 =	vshll.u32 v4, $0x1  }
0x1a5: {  	v4 =	vand.u32 $0x7, v4;
	v5 =	vand.u32 $0xFFFFFFF0, v5  }
0x1a6: {  	v4 =	vor.u32 v4, v5  }
0x1a7: {  	v5 =	vperm.xlane v4, v1;
	_ =	sdelay $0x1  }
0x1a8: {  	v4 =	vperm.xlane v4, v3;
	v5 =	vadd.s32 v2, v5;
	_ =	sdelay $0x1  }
0x1a9: {  	v4 =	vadd.s32 v2, v4;
	_ =	sdelay $0x1  }
0x1aa: {  	s25 =	simm.s32 $0x2300  }
0x1ab: {  	[tilespmem:s25], [sflag:$0x1] =	stream.indirect_vreg.gather [hbm4b:s4+s3], $0x80, v5, vm0, $0xb8;
	[tilespmem:$0x14300] =	vst v63  }
0x1ac: {  	s26 =	simm.s32 $0x2B00  }
0x1ad: {  	[tilespmem:s26], [sflag:$0x1] =	stream.indirect_vreg.gather [hbm4b:s4+s3], $0x80, v4, vm0, $0xb8;
	[tilespmem:$0x14300] =	vst v63  }
0x1ae: {  	v4 =	vld [tilespmem:$0x130];
	_ =	sdelay $0x4  }
0x1af: {  	v5 =	vshll.u32 v4, $0x1  }
0x1b0: {  	v4 =	vand.u32 $0x7, v4;
	v5 =	vand.u32 $0xFFFFFFF0, v5  }
0x1b1: {  	v4 =	vor.u32 v4, v5  }
0x1b2: {  	v5 =	vperm.xlane v4, v1;
	_ =	sdelay $0x1  }
0x1b3: {  	v4 =	vperm.xlane v4, v3;
	v5 =	vadd.s32 v2, v5;
	_ =	sdelay $0x1  }
0x1b4: {  	v4 =	vadd.s32 v2, v4;
	_ =	sdelay $0x1  }
0x1b5: {  	s28 =	simm.s32 $0x3300  }
0x1b6: {  	[tilespmem:s28], [sflag:$0x1] =	stream.indirect_vreg.gather [hbm4b:s4+s3], $0x80, v5, vm0, $0xb8;
	[tilespmem:$0x14300] =	vst v63  }
0x1b7: {  	s29 =	simm.s32 $0x3B00  }
0x1b8: {  	[tilespmem:s29], [sflag:$0x1] =	stream.indirect_vreg.gather [hbm4b:s4+s3], $0x80, v4, vm0, $0xb8;
	[tilespmem:$0x14300] =	vst v63  }
0x1b9: {  	v4 =	vld [tilespmem:$0x140];
	_ =	sdelay $0x4  }
0x1ba: {  	v5 =	vshll.u32 v4, $0x1  }
0x1bb: {  	v4 =	vand.u32 $0x7, v4;
	v5 =	vand.u32 $0xFFFFFFF0, v5  }
0x1bc: {  	v4 =	vor.u32 v4, v5  }
0x1bd: {  	v5 =	vperm.xlane v4, v1;
	_ =	sdelay $0x1  }
0x1be: {  	v4 =	vperm.xlane v4, v3;
	v5 =	vadd.s32 v2, v5;
	_ =	sdelay $0x1  }
0x1bf: {  	v4 =	vadd.s32 v2, v4;
	_ =	sdelay $0x1  }
0x1c0: {  	s23 =	simm.s32 $0x4300  }
0x1c1: {  	[tilespmem:s23], [sflag:$0x1] =	stream.indirect_vreg.gather [hbm4b:s4+s3], $0x80, v5, vm0, $0xb8;
	[tilespmem:$0x14300] =	vst v63  }
0x1c2: {  	s24 =	simm.s32 $0x4B00  }
0x1c3: {  	[tilespmem:s24], [sflag:$0x1] =	stream.indirect_vreg.gather [hbm4b:s4+s3], $0x80, v4, vm0, $0xb8;
	[tilespmem:$0x14300] =	vst v63  }
0x1c4: {  	v4 =	vld [tilespmem:$0x180];
	_ =	sdelay $0x4  }
0x1c5: {  	v5 =	vshll.u32 v4, $0x1  }
0x1c6: {  	v4 =	vand.u32 $0x7, v4;
	v5 =	vand.u32 $0xFFFFFFF0, v5  }
0x1c7: {  	v4 =	vor.u32 v4, v5  }
0x1c8: {  	v5 =	vperm.xlane v4, v1;
	_ =	sdelay $0x1  }
0x1c9: {  	v4 =	vperm.xlane v4, v3;
	v5 =	vadd.s32 v2, v5;
	_ =	sdelay $0x1  }
0x1ca: {  	v4 =	vadd.s32 v2, v4;
	_ =	sdelay $0x1  }
0x1cb: {  	s25 =	simm.s32 $0x5300  }
0x1cc: {  	[tilespmem:s25], [sflag:$0x1] =	stream.indirect_vreg.gather [hbm4b:s4+s3], $0x80, v5, vm0, $0xb8;
	[tilespmem:$0x14300] =	vst v63  }
0x1cd: {  	s26 =	simm.s32 $0x5B00  }
0x1ce: {  	[tilespmem:s26], [sflag:$0x1] =	stream.indirect_vreg.gather [hbm4b:s4+s3], $0x80, v4, vm0, $0xb8;
	[tilespmem:$0x14300] =	vst v63  }
0x1cf: {  	v4 =	vld [tilespmem:$0x190];
	_ =	sdelay $0x4  }
0x1d0: {  	v5 =	vshll.u32 v4, $0x1  }
0x1d1: {  	v4 =	vand.u32 $0x7, v4;
	v5 =	vand.u32 $0xFFFFFFF0, v5  }
0x1d2: {  	v4 =	vor.u32 v4, v5  }
0x1d3: {  	v5 =	vperm.xlane v4, v1;
	_ =	sdelay $0x1  }
0x1d4: {  	v4 =	vperm.xlane v4, v3;
	v5 =	vadd.s32 v2, v5;
	_ =	sdelay $0x1  }
0x1d5: {  	v4 =	vadd.s32 v2, v4;
	_ =	sdelay $0x1  }
0x1d6: {  	s28 =	simm.s32 $0x6300  }
0x1d7: {  	[tilespmem:s28], [sflag:$0x1] =	stream.indirect_vreg.gather [hbm4b:s4+s3], $0x80, v5, vm0, $0xb8;
	[tilespmem:$0x14300] =	vst v63  }
0x1d8: {  	s29 =	simm.s32 $0x6B00  }
0x1d9: {  	[tilespmem:s29], [sflag:$0x1] =	stream.indirect_vreg.gather [hbm4b:s4+s3], $0x80, v4, vm0, $0xb8;
	[tilespmem:$0x14300] =	vst v63  }
0x1da: {  	v4 =	vld [tilespmem:$0x1A0];
	_ =	sdelay $0x4  }
0x1db: {  	v5 =	vshll.u32 v4, $0x1  }
0x1dc: {  	v4 =	vand.u32 $0x7, v4;
	v5 =	vand.u32 $0xFFFFFFF0, v5  }
0x1dd: {  	v4 =	vor.u32 v4, v5  }
0x1de: {  	v5 =	vperm.xlane v4, v1;
	_ =	sdelay $0x1  }
0x1df: {  	v4 =	vperm.xlane v4, v3;
	v5 =	vadd.s32 v2, v5;
	_ =	sdelay $0x1  }
0x1e0: {  	v4 =	vadd.s32 v2, v4;
	_ =	sdelay $0x1  }
0x1e1: {  	s23 =	simm.s32 $0x7300  }
0x1e2: {  	[tilespmem:s23], [sflag:$0x1] =	stream.indirect_vreg.gather [hbm4b:s4+s3], $0x80, v5, vm0, $0xb8;
	[tilespmem:$0x14300] =	vst v63  }
0x1e3: {  	s24 =	simm.s32 $0x7B00  }
0x1e4: {  	[tilespmem:s24], [sflag:$0x1] =	stream.indirect_vreg.gather [hbm4b:s4+s3], $0x80, v4, vm0, $0xb8;
	[tilespmem:$0x14300] =	vst v63  }
0x1e5: {  	v4 =	vld [tilespmem:$0x1B0];
	_ =	sdelay $0x4  }
0x1e6: {  	v5 =	vshll.u32 v4, $0x1  }
0x1e7: {  	v4 =	vand.u32 $0x7, v4;
	v5 =	vand.u32 $0xFFFFFFF0, v5  }
0x1e8: {  	v4 =	vor.u32 v4, v5  }
0x1e9: {  	v5 =	vperm.xlane v4, v1;
	_ =	sdelay $0x1  }
0x1ea: {  	v4 =	vperm.xlane v4, v3;
	v5 =	vadd.s32 v2, v5;
	_ =	sdelay $0x1  }
0x1eb: {  	v4 =	vadd.s32 v2, v4;
	_ =	sdelay $0x1  }
0x1ec: {  	s25 =	simm.s32 $0x8300  }
0x1ed: {  	[tilespmem:s25], [sflag:$0x1] =	stream.indirect_vreg.gather [hbm4b:s4+s3], $0x80, v5, vm0, $0xb8;
	[tilespmem:$0x14300] =	vst v63  }
0x1ee: {  	s26 =	simm.s32 $0x8B00  }
0x1ef: {  	[tilespmem:s26], [sflag:$0x1] =	stream.indirect_vreg.gather [hbm4b:s4+s3], $0x80, v4, vm0, $0xb8;
	[tilespmem:$0x14300] =	vst v63  }
0x1f0: {  	v4 =	vld [tilespmem:$0x1C0];
	_ =	sdelay $0x4  }
0x1f1: {  	v5 =	vshll.u32 v4, $0x1  }
0x1f2: {  	v4 =	vand.u32 $0x7, v4;
	v5 =	vand.u32 $0xFFFFFFF0, v5  }
0x1f3: {  	v4 =	vor.u32 v4, v5  }
0x1f4: {  	v5 =	vperm.xlane v4, v1;
	_ =	sdelay $0x1  }
0x1f5: {  	v4 =	vperm.xlane v4, v3;
	v5 =	vadd.s32 v2, v5;
	_ =	sdelay $0x1  }
0x1f6: {  	v4 =	vadd.s32 v2, v4;
	_ =	sdelay $0x1  }
0x1f7: {  	s28 =	simm.s32 $0x9300  }
0x1f8: {  	[tilespmem:s28], [sflag:$0x1] =	stream.indirect_vreg.gather [hbm4b:s4+s3], $0x80, v5, vm0, $0xb8;
	[tilespmem:$0x14300] =	vst v63  }
0x1f9: {  	s29 =	simm.s32 $0x9B00  }
0x1fa: {  	[tilespmem:s29], [sflag:$0x1] =	stream.indirect_vreg.gather [hbm4b:s4+s3], $0x80, v4, vm0, $0xb8;
	[tilespmem:$0x14300] =	vst v63  }
.LBB2_6:
0x1fb: {  	_ =	swait.ge [sflag:s19], $0x5000  }
0x1fc: {  	[sflag:s19] =	ssyncset.done $0x0  }
0x1fd: {  	[sflag:s19] =	ssyncadd.s32 $0xFFFFB000  }
0x1fe: {  	_ =	swait.ge [sflag:s19], $0x5000  }
0x1ff: {  	s21 =	sshll.u32 s21, $0x5;
	[sflag:s19] =	ssyncset.done $0x0  }
0x200: {  	s23 =	simm.s32 $0x0;
	s22 =	sadd.s32 s7, s21;
	[sflag:s19] =	ssyncadd.s32 $0xFFFFB000  }
0x201: {  	[hbm4b:s22+s23] =	stream.linear.scatter [tilespmem:s17], [sflag:$0x3], $0x5000, $0x38;
	[tilespmem:$0x14300] =	vst v63  }
0x202: {  	_ =	swait.ge [sflag:s14], $0x5000  }
0x203: {  	s29 =	sand.u32 $0x7800, s23;
	s23 =	sand.u32 $0x380, s23;
	[sflag:s14] =	ssyncset.done $0x0  }
0x204: {  	s22 =	sor.u32 s23, s29;
	[sflag:s14] =	ssyncadd.s32 $0xFFFFB000  }
0x205: {  	v11 =	vld [tilespmem:s22+$0xF300]  }
0x206: {  	v12 =	vld [tilespmem:s22+$0xF310]  }
0x207: {  	v13 =	vld [tilespmem:s22+$0xF320]  }
0x208: {  	v14 =	vld [tilespmem:s22+$0xF330]  }
0x209: {  	v15 =	vld [tilespmem:s22+$0xF340]  }
0x20a: {  	v16 =	vld [tilespmem:s22+$0xF350]  }
0x20b: {  	v17 =	vld [tilespmem:s22+$0xF360]  }
0x20c: {  	v18 =	vld [tilespmem:s22+$0xF370]  }
0x20d: {  	v19 =	vld [tilespmem:s22+$0xF700]  }
0x20e: {  	v10 =	vld [tilespmem:s22+$0xF710]  }
0x20f: {  	v9 =	vld [tilespmem:s22+$0xF720]  }
0x210: {  	v8 =	vld [tilespmem:s22+$0xF730]  }
0x211: {  	v7 =	vld [tilespmem:s22+$0xF740]  }
0x212: {  	v6 =	vld [tilespmem:s22+$0xF750]  }
0x213: {  	v5 =	vld [tilespmem:s22+$0xF760]  }
0x214: {  	v4 =	vld [tilespmem:s22+$0xF770]  }
0x215: {  	v20 =	vld [tilespmem:s22+$0xA300]  }
0x216: {  	v21 =	vld [tilespmem:s22+$0xA310]  }
0x217: {  	v22 =	vld [tilespmem:s22+$0xA320]  }
0x218: {  	v23 =	vld [tilespmem:s22+$0xA330]  }
0x219: {  	v24 =	vld [tilespmem:s22+$0xA340]  }
0x21a: {  	v60 =	vld [tilespmem:s22+$0xA350];
	v11 =	vadd.f32 v11, v20  }
0x21b: {  	v61 =	vld [tilespmem:s22+$0xA360];
	v12 =	vadd.f32 v12, v21  }
0x21c: {  	v62 =	vld [tilespmem:s22+$0xA370];
	[tilespmem:s22+$0xA300] =	vst v11;
	v11 =	vadd.f32 v13, v22  }
0x21d: {  	v63 =	vld [tilespmem:s22+$0xA700];
	[tilespmem:s22+$0xA310] =	vst v12;
	v12 =	vadd.f32 v14, v23  }
0x21e: {  	v14 =	vld [tilespmem:s22+$0xA710];
	[tilespmem:s22+$0xA320] =	vst v11;
	v11 =	vadd.f32 v15, v24  }
0x21f: {  	v13 =	vld [tilespmem:s22+$0xA720];
	[tilespmem:s22+$0xA330] =	vst v12;
	v12 =	vadd.f32 v16, v60  }
0x220: {  	v15 =	vadd.f32 v17, v61;
	[tilespmem:s22+$0xA340] =	vst v11;
	v11 =	vld [tilespmem:s22+$0xA730]  }
0x221: {  	v17 =	vadd.f32 v18, v62;
	[tilespmem:s22+$0xA350] =	vst v12;
	v12 =	vld [tilespmem:s22+$0xA740]  }
0x222: {  	s24 =	simm.s32 $0x100;
	s23 =	simm.s32 $0x80;
	v16 =	vadd.f32 v19, v63;
	[tilespmem:s22+$0xA360] =	vst v15;
	v15 =	vld [tilespmem:s22+$0xA750]  }
.LBB2_7:
0x223: {  	s25 =	sand.u32 $0x7800, s24;
	s26 =	sand.u32 $0x380, s23;
	p0 =	sne.s32 s24, $0x4F00;
	[tilespmem:s22+$0xA370] =	vst v17;
	v10 =	vadd.f32 v10, v14;
	v14 =	vld [tilespmem:s22+$0xA760]  }
0x224: {  	s25 =	sor.u32 s26, s25;
	[tilespmem:s22+$0xA700] =	vst v16;
	v9 =	vadd.f32 v9, v13;
	v13 =	vld [tilespmem:s22+$0xA770]  }
0x225: {  	v16 =	vld [tilespmem:s25+$0xF300];
	[tilespmem:s22+$0xA710] =	vst v10;
	v8 =	vadd.f32 v8, v11  }
0x226: {  	v11 =	vld [tilespmem:s25+$0xF310];
	[tilespmem:s22+$0xA720] =	vst v9;
	v7 =	vadd.f32 v7, v12  }
0x227: {  	v12 =	vld [tilespmem:s25+$0xF320];
	[tilespmem:s22+$0xA730] =	vst v8;
	v6 =	vadd.f32 v6, v15  }
0x228: {  	v15 =	vld [tilespmem:s25+$0xF330];
	[tilespmem:s22+$0xA740] =	vst v7;
	v5 =	vadd.f32 v5, v14  }
0x229: {  	v14 =	vld [tilespmem:s25+$0xF340];
	[tilespmem:s22+$0xA750] =	vst v6;
	v4 =	vadd.f32 v4, v13  }
0x22a: {  	v13 =	vld [tilespmem:s25+$0xF350];
	[tilespmem:s22+$0xA760] =	vst v5  }
0x22b: {  	v17 =	vld [tilespmem:s25+$0xF360];
	[tilespmem:s22+$0xA770] =	vst v4;
	s22 =	smov.u32 s25  }
0x22c: {  	v18 =	vld [tilespmem:s22+$0xF370]  }
0x22d: {  	v19 =	vld [tilespmem:s22+$0xF700]  }
0x22e: {  	v10 =	vld [tilespmem:s22+$0xF710]  }
0x22f: {  	v9 =	vld [tilespmem:s22+$0xF720]  }
0x230: {  	v8 =	vld [tilespmem:s22+$0xF730]  }
0x231: {  	v7 =	vld [tilespmem:s22+$0xF740]  }
0x232: {  	v6 =	vld [tilespmem:s22+$0xF750]  }
0x233: {  	v5 =	vld [tilespmem:s22+$0xF760]  }
0x234: {  	v4 =	vld [tilespmem:s22+$0xF770]  }
0x235: {  	v20 =	vld [tilespmem:s22+$0xA300]  }
0x236: {  	v21 =	vld [tilespmem:s22+$0xA310]  }
0x237: {  	v22 =	vld [tilespmem:s22+$0xA320]  }
0x238: {  	v23 =	vld [tilespmem:s22+$0xA330]  }
0x239: {  	v24 =	vld [tilespmem:s22+$0xA340]  }
0x23a: {  	v16 =	vadd.f32 v16, v20;
	v20 =	vld [tilespmem:s22+$0xA350]  }
0x23b: {  	v11 =	vadd.f32 v11, v21;
	v21 =	vld [tilespmem:s22+$0xA360]  }
0x23c: {  	[tilespmem:s22+$0xA300] =	vst v16;
	v12 =	vadd.f32 v12, v22;
	v16 =	vld [tilespmem:s22+$0xA370]  }
0x23d: {  	[tilespmem:s22+$0xA310] =	vst v11;
	v11 =	vadd.f32 v15, v23;
	v15 =	vld [tilespmem:s22+$0xA700]  }
.Ltmp2:
0x23e: {  	[tilespmem:s22+$0xA320] =	vst v12;
	v12 =	vadd.f32 v14, v24;
	v14 =	vld [tilespmem:s22+$0xA710];
	(pc) =	sbr.rel @p0 .LBB2_7-.Ltmp2, $4  }
0x23f: {  	[tilespmem:s22+$0xA330] =	vst v11;
	v20 =	vadd.f32 v13, v20;
	v13 =	vld [tilespmem:s22+$0xA720]  }
0x240: {  	[tilespmem:s22+$0xA340] =	vst v12;
	v21 =	vadd.f32 v17, v21;
	v11 =	vld [tilespmem:s22+$0xA730]  }
0x241: {  	[tilespmem:s22+$0xA350] =	vst v20;
	v17 =	vadd.f32 v18, v16;
	v12 =	vld [tilespmem:s22+$0xA740]  }
0x242: {  	s23 =	sadd.s32 $0x80, s23;
	s24 =	sadd.s32 $0x100, s24;
	[tilespmem:s22+$0xA360] =	vst v21;
	v16 =	vadd.f32 v19, v15;
	v15 =	vld [tilespmem:s22+$0xA750]  }
0x243: {  	[tilespmem:s22+$0xA370] =	vst v17;
	v10 =	vadd.f32 v10, v14;
	v62 =	vld [tilespmem:s22+$0xA760]  }
0x244: {  	v63 =	vld [tilespmem:s22+$0xA770];
	[tilespmem:s22+$0xA700] =	vst v16;
	v9 =	vadd.f32 v9, v13  }
0x245: {  	[tilespmem:s22+$0xA710] =	vst v10;
	v8 =	vadd.f32 v8, v11  }
0x246: {  	[tilespmem:s22+$0xA720] =	vst v9;
	v7 =	vadd.f32 v7, v12  }
0x247: {  	[tilespmem:s22+$0xA730] =	vst v8;
	v6 =	vadd.f32 v6, v15  }
0x248: {  	[tilespmem:s22+$0xA740] =	vst v7;
	v5 =	vadd.f32 v5, v62  }
0x249: {  	s20 =	sadd.s32 $0x1, s20;
	v4 =	vadd.f32 v4, v63;
	[tilespmem:s22+$0xA750] =	vst v6  }
0x24a: {  	p0 =	sne.s32 s20, $0x20;
	[tilespmem:s22+$0xA760] =	vst v5  }
.Ltmp3:
0x24b: {  	s21 =	sadd.s32 s8, s21;
	[tilespmem:s22+$0xA770] =	vst v4;
	(pc) =	sbr.rel @p0 .LBB2_2-.Ltmp3, $4  }
0x24c: {  	[hbm4b:s21+s3] =	stream.linear.scatter [tilespmem:s17], [sflag:$0x3], $0x5000, $0x38;
	[tilespmem:$0x14300] =	vst v63  }
0x24d: {  	_ =	swait.ge [sflag:s14], $0x5000  }
0x24e: {  	[sflag:s14] =	ssyncset.done $0x0  }
0x24f: {  	[sflag:s14] =	ssyncadd.s32 $0xFFFFB000  }
0x250: {  	s21 =	rddreg [dreg:$0x7]  }
0x251: {  	s20 =	rddreg [dreg:$0x6];
	s21 =	sadd.s32 $0x1, s21  }
0x252: {  	p0 =	sne.s32 s21, s20  }
.Ltmp4:
0x253: {  	_ = 	snop;
	(pc) =	sbr.rel @p0 .LBB2_1-.Ltmp4, $1  }
0x254: {  	_ =	sdelay $0x3  }
0x255: {  	_ =	sfence.sel $0x180000  }
0x256: {  	[bflag:$0x0] =	sbarrier.arrive $0xFFFF  }
0x257: {  	_ =	strace $0x9000004A  }
0x258: {  	s0 =	stileid.u32;
	[bflag:$0x2] =	sbarrier.arrive $0xFFFF  }
0x259: {  	p0 =	sne.s32 s0, $0x0;
	s0 =	rddreg [dreg:$0x2]  }
0x25a: {  	s0 =	sadd.s32 @!p0 $0x100000, s0  }
0x25b: {  	[sflag:s0] =	ssyncadd.tile.s32 @!p0 $0x1;
	_ =	shalt  }
.Lfunc_end2:
_tile_overlayer_lowered:
.L_overlay_start_2:
0x25c: {  	(tag) =	ssettag $0x2  }
0x25d: {  	s0 =	rddreg [dreg:$0x0];
	s2 =	stileid.u32  }
0x25e: {  	s1 =	rddreg [dreg:$0x1];
	p0 =	sne.s32 s2, $0x0  }
0x25f: {  	s3 =	rddreg [dreg:$0x2];
	[bflag:$0x3] =	sbarrier.arrive $0xFFFF;
	s2 =	simm.s32 @!p0 $0x1C03  }
0x260: {  	[timem:s3], [sflag:s2] =	dma.local @!p0 [hbm:s0], s1  }
0x261: {  	s0 =	simm.s32 @!p0 $0x3  }
0x262: {  	_ =	swait.ge @!p0 [sflag:s0], s1  }
0x263: {  	s1 =	ssub.s32 @!p0 $0x0, s1;
	[sflag:s0] =	ssyncset.done @!p0 $0x0  }
0x264: {  	[sflag:s0] =	ssyncadd.s32 @!p0 s1  }
0x265: {  	[bflag:$0x3] =	sbarrier.arrive $0xFFFF  }
0x266: {  	_ =	shalt  }

</sc_bundles>
